<compile_context>
chip_gen: v7x
topology: tpu7x:2x2x1
jax: 0.10.2.dev20260603
libtpu: 0.0.44.dev20260713+nightly
codegen_flags: <defaults>
</compile_context>

<pallas_src>
import functools

import jax
import jax.numpy as jnp
from jax import lax
from jax.experimental import pallas as pl
from jax.experimental.pallas import tpu as pltpu
from jax.experimental.pallas import tpu_sc as plsc

N = 10000
E = 160000
D_IN = 256
D_HID = 256
D_OUT = 40
EPS = 1e-5

NC = 2
NS = 16
CHUNK = 128

EP = ((E + NC * NS * CHUNK - 1) // (NC * NS * CHUNK)) * (NC * NS * CHUNK)
CH12 = EP // (NS * CHUNK)
CEDGE = 80
GR = 64
RING = 2
CHW = EP // (NC * NS * CHUNK)
NACC = N + NS
TROWS = 632
ZLAST = NACC - (NS - 1) * TROWS
OLAST = N - (NS - 1) * TROWS
BN = 1000
NB = N // BN

@functools.cache
def _mesh():
    return plsc.VectorSubcoreMesh(core_axis_name="c", subcore_axis_name="s",
                                  num_cores=NC, num_subcores=NS)


def _chunk_sizes(total, step):
    sizes = []
    left = total
    while left > 0:
        sizes.append(min(step, left))
        left -= step
    return tuple(sizes)


def _zero_acc(acc, zbuf, s, zrows):
    def fill(rows):
        base = s * TROWS
        off = 0
        for sz in _chunk_sizes(rows, zrows):
            pltpu.sync_copy(zbuf.at[pl.ds(0, sz)], acc.at[pl.ds(base + off, sz)])
            off += sz

    @pl.when(s < NS - 1)
    def _():
        fill(TROWS)

    @pl.when(s == NS - 1)
    def _():
        fill(ZLAST)


def _copy_out(acc, out_hbm, c, s):
    @pl.when(s < NS - 1)
    def _():
        pltpu.sync_copy(acc.at[pl.ds(s * TROWS, TROWS)],
                        out_hbm.at[pl.ds(c * N + s * TROWS, TROWS)])

    @pl.when(s == NS - 1)
    def _():
        pltpu.sync_copy(acc.at[pl.ds((NS - 1) * TROWS, OLAST)],
                        out_hbm.at[pl.ds(c * N + (NS - 1) * TROWS, OLAST)])



def _sc_deg(dst_r, ones128, zeros128):
    @functools.partial(
        pl.kernel,
        out_type=jax.ShapeDtypeStruct((2 * N, 128), jnp.float32),
        mesh=_mesh(),
        scratch_types=[
            pltpu.VMEM((CHW, CHUNK), jnp.int32),
            pltpu.VMEM((CHUNK, 128), jnp.float32),
            pltpu.VMEM((CHUNK, 128), jnp.float32),
            pltpu.VMEM_SHARED((NACC, 128), jnp.float32),
        ],
    )
    def deg_kernel(dst_hbm, ones_hbm, zeros_hbm, out_hbm, idx_v, ones_v, zer_v, acc):
        c = lax.axis_index("c")
        s = lax.axis_index("s")
        w = c * NS + s
        pltpu.sync_copy(zeros_hbm, zer_v)
        _zero_acc(acc, zer_v, s, CHUNK)
        pltpu.sync_copy(ones_hbm, ones_v)
        pltpu.sync_copy(dst_hbm.at[pl.ds(w * CHW, CHW)], idx_v)
        plsc.subcore_barrier()

        def body(j, carry):
            pltpu.sync_copy(ones_v, acc.at[idx_v.at[j]], add=True)
            return carry

        lax.fori_loop(0, CHW, body, 0)
        plsc.subcore_barrier()
        _copy_out(acc, out_hbm, c, s)

    return deg_kernel(dst_r, ones128, zeros128)



def _edge_pipe(u_hbm, src_hbm, dst_hbm, si_v, di_v, bufs, sems, acc,
               si_base, di_base, n_groups):
    for g in range(n_groups):
        pltpu.sync_copy(src_hbm.at[pl.ds(si_base + g * GR, GR)], si_v)
        pltpu.sync_copy(dst_hbm.at[pl.ds(di_base + g * GR, GR)], di_v)
        for b in range(RING - 1):
            pltpu.async_copy(u_hbm.at[si_v.at[b]], bufs[b], sems[b])

        def outer(q, carry):
            for b in range(RING):
                j = RING * q + b

                @pl.when(j + RING - 1 < GR)
                def _(j=j, b=b):
                    pltpu.async_copy(u_hbm.at[si_v.at[j + RING - 1]],
                                     bufs[(b + RING - 1) % RING],
                                     sems[(b + RING - 1) % RING])

                pltpu.make_async_copy(u_hbm.at[si_v.at[0]], bufs[b],
                                      sems[b]).wait()
                pltpu.sync_copy(bufs[b], acc.at[di_v.at[j]], add=True)
            return carry

        lax.fori_loop(0, GR // RING, outer, 0)


def _sc_agg128(u_flat, src2, dst_r, zeros128):
    @functools.partial(
        pl.kernel,
        out_type=jax.ShapeDtypeStruct((2 * N, 128), jnp.float32),
        mesh=_mesh(),
        scratch_types=[
            pltpu.VMEM((GR, CEDGE), jnp.int32),
            pltpu.VMEM((GR, CEDGE), jnp.int32),
            pltpu.VMEM((CEDGE, 128), jnp.float32),
            pltpu.VMEM((CEDGE, 128), jnp.float32),
            pltpu.VMEM_SHARED((NACC, 128), jnp.float32),
            pltpu.SemaphoreType.DMA,
            pltpu.SemaphoreType.DMA,
        ],
    )
    def agg_kernel(u_hbm, src_hbm, dst_hbm, zeros_hbm, out_hbm,
                   si_v, di_v, b0, b1, acc, s0, s1):
        c = lax.axis_index("c")
        s = lax.axis_index("s")
        pltpu.sync_copy(zeros_hbm, b0)
        _zero_acc(acc, b0, s, CEDGE)
        plsc.subcore_barrier()
        n_rows = EP // (NS * CEDGE)
        _edge_pipe(u_hbm, src_hbm, dst_hbm, si_v, di_v, (b0, b1),
                   (s0, s1), acc,
                   (c * NS + s) * n_rows, s * n_rows, n_rows // GR)
        plsc.subcore_barrier()
        _copy_out(acc, out_hbm, c, s)

    return agg_kernel(u_flat, src2, dst_r, zeros128)


def _sc_agg40(u3, src2, dst_r, zeros40):
    @functools.partial(
        pl.kernel,
        out_type=jax.ShapeDtypeStruct((2 * N, 128), jnp.float32),
        mesh=_mesh(),
        scratch_types=[
            pltpu.VMEM((GR, CEDGE), jnp.int32),
            pltpu.VMEM((GR, CEDGE), jnp.int32),
            pltpu.VMEM((CEDGE, 128), jnp.float32),
            pltpu.VMEM((CEDGE, 128), jnp.float32),
            pltpu.VMEM_SHARED((NACC, 128), jnp.float32),
            pltpu.SemaphoreType.DMA,
            pltpu.SemaphoreType.DMA,
        ],
    )
    def agg_kernel(u_hbm, src_hbm, dst_hbm, zeros_hbm, out_hbm,
                   si_v, di_v, b0, b1, acc, s0, s1):
        c = lax.axis_index("c")
        s = lax.axis_index("s")
        w = c * NS + s
        pltpu.sync_copy(zeros_hbm, b0)
        _zero_acc(acc, b0, s, CEDGE)
        plsc.subcore_barrier()
        n_rows = EP // (NC * NS * CEDGE)
        _edge_pipe(u_hbm, src_hbm, dst_hbm, si_v, di_v, (b0, b1),
                   (s0, s1), acc,
                   w * n_rows, w * n_rows, n_rows // GR)
        plsc.subcore_barrier()
        _copy_out(acc, out_hbm, c, s)

    return agg_kernel(u3, src2, dst_r, zeros40)



def _tc_dinv(deg_parts):
    def body(dp_ref, o_ref):
        deg = dp_ref[0, :] + dp_ref[1, :] + 1.0
        o_ref[...] = lax.rsqrt(deg)[:, None]

    return pl.pallas_call(
        body,
        out_shape=jax.ShapeDtypeStruct((N, 1), jnp.float32),
    )(deg_parts)


def _tc_mm1(x, w1r):
    def body(x_ref, w_ref, o_ref):
        o_ref[...] = lax.dot_general(x_ref[...].astype(jnp.bfloat16),
                                     w_ref[0].astype(jnp.bfloat16),
                                     (((1,), (1,)), ((), ())),
                                     preferred_element_type=jnp.float32)

    return pl.pallas_call(
        body,
        grid=(2, NB),
        in_specs=[
            pl.BlockSpec((BN, D_IN), lambda c, n: (n, 0)),
            pl.BlockSpec((1, 128, D_IN), lambda c, n: (c, 0, 0)),
        ],
        out_specs=pl.BlockSpec((BN, 128), lambda c, n: (c * NB + n, 0)),
        out_shape=jax.ShapeDtypeStruct((2 * N, 128), jnp.float32),
    )(x, w1r)


def _tc_scale(t, dinv):
    def body(t_ref, d_ref, o_ref):
        o_ref[...] = t_ref[...] * d_ref[...]

    return pl.pallas_call(
        body,
        grid=(2, NB),
        in_specs=[
            pl.BlockSpec((BN, 128), lambda c, n: (c * NB + n, 0)),
            pl.BlockSpec((BN, 1), lambda c, n: (n, 0)),
        ],
        out_specs=pl.BlockSpec((BN, 128), lambda c, n: (c * NB + n, 0)),
        out_shape=jax.ShapeDtypeStruct((2 * N, 128), jnp.float32),
    )(t, dinv)


def _tc_layer(agg, u, dinv, b_r, geff_r, beta_r, w_r):
    def body(a_ref, u_ref, d_ref, b_ref, g_ref, be_ref, w_ref, o_ref):
        d = d_ref[...][None]
        pre = (a_ref[...] + u_ref[...]) * d
        pre = pre + b_ref[...][:, None, :]
        h = jnp.maximum(pre * g_ref[...][:, None, :] + be_ref[...][:, None, :], 0.0)
        hb = jnp.concatenate([h[0], h[1]], axis=1).astype(jnp.bfloat16)
        wb = w_ref[...].astype(jnp.bfloat16)
        t0 = lax.dot_general(hb, wb[0], (((1,), (1,)), ((), ())),
                             preferred_element_type=jnp.float32)
        t1 = lax.dot_general(hb, wb[1], (((1,), (1,)), ((), ())),
                             preferred_element_type=jnp.float32)
        o_ref[...] = jnp.stack([t0, t1]) * d

    return pl.pallas_call(
        body,
        grid=(NB,),
        in_specs=[
            pl.BlockSpec((2, BN, 128), lambda n: (0, n, 0)),
            pl.BlockSpec((2, BN, 128), lambda n: (0, n, 0)),
            pl.BlockSpec((BN, 1), lambda n: (n, 0)),
            pl.BlockSpec((2, 128), lambda n: (0, 0)),
            pl.BlockSpec((2, 128), lambda n: (0, 0)),
            pl.BlockSpec((2, 128), lambda n: (0, 0)),
            pl.BlockSpec((2, 128, D_HID), lambda n: (0, 0, 0)),
        ],
        out_specs=pl.BlockSpec((2, BN, 128), lambda n: (0, n, 0)),
        out_shape=jax.ShapeDtypeStruct((2, N, 128), jnp.float32),
    )(agg, u, dinv, b_r, geff_r, beta_r, w_r)


def _tc_layer3(agg, u, dinv, b_r, geff_r, beta_r, w3):
    def body(a_ref, u_ref, d_ref, b_ref, g_ref, be_ref, w_ref, o_ref):
        d = d_ref[...][None]
        pre = (a_ref[...] + u_ref[...]) * d
        pre = pre + b_ref[...][:, None, :]
        h = jnp.maximum(pre * g_ref[...][:, None, :] + be_ref[...][:, None, :], 0.0)
        hb = jnp.concatenate([h[0], h[1]], axis=1).astype(jnp.bfloat16)
        wb = w_ref[...].astype(jnp.bfloat16)
        t = lax.dot_general(hb, wb, (((1,), (1,)), ((), ())),
                            preferred_element_type=jnp.float32)
        o_ref[...] = t * d_ref[...]

    return pl.pallas_call(
        body,
        grid=(NB,),
        in_specs=[
            pl.BlockSpec((2, BN, 128), lambda n: (0, n, 0)),
            pl.BlockSpec((2, BN, 128), lambda n: (0, n, 0)),
            pl.BlockSpec((BN, 1), lambda n: (n, 0)),
            pl.BlockSpec((2, 128), lambda n: (0, 0)),
            pl.BlockSpec((2, 128), lambda n: (0, 0)),
            pl.BlockSpec((2, 128), lambda n: (0, 0)),
            pl.BlockSpec((128, D_HID), lambda n: (0, 0)),
        ],
        out_specs=pl.BlockSpec((BN, 128), lambda n: (n, 0)),
        out_shape=jax.ShapeDtypeStruct((N, 128), jnp.float32),
    )(agg, u, dinv, b_r, geff_r, beta_r, w3)


def _tc_final(agg3, u3, dinv, b3):
    def body(a_ref, u_ref, d_ref, b_ref, o_ref):
        t = (a_ref[0] + a_ref[1] + u_ref[...]) * d_ref[...]
        o_ref[...] = t[:, :D_OUT] + b_ref[...]

    return pl.pallas_call(
        body,
        grid=(NB,),
        in_specs=[
            pl.BlockSpec((2, BN, 128), lambda n: (0, n, 0)),
            pl.BlockSpec((BN, 128), lambda n: (n, 0)),
            pl.BlockSpec((BN, 1), lambda n: (n, 0)),
            pl.BlockSpec((1, D_OUT), lambda n: (0, 0)),
        ],
        out_specs=pl.BlockSpec((BN, D_OUT), lambda n: (n, 0)),
        out_shape=jax.ShapeDtypeStruct((N, D_OUT), jnp.float32),
    )(agg3, u3, dinv, b3)



def kernel(x, edge_index, W1, b1, W2, b2, W3, b3, g1, beta1, g2, beta2):
    src = edge_index[0].astype(jnp.int32)
    dst = edge_index[1].astype(jnp.int32)
    npad = EP - E
    pad_ar = jnp.arange(npad, dtype=jnp.int32)
    src_p = jnp.concatenate([src, pad_ar % N])
    dst_p = jnp.concatenate([dst, N + (pad_ar % NS)])
    src2 = jnp.concatenate([src_p, src_p + N]).reshape(2 * EP // CEDGE, CEDGE)
    dst_r80 = dst_p.reshape(EP // CEDGE, CEDGE)
    dst_r = dst_p.reshape(EP // CHUNK, CHUNK)

    zeros128 = jnp.zeros((CHUNK, 128), jnp.float32)
    zeros80 = jnp.zeros((CEDGE, 128), jnp.float32)
    w3p = jnp.concatenate([W3, jnp.zeros((128 - D_OUT, D_HID), jnp.float32)])
    ones128 = jnp.ones((CHUNK, 128), jnp.float32)

    bn_scale = 1.0 / jnp.sqrt(1.0 + EPS)
    w1r = W1.reshape(2, 128, D_IN)
    w2r = W2.reshape(2, 128, D_HID)
    b1r = b1.reshape(2, 128)
    b2r = b2.reshape(2, 128)
    geff1 = (g1 * bn_scale).reshape(2, 128)
    geff2 = (g2 * bn_scale).reshape(2, 128)
    beta1r = beta1.reshape(2, 128)
    beta2r = beta2.reshape(2, 128)

    deg_parts = _sc_deg(dst_r, ones128, zeros128)
    t1 = _tc_mm1(x, w1r)
    dinv = _tc_dinv(deg_parts[:, 0].reshape(2, N))
    u1 = _tc_scale(t1, dinv)
    agg1 = _sc_agg128(u1, src2, dst_r80, zeros80)

    u2 = _tc_layer(agg1.reshape(2, N, 128), u1.reshape(2, N, 128), dinv,
                   b1r, geff1, beta1r, w2r)
    agg2 = _sc_agg128(u2.reshape(2 * N, 128), src2, dst_r80, zeros80)

    u3 = _tc_layer3(agg2.reshape(2, N, 128), u2, dinv,
                    b2r, geff2, beta2r, w3p)
    agg3 = _sc_agg40(u3, src2, dst_r80, zeros80)

    return _tc_final(agg3.reshape(2, N, 128), u3, dinv, b3.reshape(1, D_OUT))

# --- scband reference (transcript-rebuilt; emitter-appended) ---
"""Pipeline reference for scband-gcn-gnnexplainer-51402168598676 (READ-ONLY COPY).

The authoritative reference and input builder live on the scoring server;
editing this copy changes nothing except your own understanding.
"""

import jax, jax.numpy as jnp
import numpy as np

N_NODES = 10000
N_EDGES = 160000
D_IN = 256
D_HID = 256
D_OUT = 40
EPS = 1e-5


def setup_inputs(seed: int = 0) -> dict:
    key = jax.random.key(seed)
    ks = jax.random.split(key, 12)
    x = jax.random.normal(ks[0], (N_NODES, D_IN), dtype=jnp.float32)
    edge_index = jax.random.randint(ks[1], (2, N_EDGES), 0, N_NODES, dtype=jnp.int64 if jax.config.jax_enable_x64 else jnp.int32)
    # GCNConv weights: W [out, in] (torch Linear convention), bias [out]
    W1 = jax.random.normal(ks[2], (D_HID, D_IN), dtype=jnp.float32) * (1.0 / np.sqrt(D_IN))
    b1 = jnp.zeros((D_HID,), dtype=jnp.float32)
    W2 = jax.random.normal(ks[3], (D_HID, D_HID), dtype=jnp.float32) * (1.0 / np.sqrt(D_HID))
    b2 = jnp.zeros((D_HID,), dtype=jnp.float32)
    W3 = jax.random.normal(ks[4], (D_OUT, D_HID), dtype=jnp.float32) * (1.0 / np.sqrt(D_HID))
    b3 = jnp.zeros((D_OUT,), dtype=jnp.float32)
    # BatchNorm affine params (eval mode: running_mean=0, running_var=1)
    g1 = jnp.ones((D_HID,), dtype=jnp.float32)
    beta1 = jnp.zeros((D_HID,), dtype=jnp.float32)
    g2 = jnp.ones((D_HID,), dtype=jnp.float32)
    beta2 = jnp.zeros((D_HID,), dtype=jnp.float32)
    return {"x": x, "edge_index": edge_index, "W1": W1, "b1": b1, "W2": W2, "b2": b2, "W3": W3, "b3": b3, "g1": g1, "beta1": beta1, "g2": g2, "beta2": beta2}


def _gcn_conv(x, src, dst, norm, W, b):
    # PyG GCNConv: linear transform, then normalized sum aggregation, then bias
    h = x @ W.T
    msg = h[src] * norm[:, None]
    out = jnp.zeros((x.shape[0], W.shape[0]), dtype=h.dtype).at[dst].add(msg)
    return out + b


def _bn_eval(x, gamma, beta):
    # eval-mode BatchNorm1d with running_mean=0, running_var=1
    return x * (gamma / jnp.sqrt(1.0 + EPS)) + beta


def reference(x, edge_index, W1, b1, W2, b2, W3, b3, g1, beta1, g2, beta2):
    N = x.shape[0]
    loop = jnp.arange(N, dtype=edge_index.dtype)
    src = jnp.concatenate([edge_index[0], loop])
    dst = jnp.concatenate([edge_index[1], loop])
    deg = jnp.zeros((N,), dtype=jnp.float32).at[dst].add(1.0)
    dinv = jnp.where(deg > 0, 1.0 / jnp.sqrt(deg), 0.0)
    norm = dinv[src] * dinv[dst]
    h = _gcn_conv(x, src, dst, norm, W1, b1)
    h = jax.nn.relu(_bn_eval(h, g1, beta1))
    h = _gcn_conv(h, src, dst, norm, W2, b2)
    h = jax.nn.relu(_bn_eval(h, g2, beta2))
    out = _gcn_conv(h, src, dst, norm, W3, b3)
    return out

if __name__ == "__main__":
    import jax
    _d = setup_inputs()
    print(jax.jit(kernel)(*tuple(_d.values())))

</pallas_src>

<mosaic_0001>
#map = affine_map<(d0, d1) -> (0, 0)>
module attributes {stable_mosaic.version = 14 : i64} {
  func.func @agg_kernel(%arg0: i32, %arg1: i32, %arg2: memref<20000x128xf32, #tpu.memory_space<hbm>>, %arg3: memref<4096x80xi32, #tpu.memory_space<hbm>>, %arg4: memref<2048x80xi32, #tpu.memory_space<hbm>>, %arg5: memref<80x128xf32, #tpu.memory_space<hbm>>, %arg6: memref<20000x128xf32, #tpu.memory_space<hbm>>, %arg7: memref<64x80xi32, #tpu.memory_space<vmem>>, %arg8: memref<64x80xi32, #tpu.memory_space<vmem>>, %arg9: memref<80x128xf32, #tpu.memory_space<vmem>>, %arg10: memref<80x128xf32, #tpu.memory_space<vmem>>, %arg11: memref<10016x128xf32, #tpu.memory_space<vmem_shared>>, %arg12: memref<!tpu.dma_semaphore, #tpu.memory_space<semaphore_mem>>, %arg13: memref<!tpu.dma_semaphore, #tpu.memory_space<semaphore_mem>>) attributes {dimension_semantics = [#tpu.dimension_semantics<core_parallel>, #tpu.dimension_semantics<subcore_parallel>], iteration_bounds = array<i64: 2, 16>, scalar_prefetch = 0 : i64, scratch_operands = 7 : i64, tpu.core_type = #tpu.core_type<sc_vector_subcore>, window_params = [{transform_indices = #map}, {transform_indices = #map}, {transform_indices = #map}, {transform_indices = #map}, {transform_indices = #map}]} {
    "tpu.region"() ({
      %run_scoped3A = tpu.sem_alloc : memref<!tpu.dma_semaphore, #tpu.memory_space<semaphore_mem>>
      tpu.enqueue_dma source(%arg5 : memref<80x128xf32, #tpu.memory_space<hbm>>) target(%arg9 : memref<80x128xf32, #tpu.memory_space<vmem>>) target_semaphore(%run_scoped3A : memref<!tpu.dma_semaphore, #tpu.memory_space<semaphore_mem>>)
      tpu.wait_dma2 semaphore(%run_scoped3A : memref<!tpu.dma_semaphore, #tpu.memory_space<semaphore_mem>>) src(%arg5 : memref<80x128xf32, #tpu.memory_space<hbm>>) dst(%arg9 : memref<80x128xf32, #tpu.memory_space<vmem>>)
      tpu.yield
    }) : () -> ()
    %lt3A = arith.constant 15 : i32
    %lt3A_0 = arith.cmpi slt, %arg1, %lt3A : i32
    %convert_element_type3A = arith.extui %lt3A_0 : i1 to i32
    %cond3A = arith.constant 0 : i32
    %cond3A_1 = arith.cmpi ne, %convert_element_type3A, %cond3A : i32
    scf.if %cond3A_1 {
      %mul3A_54 = arith.constant 632 : i32
      %mul3A_55 = arith.muli %arg1, %mul3A_54 : i32
      %add3A_56 = arith.constant 0 : i32
      %add3A_57 = arith.addi %mul3A_55, %add3A_56 : i32
      "tpu.region"() ({
        %run_scoped3A = tpu.sem_alloc : memref<!tpu.dma_semaphore, #tpu.memory_space<semaphore_mem>>
        %dma_start3A_72 = arith.constant 0 : i32
        %dma_start3A_73 = arith.constant 0 : i32
        %dma_start3A_74 = tpu.memref_slice %arg9[%dma_start3A_72, %dma_start3A_73] : memref<80x128xf32, #tpu.memory_space<vmem>> -> memref<80x128xf32, #tpu.memory_space<vmem>>
        %dma_start3A_75 = arith.constant 0 : i32
        %dma_start3A_76 = tpu.memref_slice %arg11[%add3A_57, %dma_start3A_75] : memref<10016x128xf32, #tpu.memory_space<vmem_shared>> -> memref<80x128xf32, #tpu.memory_space<vmem_shared>>
        %dma_start3A_77 = arith.constant 0 : i32
        %dma_start3A_78 = tpu.memref_slice %arg11[%add3A_57, %dma_start3A_77] : memref<10016x128xf32, #tpu.memory_space<vmem_shared>> -> memref<80x128xf32, #tpu.memory_space<vmem_shared>>
        %dma_start3A_79 = arith.constant 0 : i32
        %dma_start3A_80 = arith.constant 0 : i32
        %dma_start3A_81 = tpu.memref_slice %arg9[%dma_start3A_79, %dma_start3A_80] : memref<80x128xf32, #tpu.memory_space<vmem>> -> memref<80x128xf32, #tpu.memory_space<vmem>>
        tpu.enqueue_dma source(%dma_start3A_81 : memref<80x128xf32, #tpu.memory_space<vmem>>) target(%dma_start3A_78 : memref<80x128xf32, #tpu.memory_space<vmem_shared>>) target_semaphore(%run_scoped3A : memref<!tpu.dma_semaphore, #tpu.memory_space<semaphore_mem>>)
        %dma_wait3A = arith.constant 0 : i32
        %dma_wait3A_82 = arith.constant 0 : i32
        %dma_wait3A_83 = tpu.memref_slice %arg9[%dma_wait3A, %dma_wait3A_82] : memref<80x128xf32, #tpu.memory_space<vmem>> -> memref<80x128xf32, #tpu.memory_space<vmem>>
        %dma_wait3A_84 = arith.constant 0 : i32
        %dma_wait3A_85 = tpu.memref_slice %arg11[%add3A_57, %dma_wait3A_84] : memref<10016x128xf32, #tpu.memory_space<vmem_shared>> -> memref<80x128xf32, #tpu.memory_space<vmem_shared>>
        %dma_wait3A_86 = arith.constant 0 : i32
        %dma_wait3A_87 = tpu.memref_slice %arg11[%add3A_57, %dma_wait3A_86] : memref<10016x128xf32, #tpu.memory_space<vmem_shared>> -> memref<80x128xf32, #tpu.memory_space<vmem_shared>>
        %dma_wait3A_88 = arith.constant 0 : i32
        %dma_wait3A_89 = arith.constant 0 : i32
        %dma_wait3A_90 = tpu.memref_slice %arg9[%dma_wait3A_88, %dma_wait3A_89] : memref<80x128xf32, #tpu.memory_space<vmem>> -> memref<80x128xf32, #tpu.memory_space<vmem>>
        tpu.wait_dma2 semaphore(%run_scoped3A : memref<!tpu.dma_semaphore, #tpu.memory_space<semaphore_mem>>) src(%dma_wait3A_90 : memref<80x128xf32, #tpu.memory_space<vmem>>) dst(%dma_wait3A_87 : memref<80x128xf32, #tpu.memory_space<vmem_shared>>)
        tpu.yield
      }) : () -> ()
      %add3A_58 = arith.constant 80 : i32
      %add3A_59 = arith.addi %mul3A_55, %add3A_58 : i32
      "tpu.region"() ({
        %run_scoped3A = tpu.sem_alloc : memref<!tpu.dma_semaphore, #tpu.memory_space<semaphore_mem>>
        %dma_start3A_72 = arith.constant 0 : i32
        %dma_start3A_73 = arith.constant 0 : i32
        %dma_start3A_74 = tpu.memref_slice %arg9[%dma_start3A_72, %dma_start3A_73] : memref<80x128xf32, #tpu.memory_space<vmem>> -> memref<80x128xf32, #tpu.memory_space<vmem>>
        %dma_start3A_75 = arith.constant 0 : i32
        %dma_start3A_76 = tpu.memref_slice %arg11[%add3A_59, %dma_start3A_75] : memref<10016x128xf32, #tpu.memory_space<vmem_shared>> -> memref<80x128xf32, #tpu.memory_space<vmem_shared>>
        %dma_start3A_77 = arith.constant 0 : i32
        %dma_start3A_78 = tpu.memref_slice %arg11[%add3A_59, %dma_start3A_77] : memref<10016x128xf32, #tpu.memory_space<vmem_shared>> -> memref<80x128xf32, #tpu.memory_space<vmem_shared>>
        %dma_start3A_79 = arith.constant 0 : i32
        %dma_start3A_80 = arith.constant 0 : i32
        %dma_start3A_81 = tpu.memref_slice %arg9[%dma_start3A_79, %dma_start3A_80] : memref<80x128xf32, #tpu.memory_space<vmem>> -> memref<80x128xf32, #tpu.memory_space<vmem>>
        tpu.enqueue_dma source(%dma_start3A_81 : memref<80x128xf32, #tpu.memory_space<vmem>>) target(%dma_start3A_78 : memref<80x128xf32, #tpu.memory_space<vmem_shared>>) target_semaphore(%run_scoped3A : memref<!tpu.dma_semaphore, #tpu.memory_space<semaphore_mem>>)
        %dma_wait3A = arith.constant 0 : i32
        %dma_wait3A_82 = arith.constant 0 : i32
        %dma_wait3A_83 = tpu.memref_slice %arg9[%dma_wait3A, %dma_wait3A_82] : memref<80x128xf32, #tpu.memory_space<vmem>> -> memref<80x128xf32, #tpu.memory_space<vmem>>
        %dma_wait3A_84 = arith.constant 0 : i32
        %dma_wait3A_85 = tpu.memref_slice %arg11[%add3A_59, %dma_wait3A_84] : memref<10016x128xf32, #tpu.memory_space<vmem_shared>> -> memref<80x128xf32, #tpu.memory_space<vmem_shared>>
        %dma_wait3A_86 = arith.constant 0 : i32
        %dma_wait3A_87 = tpu.memref_slice %arg11[%add3A_59, %dma_wait3A_86] : memref<10016x128xf32, #tpu.memory_space<vmem_shared>> -> memref<80x128xf32, #tpu.memory_space<vmem_shared>>
        %dma_wait3A_88 = arith.constant 0 : i32
        %dma_wait3A_89 = arith.constant 0 : i32
        %dma_wait3A_90 = tpu.memref_slice %arg9[%dma_wait3A_88, %dma_wait3A_89] : memref<80x128xf32, #tpu.memory_space<vmem>> -> memref<80x128xf32, #tpu.memory_space<vmem>>
        tpu.wait_dma2 semaphore(%run_scoped3A : memref<!tpu.dma_semaphore, #tpu.memory_space<semaphore_mem>>) src(%dma_wait3A_90 : memref<80x128xf32, #tpu.memory_space<vmem>>) dst(%dma_wait3A_87 : memref<80x128xf32, #tpu.memory_space<vmem_shared>>)
        tpu.yield
      }) : () -> ()
      %add3A_60 = arith.constant 160 : i32
      %add3A_61 = arith.addi %mul3A_55, %add3A_60 : i32
      "tpu.region"() ({
        %run_scoped3A = tpu.sem_alloc : memref<!tpu.dma_semaphore, #tpu.memory_space<semaphore_mem>>
        %dma_start3A_72 = arith.constant 0 : i32
        %dma_start3A_73 = arith.constant 0 : i32
        %dma_start3A_74 = tpu.memref_slice %arg9[%dma_start3A_72, %dma_start3A_73] : memref<80x128xf32, #tpu.memory_space<vmem>> -> memref<80x128xf32, #tpu.memory_space<vmem>>
        %dma_start3A_75 = arith.constant 0 : i32
        %dma_start3A_76 = tpu.memref_slice %arg11[%add3A_61, %dma_start3A_75] : memref<10016x128xf32, #tpu.memory_space<vmem_shared>> -> memref<80x128xf32, #tpu.memory_space<vmem_shared>>
        %dma_start3A_77 = arith.constant 0 : i32
        %dma_start3A_78 = tpu.memref_slice %arg11[%add3A_61, %dma_start3A_77] : memref<10016x128xf32, #tpu.memory_space<vmem_shared>> -> memref<80x128xf32, #tpu.memory_space<vmem_shared>>
        %dma_start3A_79 = arith.constant 0 : i32
        %dma_start3A_80 = arith.constant 0 : i32
        %dma_start3A_81 = tpu.memref_slice %arg9[%dma_start3A_79, %dma_start3A_80] : memref<80x128xf32, #tpu.memory_space<vmem>> -> memref<80x128xf32, #tpu.memory_space<vmem>>
        tpu.enqueue_dma source(%dma_start3A_81 : memref<80x128xf32, #tpu.memory_space<vmem>>) target(%dma_start3A_78 : memref<80x128xf32, #tpu.memory_space<vmem_shared>>) target_semaphore(%run_scoped3A : memref<!tpu.dma_semaphore, #tpu.memory_space<semaphore_mem>>)
        %dma_wait3A = arith.constant 0 : i32
        %dma_wait3A_82 = arith.constant 0 : i32
        %dma_wait3A_83 = tpu.memref_slice %arg9[%dma_wait3A, %dma_wait3A_82] : memref<80x128xf32, #tpu.memory_space<vmem>> -> memref<80x128xf32, #tpu.memory_space<vmem>>
        %dma_wait3A_84 = arith.constant 0 : i32
        %dma_wait3A_85 = tpu.memref_slice %arg11[%add3A_61, %dma_wait3A_84] : memref<10016x128xf32, #tpu.memory_space<vmem_shared>> -> memref<80x128xf32, #tpu.memory_space<vmem_shared>>
        %dma_wait3A_86 = arith.constant 0 : i32
        %dma_wait3A_87 = tpu.memref_slice %arg11[%add3A_61, %dma_wait3A_86] : memref<10016x128xf32, #tpu.memory_space<vmem_shared>> -> memref<80x128xf32, #tpu.memory_space<vmem_shared>>
        %dma_wait3A_88 = arith.constant 0 : i32
        %dma_wait3A_89 = arith.constant 0 : i32
        %dma_wait3A_90 = tpu.memref_slice %arg9[%dma_wait3A_88, %dma_wait3A_89] : memref<80x128xf32, #tpu.memory_space<vmem>> -> memref<80x128xf32, #tpu.memory_space<vmem>>
        tpu.wait_dma2 semaphore(%run_scoped3A : memref<!tpu.dma_semaphore, #tpu.memory_space<semaphore_mem>>) src(%dma_wait3A_90 : memref<80x128xf32, #tpu.memory_space<vmem>>) dst(%dma_wait3A_87 : memref<80x128xf32, #tpu.memory_space<vmem_shared>>)
        tpu.yield
      }) : () -> ()
      %add3A_62 = arith.constant 240 : i32
      %add3A_63 = arith.addi %mul3A_55, %add3A_62 : i32
      "tpu.region"() ({
        %run_scoped3A = tpu.sem_alloc : memref<!tpu.dma_semaphore, #tpu.memory_space<semaphore_mem>>
        %dma_start3A_72 = arith.constant 0 : i32
        %dma_start3A_73 = arith.constant 0 : i32
        %dma_start3A_74 = tpu.memref_slice %arg9[%dma_start3A_72, %dma_start3A_73] : memref<80x128xf32, #tpu.memory_space<vmem>> -> memref<80x128xf32, #tpu.memory_space<vmem>>
        %dma_start3A_75 = arith.constant 0 : i32
        %dma_start3A_76 = tpu.memref_slice %arg11[%add3A_63, %dma_start3A_75] : memref<10016x128xf32, #tpu.memory_space<vmem_shared>> -> memref<80x128xf32, #tpu.memory_space<vmem_shared>>
        %dma_start3A_77 = arith.constant 0 : i32
        %dma_start3A_78 = tpu.memref_slice %arg11[%add3A_63, %dma_start3A_77] : memref<10016x128xf32, #tpu.memory_space<vmem_shared>> -> memref<80x128xf32, #tpu.memory_space<vmem_shared>>
        %dma_start3A_79 = arith.constant 0 : i32
        %dma_start3A_80 = arith.constant 0 : i32
        %dma_start3A_81 = tpu.memref_slice %arg9[%dma_start3A_79, %dma_start3A_80] : memref<80x128xf32, #tpu.memory_space<vmem>> -> memref<80x128xf32, #tpu.memory_space<vmem>>
        tpu.enqueue_dma source(%dma_start3A_81 : memref<80x128xf32, #tpu.memory_space<vmem>>) target(%dma_start3A_78 : memref<80x128xf32, #tpu.memory_space<vmem_shared>>) target_semaphore(%run_scoped3A : memref<!tpu.dma_semaphore, #tpu.memory_space<semaphore_mem>>)
        %dma_wait3A = arith.constant 0 : i32
        %dma_wait3A_82 = arith.constant 0 : i32
        %dma_wait3A_83 = tpu.memref_slice %arg9[%dma_wait3A, %dma_wait3A_82] : memref<80x128xf32, #tpu.memory_space<vmem>> -> memref<80x128xf32, #tpu.memory_space<vmem>>
        %dma_wait3A_84 = arith.constant 0 : i32
        %dma_wait3A_85 = tpu.memref_slice %arg11[%add3A_63, %dma_wait3A_84] : memref<10016x128xf32, #tpu.memory_space<vmem_shared>> -> memref<80x128xf32, #tpu.memory_space<vmem_shared>>
        %dma_wait3A_86 = arith.constant 0 : i32
        %dma_wait3A_87 = tpu.memref_slice %arg11[%add3A_63, %dma_wait3A_86] : memref<10016x128xf32, #tpu.memory_space<vmem_shared>> -> memref<80x128xf32, #tpu.memory_space<vmem_shared>>
        %dma_wait3A_88 = arith.constant 0 : i32
        %dma_wait3A_89 = arith.constant 0 : i32
        %dma_wait3A_90 = tpu.memref_slice %arg9[%dma_wait3A_88, %dma_wait3A_89] : memref<80x128xf32, #tpu.memory_space<vmem>> -> memref<80x128xf32, #tpu.memory_space<vmem>>
        tpu.wait_dma2 semaphore(%run_scoped3A : memref<!tpu.dma_semaphore, #tpu.memory_space<semaphore_mem>>) src(%dma_wait3A_90 : memref<80x128xf32, #tpu.memory_space<vmem>>) dst(%dma_wait3A_87 : memref<80x128xf32, #tpu.memory_space<vmem_shared>>)
        tpu.yield
      }) : () -> ()
      %add3A_64 = arith.constant 320 : i32
      %add3A_65 = arith.addi %mul3A_55, %add3A_64 : i32
      "tpu.region"() ({
        %run_scoped3A = tpu.sem_alloc : memref<!tpu.dma_semaphore, #tpu.memory_space<semaphore_mem>>
        %dma_start3A_72 = arith.constant 0 : i32
        %dma_start3A_73 = arith.constant 0 : i32
        %dma_start3A_74 = tpu.memref_slice %arg9[%dma_start3A_72, %dma_start3A_73] : memref<80x128xf32, #tpu.memory_space<vmem>> -> memref<80x128xf32, #tpu.memory_space<vmem>>
        %dma_start3A_75 = arith.constant 0 : i32
        %dma_start3A_76 = tpu.memref_slice %arg11[%add3A_65, %dma_start3A_75] : memref<10016x128xf32, #tpu.memory_space<vmem_shared>> -> memref<80x128xf32, #tpu.memory_space<vmem_shared>>
        %dma_start3A_77 = arith.constant 0 : i32
        %dma_start3A_78 = tpu.memref_slice %arg11[%add3A_65, %dma_start3A_77] : memref<10016x128xf32, #tpu.memory_space<vmem_shared>> -> memref<80x128xf32, #tpu.memory_space<vmem_shared>>
        %dma_start3A_79 = arith.constant 0 : i32
        %dma_start3A_80 = arith.constant 0 : i32
        %dma_start3A_81 = tpu.memref_slice %arg9[%dma_start3A_79, %dma_start3A_80] : memref<80x128xf32, #tpu.memory_space<vmem>> -> memref<80x128xf32, #tpu.memory_space<vmem>>
        tpu.enqueue_dma source(%dma_start3A_81 : memref<80x128xf32, #tpu.memory_space<vmem>>) target(%dma_start3A_78 : memref<80x128xf32, #tpu.memory_space<vmem_shared>>) target_semaphore(%run_scoped3A : memref<!tpu.dma_semaphore, #tpu.memory_space<semaphore_mem>>)
        %dma_wait3A = arith.constant 0 : i32
        %dma_wait3A_82 = arith.constant 0 : i32
        %dma_wait3A_83 = tpu.memref_slice %arg9[%dma_wait3A, %dma_wait3A_82] : memref<80x128xf32, #tpu.memory_space<vmem>> -> memref<80x128xf32, #tpu.memory_space<vmem>>
        %dma_wait3A_84 = arith.constant 0 : i32
        %dma_wait3A_85 = tpu.memref_slice %arg11[%add3A_65, %dma_wait3A_84] : memref<10016x128xf32, #tpu.memory_space<vmem_shared>> -> memref<80x128xf32, #tpu.memory_space<vmem_shared>>
        %dma_wait3A_86 = arith.constant 0 : i32
        %dma_wait3A_87 = tpu.memref_slice %arg11[%add3A_65, %dma_wait3A_86] : memref<10016x128xf32, #tpu.memory_space<vmem_shared>> -> memref<80x128xf32, #tpu.memory_space<vmem_shared>>
        %dma_wait3A_88 = arith.constant 0 : i32
        %dma_wait3A_89 = arith.constant 0 : i32
        %dma_wait3A_90 = tpu.memref_slice %arg9[%dma_wait3A_88, %dma_wait3A_89] : memref<80x128xf32, #tpu.memory_space<vmem>> -> memref<80x128xf32, #tpu.memory_space<vmem>>
        tpu.wait_dma2 semaphore(%run_scoped3A : memref<!tpu.dma_semaphore, #tpu.memory_space<semaphore_mem>>) src(%dma_wait3A_90 : memref<80x128xf32, #tpu.memory_space<vmem>>) dst(%dma_wait3A_87 : memref<80x128xf32, #tpu.memory_space<vmem_shared>>)
        tpu.yield
      }) : () -> ()
      %add3A_66 = arith.constant 400 : i32
      %add3A_67 = arith.addi %mul3A_55, %add3A_66 : i32
      "tpu.region"() ({
        %run_scoped3A = tpu.sem_alloc : memref<!tpu.dma_semaphore, #tpu.memory_space<semaphore_mem>>
        %dma_start3A_72 = arith.constant 0 : i32
        %dma_start3A_73 = arith.constant 0 : i32
        %dma_start3A_74 = tpu.memref_slice %arg9[%dma_start3A_72, %dma_start3A_73] : memref<80x128xf32, #tpu.memory_space<vmem>> -> memref<80x128xf32, #tpu.memory_space<vmem>>
        %dma_start3A_75 = arith.constant 0 : i32
        %dma_start3A_76 = tpu.memref_slice %arg11[%add3A_67, %dma_start3A_75] : memref<10016x128xf32, #tpu.memory_space<vmem_shared>> -> memref<80x128xf32, #tpu.memory_space<vmem_shared>>
        %dma_start3A_77 = arith.constant 0 : i32
        %dma_start3A_78 = tpu.memref_slice %arg11[%add3A_67, %dma_start3A_77] : memref<10016x128xf32, #tpu.memory_space<vmem_shared>> -> memref<80x128xf32, #tpu.memory_space<vmem_shared>>
        %dma_start3A_79 = arith.constant 0 : i32
        %dma_start3A_80 = arith.constant 0 : i32
        %dma_start3A_81 = tpu.memref_slice %arg9[%dma_start3A_79, %dma_start3A_80] : memref<80x128xf32, #tpu.memory_space<vmem>> -> memref<80x128xf32, #tpu.memory_space<vmem>>
        tpu.enqueue_dma source(%dma_start3A_81 : memref<80x128xf32, #tpu.memory_space<vmem>>) target(%dma_start3A_78 : memref<80x128xf32, #tpu.memory_space<vmem_shared>>) target_semaphore(%run_scoped3A : memref<!tpu.dma_semaphore, #tpu.memory_space<semaphore_mem>>)
        %dma_wait3A = arith.constant 0 : i32
        %dma_wait3A_82 = arith.constant 0 : i32
        %dma_wait3A_83 = tpu.memref_slice %arg9[%dma_wait3A, %dma_wait3A_82] : memref<80x128xf32, #tpu.memory_space<vmem>> -> memref<80x128xf32, #tpu.memory_space<vmem>>
        %dma_wait3A_84 = arith.constant 0 : i32
        %dma_wait3A_85 = tpu.memref_slice %arg11[%add3A_67, %dma_wait3A_84] : memref<10016x128xf32, #tpu.memory_space<vmem_shared>> -> memref<80x128xf32, #tpu.memory_space<vmem_shared>>
        %dma_wait3A_86 = arith.constant 0 : i32
        %dma_wait3A_87 = tpu.memref_slice %arg11[%add3A_67, %dma_wait3A_86] : memref<10016x128xf32, #tpu.memory_space<vmem_shared>> -> memref<80x128xf32, #tpu.memory_space<vmem_shared>>
        %dma_wait3A_88 = arith.constant 0 : i32
        %dma_wait3A_89 = arith.constant 0 : i32
        %dma_wait3A_90 = tpu.memref_slice %arg9[%dma_wait3A_88, %dma_wait3A_89] : memref<80x128xf32, #tpu.memory_space<vmem>> -> memref<80x128xf32, #tpu.memory_space<vmem>>
        tpu.wait_dma2 semaphore(%run_scoped3A : memref<!tpu.dma_semaphore, #tpu.memory_space<semaphore_mem>>) src(%dma_wait3A_90 : memref<80x128xf32, #tpu.memory_space<vmem>>) dst(%dma_wait3A_87 : memref<80x128xf32, #tpu.memory_space<vmem_shared>>)
        tpu.yield
      }) : () -> ()
      %add3A_68 = arith.constant 480 : i32
      %add3A_69 = arith.addi %mul3A_55, %add3A_68 : i32
      "tpu.region"() ({
        %run_scoped3A = tpu.sem_alloc : memref<!tpu.dma_semaphore, #tpu.memory_space<semaphore_mem>>
        %dma_start3A_72 = arith.constant 0 : i32
        %dma_start3A_73 = arith.constant 0 : i32
        %dma_start3A_74 = tpu.memref_slice %arg9[%dma_start3A_72, %dma_start3A_73] : memref<80x128xf32, #tpu.memory_space<vmem>> -> memref<80x128xf32, #tpu.memory_space<vmem>>
        %dma_start3A_75 = arith.constant 0 : i32
        %dma_start3A_76 = tpu.memref_slice %arg11[%add3A_69, %dma_start3A_75] : memref<10016x128xf32, #tpu.memory_space<vmem_shared>> -> memref<80x128xf32, #tpu.memory_space<vmem_shared>>
        %dma_start3A_77 = arith.constant 0 : i32
        %dma_start3A_78 = tpu.memref_slice %arg11[%add3A_69, %dma_start3A_77] : memref<10016x128xf32, #tpu.memory_space<vmem_shared>> -> memref<80x128xf32, #tpu.memory_space<vmem_shared>>
        %dma_start3A_79 = arith.constant 0 : i32
        %dma_start3A_80 = arith.constant 0 : i32
        %dma_start3A_81 = tpu.memref_slice %arg9[%dma_start3A_79, %dma_start3A_80] : memref<80x128xf32, #tpu.memory_space<vmem>> -> memref<80x128xf32, #tpu.memory_space<vmem>>
        tpu.enqueue_dma source(%dma_start3A_81 : memref<80x128xf32, #tpu.memory_space<vmem>>) target(%dma_start3A_78 : memref<80x128xf32, #tpu.memory_space<vmem_shared>>) target_semaphore(%run_scoped3A : memref<!tpu.dma_semaphore, #tpu.memory_space<semaphore_mem>>)
        %dma_wait3A = arith.constant 0 : i32
        %dma_wait3A_82 = arith.constant 0 : i32
        %dma_wait3A_83 = tpu.memref_slice %arg9[%dma_wait3A, %dma_wait3A_82] : memref<80x128xf32, #tpu.memory_space<vmem>> -> memref<80x128xf32, #tpu.memory_space<vmem>>
        %dma_wait3A_84 = arith.constant 0 : i32
        %dma_wait3A_85 = tpu.memref_slice %arg11[%add3A_69, %dma_wait3A_84] : memref<10016x128xf32, #tpu.memory_space<vmem_shared>> -> memref<80x128xf32, #tpu.memory_space<vmem_shared>>
        %dma_wait3A_86 = arith.constant 0 : i32
        %dma_wait3A_87 = tpu.memref_slice %arg11[%add3A_69, %dma_wait3A_86] : memref<10016x128xf32, #tpu.memory_space<vmem_shared>> -> memref<80x128xf32, #tpu.memory_space<vmem_shared>>
        %dma_wait3A_88 = arith.constant 0 : i32
        %dma_wait3A_89 = arith.constant 0 : i32
        %dma_wait3A_90 = tpu.memref_slice %arg9[%dma_wait3A_88, %dma_wait3A_89] : memref<80x128xf32, #tpu.memory_space<vmem>> -> memref<80x128xf32, #tpu.memory_space<vmem>>
        tpu.wait_dma2 semaphore(%run_scoped3A : memref<!tpu.dma_semaphore, #tpu.memory_space<semaphore_mem>>) src(%dma_wait3A_90 : memref<80x128xf32, #tpu.memory_space<vmem>>) dst(%dma_wait3A_87 : memref<80x128xf32, #tpu.memory_space<vmem_shared>>)
        tpu.yield
      }) : () -> ()
      %add3A_70 = arith.constant 560 : i32
      %add3A_71 = arith.addi %mul3A_55, %add3A_70 : i32
      "tpu.region"() ({
        %run_scoped3A = tpu.sem_alloc : memref<!tpu.dma_semaphore, #tpu.memory_space<semaphore_mem>>
        %dma_start3A_72 = arith.constant 0 : i32
        %dma_start3A_73 = arith.constant 0 : i32
        %dma_start3A_74 = tpu.memref_slice %arg9[%dma_start3A_72, %dma_start3A_73] : memref<80x128xf32, #tpu.memory_space<vmem>> -> memref<72x128xf32, #tpu.memory_space<vmem>>
        %dma_start3A_75 = arith.constant 0 : i32
        %dma_start3A_76 = tpu.memref_slice %arg11[%add3A_71, %dma_start3A_75] : memref<10016x128xf32, #tpu.memory_space<vmem_shared>> -> memref<72x128xf32, #tpu.memory_space<vmem_shared>>
        %dma_start3A_77 = arith.constant 0 : i32
        %dma_start3A_78 = tpu.memref_slice %arg11[%add3A_71, %dma_start3A_77] : memref<10016x128xf32, #tpu.memory_space<vmem_shared>> -> memref<72x128xf32, #tpu.memory_space<vmem_shared>>
        %dma_start3A_79 = arith.constant 0 : i32
        %dma_start3A_80 = arith.constant 0 : i32
        %dma_start3A_81 = tpu.memref_slice %arg9[%dma_start3A_79, %dma_start3A_80] : memref<80x128xf32, #tpu.memory_space<vmem>> -> memref<72x128xf32, #tpu.memory_space<vmem>>
        tpu.enqueue_dma source(%dma_start3A_81 : memref<72x128xf32, #tpu.memory_space<vmem>>) target(%dma_start3A_78 : memref<72x128xf32, #tpu.memory_space<vmem_shared>>) target_semaphore(%run_scoped3A : memref<!tpu.dma_semaphore, #tpu.memory_space<semaphore_mem>>)
        %dma_wait3A = arith.constant 0 : i32
        %dma_wait3A_82 = arith.constant 0 : i32
        %dma_wait3A_83 = tpu.memref_slice %arg9[%dma_wait3A, %dma_wait3A_82] : memref<80x128xf32, #tpu.memory_space<vmem>> -> memref<72x128xf32, #tpu.memory_space<vmem>>
        %dma_wait3A_84 = arith.constant 0 : i32
        %dma_wait3A_85 = tpu.memref_slice %arg11[%add3A_71, %dma_wait3A_84] : memref<10016x128xf32, #tpu.memory_space<vmem_shared>> -> memref<72x128xf32, #tpu.memory_space<vmem_shared>>
        %dma_wait3A_86 = arith.constant 0 : i32
        %dma_wait3A_87 = tpu.memref_slice %arg11[%add3A_71, %dma_wait3A_86] : memref<10016x128xf32, #tpu.memory_space<vmem_shared>> -> memref<72x128xf32, #tpu.memory_space<vmem_shared>>
        %dma_wait3A_88 = arith.constant 0 : i32
        %dma_wait3A_89 = arith.constant 0 : i32
        %dma_wait3A_90 = tpu.memref_slice %arg9[%dma_wait3A_88, %dma_wait3A_89] : memref<80x128xf32, #tpu.memory_space<vmem>> -> memref<72x128xf32, #tpu.memory_space<vmem>>
        tpu.wait_dma2 semaphore(%run_scoped3A : memref<!tpu.dma_semaphore, #tpu.memory_space<semaphore_mem>>) src(%dma_wait3A_90 : memref<72x128xf32, #tpu.memory_space<vmem>>) dst(%dma_wait3A_87 : memref<72x128xf32, #tpu.memory_space<vmem_shared>>)
        tpu.yield
      }) : () -> ()
    } else {
    }
    %eq3A = arith.constant 15 : i32
    %eq3A_2 = arith.cmpi eq, %arg1, %eq3A : i32
    %convert_element_type3A_3 = arith.extui %eq3A_2 : i1 to i32
    %cond3A_4 = arith.constant 0 : i32
    %cond3A_5 = arith.cmpi ne, %convert_element_type3A_3, %cond3A_4 : i32
    scf.if %cond3A_5 {
      %mul3A_54 = arith.constant 632 : i32
      %mul3A_55 = arith.muli %arg1, %mul3A_54 : i32
      %add3A_56 = arith.constant 0 : i32
      %add3A_57 = arith.addi %mul3A_55, %add3A_56 : i32
      "tpu.region"() ({
        %run_scoped3A = tpu.sem_alloc : memref<!tpu.dma_semaphore, #tpu.memory_space<semaphore_mem>>
        %dma_start3A_70 = arith.constant 0 : i32
        %dma_start3A_71 = arith.constant 0 : i32
        %dma_start3A_72 = tpu.memref_slice %arg9[%dma_start3A_70, %dma_start3A_71] : memref<80x128xf32, #tpu.memory_space<vmem>> -> memref<80x128xf32, #tpu.memory_space<vmem>>
        %dma_start3A_73 = arith.constant 0 : i32
        %dma_start3A_74 = tpu.memref_slice %arg11[%add3A_57, %dma_start3A_73] : memref<10016x128xf32, #tpu.memory_space<vmem_shared>> -> memref<80x128xf32, #tpu.memory_space<vmem_shared>>
        %dma_start3A_75 = arith.constant 0 : i32
        %dma_start3A_76 = tpu.memref_slice %arg11[%add3A_57, %dma_start3A_75] : memref<10016x128xf32, #tpu.memory_space<vmem_shared>> -> memref<80x128xf32, #tpu.memory_space<vmem_shared>>
        %dma_start3A_77 = arith.constant 0 : i32
        %dma_start3A_78 = arith.constant 0 : i32
        %dma_start3A_79 = tpu.memref_slice %arg9[%dma_start3A_77, %dma_start3A_78] : memref<80x128xf32, #tpu.memory_space<vmem>> -> memref<80x128xf32, #tpu.memory_space<vmem>>
        tpu.enqueue_dma source(%dma_start3A_79 : memref<80x128xf32, #tpu.memory_space<vmem>>) target(%dma_start3A_76 : memref<80x128xf32, #tpu.memory_space<vmem_shared>>) target_semaphore(%run_scoped3A : memref<!tpu.dma_semaphore, #tpu.memory_space<semaphore_mem>>)
        %dma_wait3A = arith.constant 0 : i32
        %dma_wait3A_80 = arith.constant 0 : i32
        %dma_wait3A_81 = tpu.memref_slice %arg9[%dma_wait3A, %dma_wait3A_80] : memref<80x128xf32, #tpu.memory_space<vmem>> -> memref<80x128xf32, #tpu.memory_space<vmem>>
        %dma_wait3A_82 = arith.constant 0 : i32
        %dma_wait3A_83 = tpu.memref_slice %arg11[%add3A_57, %dma_wait3A_82] : memref<10016x128xf32, #tpu.memory_space<vmem_shared>> -> memref<80x128xf32, #tpu.memory_space<vmem_shared>>
        %dma_wait3A_84 = arith.constant 0 : i32
        %dma_wait3A_85 = tpu.memref_slice %arg11[%add3A_57, %dma_wait3A_84] : memref<10016x128xf32, #tpu.memory_space<vmem_shared>> -> memref<80x128xf32, #tpu.memory_space<vmem_shared>>
        %dma_wait3A_86 = arith.constant 0 : i32
        %dma_wait3A_87 = arith.constant 0 : i32
        %dma_wait3A_88 = tpu.memref_slice %arg9[%dma_wait3A_86, %dma_wait3A_87] : memref<80x128xf32, #tpu.memory_space<vmem>> -> memref<80x128xf32, #tpu.memory_space<vmem>>
        tpu.wait_dma2 semaphore(%run_scoped3A : memref<!tpu.dma_semaphore, #tpu.memory_space<semaphore_mem>>) src(%dma_wait3A_88 : memref<80x128xf32, #tpu.memory_space<vmem>>) dst(%dma_wait3A_85 : memref<80x128xf32, #tpu.memory_space<vmem_shared>>)
        tpu.yield
      }) : () -> ()
      %add3A_58 = arith.constant 80 : i32
      %add3A_59 = arith.addi %mul3A_55, %add3A_58 : i32
      "tpu.region"() ({
        %run_scoped3A = tpu.sem_alloc : memref<!tpu.dma_semaphore, #tpu.memory_space<semaphore_mem>>
        %dma_start3A_70 = arith.constant 0 : i32
        %dma_start3A_71 = arith.constant 0 : i32
        %dma_start3A_72 = tpu.memref_slice %arg9[%dma_start3A_70, %dma_start3A_71] : memref<80x128xf32, #tpu.memory_space<vmem>> -> memref<80x128xf32, #tpu.memory_space<vmem>>
        %dma_start3A_73 = arith.constant 0 : i32
        %dma_start3A_74 = tpu.memref_slice %arg11[%add3A_59, %dma_start3A_73] : memref<10016x128xf32, #tpu.memory_space<vmem_shared>> -> memref<80x128xf32, #tpu.memory_space<vmem_shared>>
        %dma_start3A_75 = arith.constant 0 : i32
        %dma_start3A_76 = tpu.memref_slice %arg11[%add3A_59, %dma_start3A_75] : memref<10016x128xf32, #tpu.memory_space<vmem_shared>> -> memref<80x128xf32, #tpu.memory_space<vmem_shared>>
        %dma_start3A_77 = arith.constant 0 : i32
        %dma_start3A_78 = arith.constant 0 : i32
        %dma_start3A_79 = tpu.memref_slice %arg9[%dma_start3A_77, %dma_start3A_78] : memref<80x128xf32, #tpu.memory_space<vmem>> -> memref<80x128xf32, #tpu.memory_space<vmem>>
        tpu.enqueue_dma source(%dma_start3A_79 : memref<80x128xf32, #tpu.memory_space<vmem>>) target(%dma_start3A_76 : memref<80x128xf32, #tpu.memory_space<vmem_shared>>) target_semaphore(%run_scoped3A : memref<!tpu.dma_semaphore, #tpu.memory_space<semaphore_mem>>)
        %dma_wait3A = arith.constant 0 : i32
        %dma_wait3A_80 = arith.constant 0 : i32
        %dma_wait3A_81 = tpu.memref_slice %arg9[%dma_wait3A, %dma_wait3A_80] : memref<80x128xf32, #tpu.memory_space<vmem>> -> memref<80x128xf32, #tpu.memory_space<vmem>>
        %dma_wait3A_82 = arith.constant 0 : i32
        %dma_wait3A_83 = tpu.memref_slice %arg11[%add3A_59, %dma_wait3A_82] : memref<10016x128xf32, #tpu.memory_space<vmem_shared>> -> memref<80x128xf32, #tpu.memory_space<vmem_shared>>
        %dma_wait3A_84 = arith.constant 0 : i32
        %dma_wait3A_85 = tpu.memref_slice %arg11[%add3A_59, %dma_wait3A_84] : memref<10016x128xf32, #tpu.memory_space<vmem_shared>> -> memref<80x128xf32, #tpu.memory_space<vmem_shared>>
        %dma_wait3A_86 = arith.constant 0 : i32
        %dma_wait3A_87 = arith.constant 0 : i32
        %dma_wait3A_88 = tpu.memref_slice %arg9[%dma_wait3A_86, %dma_wait3A_87] : memref<80x128xf32, #tpu.memory_space<vmem>> -> memref<80x128xf32, #tpu.memory_space<vmem>>
        tpu.wait_dma2 semaphore(%run_scoped3A : memref<!tpu.dma_semaphore, #tpu.memory_space<semaphore_mem>>) src(%dma_wait3A_88 : memref<80x128xf32, #tpu.memory_space<vmem>>) dst(%dma_wait3A_85 : memref<80x128xf32, #tpu.memory_space<vmem_shared>>)
        tpu.yield
      }) : () -> ()
      %add3A_60 = arith.constant 160 : i32
      %add3A_61 = arith.addi %mul3A_55, %add3A_60 : i32
      "tpu.region"() ({
        %run_scoped3A = tpu.sem_alloc : memref<!tpu.dma_semaphore, #tpu.memory_space<semaphore_mem>>
        %dma_start3A_70 = arith.constant 0 : i32
        %dma_start3A_71 = arith.constant 0 : i32
        %dma_start3A_72 = tpu.memref_slice %arg9[%dma_start3A_70, %dma_start3A_71] : memref<80x128xf32, #tpu.memory_space<vmem>> -> memref<80x128xf32, #tpu.memory_space<vmem>>
        %dma_start3A_73 = arith.constant 0 : i32
        %dma_start3A_74 = tpu.memref_slice %arg11[%add3A_61, %dma_start3A_73] : memref<10016x128xf32, #tpu.memory_space<vmem_shared>> -> memref<80x128xf32, #tpu.memory_space<vmem_shared>>
        %dma_start3A_75 = arith.constant 0 : i32
        %dma_start3A_76 = tpu.memref_slice %arg11[%add3A_61, %dma_start3A_75] : memref<10016x128xf32, #tpu.memory_space<vmem_shared>> -> memref<80x128xf32, #tpu.memory_space<vmem_shared>>
        %dma_start3A_77 = arith.constant 0 : i32
        %dma_start3A_78 = arith.constant 0 : i32
        %dma_start3A_79 = tpu.memref_slice %arg9[%dma_start3A_77, %dma_start3A_78] : memref<80x128xf32, #tpu.memory_space<vmem>> -> memref<80x128xf32, #tpu.memory_space<vmem>>
        tpu.enqueue_dma source(%dma_start3A_79 : memref<80x128xf32, #tpu.memory_space<vmem>>) target(%dma_start3A_76 : memref<80x128xf32, #tpu.memory_space<vmem_shared>>) target_semaphore(%run_scoped3A : memref<!tpu.dma_semaphore, #tpu.memory_space<semaphore_mem>>)
        %dma_wait3A = arith.constant 0 : i32
        %dma_wait3A_80 = arith.constant 0 : i32
        %dma_wait3A_81 = tpu.memref_slice %arg9[%dma_wait3A, %dma_wait3A_80] : memref<80x128xf32, #tpu.memory_space<vmem>> -> memref<80x128xf32, #tpu.memory_space<vmem>>
        %dma_wait3A_82 = arith.constant 0 : i32
        %dma_wait3A_83 = tpu.memref_slice %arg11[%add3A_61, %dma_wait3A_82] : memref<10016x128xf32, #tpu.memory_space<vmem_shared>> -> memref<80x128xf32, #tpu.memory_space<vmem_shared>>
        %dma_wait3A_84 = arith.constant 0 : i32
        %dma_wait3A_85 = tpu.memref_slice %arg11[%add3A_61, %dma_wait3A_84] : memref<10016x128xf32, #tpu.memory_space<vmem_shared>> -> memref<80x128xf32, #tpu.memory_space<vmem_shared>>
        %dma_wait3A_86 = arith.constant 0 : i32
        %dma_wait3A_87 = arith.constant 0 : i32
        %dma_wait3A_88 = tpu.memref_slice %arg9[%dma_wait3A_86, %dma_wait3A_87] : memref<80x128xf32, #tpu.memory_space<vmem>> -> memref<80x128xf32, #tpu.memory_space<vmem>>
        tpu.wait_dma2 semaphore(%run_scoped3A : memref<!tpu.dma_semaphore, #tpu.memory_space<semaphore_mem>>) src(%dma_wait3A_88 : memref<80x128xf32, #tpu.memory_space<vmem>>) dst(%dma_wait3A_85 : memref<80x128xf32, #tpu.memory_space<vmem_shared>>)
        tpu.yield
      }) : () -> ()
      %add3A_62 = arith.constant 240 : i32
      %add3A_63 = arith.addi %mul3A_55, %add3A_62 : i32
      "tpu.region"() ({
        %run_scoped3A = tpu.sem_alloc : memref<!tpu.dma_semaphore, #tpu.memory_space<semaphore_mem>>
        %dma_start3A_70 = arith.constant 0 : i32
        %dma_start3A_71 = arith.constant 0 : i32
        %dma_start3A_72 = tpu.memref_slice %arg9[%dma_start3A_70, %dma_start3A_71] : memref<80x128xf32, #tpu.memory_space<vmem>> -> memref<80x128xf32, #tpu.memory_space<vmem>>
        %dma_start3A_73 = arith.constant 0 : i32
        %dma_start3A_74 = tpu.memref_slice %arg11[%add3A_63, %dma_start3A_73] : memref<10016x128xf32, #tpu.memory_space<vmem_shared>> -> memref<80x128xf32, #tpu.memory_space<vmem_shared>>
        %dma_start3A_75 = arith.constant 0 : i32
        %dma_start3A_76 = tpu.memref_slice %arg11[%add3A_63, %dma_start3A_75] : memref<10016x128xf32, #tpu.memory_space<vmem_shared>> -> memref<80x128xf32, #tpu.memory_space<vmem_shared>>
        %dma_start3A_77 = arith.constant 0 : i32
        %dma_start3A_78 = arith.constant 0 : i32
        %dma_start3A_79 = tpu.memref_slice %arg9[%dma_start3A_77, %dma_start3A_78] : memref<80x128xf32, #tpu.memory_space<vmem>> -> memref<80x128xf32, #tpu.memory_space<vmem>>
        tpu.enqueue_dma source(%dma_start3A_79 : memref<80x128xf32, #tpu.memory_space<vmem>>) target(%dma_start3A_76 : memref<80x128xf32, #tpu.memory_space<vmem_shared>>) target_semaphore(%run_scoped3A : memref<!tpu.dma_semaphore, #tpu.memory_space<semaphore_mem>>)
        %dma_wait3A = arith.constant 0 : i32
        %dma_wait3A_80 = arith.constant 0 : i32
        %dma_wait3A_81 = tpu.memref_slice %arg9[%dma_wait3A, %dma_wait3A_80] : memref<80x128xf32, #tpu.memory_space<vmem>> -> memref<80x128xf32, #tpu.memory_space<vmem>>
        %dma_wait3A_82 = arith.constant 0 : i32
        %dma_wait3A_83 = tpu.memref_slice %arg11[%add3A_63, %dma_wait3A_82] : memref<10016x128xf32, #tpu.memory_space<vmem_shared>> -> memref<80x128xf32, #tpu.memory_space<vmem_shared>>
        %dma_wait3A_84 = arith.constant 0 : i32
        %dma_wait3A_85 = tpu.memref_slice %arg11[%add3A_63, %dma_wait3A_84] : memref<10016x128xf32, #tpu.memory_space<vmem_shared>> -> memref<80x128xf32, #tpu.memory_space<vmem_shared>>
        %dma_wait3A_86 = arith.constant 0 : i32
        %dma_wait3A_87 = arith.constant 0 : i32
        %dma_wait3A_88 = tpu.memref_slice %arg9[%dma_wait3A_86, %dma_wait3A_87] : memref<80x128xf32, #tpu.memory_space<vmem>> -> memref<80x128xf32, #tpu.memory_space<vmem>>
        tpu.wait_dma2 semaphore(%run_scoped3A : memref<!tpu.dma_semaphore, #tpu.memory_space<semaphore_mem>>) src(%dma_wait3A_88 : memref<80x128xf32, #tpu.memory_space<vmem>>) dst(%dma_wait3A_85 : memref<80x128xf32, #tpu.memory_space<vmem_shared>>)
        tpu.yield
      }) : () -> ()
      %add3A_64 = arith.constant 320 : i32
      %add3A_65 = arith.addi %mul3A_55, %add3A_64 : i32
      "tpu.region"() ({
        %run_scoped3A = tpu.sem_alloc : memref<!tpu.dma_semaphore, #tpu.memory_space<semaphore_mem>>
        %dma_start3A_70 = arith.constant 0 : i32
        %dma_start3A_71 = arith.constant 0 : i32
        %dma_start3A_72 = tpu.memref_slice %arg9[%dma_start3A_70, %dma_start3A_71] : memref<80x128xf32, #tpu.memory_space<vmem>> -> memref<80x128xf32, #tpu.memory_space<vmem>>
        %dma_start3A_73 = arith.constant 0 : i32
        %dma_start3A_74 = tpu.memref_slice %arg11[%add3A_65, %dma_start3A_73] : memref<10016x128xf32, #tpu.memory_space<vmem_shared>> -> memref<80x128xf32, #tpu.memory_space<vmem_shared>>
        %dma_start3A_75 = arith.constant 0 : i32
        %dma_start3A_76 = tpu.memref_slice %arg11[%add3A_65, %dma_start3A_75] : memref<10016x128xf32, #tpu.memory_space<vmem_shared>> -> memref<80x128xf32, #tpu.memory_space<vmem_shared>>
        %dma_start3A_77 = arith.constant 0 : i32
        %dma_start3A_78 = arith.constant 0 : i32
        %dma_start3A_79 = tpu.memref_slice %arg9[%dma_start3A_77, %dma_start3A_78] : memref<80x128xf32, #tpu.memory_space<vmem>> -> memref<80x128xf32, #tpu.memory_space<vmem>>
        tpu.enqueue_dma source(%dma_start3A_79 : memref<80x128xf32, #tpu.memory_space<vmem>>) target(%dma_start3A_76 : memref<80x128xf32, #tpu.memory_space<vmem_shared>>) target_semaphore(%run_scoped3A : memref<!tpu.dma_semaphore, #tpu.memory_space<semaphore_mem>>)
        %dma_wait3A = arith.constant 0 : i32
        %dma_wait3A_80 = arith.constant 0 : i32
        %dma_wait3A_81 = tpu.memref_slice %arg9[%dma_wait3A, %dma_wait3A_80] : memref<80x128xf32, #tpu.memory_space<vmem>> -> memref<80x128xf32, #tpu.memory_space<vmem>>
        %dma_wait3A_82 = arith.constant 0 : i32
        %dma_wait3A_83 = tpu.memref_slice %arg11[%add3A_65, %dma_wait3A_82] : memref<10016x128xf32, #tpu.memory_space<vmem_shared>> -> memref<80x128xf32, #tpu.memory_space<vmem_shared>>
        %dma_wait3A_84 = arith.constant 0 : i32
        %dma_wait3A_85 = tpu.memref_slice %arg11[%add3A_65, %dma_wait3A_84] : memref<10016x128xf32, #tpu.memory_space<vmem_shared>> -> memref<80x128xf32, #tpu.memory_space<vmem_shared>>
        %dma_wait3A_86 = arith.constant 0 : i32
        %dma_wait3A_87 = arith.constant 0 : i32
        %dma_wait3A_88 = tpu.memref_slice %arg9[%dma_wait3A_86, %dma_wait3A_87] : memref<80x128xf32, #tpu.memory_space<vmem>> -> memref<80x128xf32, #tpu.memory_space<vmem>>
        tpu.wait_dma2 semaphore(%run_scoped3A : memref<!tpu.dma_semaphore, #tpu.memory_space<semaphore_mem>>) src(%dma_wait3A_88 : memref<80x128xf32, #tpu.memory_space<vmem>>) dst(%dma_wait3A_85 : memref<80x128xf32, #tpu.memory_space<vmem_shared>>)
        tpu.yield
      }) : () -> ()
      %add3A_66 = arith.constant 400 : i32
      %add3A_67 = arith.addi %mul3A_55, %add3A_66 : i32
      "tpu.region"() ({
        %run_scoped3A = tpu.sem_alloc : memref<!tpu.dma_semaphore, #tpu.memory_space<semaphore_mem>>
        %dma_start3A_70 = arith.constant 0 : i32
        %dma_start3A_71 = arith.constant 0 : i32
        %dma_start3A_72 = tpu.memref_slice %arg9[%dma_start3A_70, %dma_start3A_71] : memref<80x128xf32, #tpu.memory_space<vmem>> -> memref<80x128xf32, #tpu.memory_space<vmem>>
        %dma_start3A_73 = arith.constant 0 : i32
        %dma_start3A_74 = tpu.memref_slice %arg11[%add3A_67, %dma_start3A_73] : memref<10016x128xf32, #tpu.memory_space<vmem_shared>> -> memref<80x128xf32, #tpu.memory_space<vmem_shared>>
        %dma_start3A_75 = arith.constant 0 : i32
        %dma_start3A_76 = tpu.memref_slice %arg11[%add3A_67, %dma_start3A_75] : memref<10016x128xf32, #tpu.memory_space<vmem_shared>> -> memref<80x128xf32, #tpu.memory_space<vmem_shared>>
        %dma_start3A_77 = arith.constant 0 : i32
        %dma_start3A_78 = arith.constant 0 : i32
        %dma_start3A_79 = tpu.memref_slice %arg9[%dma_start3A_77, %dma_start3A_78] : memref<80x128xf32, #tpu.memory_space<vmem>> -> memref<80x128xf32, #tpu.memory_space<vmem>>
        tpu.enqueue_dma source(%dma_start3A_79 : memref<80x128xf32, #tpu.memory_space<vmem>>) target(%dma_start3A_76 : memref<80x128xf32, #tpu.memory_space<vmem_shared>>) target_semaphore(%run_scoped3A : memref<!tpu.dma_semaphore, #tpu.memory_space<semaphore_mem>>)
        %dma_wait3A = arith.constant 0 : i32
        %dma_wait3A_80 = arith.constant 0 : i32
        %dma_wait3A_81 = tpu.memref_slice %arg9[%dma_wait3A, %dma_wait3A_80] : memref<80x128xf32, #tpu.memory_space<vmem>> -> memref<80x128xf32, #tpu.memory_space<vmem>>
        %dma_wait3A_82 = arith.constant 0 : i32
        %dma_wait3A_83 = tpu.memref_slice %arg11[%add3A_67, %dma_wait3A_82] : memref<10016x128xf32, #tpu.memory_space<vmem_shared>> -> memref<80x128xf32, #tpu.memory_space<vmem_shared>>
        %dma_wait3A_84 = arith.constant 0 : i32
        %dma_wait3A_85 = tpu.memref_slice %arg11[%add3A_67, %dma_wait3A_84] : memref<10016x128xf32, #tpu.memory_space<vmem_shared>> -> memref<80x128xf32, #tpu.memory_space<vmem_shared>>
        %dma_wait3A_86 = arith.constant 0 : i32
        %dma_wait3A_87 = arith.constant 0 : i32
        %dma_wait3A_88 = tpu.memref_slice %arg9[%dma_wait3A_86, %dma_wait3A_87] : memref<80x128xf32, #tpu.memory_space<vmem>> -> memref<80x128xf32, #tpu.memory_space<vmem>>
        tpu.wait_dma2 semaphore(%run_scoped3A : memref<!tpu.dma_semaphore, #tpu.memory_space<semaphore_mem>>) src(%dma_wait3A_88 : memref<80x128xf32, #tpu.memory_space<vmem>>) dst(%dma_wait3A_85 : memref<80x128xf32, #tpu.memory_space<vmem_shared>>)
        tpu.yield
      }) : () -> ()
      %add3A_68 = arith.constant 480 : i32
      %add3A_69 = arith.addi %mul3A_55, %add3A_68 : i32
      "tpu.region"() ({
        %run_scoped3A = tpu.sem_alloc : memref<!tpu.dma_semaphore, #tpu.memory_space<semaphore_mem>>
        %dma_start3A_70 = arith.constant 0 : i32
        %dma_start3A_71 = arith.constant 0 : i32
        %dma_start3A_72 = tpu.memref_slice %arg9[%dma_start3A_70, %dma_start3A_71] : memref<80x128xf32, #tpu.memory_space<vmem>> -> memref<56x128xf32, #tpu.memory_space<vmem>>
        %dma_start3A_73 = arith.constant 0 : i32
        %dma_start3A_74 = tpu.memref_slice %arg11[%add3A_69, %dma_start3A_73] : memref<10016x128xf32, #tpu.memory_space<vmem_shared>> -> memref<56x128xf32, #tpu.memory_space<vmem_shared>>
        %dma_start3A_75 = arith.constant 0 : i32
        %dma_start3A_76 = tpu.memref_slice %arg11[%add3A_69, %dma_start3A_75] : memref<10016x128xf32, #tpu.memory_space<vmem_shared>> -> memref<56x128xf32, #tpu.memory_space<vmem_shared>>
        %dma_start3A_77 = arith.constant 0 : i32
        %dma_start3A_78 = arith.constant 0 : i32
        %dma_start3A_79 = tpu.memref_slice %arg9[%dma_start3A_77, %dma_start3A_78] : memref<80x128xf32, #tpu.memory_space<vmem>> -> memref<56x128xf32, #tpu.memory_space<vmem>>
        tpu.enqueue_dma source(%dma_start3A_79 : memref<56x128xf32, #tpu.memory_space<vmem>>) target(%dma_start3A_76 : memref<56x128xf32, #tpu.memory_space<vmem_shared>>) target_semaphore(%run_scoped3A : memref<!tpu.dma_semaphore, #tpu.memory_space<semaphore_mem>>)
        %dma_wait3A = arith.constant 0 : i32
        %dma_wait3A_80 = arith.constant 0 : i32
        %dma_wait3A_81 = tpu.memref_slice %arg9[%dma_wait3A, %dma_wait3A_80] : memref<80x128xf32, #tpu.memory_space<vmem>> -> memref<56x128xf32, #tpu.memory_space<vmem>>
        %dma_wait3A_82 = arith.constant 0 : i32
        %dma_wait3A_83 = tpu.memref_slice %arg11[%add3A_69, %dma_wait3A_82] : memref<10016x128xf32, #tpu.memory_space<vmem_shared>> -> memref<56x128xf32, #tpu.memory_space<vmem_shared>>
        %dma_wait3A_84 = arith.constant 0 : i32
        %dma_wait3A_85 = tpu.memref_slice %arg11[%add3A_69, %dma_wait3A_84] : memref<10016x128xf32, #tpu.memory_space<vmem_shared>> -> memref<56x128xf32, #tpu.memory_space<vmem_shared>>
        %dma_wait3A_86 = arith.constant 0 : i32
        %dma_wait3A_87 = arith.constant 0 : i32
        %dma_wait3A_88 = tpu.memref_slice %arg9[%dma_wait3A_86, %dma_wait3A_87] : memref<80x128xf32, #tpu.memory_space<vmem>> -> memref<56x128xf32, #tpu.memory_space<vmem>>
        tpu.wait_dma2 semaphore(%run_scoped3A : memref<!tpu.dma_semaphore, #tpu.memory_space<semaphore_mem>>) src(%dma_wait3A_88 : memref<56x128xf32, #tpu.memory_space<vmem>>) dst(%dma_wait3A_85 : memref<56x128xf32, #tpu.memory_space<vmem_shared>>)
        tpu.yield
      }) : () -> ()
    } else {
    }
    %barrier3A = arith.constant 0 : index
    tpu.barrier barrier_id(%barrier3A)
    %mul3A = arith.constant 16 : i32
    %mul3A_6 = arith.muli %arg0, %mul3A : i32
    %add3A = arith.addi %mul3A_6, %arg1 : i32
    %mul3A_7 = arith.constant 128 : i32
    %mul3A_8 = arith.muli %add3A, %mul3A_7 : i32
    %mul3A_9 = arith.constant 128 : i32
    %mul3A_10 = arith.muli %arg1, %mul3A_9 : i32
    %add3A_11 = arith.constant 0 : i32
    %add3A_12 = arith.addi %mul3A_8, %add3A_11 : i32
    "tpu.region"() ({
      %run_scoped3A = tpu.sem_alloc : memref<!tpu.dma_semaphore, #tpu.memory_space<semaphore_mem>>
      %dma_start3A_54 = arith.constant 0 : i32
      %dma_start3A_55 = tpu.memref_slice %arg3[%add3A_12, %dma_start3A_54] : memref<4096x80xi32, #tpu.memory_space<hbm>> -> memref<64x80xi32, #tpu.memory_space<hbm>>
      %dma_start3A_56 = arith.constant 0 : i32
      %dma_start3A_57 = tpu.memref_slice %arg3[%add3A_12, %dma_start3A_56] : memref<4096x80xi32, #tpu.memory_space<hbm>> -> memref<64x80xi32, #tpu.memory_space<hbm>>
      tpu.enqueue_dma source(%dma_start3A_57 : memref<64x80xi32, #tpu.memory_space<hbm>>) target(%arg7 : memref<64x80xi32, #tpu.memory_space<vmem>>) target_semaphore(%run_scoped3A : memref<!tpu.dma_semaphore, #tpu.memory_space<semaphore_mem>>)
      %dma_wait3A = arith.constant 0 : i32
      %dma_wait3A_58 = tpu.memref_slice %arg3[%add3A_12, %dma_wait3A] : memref<4096x80xi32, #tpu.memory_space<hbm>> -> memref<64x80xi32, #tpu.memory_space<hbm>>
      %dma_wait3A_59 = arith.constant 0 : i32
      %dma_wait3A_60 = tpu.memref_slice %arg3[%add3A_12, %dma_wait3A_59] : memref<4096x80xi32, #tpu.memory_space<hbm>> -> memref<64x80xi32, #tpu.memory_space<hbm>>
      tpu.wait_dma2 semaphore(%run_scoped3A : memref<!tpu.dma_semaphore, #tpu.memory_space<semaphore_mem>>) src(%dma_wait3A_60 : memref<64x80xi32, #tpu.memory_space<hbm>>) dst(%arg7 : memref<64x80xi32, #tpu.memory_space<vmem>>)
      tpu.yield
    }) : () -> ()
    %add3A_13 = arith.constant 0 : i32
    %add3A_14 = arith.addi %mul3A_10, %add3A_13 : i32
    "tpu.region"() ({
      %run_scoped3A = tpu.sem_alloc : memref<!tpu.dma_semaphore, #tpu.memory_space<semaphore_mem>>
      %dma_start3A_54 = arith.constant 0 : i32
      %dma_start3A_55 = tpu.memref_slice %arg4[%add3A_14, %dma_start3A_54] : memref<2048x80xi32, #tpu.memory_space<hbm>> -> memref<64x80xi32, #tpu.memory_space<hbm>>
      %dma_start3A_56 = arith.constant 0 : i32
      %dma_start3A_57 = tpu.memref_slice %arg4[%add3A_14, %dma_start3A_56] : memref<2048x80xi32, #tpu.memory_space<hbm>> -> memref<64x80xi32, #tpu.memory_space<hbm>>
      tpu.enqueue_dma source(%dma_start3A_57 : memref<64x80xi32, #tpu.memory_space<hbm>>) target(%arg8 : memref<64x80xi32, #tpu.memory_space<vmem>>) target_semaphore(%run_scoped3A : memref<!tpu.dma_semaphore, #tpu.memory_space<semaphore_mem>>)
      %dma_wait3A = arith.constant 0 : i32
      %dma_wait3A_58 = tpu.memref_slice %arg4[%add3A_14, %dma_wait3A] : memref<2048x80xi32, #tpu.memory_space<hbm>> -> memref<64x80xi32, #tpu.memory_space<hbm>>
      %dma_wait3A_59 = arith.constant 0 : i32
      %dma_wait3A_60 = tpu.memref_slice %arg4[%add3A_14, %dma_wait3A_59] : memref<2048x80xi32, #tpu.memory_space<hbm>> -> memref<64x80xi32, #tpu.memory_space<hbm>>
      tpu.wait_dma2 semaphore(%run_scoped3A : memref<!tpu.dma_semaphore, #tpu.memory_space<semaphore_mem>>) src(%dma_wait3A_60 : memref<64x80xi32, #tpu.memory_space<hbm>>) dst(%arg8 : memref<64x80xi32, #tpu.memory_space<vmem>>)
      tpu.yield
    }) : () -> ()
    %dma_start3A = arith.constant 0 : i32
    %dma_start3A_15 = arith.constant 0 : i32
    %dma_start3A_16 = tpu.memref_slice %arg7[%dma_start3A, %dma_start3A_15] : memref<64x80xi32, #tpu.memory_space<vmem>> -> memref<1x80xi32, #tpu.memory_space<vmem>>
    %dma_start3A_17 = tpu.memref_squeeze %dma_start3A_16 : memref<1x80xi32, #tpu.memory_space<vmem>> -> memref<80xi32, #tpu.memory_space<vmem>>
    %dma_start3A_18 = arith.constant 0 : i32
    %dma_start3A_19 = arith.constant 0 : i32
    %dma_start3A_20 = tpu.memref_slice %arg2[%dma_start3A_18, %dma_start3A_19] : memref<20000x128xf32, #tpu.memory_space<hbm>> -> memref<20000x128xf32, #tpu.memory_space<hbm>>
    tpu.enqueue_indirect_dma source(%dma_start3A_20 : memref<20000x128xf32, #tpu.memory_space<hbm>>) target(%arg9 : memref<80x128xf32, #tpu.memory_space<vmem>>) offsets(%dma_start3A_17 : memref<80xi32, #tpu.memory_space<vmem>>) semaphore(%arg12 : memref<!tpu.dma_semaphore, #tpu.memory_space<semaphore_mem>>)
    %scan3A = arith.constant 0 : i32
    %scan3A_21 = arith.constant 0 : i32
    %scan3A_22 = arith.constant 32 : i32
    %scan3A_23 = arith.addi %scan3A_21, %scan3A_22 : i32
    %scan3A_24 = arith.constant 1 : i32
    scf.for %scan3A_54 = %scan3A_21 to %scan3A_23 step %scan3A_24  : i32 {
      %mul3A_55 = arith.constant 2 : i32
      %mul3A_56 = arith.muli %mul3A_55, %scan3A_54 : i32
      %add3A_57 = arith.constant 0 : i32
      %add3A_58 = arith.addi %mul3A_56, %add3A_57 : i32
      %add3A_59 = arith.constant 2 : i32
      %add3A_60 = arith.addi %add3A_58, %add3A_59 : i32
      %sub3A = arith.constant 1 : i32
      %sub3A_61 = arith.subi %add3A_60, %sub3A : i32
      %lt3A_62 = arith.constant 64 : i32
      %lt3A_63 = arith.cmpi slt, %sub3A_61, %lt3A_62 : i32
      %convert_element_type3A_64 = arith.extui %lt3A_63 : i1 to i32
      %cond3A_65 = arith.constant 0 : i32
      %cond3A_66 = arith.cmpi ne, %convert_element_type3A_64, %cond3A_65 : i32
      scf.if %cond3A_66 {
        %add3A_93 = arith.constant 2 : i32
        %add3A_94 = arith.addi %add3A_58, %add3A_93 : i32
        %sub3A_95 = arith.constant 1 : i32
        %sub3A_96 = arith.subi %add3A_94, %sub3A_95 : i32
        %dma_start3A_97 = arith.constant 0 : i32
        %dma_start3A_98 = tpu.memref_slice %arg7[%sub3A_96, %dma_start3A_97] : memref<64x80xi32, #tpu.memory_space<vmem>> -> memref<1x80xi32, #tpu.memory_space<vmem>>
        %dma_start3A_99 = tpu.memref_squeeze %dma_start3A_98 : memref<1x80xi32, #tpu.memory_space<vmem>> -> memref<80xi32, #tpu.memory_space<vmem>>
        %dma_start3A_100 = arith.constant 0 : i32
        %dma_start3A_101 = arith.constant 0 : i32
        %dma_start3A_102 = tpu.memref_slice %arg2[%dma_start3A_100, %dma_start3A_101] : memref<20000x128xf32, #tpu.memory_space<hbm>> -> memref<20000x128xf32, #tpu.memory_space<hbm>>
        tpu.enqueue_indirect_dma source(%dma_start3A_102 : memref<20000x128xf32, #tpu.memory_space<hbm>>) target(%arg10 : memref<80x128xf32, #tpu.memory_space<vmem>>) offsets(%dma_start3A_99 : memref<80xi32, #tpu.memory_space<vmem>>) semaphore(%arg13 : memref<!tpu.dma_semaphore, #tpu.memory_space<semaphore_mem>>)
      } else {
      }
      %dma_wait3A = arith.constant 0 : i32
      %dma_wait3A_67 = arith.constant 0 : i32
      %dma_wait3A_68 = tpu.memref_slice %arg7[%dma_wait3A, %dma_wait3A_67] : memref<64x80xi32, #tpu.memory_space<vmem>> -> memref<1x80xi32, #tpu.memory_space<vmem>>
      %dma_wait3A_69 = tpu.memref_squeeze %dma_wait3A_68 : memref<1x80xi32, #tpu.memory_space<vmem>> -> memref<80xi32, #tpu.memory_space<vmem>>
      %dma_wait3A_70 = arith.constant 0 : i32
      %dma_wait3A_71 = arith.constant 0 : i32
      %dma_wait3A_72 = tpu.memref_slice %arg2[%dma_wait3A_70, %dma_wait3A_71] : memref<20000x128xf32, #tpu.memory_space<hbm>> -> memref<20000x128xf32, #tpu.memory_space<hbm>>
      tpu.wait_indirect_dma semaphore(%arg12 : memref<!tpu.dma_semaphore, #tpu.memory_space<semaphore_mem>>) src(%dma_wait3A_72 : memref<20000x128xf32, #tpu.memory_space<hbm>>) dst(%arg9 : memref<80x128xf32, #tpu.memory_space<vmem>>)
      "tpu.region"() ({
        %run_scoped3A = tpu.sem_alloc : memref<!tpu.dma_semaphore, #tpu.memory_space<semaphore_mem>>
        %dma_start3A_93 = arith.constant 0 : i32
        %dma_start3A_94 = tpu.memref_slice %arg8[%add3A_58, %dma_start3A_93] : memref<64x80xi32, #tpu.memory_space<vmem>> -> memref<1x80xi32, #tpu.memory_space<vmem>>
        %dma_start3A_95 = tpu.memref_squeeze %dma_start3A_94 : memref<1x80xi32, #tpu.memory_space<vmem>> -> memref<80xi32, #tpu.memory_space<vmem>>
        %dma_start3A_96 = arith.constant 0 : i32
        %dma_start3A_97 = arith.constant 0 : i32
        %dma_start3A_98 = tpu.memref_slice %arg11[%dma_start3A_96, %dma_start3A_97] : memref<10016x128xf32, #tpu.memory_space<vmem_shared>> -> memref<10016x128xf32, #tpu.memory_space<vmem_shared>>
        tpu.enqueue_indirect_dma source(%arg9 : memref<80x128xf32, #tpu.memory_space<vmem>>) target(%dma_start3A_98 : memref<10016x128xf32, #tpu.memory_space<vmem_shared>>) offsets(%dma_start3A_95 : memref<80xi32, #tpu.memory_space<vmem>>) semaphore(%run_scoped3A : memref<!tpu.dma_semaphore, #tpu.memory_space<semaphore_mem>>) {add = true}
        %dma_wait3A_99 = arith.constant 0 : i32
        %dma_wait3A_100 = tpu.memref_slice %arg8[%add3A_58, %dma_wait3A_99] : memref<64x80xi32, #tpu.memory_space<vmem>> -> memref<1x80xi32, #tpu.memory_space<vmem>>
        %dma_wait3A_101 = tpu.memref_squeeze %dma_wait3A_100 : memref<1x80xi32, #tpu.memory_space<vmem>> -> memref<80xi32, #tpu.memory_space<vmem>>
        %dma_wait3A_102 = arith.constant 0 : i32
        %dma_wait3A_103 = arith.constant 0 : i32
        %dma_wait3A_104 = tpu.memref_slice %arg11[%dma_wait3A_102, %dma_wait3A_103] : memref<10016x128xf32, #tpu.memory_space<vmem_shared>> -> memref<10016x128xf32, #tpu.memory_space<vmem_shared>>
        tpu.wait_indirect_dma semaphore(%run_scoped3A : memref<!tpu.dma_semaphore, #tpu.memory_space<semaphore_mem>>) src(%arg9 : memref<80x128xf32, #tpu.memory_space<vmem>>) dst(%dma_wait3A_104 : memref<10016x128xf32, #tpu.memory_space<vmem_shared>>)
        tpu.yield
      }) : () -> ()
      %mul3A_73 = arith.constant 2 : i32
      %mul3A_74 = arith.muli %mul3A_73, %scan3A_54 : i32
      %add3A_75 = arith.constant 1 : i32
      %add3A_76 = arith.addi %mul3A_74, %add3A_75 : i32
      %add3A_77 = arith.constant 2 : i32
      %add3A_78 = arith.addi %add3A_76, %add3A_77 : i32
      %sub3A_79 = arith.constant 1 : i32
      %sub3A_80 = arith.subi %add3A_78, %sub3A_79 : i32
      %lt3A_81 = arith.constant 64 : i32
      %lt3A_82 = arith.cmpi slt, %sub3A_80, %lt3A_81 : i32
      %convert_element_type3A_83 = arith.extui %lt3A_82 : i1 to i32
      %cond3A_84 = arith.constant 0 : i32
      %cond3A_85 = arith.cmpi ne, %convert_element_type3A_83, %cond3A_84 : i32
      scf.if %cond3A_85 {
        %add3A_93 = arith.constant 2 : i32
        %add3A_94 = arith.addi %add3A_76, %add3A_93 : i32
        %sub3A_95 = arith.constant 1 : i32
        %sub3A_96 = arith.subi %add3A_94, %sub3A_95 : i32
        %dma_start3A_97 = arith.constant 0 : i32
        %dma_start3A_98 = tpu.memref_slice %arg7[%sub3A_96, %dma_start3A_97] : memref<64x80xi32, #tpu.memory_space<vmem>> -> memref<1x80xi32, #tpu.memory_space<vmem>>
        %dma_start3A_99 = tpu.memref_squeeze %dma_start3A_98 : memref<1x80xi32, #tpu.memory_space<vmem>> -> memref<80xi32, #tpu.memory_space<vmem>>
        %dma_start3A_100 = arith.constant 0 : i32
        %dma_start3A_101 = arith.constant 0 : i32
        %dma_start3A_102 = tpu.memref_slice %arg2[%dma_start3A_100, %dma_start3A_101] : memref<20000x128xf32, #tpu.memory_space<hbm>> -> memref<20000x128xf32, #tpu.memory_space<hbm>>
        tpu.enqueue_indirect_dma source(%dma_start3A_102 : memref<20000x128xf32, #tpu.memory_space<hbm>>) target(%arg9 : memref<80x128xf32, #tpu.memory_space<vmem>>) offsets(%dma_start3A_99 : memref<80xi32, #tpu.memory_space<vmem>>) semaphore(%arg12 : memref<!tpu.dma_semaphore, #tpu.memory_space<semaphore_mem>>)
      } else {
      }
      %dma_wait3A_86 = arith.constant 0 : i32
      %dma_wait3A_87 = arith.constant 0 : i32
      %dma_wait3A_88 = tpu.memref_slice %arg7[%dma_wait3A_86, %dma_wait3A_87] : memref<64x80xi32, #tpu.memory_space<vmem>> -> memref<1x80xi32, #tpu.memory_space<vmem>>
      %dma_wait3A_89 = tpu.memref_squeeze %dma_wait3A_88 : memref<1x80xi32, #tpu.memory_space<vmem>> -> memref<80xi32, #tpu.memory_space<vmem>>
      %dma_wait3A_90 = arith.constant 0 : i32
      %dma_wait3A_91 = arith.constant 0 : i32
      %dma_wait3A_92 = tpu.memref_slice %arg2[%dma_wait3A_90, %dma_wait3A_91] : memref<20000x128xf32, #tpu.memory_space<hbm>> -> memref<20000x128xf32, #tpu.memory_space<hbm>>
      tpu.wait_indirect_dma semaphore(%arg13 : memref<!tpu.dma_semaphore, #tpu.memory_space<semaphore_mem>>) src(%dma_wait3A_92 : memref<20000x128xf32, #tpu.memory_space<hbm>>) dst(%arg10 : memref<80x128xf32, #tpu.memory_space<vmem>>)
      "tpu.region"() ({
        %run_scoped3A = tpu.sem_alloc : memref<!tpu.dma_semaphore, #tpu.memory_space<semaphore_mem>>
        %dma_start3A_93 = arith.constant 0 : i32
        %dma_start3A_94 = tpu.memref_slice %arg8[%add3A_76, %dma_start3A_93] : memref<64x80xi32, #tpu.memory_space<vmem>> -> memref<1x80xi32, #tpu.memory_space<vmem>>
        %dma_start3A_95 = tpu.memref_squeeze %dma_start3A_94 : memref<1x80xi32, #tpu.memory_space<vmem>> -> memref<80xi32, #tpu.memory_space<vmem>>
        %dma_start3A_96 = arith.constant 0 : i32
        %dma_start3A_97 = arith.constant 0 : i32
        %dma_start3A_98 = tpu.memref_slice %arg11[%dma_start3A_96, %dma_start3A_97] : memref<10016x128xf32, #tpu.memory_space<vmem_shared>> -> memref<10016x128xf32, #tpu.memory_space<vmem_shared>>
        tpu.enqueue_indirect_dma source(%arg10 : memref<80x128xf32, #tpu.memory_space<vmem>>) target(%dma_start3A_98 : memref<10016x128xf32, #tpu.memory_space<vmem_shared>>) offsets(%dma_start3A_95 : memref<80xi32, #tpu.memory_space<vmem>>) semaphore(%run_scoped3A : memref<!tpu.dma_semaphore, #tpu.memory_space<semaphore_mem>>) {add = true}
        %dma_wait3A_99 = arith.constant 0 : i32
        %dma_wait3A_100 = tpu.memref_slice %arg8[%add3A_76, %dma_wait3A_99] : memref<64x80xi32, #tpu.memory_space<vmem>> -> memref<1x80xi32, #tpu.memory_space<vmem>>
        %dma_wait3A_101 = tpu.memref_squeeze %dma_wait3A_100 : memref<1x80xi32, #tpu.memory_space<vmem>> -> memref<80xi32, #tpu.memory_space<vmem>>
        %dma_wait3A_102 = arith.constant 0 : i32
        %dma_wait3A_103 = arith.constant 0 : i32
        %dma_wait3A_104 = tpu.memref_slice %arg11[%dma_wait3A_102, %dma_wait3A_103] : memref<10016x128xf32, #tpu.memory_space<vmem_shared>> -> memref<10016x128xf32, #tpu.memory_space<vmem_shared>>
        tpu.wait_indirect_dma semaphore(%run_scoped3A : memref<!tpu.dma_semaphore, #tpu.memory_space<semaphore_mem>>) src(%arg10 : memref<80x128xf32, #tpu.memory_space<vmem>>) dst(%dma_wait3A_104 : memref<10016x128xf32, #tpu.memory_space<vmem_shared>>)
        tpu.yield
      }) : () -> ()
    }
    %scan3A_25 = arith.constant 32 : i32
    %add3A_26 = arith.constant 64 : i32
    %add3A_27 = arith.addi %mul3A_8, %add3A_26 : i32
    "tpu.region"() ({
      %run_scoped3A = tpu.sem_alloc : memref<!tpu.dma_semaphore, #tpu.memory_space<semaphore_mem>>
      %dma_start3A_54 = arith.constant 0 : i32
      %dma_start3A_55 = tpu.memref_slice %arg3[%add3A_27, %dma_start3A_54] : memref<4096x80xi32, #tpu.memory_space<hbm>> -> memref<64x80xi32, #tpu.memory_space<hbm>>
      %dma_start3A_56 = arith.constant 0 : i32
      %dma_start3A_57 = tpu.memref_slice %arg3[%add3A_27, %dma_start3A_56] : memref<4096x80xi32, #tpu.memory_space<hbm>> -> memref<64x80xi32, #tpu.memory_space<hbm>>
      tpu.enqueue_dma source(%dma_start3A_57 : memref<64x80xi32, #tpu.memory_space<hbm>>) target(%arg7 : memref<64x80xi32, #tpu.memory_space<vmem>>) target_semaphore(%run_scoped3A : memref<!tpu.dma_semaphore, #tpu.memory_space<semaphore_mem>>)
      %dma_wait3A = arith.constant 0 : i32
      %dma_wait3A_58 = tpu.memref_slice %arg3[%add3A_27, %dma_wait3A] : memref<4096x80xi32, #tpu.memory_space<hbm>> -> memref<64x80xi32, #tpu.memory_space<hbm>>
      %dma_wait3A_59 = arith.constant 0 : i32
      %dma_wait3A_60 = tpu.memref_slice %arg3[%add3A_27, %dma_wait3A_59] : memref<4096x80xi32, #tpu.memory_space<hbm>> -> memref<64x80xi32, #tpu.memory_space<hbm>>
      tpu.wait_dma2 semaphore(%run_scoped3A : memref<!tpu.dma_semaphore, #tpu.memory_space<semaphore_mem>>) src(%dma_wait3A_60 : memref<64x80xi32, #tpu.memory_space<hbm>>) dst(%arg7 : memref<64x80xi32, #tpu.memory_space<vmem>>)
      tpu.yield
    }) : () -> ()
    %add3A_28 = arith.constant 64 : i32
    %add3A_29 = arith.addi %mul3A_10, %add3A_28 : i32
    "tpu.region"() ({
      %run_scoped3A = tpu.sem_alloc : memref<!tpu.dma_semaphore, #tpu.memory_space<semaphore_mem>>
      %dma_start3A_54 = arith.constant 0 : i32
      %dma_start3A_55 = tpu.memref_slice %arg4[%add3A_29, %dma_start3A_54] : memref<2048x80xi32, #tpu.memory_space<hbm>> -> memref<64x80xi32, #tpu.memory_space<hbm>>
      %dma_start3A_56 = arith.constant 0 : i32
      %dma_start3A_57 = tpu.memref_slice %arg4[%add3A_29, %dma_start3A_56] : memref<2048x80xi32, #tpu.memory_space<hbm>> -> memref<64x80xi32, #tpu.memory_space<hbm>>
      tpu.enqueue_dma source(%dma_start3A_57 : memref<64x80xi32, #tpu.memory_space<hbm>>) target(%arg8 : memref<64x80xi32, #tpu.memory_space<vmem>>) target_semaphore(%run_scoped3A : memref<!tpu.dma_semaphore, #tpu.memory_space<semaphore_mem>>)
      %dma_wait3A = arith.constant 0 : i32
      %dma_wait3A_58 = tpu.memref_slice %arg4[%add3A_29, %dma_wait3A] : memref<2048x80xi32, #tpu.memory_space<hbm>> -> memref<64x80xi32, #tpu.memory_space<hbm>>
      %dma_wait3A_59 = arith.constant 0 : i32
      %dma_wait3A_60 = tpu.memref_slice %arg4[%add3A_29, %dma_wait3A_59] : memref<2048x80xi32, #tpu.memory_space<hbm>> -> memref<64x80xi32, #tpu.memory_space<hbm>>
      tpu.wait_dma2 semaphore(%run_scoped3A : memref<!tpu.dma_semaphore, #tpu.memory_space<semaphore_mem>>) src(%dma_wait3A_60 : memref<64x80xi32, #tpu.memory_space<hbm>>) dst(%arg8 : memref<64x80xi32, #tpu.memory_space<vmem>>)
      tpu.yield
    }) : () -> ()
    %dma_start3A_30 = arith.constant 0 : i32
    %dma_start3A_31 = arith.constant 0 : i32
    %dma_start3A_32 = tpu.memref_slice %arg7[%dma_start3A_30, %dma_start3A_31] : memref<64x80xi32, #tpu.memory_space<vmem>> -> memref<1x80xi32, #tpu.memory_space<vmem>>
    %dma_start3A_33 = tpu.memref_squeeze %dma_start3A_32 : memref<1x80xi32, #tpu.memory_space<vmem>> -> memref<80xi32, #tpu.memory_space<vmem>>
    %dma_start3A_34 = arith.constant 0 : i32
    %dma_start3A_35 = arith.constant 0 : i32
    %dma_start3A_36 = tpu.memref_slice %arg2[%dma_start3A_34, %dma_start3A_35] : memref<20000x128xf32, #tpu.memory_space<hbm>> -> memref<20000x128xf32, #tpu.memory_space<hbm>>
    tpu.enqueue_indirect_dma source(%dma_start3A_36 : memref<20000x128xf32, #tpu.memory_space<hbm>>) target(%arg9 : memref<80x128xf32, #tpu.memory_space<vmem>>) offsets(%dma_start3A_33 : memref<80xi32, #tpu.memory_space<vmem>>) semaphore(%arg12 : memref<!tpu.dma_semaphore, #tpu.memory_space<semaphore_mem>>)
    %scan3A_37 = arith.constant 0 : i32
    %scan3A_38 = arith.constant 0 : i32
    %scan3A_39 = arith.constant 32 : i32
    %scan3A_40 = arith.addi %scan3A_38, %scan3A_39 : i32
    %scan3A_41 = arith.constant 1 : i32
    scf.for %scan3A_54 = %scan3A_38 to %scan3A_40 step %scan3A_41  : i32 {
      %mul3A_55 = arith.constant 2 : i32
      %mul3A_56 = arith.muli %mul3A_55, %scan3A_54 : i32
      %add3A_57 = arith.constant 0 : i32
      %add3A_58 = arith.addi %mul3A_56, %add3A_57 : i32
      %add3A_59 = arith.constant 2 : i32
      %add3A_60 = arith.addi %add3A_58, %add3A_59 : i32
      %sub3A = arith.constant 1 : i32
      %sub3A_61 = arith.subi %add3A_60, %sub3A : i32
      %lt3A_62 = arith.constant 64 : i32
      %lt3A_63 = arith.cmpi slt, %sub3A_61, %lt3A_62 : i32
      %convert_element_type3A_64 = arith.extui %lt3A_63 : i1 to i32
      %cond3A_65 = arith.constant 0 : i32
      %cond3A_66 = arith.cmpi ne, %convert_element_type3A_64, %cond3A_65 : i32
      scf.if %cond3A_66 {
        %add3A_93 = arith.constant 2 : i32
        %add3A_94 = arith.addi %add3A_58, %add3A_93 : i32
        %sub3A_95 = arith.constant 1 : i32
        %sub3A_96 = arith.subi %add3A_94, %sub3A_95 : i32
        %dma_start3A_97 = arith.constant 0 : i32
        %dma_start3A_98 = tpu.memref_slice %arg7[%sub3A_96, %dma_start3A_97] : memref<64x80xi32, #tpu.memory_space<vmem>> -> memref<1x80xi32, #tpu.memory_space<vmem>>
        %dma_start3A_99 = tpu.memref_squeeze %dma_start3A_98 : memref<1x80xi32, #tpu.memory_space<vmem>> -> memref<80xi32, #tpu.memory_space<vmem>>
        %dma_start3A_100 = arith.constant 0 : i32
        %dma_start3A_101 = arith.constant 0 : i32
        %dma_start3A_102 = tpu.memref_slice %arg2[%dma_start3A_100, %dma_start3A_101] : memref<20000x128xf32, #tpu.memory_space<hbm>> -> memref<20000x128xf32, #tpu.memory_space<hbm>>
        tpu.enqueue_indirect_dma source(%dma_start3A_102 : memref<20000x128xf32, #tpu.memory_space<hbm>>) target(%arg10 : memref<80x128xf32, #tpu.memory_space<vmem>>) offsets(%dma_start3A_99 : memref<80xi32, #tpu.memory_space<vmem>>) semaphore(%arg13 : memref<!tpu.dma_semaphore, #tpu.memory_space<semaphore_mem>>)
      } else {
      }
      %dma_wait3A = arith.constant 0 : i32
      %dma_wait3A_67 = arith.constant 0 : i32
      %dma_wait3A_68 = tpu.memref_slice %arg7[%dma_wait3A, %dma_wait3A_67] : memref<64x80xi32, #tpu.memory_space<vmem>> -> memref<1x80xi32, #tpu.memory_space<vmem>>
      %dma_wait3A_69 = tpu.memref_squeeze %dma_wait3A_68 : memref<1x80xi32, #tpu.memory_space<vmem>> -> memref<80xi32, #tpu.memory_space<vmem>>
      %dma_wait3A_70 = arith.constant 0 : i32
      %dma_wait3A_71 = arith.constant 0 : i32
      %dma_wait3A_72 = tpu.memref_slice %arg2[%dma_wait3A_70, %dma_wait3A_71] : memref<20000x128xf32, #tpu.memory_space<hbm>> -> memref<20000x128xf32, #tpu.memory_space<hbm>>
      tpu.wait_indirect_dma semaphore(%arg12 : memref<!tpu.dma_semaphore, #tpu.memory_space<semaphore_mem>>) src(%dma_wait3A_72 : memref<20000x128xf32, #tpu.memory_space<hbm>>) dst(%arg9 : memref<80x128xf32, #tpu.memory_space<vmem>>)
      "tpu.region"() ({
        %run_scoped3A = tpu.sem_alloc : memref<!tpu.dma_semaphore, #tpu.memory_space<semaphore_mem>>
        %dma_start3A_93 = arith.constant 0 : i32
        %dma_start3A_94 = tpu.memref_slice %arg8[%add3A_58, %dma_start3A_93] : memref<64x80xi32, #tpu.memory_space<vmem>> -> memref<1x80xi32, #tpu.memory_space<vmem>>
        %dma_start3A_95 = tpu.memref_squeeze %dma_start3A_94 : memref<1x80xi32, #tpu.memory_space<vmem>> -> memref<80xi32, #tpu.memory_space<vmem>>
        %dma_start3A_96 = arith.constant 0 : i32
        %dma_start3A_97 = arith.constant 0 : i32
        %dma_start3A_98 = tpu.memref_slice %arg11[%dma_start3A_96, %dma_start3A_97] : memref<10016x128xf32, #tpu.memory_space<vmem_shared>> -> memref<10016x128xf32, #tpu.memory_space<vmem_shared>>
        tpu.enqueue_indirect_dma source(%arg9 : memref<80x128xf32, #tpu.memory_space<vmem>>) target(%dma_start3A_98 : memref<10016x128xf32, #tpu.memory_space<vmem_shared>>) offsets(%dma_start3A_95 : memref<80xi32, #tpu.memory_space<vmem>>) semaphore(%run_scoped3A : memref<!tpu.dma_semaphore, #tpu.memory_space<semaphore_mem>>) {add = true}
        %dma_wait3A_99 = arith.constant 0 : i32
        %dma_wait3A_100 = tpu.memref_slice %arg8[%add3A_58, %dma_wait3A_99] : memref<64x80xi32, #tpu.memory_space<vmem>> -> memref<1x80xi32, #tpu.memory_space<vmem>>
        %dma_wait3A_101 = tpu.memref_squeeze %dma_wait3A_100 : memref<1x80xi32, #tpu.memory_space<vmem>> -> memref<80xi32, #tpu.memory_space<vmem>>
        %dma_wait3A_102 = arith.constant 0 : i32
        %dma_wait3A_103 = arith.constant 0 : i32
        %dma_wait3A_104 = tpu.memref_slice %arg11[%dma_wait3A_102, %dma_wait3A_103] : memref<10016x128xf32, #tpu.memory_space<vmem_shared>> -> memref<10016x128xf32, #tpu.memory_space<vmem_shared>>
        tpu.wait_indirect_dma semaphore(%run_scoped3A : memref<!tpu.dma_semaphore, #tpu.memory_space<semaphore_mem>>) src(%arg9 : memref<80x128xf32, #tpu.memory_space<vmem>>) dst(%dma_wait3A_104 : memref<10016x128xf32, #tpu.memory_space<vmem_shared>>)
        tpu.yield
      }) : () -> ()
      %mul3A_73 = arith.constant 2 : i32
      %mul3A_74 = arith.muli %mul3A_73, %scan3A_54 : i32
      %add3A_75 = arith.constant 1 : i32
      %add3A_76 = arith.addi %mul3A_74, %add3A_75 : i32
      %add3A_77 = arith.constant 2 : i32
      %add3A_78 = arith.addi %add3A_76, %add3A_77 : i32
      %sub3A_79 = arith.constant 1 : i32
      %sub3A_80 = arith.subi %add3A_78, %sub3A_79 : i32
      %lt3A_81 = arith.constant 64 : i32
      %lt3A_82 = arith.cmpi slt, %sub3A_80, %lt3A_81 : i32
      %convert_element_type3A_83 = arith.extui %lt3A_82 : i1 to i32
      %cond3A_84 = arith.constant 0 : i32
      %cond3A_85 = arith.cmpi ne, %convert_element_type3A_83, %cond3A_84 : i32
      scf.if %cond3A_85 {
        %add3A_93 = arith.constant 2 : i32
        %add3A_94 = arith.addi %add3A_76, %add3A_93 : i32
        %sub3A_95 = arith.constant 1 : i32
        %sub3A_96 = arith.subi %add3A_94, %sub3A_95 : i32
        %dma_start3A_97 = arith.constant 0 : i32
        %dma_start3A_98 = tpu.memref_slice %arg7[%sub3A_96, %dma_start3A_97] : memref<64x80xi32, #tpu.memory_space<vmem>> -> memref<1x80xi32, #tpu.memory_space<vmem>>
        %dma_start3A_99 = tpu.memref_squeeze %dma_start3A_98 : memref<1x80xi32, #tpu.memory_space<vmem>> -> memref<80xi32, #tpu.memory_space<vmem>>
        %dma_start3A_100 = arith.constant 0 : i32
        %dma_start3A_101 = arith.constant 0 : i32
        %dma_start3A_102 = tpu.memref_slice %arg2[%dma_start3A_100, %dma_start3A_101] : memref<20000x128xf32, #tpu.memory_space<hbm>> -> memref<20000x128xf32, #tpu.memory_space<hbm>>
        tpu.enqueue_indirect_dma source(%dma_start3A_102 : memref<20000x128xf32, #tpu.memory_space<hbm>>) target(%arg9 : memref<80x128xf32, #tpu.memory_space<vmem>>) offsets(%dma_start3A_99 : memref<80xi32, #tpu.memory_space<vmem>>) semaphore(%arg12 : memref<!tpu.dma_semaphore, #tpu.memory_space<semaphore_mem>>)
      } else {
      }
      %dma_wait3A_86 = arith.constant 0 : i32
      %dma_wait3A_87 = arith.constant 0 : i32
      %dma_wait3A_88 = tpu.memref_slice %arg7[%dma_wait3A_86, %dma_wait3A_87] : memref<64x80xi32, #tpu.memory_space<vmem>> -> memref<1x80xi32, #tpu.memory_space<vmem>>
      %dma_wait3A_89 = tpu.memref_squeeze %dma_wait3A_88 : memref<1x80xi32, #tpu.memory_space<vmem>> -> memref<80xi32, #tpu.memory_space<vmem>>
      %dma_wait3A_90 = arith.constant 0 : i32
      %dma_wait3A_91 = arith.constant 0 : i32
      %dma_wait3A_92 = tpu.memref_slice %arg2[%dma_wait3A_90, %dma_wait3A_91] : memref<20000x128xf32, #tpu.memory_space<hbm>> -> memref<20000x128xf32, #tpu.memory_space<hbm>>
      tpu.wait_indirect_dma semaphore(%arg13 : memref<!tpu.dma_semaphore, #tpu.memory_space<semaphore_mem>>) src(%dma_wait3A_92 : memref<20000x128xf32, #tpu.memory_space<hbm>>) dst(%arg10 : memref<80x128xf32, #tpu.memory_space<vmem>>)
      "tpu.region"() ({
        %run_scoped3A = tpu.sem_alloc : memref<!tpu.dma_semaphore, #tpu.memory_space<semaphore_mem>>
        %dma_start3A_93 = arith.constant 0 : i32
        %dma_start3A_94 = tpu.memref_slice %arg8[%add3A_76, %dma_start3A_93] : memref<64x80xi32, #tpu.memory_space<vmem>> -> memref<1x80xi32, #tpu.memory_space<vmem>>
        %dma_start3A_95 = tpu.memref_squeeze %dma_start3A_94 : memref<1x80xi32, #tpu.memory_space<vmem>> -> memref<80xi32, #tpu.memory_space<vmem>>
        %dma_start3A_96 = arith.constant 0 : i32
        %dma_start3A_97 = arith.constant 0 : i32
        %dma_start3A_98 = tpu.memref_slice %arg11[%dma_start3A_96, %dma_start3A_97] : memref<10016x128xf32, #tpu.memory_space<vmem_shared>> -> memref<10016x128xf32, #tpu.memory_space<vmem_shared>>
        tpu.enqueue_indirect_dma source(%arg10 : memref<80x128xf32, #tpu.memory_space<vmem>>) target(%dma_start3A_98 : memref<10016x128xf32, #tpu.memory_space<vmem_shared>>) offsets(%dma_start3A_95 : memref<80xi32, #tpu.memory_space<vmem>>) semaphore(%run_scoped3A : memref<!tpu.dma_semaphore, #tpu.memory_space<semaphore_mem>>) {add = true}
        %dma_wait3A_99 = arith.constant 0 : i32
        %dma_wait3A_100 = tpu.memref_slice %arg8[%add3A_76, %dma_wait3A_99] : memref<64x80xi32, #tpu.memory_space<vmem>> -> memref<1x80xi32, #tpu.memory_space<vmem>>
        %dma_wait3A_101 = tpu.memref_squeeze %dma_wait3A_100 : memref<1x80xi32, #tpu.memory_space<vmem>> -> memref<80xi32, #tpu.memory_space<vmem>>
        %dma_wait3A_102 = arith.constant 0 : i32
        %dma_wait3A_103 = arith.constant 0 : i32
        %dma_wait3A_104 = tpu.memref_slice %arg11[%dma_wait3A_102, %dma_wait3A_103] : memref<10016x128xf32, #tpu.memory_space<vmem_shared>> -> memref<10016x128xf32, #tpu.memory_space<vmem_shared>>
        tpu.wait_indirect_dma semaphore(%run_scoped3A : memref<!tpu.dma_semaphore, #tpu.memory_space<semaphore_mem>>) src(%arg10 : memref<80x128xf32, #tpu.memory_space<vmem>>) dst(%dma_wait3A_104 : memref<10016x128xf32, #tpu.memory_space<vmem_shared>>)
        tpu.yield
      }) : () -> ()
    }
    %scan3A_42 = arith.constant 32 : i32
    %barrier3A_43 = arith.constant 0 : index
    tpu.barrier barrier_id(%barrier3A_43)
    %lt3A_44 = arith.constant 15 : i32
    %lt3A_45 = arith.cmpi slt, %arg1, %lt3A_44 : i32
    %convert_element_type3A_46 = arith.extui %lt3A_45 : i1 to i32
    %cond3A_47 = arith.constant 0 : i32
    %cond3A_48 = arith.cmpi ne, %convert_element_type3A_46, %cond3A_47 : i32
    scf.if %cond3A_48 {
      %mul3A_54 = arith.constant 632 : i32
      %mul3A_55 = arith.muli %arg1, %mul3A_54 : i32
      %mul3A_56 = arith.constant 10000 : i32
      %mul3A_57 = arith.muli %arg0, %mul3A_56 : i32
      %mul3A_58 = arith.constant 632 : i32
      %mul3A_59 = arith.muli %arg1, %mul3A_58 : i32
      %add3A_60 = arith.addi %mul3A_57, %mul3A_59 : i32
      "tpu.region"() ({
        %run_scoped3A = tpu.sem_alloc : memref<!tpu.dma_semaphore, #tpu.memory_space<semaphore_mem>>
        %dma_start3A_61 = arith.constant 0 : i32
        %dma_start3A_62 = tpu.memref_slice %arg6[%add3A_60, %dma_start3A_61] : memref<20000x128xf32, #tpu.memory_space<hbm>> -> memref<632x128xf32, #tpu.memory_space<hbm>>
        %dma_start3A_63 = arith.constant 0 : i32
        %dma_start3A_64 = tpu.memref_slice %arg11[%mul3A_55, %dma_start3A_63] : memref<10016x128xf32, #tpu.memory_space<vmem_shared>> -> memref<632x128xf32, #tpu.memory_space<vmem_shared>>
        tpu.enqueue_dma source(%dma_start3A_64 : memref<632x128xf32, #tpu.memory_space<vmem_shared>>) target(%dma_start3A_62 : memref<632x128xf32, #tpu.memory_space<hbm>>) target_semaphore(%run_scoped3A : memref<!tpu.dma_semaphore, #tpu.memory_space<semaphore_mem>>)
        %dma_wait3A = arith.constant 0 : i32
        %dma_wait3A_65 = tpu.memref_slice %arg6[%add3A_60, %dma_wait3A] : memref<20000x128xf32, #tpu.memory_space<hbm>> -> memref<632x128xf32, #tpu.memory_space<hbm>>
        %dma_wait3A_66 = arith.constant 0 : i32
        %dma_wait3A_67 = tpu.memref_slice %arg11[%mul3A_55, %dma_wait3A_66] : memref<10016x128xf32, #tpu.memory_space<vmem_shared>> -> memref<632x128xf32, #tpu.memory_space<vmem_shared>>
        tpu.wait_dma2 semaphore(%run_scoped3A : memref<!tpu.dma_semaphore, #tpu.memory_space<semaphore_mem>>) src(%dma_wait3A_67 : memref<632x128xf32, #tpu.memory_space<vmem_shared>>) dst(%dma_wait3A_65 : memref<632x128xf32, #tpu.memory_space<hbm>>)
        tpu.yield
      }) : () -> ()
    } else {
    }
    %eq3A_49 = arith.constant 15 : i32
    %eq3A_50 = arith.cmpi eq, %arg1, %eq3A_49 : i32
    %convert_element_type3A_51 = arith.extui %eq3A_50 : i1 to i32
    %cond3A_52 = arith.constant 0 : i32
    %cond3A_53 = arith.cmpi ne, %convert_element_type3A_51, %cond3A_52 : i32
    scf.if %cond3A_53 {
      %mul3A_54 = arith.constant 10000 : i32
      %mul3A_55 = arith.muli %arg0, %mul3A_54 : i32
      %add3A_56 = arith.constant 9480 : i32
      %add3A_57 = arith.addi %mul3A_55, %add3A_56 : i32
      "tpu.region"() ({
        %run_scoped3A = tpu.sem_alloc : memref<!tpu.dma_semaphore, #tpu.memory_space<semaphore_mem>>
        %dma_start3A_58 = arith.constant 0 : i32
        %dma_start3A_59 = tpu.memref_slice %arg6[%add3A_57, %dma_start3A_58] : memref<20000x128xf32, #tpu.memory_space<hbm>> -> memref<520x128xf32, #tpu.memory_space<hbm>>
        %dma_start3A_60 = arith.constant 9480 : i32
        %dma_start3A_61 = arith.constant 0 : i32
        %dma_start3A_62 = tpu.memref_slice %arg11[%dma_start3A_60, %dma_start3A_61] : memref<10016x128xf32, #tpu.memory_space<vmem_shared>> -> memref<520x128xf32, #tpu.memory_space<vmem_shared>>
        tpu.enqueue_dma source(%dma_start3A_62 : memref<520x128xf32, #tpu.memory_space<vmem_shared>>) target(%dma_start3A_59 : memref<520x128xf32, #tpu.memory_space<hbm>>) target_semaphore(%run_scoped3A : memref<!tpu.dma_semaphore, #tpu.memory_space<semaphore_mem>>)
        %dma_wait3A = arith.constant 0 : i32
        %dma_wait3A_63 = tpu.memref_slice %arg6[%add3A_57, %dma_wait3A] : memref<20000x128xf32, #tpu.memory_space<hbm>> -> memref<520x128xf32, #tpu.memory_space<hbm>>
        %dma_wait3A_64 = arith.constant 9480 : i32
        %dma_wait3A_65 = arith.constant 0 : i32
        %dma_wait3A_66 = tpu.memref_slice %arg11[%dma_wait3A_64, %dma_wait3A_65] : memref<10016x128xf32, #tpu.memory_space<vmem_shared>> -> memref<520x128xf32, #tpu.memory_space<vmem_shared>>
        tpu.wait_dma2 semaphore(%run_scoped3A : memref<!tpu.dma_semaphore, #tpu.memory_space<semaphore_mem>>) src(%dma_wait3A_66 : memref<520x128xf32, #tpu.memory_space<vmem_shared>>) dst(%dma_wait3A_63 : memref<520x128xf32, #tpu.memory_space<hbm>>)
        tpu.yield
      }) : () -> ()
    } else {
    }
    return
  }
}

#map = affine_map<(d0, d1) -> (0, 0)>
module attributes {stable_mosaic.version = 14 : i64} {
  func.func @deg_kernel(%arg0: i32, %arg1: i32, %arg2: memref<1280x128xi32, #tpu.memory_space<hbm>>, %arg3: memref<128x128xf32, #tpu.memory_space<hbm>>, %arg4: memref<128x128xf32, #tpu.memory_space<hbm>>, %arg5: memref<20000x128xf32, #tpu.memory_space<hbm>>, %arg6: memref<40x128xi32, #tpu.memory_space<vmem>>, %arg7: memref<128x128xf32, #tpu.memory_space<vmem>>, %arg8: memref<128x128xf32, #tpu.memory_space<vmem>>, %arg9: memref<10016x128xf32, #tpu.memory_space<vmem_shared>>) attributes {dimension_semantics = [#tpu.dimension_semantics<core_parallel>, #tpu.dimension_semantics<subcore_parallel>], iteration_bounds = array<i64: 2, 16>, scalar_prefetch = 0 : i64, scratch_operands = 4 : i64, tpu.core_type = #tpu.core_type<sc_vector_subcore>, window_params = [{transform_indices = #map}, {transform_indices = #map}, {transform_indices = #map}, {transform_indices = #map}]} {
    %mul3A = arith.constant 16 : i32
    %mul3A_0 = arith.muli %arg0, %mul3A : i32
    %add3A = arith.addi %mul3A_0, %arg1 : i32
    "tpu.region"() ({
      %run_scoped3A = tpu.sem_alloc : memref<!tpu.dma_semaphore, #tpu.memory_space<semaphore_mem>>
      tpu.enqueue_dma source(%arg4 : memref<128x128xf32, #tpu.memory_space<hbm>>) target(%arg8 : memref<128x128xf32, #tpu.memory_space<vmem>>) target_semaphore(%run_scoped3A : memref<!tpu.dma_semaphore, #tpu.memory_space<semaphore_mem>>)
      tpu.wait_dma2 semaphore(%run_scoped3A : memref<!tpu.dma_semaphore, #tpu.memory_space<semaphore_mem>>) src(%arg4 : memref<128x128xf32, #tpu.memory_space<hbm>>) dst(%arg8 : memref<128x128xf32, #tpu.memory_space<vmem>>)
      tpu.yield
    }) : () -> ()
    %lt3A = arith.constant 15 : i32
    %lt3A_1 = arith.cmpi slt, %arg1, %lt3A : i32
    %convert_element_type3A = arith.extui %lt3A_1 : i1 to i32
    %cond3A = arith.constant 0 : i32
    %cond3A_2 = arith.cmpi ne, %convert_element_type3A, %cond3A : i32
    scf.if %cond3A_2 {
      %mul3A_25 = arith.constant 632 : i32
      %mul3A_26 = arith.muli %arg1, %mul3A_25 : i32
      %add3A_27 = arith.constant 0 : i32
      %add3A_28 = arith.addi %mul3A_26, %add3A_27 : i32
      "tpu.region"() ({
        %run_scoped3A = tpu.sem_alloc : memref<!tpu.dma_semaphore, #tpu.memory_space<semaphore_mem>>
        %dma_start3A = arith.constant 0 : i32
        %dma_start3A_37 = arith.constant 0 : i32
        %dma_start3A_38 = tpu.memref_slice %arg8[%dma_start3A, %dma_start3A_37] : memref<128x128xf32, #tpu.memory_space<vmem>> -> memref<128x128xf32, #tpu.memory_space<vmem>>
        %dma_start3A_39 = arith.constant 0 : i32
        %dma_start3A_40 = tpu.memref_slice %arg9[%add3A_28, %dma_start3A_39] : memref<10016x128xf32, #tpu.memory_space<vmem_shared>> -> memref<128x128xf32, #tpu.memory_space<vmem_shared>>
        %dma_start3A_41 = arith.constant 0 : i32
        %dma_start3A_42 = tpu.memref_slice %arg9[%add3A_28, %dma_start3A_41] : memref<10016x128xf32, #tpu.memory_space<vmem_shared>> -> memref<128x128xf32, #tpu.memory_space<vmem_shared>>
        %dma_start3A_43 = arith.constant 0 : i32
        %dma_start3A_44 = arith.constant 0 : i32
        %dma_start3A_45 = tpu.memref_slice %arg8[%dma_start3A_43, %dma_start3A_44] : memref<128x128xf32, #tpu.memory_space<vmem>> -> memref<128x128xf32, #tpu.memory_space<vmem>>
        tpu.enqueue_dma source(%dma_start3A_45 : memref<128x128xf32, #tpu.memory_space<vmem>>) target(%dma_start3A_42 : memref<128x128xf32, #tpu.memory_space<vmem_shared>>) target_semaphore(%run_scoped3A : memref<!tpu.dma_semaphore, #tpu.memory_space<semaphore_mem>>)
        %dma_wait3A = arith.constant 0 : i32
        %dma_wait3A_46 = arith.constant 0 : i32
        %dma_wait3A_47 = tpu.memref_slice %arg8[%dma_wait3A, %dma_wait3A_46] : memref<128x128xf32, #tpu.memory_space<vmem>> -> memref<128x128xf32, #tpu.memory_space<vmem>>
        %dma_wait3A_48 = arith.constant 0 : i32
        %dma_wait3A_49 = tpu.memref_slice %arg9[%add3A_28, %dma_wait3A_48] : memref<10016x128xf32, #tpu.memory_space<vmem_shared>> -> memref<128x128xf32, #tpu.memory_space<vmem_shared>>
        %dma_wait3A_50 = arith.constant 0 : i32
        %dma_wait3A_51 = tpu.memref_slice %arg9[%add3A_28, %dma_wait3A_50] : memref<10016x128xf32, #tpu.memory_space<vmem_shared>> -> memref<128x128xf32, #tpu.memory_space<vmem_shared>>
        %dma_wait3A_52 = arith.constant 0 : i32
        %dma_wait3A_53 = arith.constant 0 : i32
        %dma_wait3A_54 = tpu.memref_slice %arg8[%dma_wait3A_52, %dma_wait3A_53] : memref<128x128xf32, #tpu.memory_space<vmem>> -> memref<128x128xf32, #tpu.memory_space<vmem>>
        tpu.wait_dma2 semaphore(%run_scoped3A : memref<!tpu.dma_semaphore, #tpu.memory_space<semaphore_mem>>) src(%dma_wait3A_54 : memref<128x128xf32, #tpu.memory_space<vmem>>) dst(%dma_wait3A_51 : memref<128x128xf32, #tpu.memory_space<vmem_shared>>)
        tpu.yield
      }) : () -> ()
      %add3A_29 = arith.constant 128 : i32
      %add3A_30 = arith.addi %mul3A_26, %add3A_29 : i32
      "tpu.region"() ({
        %run_scoped3A = tpu.sem_alloc : memref<!tpu.dma_semaphore, #tpu.memory_space<semaphore_mem>>
        %dma_start3A = arith.constant 0 : i32
        %dma_start3A_37 = arith.constant 0 : i32
        %dma_start3A_38 = tpu.memref_slice %arg8[%dma_start3A, %dma_start3A_37] : memref<128x128xf32, #tpu.memory_space<vmem>> -> memref<128x128xf32, #tpu.memory_space<vmem>>
        %dma_start3A_39 = arith.constant 0 : i32
        %dma_start3A_40 = tpu.memref_slice %arg9[%add3A_30, %dma_start3A_39] : memref<10016x128xf32, #tpu.memory_space<vmem_shared>> -> memref<128x128xf32, #tpu.memory_space<vmem_shared>>
        %dma_start3A_41 = arith.constant 0 : i32
        %dma_start3A_42 = tpu.memref_slice %arg9[%add3A_30, %dma_start3A_41] : memref<10016x128xf32, #tpu.memory_space<vmem_shared>> -> memref<128x128xf32, #tpu.memory_space<vmem_shared>>
        %dma_start3A_43 = arith.constant 0 : i32
        %dma_start3A_44 = arith.constant 0 : i32
        %dma_start3A_45 = tpu.memref_slice %arg8[%dma_start3A_43, %dma_start3A_44] : memref<128x128xf32, #tpu.memory_space<vmem>> -> memref<128x128xf32, #tpu.memory_space<vmem>>
        tpu.enqueue_dma source(%dma_start3A_45 : memref<128x128xf32, #tpu.memory_space<vmem>>) target(%dma_start3A_42 : memref<128x128xf32, #tpu.memory_space<vmem_shared>>) target_semaphore(%run_scoped3A : memref<!tpu.dma_semaphore, #tpu.memory_space<semaphore_mem>>)
        %dma_wait3A = arith.constant 0 : i32
        %dma_wait3A_46 = arith.constant 0 : i32
        %dma_wait3A_47 = tpu.memref_slice %arg8[%dma_wait3A, %dma_wait3A_46] : memref<128x128xf32, #tpu.memory_space<vmem>> -> memref<128x128xf32, #tpu.memory_space<vmem>>
        %dma_wait3A_48 = arith.constant 0 : i32
        %dma_wait3A_49 = tpu.memref_slice %arg9[%add3A_30, %dma_wait3A_48] : memref<10016x128xf32, #tpu.memory_space<vmem_shared>> -> memref<128x128xf32, #tpu.memory_space<vmem_shared>>
        %dma_wait3A_50 = arith.constant 0 : i32
        %dma_wait3A_51 = tpu.memref_slice %arg9[%add3A_30, %dma_wait3A_50] : memref<10016x128xf32, #tpu.memory_space<vmem_shared>> -> memref<128x128xf32, #tpu.memory_space<vmem_shared>>
        %dma_wait3A_52 = arith.constant 0 : i32
        %dma_wait3A_53 = arith.constant 0 : i32
        %dma_wait3A_54 = tpu.memref_slice %arg8[%dma_wait3A_52, %dma_wait3A_53] : memref<128x128xf32, #tpu.memory_space<vmem>> -> memref<128x128xf32, #tpu.memory_space<vmem>>
        tpu.wait_dma2 semaphore(%run_scoped3A : memref<!tpu.dma_semaphore, #tpu.memory_space<semaphore_mem>>) src(%dma_wait3A_54 : memref<128x128xf32, #tpu.memory_space<vmem>>) dst(%dma_wait3A_51 : memref<128x128xf32, #tpu.memory_space<vmem_shared>>)
        tpu.yield
      }) : () -> ()
      %add3A_31 = arith.constant 256 : i32
      %add3A_32 = arith.addi %mul3A_26, %add3A_31 : i32
      "tpu.region"() ({
        %run_scoped3A = tpu.sem_alloc : memref<!tpu.dma_semaphore, #tpu.memory_space<semaphore_mem>>
        %dma_start3A = arith.constant 0 : i32
        %dma_start3A_37 = arith.constant 0 : i32
        %dma_start3A_38 = tpu.memref_slice %arg8[%dma_start3A, %dma_start3A_37] : memref<128x128xf32, #tpu.memory_space<vmem>> -> memref<128x128xf32, #tpu.memory_space<vmem>>
        %dma_start3A_39 = arith.constant 0 : i32
        %dma_start3A_40 = tpu.memref_slice %arg9[%add3A_32, %dma_start3A_39] : memref<10016x128xf32, #tpu.memory_space<vmem_shared>> -> memref<128x128xf32, #tpu.memory_space<vmem_shared>>
        %dma_start3A_41 = arith.constant 0 : i32
        %dma_start3A_42 = tpu.memref_slice %arg9[%add3A_32, %dma_start3A_41] : memref<10016x128xf32, #tpu.memory_space<vmem_shared>> -> memref<128x128xf32, #tpu.memory_space<vmem_shared>>
        %dma_start3A_43 = arith.constant 0 : i32
        %dma_start3A_44 = arith.constant 0 : i32
        %dma_start3A_45 = tpu.memref_slice %arg8[%dma_start3A_43, %dma_start3A_44] : memref<128x128xf32, #tpu.memory_space<vmem>> -> memref<128x128xf32, #tpu.memory_space<vmem>>
        tpu.enqueue_dma source(%dma_start3A_45 : memref<128x128xf32, #tpu.memory_space<vmem>>) target(%dma_start3A_42 : memref<128x128xf32, #tpu.memory_space<vmem_shared>>) target_semaphore(%run_scoped3A : memref<!tpu.dma_semaphore, #tpu.memory_space<semaphore_mem>>)
        %dma_wait3A = arith.constant 0 : i32
        %dma_wait3A_46 = arith.constant 0 : i32
        %dma_wait3A_47 = tpu.memref_slice %arg8[%dma_wait3A, %dma_wait3A_46] : memref<128x128xf32, #tpu.memory_space<vmem>> -> memref<128x128xf32, #tpu.memory_space<vmem>>
        %dma_wait3A_48 = arith.constant 0 : i32
        %dma_wait3A_49 = tpu.memref_slice %arg9[%add3A_32, %dma_wait3A_48] : memref<10016x128xf32, #tpu.memory_space<vmem_shared>> -> memref<128x128xf32, #tpu.memory_space<vmem_shared>>
        %dma_wait3A_50 = arith.constant 0 : i32
        %dma_wait3A_51 = tpu.memref_slice %arg9[%add3A_32, %dma_wait3A_50] : memref<10016x128xf32, #tpu.memory_space<vmem_shared>> -> memref<128x128xf32, #tpu.memory_space<vmem_shared>>
        %dma_wait3A_52 = arith.constant 0 : i32
        %dma_wait3A_53 = arith.constant 0 : i32
        %dma_wait3A_54 = tpu.memref_slice %arg8[%dma_wait3A_52, %dma_wait3A_53] : memref<128x128xf32, #tpu.memory_space<vmem>> -> memref<128x128xf32, #tpu.memory_space<vmem>>
        tpu.wait_dma2 semaphore(%run_scoped3A : memref<!tpu.dma_semaphore, #tpu.memory_space<semaphore_mem>>) src(%dma_wait3A_54 : memref<128x128xf32, #tpu.memory_space<vmem>>) dst(%dma_wait3A_51 : memref<128x128xf32, #tpu.memory_space<vmem_shared>>)
        tpu.yield
      }) : () -> ()
      %add3A_33 = arith.constant 384 : i32
      %add3A_34 = arith.addi %mul3A_26, %add3A_33 : i32
      "tpu.region"() ({
        %run_scoped3A = tpu.sem_alloc : memref<!tpu.dma_semaphore, #tpu.memory_space<semaphore_mem>>
        %dma_start3A = arith.constant 0 : i32
        %dma_start3A_37 = arith.constant 0 : i32
        %dma_start3A_38 = tpu.memref_slice %arg8[%dma_start3A, %dma_start3A_37] : memref<128x128xf32, #tpu.memory_space<vmem>> -> memref<128x128xf32, #tpu.memory_space<vmem>>
        %dma_start3A_39 = arith.constant 0 : i32
        %dma_start3A_40 = tpu.memref_slice %arg9[%add3A_34, %dma_start3A_39] : memref<10016x128xf32, #tpu.memory_space<vmem_shared>> -> memref<128x128xf32, #tpu.memory_space<vmem_shared>>
        %dma_start3A_41 = arith.constant 0 : i32
        %dma_start3A_42 = tpu.memref_slice %arg9[%add3A_34, %dma_start3A_41] : memref<10016x128xf32, #tpu.memory_space<vmem_shared>> -> memref<128x128xf32, #tpu.memory_space<vmem_shared>>
        %dma_start3A_43 = arith.constant 0 : i32
        %dma_start3A_44 = arith.constant 0 : i32
        %dma_start3A_45 = tpu.memref_slice %arg8[%dma_start3A_43, %dma_start3A_44] : memref<128x128xf32, #tpu.memory_space<vmem>> -> memref<128x128xf32, #tpu.memory_space<vmem>>
        tpu.enqueue_dma source(%dma_start3A_45 : memref<128x128xf32, #tpu.memory_space<vmem>>) target(%dma_start3A_42 : memref<128x128xf32, #tpu.memory_space<vmem_shared>>) target_semaphore(%run_scoped3A : memref<!tpu.dma_semaphore, #tpu.memory_space<semaphore_mem>>)
        %dma_wait3A = arith.constant 0 : i32
        %dma_wait3A_46 = arith.constant 0 : i32
        %dma_wait3A_47 = tpu.memref_slice %arg8[%dma_wait3A, %dma_wait3A_46] : memref<128x128xf32, #tpu.memory_space<vmem>> -> memref<128x128xf32, #tpu.memory_space<vmem>>
        %dma_wait3A_48 = arith.constant 0 : i32
        %dma_wait3A_49 = tpu.memref_slice %arg9[%add3A_34, %dma_wait3A_48] : memref<10016x128xf32, #tpu.memory_space<vmem_shared>> -> memref<128x128xf32, #tpu.memory_space<vmem_shared>>
        %dma_wait3A_50 = arith.constant 0 : i32
        %dma_wait3A_51 = tpu.memref_slice %arg9[%add3A_34, %dma_wait3A_50] : memref<10016x128xf32, #tpu.memory_space<vmem_shared>> -> memref<128x128xf32, #tpu.memory_space<vmem_shared>>
        %dma_wait3A_52 = arith.constant 0 : i32
        %dma_wait3A_53 = arith.constant 0 : i32
        %dma_wait3A_54 = tpu.memref_slice %arg8[%dma_wait3A_52, %dma_wait3A_53] : memref<128x128xf32, #tpu.memory_space<vmem>> -> memref<128x128xf32, #tpu.memory_space<vmem>>
        tpu.wait_dma2 semaphore(%run_scoped3A : memref<!tpu.dma_semaphore, #tpu.memory_space<semaphore_mem>>) src(%dma_wait3A_54 : memref<128x128xf32, #tpu.memory_space<vmem>>) dst(%dma_wait3A_51 : memref<128x128xf32, #tpu.memory_space<vmem_shared>>)
        tpu.yield
      }) : () -> ()
      %add3A_35 = arith.constant 512 : i32
      %add3A_36 = arith.addi %mul3A_26, %add3A_35 : i32
      "tpu.region"() ({
        %run_scoped3A = tpu.sem_alloc : memref<!tpu.dma_semaphore, #tpu.memory_space<semaphore_mem>>
        %dma_start3A = arith.constant 0 : i32
        %dma_start3A_37 = arith.constant 0 : i32
        %dma_start3A_38 = tpu.memref_slice %arg8[%dma_start3A, %dma_start3A_37] : memref<128x128xf32, #tpu.memory_space<vmem>> -> memref<120x128xf32, #tpu.memory_space<vmem>>
        %dma_start3A_39 = arith.constant 0 : i32
        %dma_start3A_40 = tpu.memref_slice %arg9[%add3A_36, %dma_start3A_39] : memref<10016x128xf32, #tpu.memory_space<vmem_shared>> -> memref<120x128xf32, #tpu.memory_space<vmem_shared>>
        %dma_start3A_41 = arith.constant 0 : i32
        %dma_start3A_42 = tpu.memref_slice %arg9[%add3A_36, %dma_start3A_41] : memref<10016x128xf32, #tpu.memory_space<vmem_shared>> -> memref<120x128xf32, #tpu.memory_space<vmem_shared>>
        %dma_start3A_43 = arith.constant 0 : i32
        %dma_start3A_44 = arith.constant 0 : i32
        %dma_start3A_45 = tpu.memref_slice %arg8[%dma_start3A_43, %dma_start3A_44] : memref<128x128xf32, #tpu.memory_space<vmem>> -> memref<120x128xf32, #tpu.memory_space<vmem>>
        tpu.enqueue_dma source(%dma_start3A_45 : memref<120x128xf32, #tpu.memory_space<vmem>>) target(%dma_start3A_42 : memref<120x128xf32, #tpu.memory_space<vmem_shared>>) target_semaphore(%run_scoped3A : memref<!tpu.dma_semaphore, #tpu.memory_space<semaphore_mem>>)
        %dma_wait3A = arith.constant 0 : i32
        %dma_wait3A_46 = arith.constant 0 : i32
        %dma_wait3A_47 = tpu.memref_slice %arg8[%dma_wait3A, %dma_wait3A_46] : memref<128x128xf32, #tpu.memory_space<vmem>> -> memref<120x128xf32, #tpu.memory_space<vmem>>
        %dma_wait3A_48 = arith.constant 0 : i32
        %dma_wait3A_49 = tpu.memref_slice %arg9[%add3A_36, %dma_wait3A_48] : memref<10016x128xf32, #tpu.memory_space<vmem_shared>> -> memref<120x128xf32, #tpu.memory_space<vmem_shared>>
        %dma_wait3A_50 = arith.constant 0 : i32
        %dma_wait3A_51 = tpu.memref_slice %arg9[%add3A_36, %dma_wait3A_50] : memref<10016x128xf32, #tpu.memory_space<vmem_shared>> -> memref<120x128xf32, #tpu.memory_space<vmem_shared>>
        %dma_wait3A_52 = arith.constant 0 : i32
        %dma_wait3A_53 = arith.constant 0 : i32
        %dma_wait3A_54 = tpu.memref_slice %arg8[%dma_wait3A_52, %dma_wait3A_53] : memref<128x128xf32, #tpu.memory_space<vmem>> -> memref<120x128xf32, #tpu.memory_space<vmem>>
        tpu.wait_dma2 semaphore(%run_scoped3A : memref<!tpu.dma_semaphore, #tpu.memory_space<semaphore_mem>>) src(%dma_wait3A_54 : memref<120x128xf32, #tpu.memory_space<vmem>>) dst(%dma_wait3A_51 : memref<120x128xf32, #tpu.memory_space<vmem_shared>>)
        tpu.yield
      }) : () -> ()
    } else {
    }
    %eq3A = arith.constant 15 : i32
    %eq3A_3 = arith.cmpi eq, %arg1, %eq3A : i32
    %convert_element_type3A_4 = arith.extui %eq3A_3 : i1 to i32
    %cond3A_5 = arith.constant 0 : i32
    %cond3A_6 = arith.cmpi ne, %convert_element_type3A_4, %cond3A_5 : i32
    scf.if %cond3A_6 {
      %mul3A_25 = arith.constant 632 : i32
      %mul3A_26 = arith.muli %arg1, %mul3A_25 : i32
      %add3A_27 = arith.constant 0 : i32
      %add3A_28 = arith.addi %mul3A_26, %add3A_27 : i32
      "tpu.region"() ({
        %run_scoped3A = tpu.sem_alloc : memref<!tpu.dma_semaphore, #tpu.memory_space<semaphore_mem>>
        %dma_start3A = arith.constant 0 : i32
        %dma_start3A_37 = arith.constant 0 : i32
        %dma_start3A_38 = tpu.memref_slice %arg8[%dma_start3A, %dma_start3A_37] : memref<128x128xf32, #tpu.memory_space<vmem>> -> memref<128x128xf32, #tpu.memory_space<vmem>>
        %dma_start3A_39 = arith.constant 0 : i32
        %dma_start3A_40 = tpu.memref_slice %arg9[%add3A_28, %dma_start3A_39] : memref<10016x128xf32, #tpu.memory_space<vmem_shared>> -> memref<128x128xf32, #tpu.memory_space<vmem_shared>>
        %dma_start3A_41 = arith.constant 0 : i32
        %dma_start3A_42 = tpu.memref_slice %arg9[%add3A_28, %dma_start3A_41] : memref<10016x128xf32, #tpu.memory_space<vmem_shared>> -> memref<128x128xf32, #tpu.memory_space<vmem_shared>>
        %dma_start3A_43 = arith.constant 0 : i32
        %dma_start3A_44 = arith.constant 0 : i32
        %dma_start3A_45 = tpu.memref_slice %arg8[%dma_start3A_43, %dma_start3A_44] : memref<128x128xf32, #tpu.memory_space<vmem>> -> memref<128x128xf32, #tpu.memory_space<vmem>>
        tpu.enqueue_dma source(%dma_start3A_45 : memref<128x128xf32, #tpu.memory_space<vmem>>) target(%dma_start3A_42 : memref<128x128xf32, #tpu.memory_space<vmem_shared>>) target_semaphore(%run_scoped3A : memref<!tpu.dma_semaphore, #tpu.memory_space<semaphore_mem>>)
        %dma_wait3A = arith.constant 0 : i32
        %dma_wait3A_46 = arith.constant 0 : i32
        %dma_wait3A_47 = tpu.memref_slice %arg8[%dma_wait3A, %dma_wait3A_46] : memref<128x128xf32, #tpu.memory_space<vmem>> -> memref<128x128xf32, #tpu.memory_space<vmem>>
        %dma_wait3A_48 = arith.constant 0 : i32
        %dma_wait3A_49 = tpu.memref_slice %arg9[%add3A_28, %dma_wait3A_48] : memref<10016x128xf32, #tpu.memory_space<vmem_shared>> -> memref<128x128xf32, #tpu.memory_space<vmem_shared>>
        %dma_wait3A_50 = arith.constant 0 : i32
        %dma_wait3A_51 = tpu.memref_slice %arg9[%add3A_28, %dma_wait3A_50] : memref<10016x128xf32, #tpu.memory_space<vmem_shared>> -> memref<128x128xf32, #tpu.memory_space<vmem_shared>>
        %dma_wait3A_52 = arith.constant 0 : i32
        %dma_wait3A_53 = arith.constant 0 : i32
        %dma_wait3A_54 = tpu.memref_slice %arg8[%dma_wait3A_52, %dma_wait3A_53] : memref<128x128xf32, #tpu.memory_space<vmem>> -> memref<128x128xf32, #tpu.memory_space<vmem>>
        tpu.wait_dma2 semaphore(%run_scoped3A : memref<!tpu.dma_semaphore, #tpu.memory_space<semaphore_mem>>) src(%dma_wait3A_54 : memref<128x128xf32, #tpu.memory_space<vmem>>) dst(%dma_wait3A_51 : memref<128x128xf32, #tpu.memory_space<vmem_shared>>)
        tpu.yield
      }) : () -> ()
      %add3A_29 = arith.constant 128 : i32
      %add3A_30 = arith.addi %mul3A_26, %add3A_29 : i32
      "tpu.region"() ({
        %run_scoped3A = tpu.sem_alloc : memref<!tpu.dma_semaphore, #tpu.memory_space<semaphore_mem>>
        %dma_start3A = arith.constant 0 : i32
        %dma_start3A_37 = arith.constant 0 : i32
        %dma_start3A_38 = tpu.memref_slice %arg8[%dma_start3A, %dma_start3A_37] : memref<128x128xf32, #tpu.memory_space<vmem>> -> memref<128x128xf32, #tpu.memory_space<vmem>>
        %dma_start3A_39 = arith.constant 0 : i32
        %dma_start3A_40 = tpu.memref_slice %arg9[%add3A_30, %dma_start3A_39] : memref<10016x128xf32, #tpu.memory_space<vmem_shared>> -> memref<128x128xf32, #tpu.memory_space<vmem_shared>>
        %dma_start3A_41 = arith.constant 0 : i32
        %dma_start3A_42 = tpu.memref_slice %arg9[%add3A_30, %dma_start3A_41] : memref<10016x128xf32, #tpu.memory_space<vmem_shared>> -> memref<128x128xf32, #tpu.memory_space<vmem_shared>>
        %dma_start3A_43 = arith.constant 0 : i32
        %dma_start3A_44 = arith.constant 0 : i32
        %dma_start3A_45 = tpu.memref_slice %arg8[%dma_start3A_43, %dma_start3A_44] : memref<128x128xf32, #tpu.memory_space<vmem>> -> memref<128x128xf32, #tpu.memory_space<vmem>>
        tpu.enqueue_dma source(%dma_start3A_45 : memref<128x128xf32, #tpu.memory_space<vmem>>) target(%dma_start3A_42 : memref<128x128xf32, #tpu.memory_space<vmem_shared>>) target_semaphore(%run_scoped3A : memref<!tpu.dma_semaphore, #tpu.memory_space<semaphore_mem>>)
        %dma_wait3A = arith.constant 0 : i32
        %dma_wait3A_46 = arith.constant 0 : i32
        %dma_wait3A_47 = tpu.memref_slice %arg8[%dma_wait3A, %dma_wait3A_46] : memref<128x128xf32, #tpu.memory_space<vmem>> -> memref<128x128xf32, #tpu.memory_space<vmem>>
        %dma_wait3A_48 = arith.constant 0 : i32
        %dma_wait3A_49 = tpu.memref_slice %arg9[%add3A_30, %dma_wait3A_48] : memref<10016x128xf32, #tpu.memory_space<vmem_shared>> -> memref<128x128xf32, #tpu.memory_space<vmem_shared>>
        %dma_wait3A_50 = arith.constant 0 : i32
        %dma_wait3A_51 = tpu.memref_slice %arg9[%add3A_30, %dma_wait3A_50] : memref<10016x128xf32, #tpu.memory_space<vmem_shared>> -> memref<128x128xf32, #tpu.memory_space<vmem_shared>>
        %dma_wait3A_52 = arith.constant 0 : i32
        %dma_wait3A_53 = arith.constant 0 : i32
        %dma_wait3A_54 = tpu.memref_slice %arg8[%dma_wait3A_52, %dma_wait3A_53] : memref<128x128xf32, #tpu.memory_space<vmem>> -> memref<128x128xf32, #tpu.memory_space<vmem>>
        tpu.wait_dma2 semaphore(%run_scoped3A : memref<!tpu.dma_semaphore, #tpu.memory_space<semaphore_mem>>) src(%dma_wait3A_54 : memref<128x128xf32, #tpu.memory_space<vmem>>) dst(%dma_wait3A_51 : memref<128x128xf32, #tpu.memory_space<vmem_shared>>)
        tpu.yield
      }) : () -> ()
      %add3A_31 = arith.constant 256 : i32
      %add3A_32 = arith.addi %mul3A_26, %add3A_31 : i32
      "tpu.region"() ({
        %run_scoped3A = tpu.sem_alloc : memref<!tpu.dma_semaphore, #tpu.memory_space<semaphore_mem>>
        %dma_start3A = arith.constant 0 : i32
        %dma_start3A_37 = arith.constant 0 : i32
        %dma_start3A_38 = tpu.memref_slice %arg8[%dma_start3A, %dma_start3A_37] : memref<128x128xf32, #tpu.memory_space<vmem>> -> memref<128x128xf32, #tpu.memory_space<vmem>>
        %dma_start3A_39 = arith.constant 0 : i32
        %dma_start3A_40 = tpu.memref_slice %arg9[%add3A_32, %dma_start3A_39] : memref<10016x128xf32, #tpu.memory_space<vmem_shared>> -> memref<128x128xf32, #tpu.memory_space<vmem_shared>>
        %dma_start3A_41 = arith.constant 0 : i32
        %dma_start3A_42 = tpu.memref_slice %arg9[%add3A_32, %dma_start3A_41] : memref<10016x128xf32, #tpu.memory_space<vmem_shared>> -> memref<128x128xf32, #tpu.memory_space<vmem_shared>>
        %dma_start3A_43 = arith.constant 0 : i32
        %dma_start3A_44 = arith.constant 0 : i32
        %dma_start3A_45 = tpu.memref_slice %arg8[%dma_start3A_43, %dma_start3A_44] : memref<128x128xf32, #tpu.memory_space<vmem>> -> memref<128x128xf32, #tpu.memory_space<vmem>>
        tpu.enqueue_dma source(%dma_start3A_45 : memref<128x128xf32, #tpu.memory_space<vmem>>) target(%dma_start3A_42 : memref<128x128xf32, #tpu.memory_space<vmem_shared>>) target_semaphore(%run_scoped3A : memref<!tpu.dma_semaphore, #tpu.memory_space<semaphore_mem>>)
        %dma_wait3A = arith.constant 0 : i32
        %dma_wait3A_46 = arith.constant 0 : i32
        %dma_wait3A_47 = tpu.memref_slice %arg8[%dma_wait3A, %dma_wait3A_46] : memref<128x128xf32, #tpu.memory_space<vmem>> -> memref<128x128xf32, #tpu.memory_space<vmem>>
        %dma_wait3A_48 = arith.constant 0 : i32
        %dma_wait3A_49 = tpu.memref_slice %arg9[%add3A_32, %dma_wait3A_48] : memref<10016x128xf32, #tpu.memory_space<vmem_shared>> -> memref<128x128xf32, #tpu.memory_space<vmem_shared>>
        %dma_wait3A_50 = arith.constant 0 : i32
        %dma_wait3A_51 = tpu.memref_slice %arg9[%add3A_32, %dma_wait3A_50] : memref<10016x128xf32, #tpu.memory_space<vmem_shared>> -> memref<128x128xf32, #tpu.memory_space<vmem_shared>>
        %dma_wait3A_52 = arith.constant 0 : i32
        %dma_wait3A_53 = arith.constant 0 : i32
        %dma_wait3A_54 = tpu.memref_slice %arg8[%dma_wait3A_52, %dma_wait3A_53] : memref<128x128xf32, #tpu.memory_space<vmem>> -> memref<128x128xf32, #tpu.memory_space<vmem>>
        tpu.wait_dma2 semaphore(%run_scoped3A : memref<!tpu.dma_semaphore, #tpu.memory_space<semaphore_mem>>) src(%dma_wait3A_54 : memref<128x128xf32, #tpu.memory_space<vmem>>) dst(%dma_wait3A_51 : memref<128x128xf32, #tpu.memory_space<vmem_shared>>)
        tpu.yield
      }) : () -> ()
      %add3A_33 = arith.constant 384 : i32
      %add3A_34 = arith.addi %mul3A_26, %add3A_33 : i32
      "tpu.region"() ({
        %run_scoped3A = tpu.sem_alloc : memref<!tpu.dma_semaphore, #tpu.memory_space<semaphore_mem>>
        %dma_start3A = arith.constant 0 : i32
        %dma_start3A_37 = arith.constant 0 : i32
        %dma_start3A_38 = tpu.memref_slice %arg8[%dma_start3A, %dma_start3A_37] : memref<128x128xf32, #tpu.memory_space<vmem>> -> memref<128x128xf32, #tpu.memory_space<vmem>>
        %dma_start3A_39 = arith.constant 0 : i32
        %dma_start3A_40 = tpu.memref_slice %arg9[%add3A_34, %dma_start3A_39] : memref<10016x128xf32, #tpu.memory_space<vmem_shared>> -> memref<128x128xf32, #tpu.memory_space<vmem_shared>>
        %dma_start3A_41 = arith.constant 0 : i32
        %dma_start3A_42 = tpu.memref_slice %arg9[%add3A_34, %dma_start3A_41] : memref<10016x128xf32, #tpu.memory_space<vmem_shared>> -> memref<128x128xf32, #tpu.memory_space<vmem_shared>>
        %dma_start3A_43 = arith.constant 0 : i32
        %dma_start3A_44 = arith.constant 0 : i32
        %dma_start3A_45 = tpu.memref_slice %arg8[%dma_start3A_43, %dma_start3A_44] : memref<128x128xf32, #tpu.memory_space<vmem>> -> memref<128x128xf32, #tpu.memory_space<vmem>>
        tpu.enqueue_dma source(%dma_start3A_45 : memref<128x128xf32, #tpu.memory_space<vmem>>) target(%dma_start3A_42 : memref<128x128xf32, #tpu.memory_space<vmem_shared>>) target_semaphore(%run_scoped3A : memref<!tpu.dma_semaphore, #tpu.memory_space<semaphore_mem>>)
        %dma_wait3A = arith.constant 0 : i32
        %dma_wait3A_46 = arith.constant 0 : i32
        %dma_wait3A_47 = tpu.memref_slice %arg8[%dma_wait3A, %dma_wait3A_46] : memref<128x128xf32, #tpu.memory_space<vmem>> -> memref<128x128xf32, #tpu.memory_space<vmem>>
        %dma_wait3A_48 = arith.constant 0 : i32
        %dma_wait3A_49 = tpu.memref_slice %arg9[%add3A_34, %dma_wait3A_48] : memref<10016x128xf32, #tpu.memory_space<vmem_shared>> -> memref<128x128xf32, #tpu.memory_space<vmem_shared>>
        %dma_wait3A_50 = arith.constant 0 : i32
        %dma_wait3A_51 = tpu.memref_slice %arg9[%add3A_34, %dma_wait3A_50] : memref<10016x128xf32, #tpu.memory_space<vmem_shared>> -> memref<128x128xf32, #tpu.memory_space<vmem_shared>>
        %dma_wait3A_52 = arith.constant 0 : i32
        %dma_wait3A_53 = arith.constant 0 : i32
        %dma_wait3A_54 = tpu.memref_slice %arg8[%dma_wait3A_52, %dma_wait3A_53] : memref<128x128xf32, #tpu.memory_space<vmem>> -> memref<128x128xf32, #tpu.memory_space<vmem>>
        tpu.wait_dma2 semaphore(%run_scoped3A : memref<!tpu.dma_semaphore, #tpu.memory_space<semaphore_mem>>) src(%dma_wait3A_54 : memref<128x128xf32, #tpu.memory_space<vmem>>) dst(%dma_wait3A_51 : memref<128x128xf32, #tpu.memory_space<vmem_shared>>)
        tpu.yield
      }) : () -> ()
      %add3A_35 = arith.constant 512 : i32
      %add3A_36 = arith.addi %mul3A_26, %add3A_35 : i32
      "tpu.region"() ({
        %run_scoped3A = tpu.sem_alloc : memref<!tpu.dma_semaphore, #tpu.memory_space<semaphore_mem>>
        %dma_start3A = arith.constant 0 : i32
        %dma_start3A_37 = arith.constant 0 : i32
        %dma_start3A_38 = tpu.memref_slice %arg8[%dma_start3A, %dma_start3A_37] : memref<128x128xf32, #tpu.memory_space<vmem>> -> memref<24x128xf32, #tpu.memory_space<vmem>>
        %dma_start3A_39 = arith.constant 0 : i32
        %dma_start3A_40 = tpu.memref_slice %arg9[%add3A_36, %dma_start3A_39] : memref<10016x128xf32, #tpu.memory_space<vmem_shared>> -> memref<24x128xf32, #tpu.memory_space<vmem_shared>>
        %dma_start3A_41 = arith.constant 0 : i32
        %dma_start3A_42 = tpu.memref_slice %arg9[%add3A_36, %dma_start3A_41] : memref<10016x128xf32, #tpu.memory_space<vmem_shared>> -> memref<24x128xf32, #tpu.memory_space<vmem_shared>>
        %dma_start3A_43 = arith.constant 0 : i32
        %dma_start3A_44 = arith.constant 0 : i32
        %dma_start3A_45 = tpu.memref_slice %arg8[%dma_start3A_43, %dma_start3A_44] : memref<128x128xf32, #tpu.memory_space<vmem>> -> memref<24x128xf32, #tpu.memory_space<vmem>>
        tpu.enqueue_dma source(%dma_start3A_45 : memref<24x128xf32, #tpu.memory_space<vmem>>) target(%dma_start3A_42 : memref<24x128xf32, #tpu.memory_space<vmem_shared>>) target_semaphore(%run_scoped3A : memref<!tpu.dma_semaphore, #tpu.memory_space<semaphore_mem>>)
        %dma_wait3A = arith.constant 0 : i32
        %dma_wait3A_46 = arith.constant 0 : i32
        %dma_wait3A_47 = tpu.memref_slice %arg8[%dma_wait3A, %dma_wait3A_46] : memref<128x128xf32, #tpu.memory_space<vmem>> -> memref<24x128xf32, #tpu.memory_space<vmem>>
        %dma_wait3A_48 = arith.constant 0 : i32
        %dma_wait3A_49 = tpu.memref_slice %arg9[%add3A_36, %dma_wait3A_48] : memref<10016x128xf32, #tpu.memory_space<vmem_shared>> -> memref<24x128xf32, #tpu.memory_space<vmem_shared>>
        %dma_wait3A_50 = arith.constant 0 : i32
        %dma_wait3A_51 = tpu.memref_slice %arg9[%add3A_36, %dma_wait3A_50] : memref<10016x128xf32, #tpu.memory_space<vmem_shared>> -> memref<24x128xf32, #tpu.memory_space<vmem_shared>>
        %dma_wait3A_52 = arith.constant 0 : i32
        %dma_wait3A_53 = arith.constant 0 : i32
        %dma_wait3A_54 = tpu.memref_slice %arg8[%dma_wait3A_52, %dma_wait3A_53] : memref<128x128xf32, #tpu.memory_space<vmem>> -> memref<24x128xf32, #tpu.memory_space<vmem>>
        tpu.wait_dma2 semaphore(%run_scoped3A : memref<!tpu.dma_semaphore, #tpu.memory_space<semaphore_mem>>) src(%dma_wait3A_54 : memref<24x128xf32, #tpu.memory_space<vmem>>) dst(%dma_wait3A_51 : memref<24x128xf32, #tpu.memory_space<vmem_shared>>)
        tpu.yield
      }) : () -> ()
    } else {
    }
    "tpu.region"() ({
      %run_scoped3A = tpu.sem_alloc : memref<!tpu.dma_semaphore, #tpu.memory_space<semaphore_mem>>
      tpu.enqueue_dma source(%arg3 : memref<128x128xf32, #tpu.memory_space<hbm>>) target(%arg7 : memref<128x128xf32, #tpu.memory_space<vmem>>) target_semaphore(%run_scoped3A : memref<!tpu.dma_semaphore, #tpu.memory_space<semaphore_mem>>)
      tpu.wait_dma2 semaphore(%run_scoped3A : memref<!tpu.dma_semaphore, #tpu.memory_space<semaphore_mem>>) src(%arg3 : memref<128x128xf32, #tpu.memory_space<hbm>>) dst(%arg7 : memref<128x128xf32, #tpu.memory_space<vmem>>)
      tpu.yield
    }) : () -> ()
    %mul3A_7 = arith.constant 40 : i32
    %mul3A_8 = arith.muli %add3A, %mul3A_7 : i32
    "tpu.region"() ({
      %run_scoped3A = tpu.sem_alloc : memref<!tpu.dma_semaphore, #tpu.memory_space<semaphore_mem>>
      %dma_start3A = arith.constant 0 : i32
      %dma_start3A_25 = tpu.memref_slice %arg2[%mul3A_8, %dma_start3A] : memref<1280x128xi32, #tpu.memory_space<hbm>> -> memref<40x128xi32, #tpu.memory_space<hbm>>
      %dma_start3A_26 = arith.constant 0 : i32
      %dma_start3A_27 = tpu.memref_slice %arg2[%mul3A_8, %dma_start3A_26] : memref<1280x128xi32, #tpu.memory_space<hbm>> -> memref<40x128xi32, #tpu.memory_space<hbm>>
      tpu.enqueue_dma source(%dma_start3A_27 : memref<40x128xi32, #tpu.memory_space<hbm>>) target(%arg6 : memref<40x128xi32, #tpu.memory_space<vmem>>) target_semaphore(%run_scoped3A : memref<!tpu.dma_semaphore, #tpu.memory_space<semaphore_mem>>)
      %dma_wait3A = arith.constant 0 : i32
      %dma_wait3A_28 = tpu.memref_slice %arg2[%mul3A_8, %dma_wait3A] : memref<1280x128xi32, #tpu.memory_space<hbm>> -> memref<40x128xi32, #tpu.memory_space<hbm>>
      %dma_wait3A_29 = arith.constant 0 : i32
      %dma_wait3A_30 = tpu.memref_slice %arg2[%mul3A_8, %dma_wait3A_29] : memref<1280x128xi32, #tpu.memory_space<hbm>> -> memref<40x128xi32, #tpu.memory_space<hbm>>
      tpu.wait_dma2 semaphore(%run_scoped3A : memref<!tpu.dma_semaphore, #tpu.memory_space<semaphore_mem>>) src(%dma_wait3A_30 : memref<40x128xi32, #tpu.memory_space<hbm>>) dst(%arg6 : memref<40x128xi32, #tpu.memory_space<vmem>>)
      tpu.yield
    }) : () -> ()
    %barrier3A = arith.constant 0 : index
    tpu.barrier barrier_id(%barrier3A)
    %scan3A = arith.constant 0 : i32
    %scan3A_9 = arith.constant 0 : i32
    %scan3A_10 = arith.constant 40 : i32
    %scan3A_11 = arith.addi %scan3A_9, %scan3A_10 : i32
    %scan3A_12 = arith.constant 1 : i32
    scf.for %scan3A_25 = %scan3A_9 to %scan3A_11 step %scan3A_12  : i32 {
      "tpu.region"() ({
        %run_scoped3A = tpu.sem_alloc : memref<!tpu.dma_semaphore, #tpu.memory_space<semaphore_mem>>
        %dma_start3A = arith.constant 0 : i32
        %dma_start3A_26 = tpu.memref_slice %arg6[%scan3A_25, %dma_start3A] : memref<40x128xi32, #tpu.memory_space<vmem>> -> memref<1x128xi32, #tpu.memory_space<vmem>>
        %dma_start3A_27 = tpu.memref_squeeze %dma_start3A_26 : memref<1x128xi32, #tpu.memory_space<vmem>> -> memref<128xi32, #tpu.memory_space<vmem>>
        %dma_start3A_28 = arith.constant 0 : i32
        %dma_start3A_29 = arith.constant 0 : i32
        %dma_start3A_30 = tpu.memref_slice %arg9[%dma_start3A_28, %dma_start3A_29] : memref<10016x128xf32, #tpu.memory_space<vmem_shared>> -> memref<10016x128xf32, #tpu.memory_space<vmem_shared>>
        tpu.enqueue_indirect_dma source(%arg7 : memref<128x128xf32, #tpu.memory_space<vmem>>) target(%dma_start3A_30 : memref<10016x128xf32, #tpu.memory_space<vmem_shared>>) offsets(%dma_start3A_27 : memref<128xi32, #tpu.memory_space<vmem>>) semaphore(%run_scoped3A : memref<!tpu.dma_semaphore, #tpu.memory_space<semaphore_mem>>) {add = true}
        %dma_wait3A = arith.constant 0 : i32
        %dma_wait3A_31 = tpu.memref_slice %arg6[%scan3A_25, %dma_wait3A] : memref<40x128xi32, #tpu.memory_space<vmem>> -> memref<1x128xi32, #tpu.memory_space<vmem>>
        %dma_wait3A_32 = tpu.memref_squeeze %dma_wait3A_31 : memref<1x128xi32, #tpu.memory_space<vmem>> -> memref<128xi32, #tpu.memory_space<vmem>>
        %dma_wait3A_33 = arith.constant 0 : i32
        %dma_wait3A_34 = arith.constant 0 : i32
        %dma_wait3A_35 = tpu.memref_slice %arg9[%dma_wait3A_33, %dma_wait3A_34] : memref<10016x128xf32, #tpu.memory_space<vmem_shared>> -> memref<10016x128xf32, #tpu.memory_space<vmem_shared>>
        tpu.wait_indirect_dma semaphore(%run_scoped3A : memref<!tpu.dma_semaphore, #tpu.memory_space<semaphore_mem>>) src(%arg7 : memref<128x128xf32, #tpu.memory_space<vmem>>) dst(%dma_wait3A_35 : memref<10016x128xf32, #tpu.memory_space<vmem_shared>>)
        tpu.yield
      }) : () -> ()
    }
    %scan3A_13 = arith.constant 40 : i32
    %barrier3A_14 = arith.constant 0 : index
    tpu.barrier barrier_id(%barrier3A_14)
    %lt3A_15 = arith.constant 15 : i32
    %lt3A_16 = arith.cmpi slt, %arg1, %lt3A_15 : i32
    %convert_element_type3A_17 = arith.extui %lt3A_16 : i1 to i32
    %cond3A_18 = arith.constant 0 : i32
    %cond3A_19 = arith.cmpi ne, %convert_element_type3A_17, %cond3A_18 : i32
    scf.if %cond3A_19 {
      %mul3A_25 = arith.constant 632 : i32
      %mul3A_26 = arith.muli %arg1, %mul3A_25 : i32
      %mul3A_27 = arith.constant 10000 : i32
      %mul3A_28 = arith.muli %arg0, %mul3A_27 : i32
      %mul3A_29 = arith.constant 632 : i32
      %mul3A_30 = arith.muli %arg1, %mul3A_29 : i32
      %add3A_31 = arith.addi %mul3A_28, %mul3A_30 : i32
      "tpu.region"() ({
        %run_scoped3A = tpu.sem_alloc : memref<!tpu.dma_semaphore, #tpu.memory_space<semaphore_mem>>
        %dma_start3A = arith.constant 0 : i32
        %dma_start3A_32 = tpu.memref_slice %arg5[%add3A_31, %dma_start3A] : memref<20000x128xf32, #tpu.memory_space<hbm>> -> memref<632x128xf32, #tpu.memory_space<hbm>>
        %dma_start3A_33 = arith.constant 0 : i32
        %dma_start3A_34 = tpu.memref_slice %arg9[%mul3A_26, %dma_start3A_33] : memref<10016x128xf32, #tpu.memory_space<vmem_shared>> -> memref<632x128xf32, #tpu.memory_space<vmem_shared>>
        tpu.enqueue_dma source(%dma_start3A_34 : memref<632x128xf32, #tpu.memory_space<vmem_shared>>) target(%dma_start3A_32 : memref<632x128xf32, #tpu.memory_space<hbm>>) target_semaphore(%run_scoped3A : memref<!tpu.dma_semaphore, #tpu.memory_space<semaphore_mem>>)
        %dma_wait3A = arith.constant 0 : i32
        %dma_wait3A_35 = tpu.memref_slice %arg5[%add3A_31, %dma_wait3A] : memref<20000x128xf32, #tpu.memory_space<hbm>> -> memref<632x128xf32, #tpu.memory_space<hbm>>
        %dma_wait3A_36 = arith.constant 0 : i32
        %dma_wait3A_37 = tpu.memref_slice %arg9[%mul3A_26, %dma_wait3A_36] : memref<10016x128xf32, #tpu.memory_space<vmem_shared>> -> memref<632x128xf32, #tpu.memory_space<vmem_shared>>
        tpu.wait_dma2 semaphore(%run_scoped3A : memref<!tpu.dma_semaphore, #tpu.memory_space<semaphore_mem>>) src(%dma_wait3A_37 : memref<632x128xf32, #tpu.memory_space<vmem_shared>>) dst(%dma_wait3A_35 : memref<632x128xf32, #tpu.memory_space<hbm>>)
        tpu.yield
      }) : () -> ()
    } else {
    }
    %eq3A_20 = arith.constant 15 : i32
    %eq3A_21 = arith.cmpi eq, %arg1, %eq3A_20 : i32
    %convert_element_type3A_22 = arith.extui %eq3A_21 : i1 to i32
    %cond3A_23 = arith.constant 0 : i32
    %cond3A_24 = arith.cmpi ne, %convert_element_type3A_22, %cond3A_23 : i32
    scf.if %cond3A_24 {
      %mul3A_25 = arith.constant 10000 : i32
      %mul3A_26 = arith.muli %arg0, %mul3A_25 : i32
      %add3A_27 = arith.constant 9480 : i32
      %add3A_28 = arith.addi %mul3A_26, %add3A_27 : i32
      "tpu.region"() ({
        %run_scoped3A = tpu.sem_alloc : memref<!tpu.dma_semaphore, #tpu.memory_space<semaphore_mem>>
        %dma_start3A = arith.constant 0 : i32
        %dma_start3A_29 = tpu.memref_slice %arg5[%add3A_28, %dma_start3A] : memref<20000x128xf32, #tpu.memory_space<hbm>> -> memref<520x128xf32, #tpu.memory_space<hbm>>
        %dma_start3A_30 = arith.constant 9480 : i32
        %dma_start3A_31 = arith.constant 0 : i32
        %dma_start3A_32 = tpu.memref_slice %arg9[%dma_start3A_30, %dma_start3A_31] : memref<10016x128xf32, #tpu.memory_space<vmem_shared>> -> memref<520x128xf32, #tpu.memory_space<vmem_shared>>
        tpu.enqueue_dma source(%dma_start3A_32 : memref<520x128xf32, #tpu.memory_space<vmem_shared>>) target(%dma_start3A_29 : memref<520x128xf32, #tpu.memory_space<hbm>>) target_semaphore(%run_scoped3A : memref<!tpu.dma_semaphore, #tpu.memory_space<semaphore_mem>>)
        %dma_wait3A = arith.constant 0 : i32
        %dma_wait3A_33 = tpu.memref_slice %arg5[%add3A_28, %dma_wait3A] : memref<20000x128xf32, #tpu.memory_space<hbm>> -> memref<520x128xf32, #tpu.memory_space<hbm>>
        %dma_wait3A_34 = arith.constant 9480 : i32
        %dma_wait3A_35 = arith.constant 0 : i32
        %dma_wait3A_36 = tpu.memref_slice %arg9[%dma_wait3A_34, %dma_wait3A_35] : memref<10016x128xf32, #tpu.memory_space<vmem_shared>> -> memref<520x128xf32, #tpu.memory_space<vmem_shared>>
        tpu.wait_dma2 semaphore(%run_scoped3A : memref<!tpu.dma_semaphore, #tpu.memory_space<semaphore_mem>>) src(%dma_wait3A_36 : memref<520x128xf32, #tpu.memory_space<vmem_shared>>) dst(%dma_wait3A_33 : memref<520x128xf32, #tpu.memory_space<hbm>>)
        tpu.yield
      }) : () -> ()
    } else {
    }
    return
  }
}

#map = affine_map<(d0, d1) -> (0, 0)>
module attributes {stable_mosaic.version = 14 : i64} {
  func.func @agg_kernel(%arg0: i32, %arg1: i32, %arg2: memref<10000x128xf32, #tpu.memory_space<hbm>>, %arg3: memref<4096x80xi32, #tpu.memory_space<hbm>>, %arg4: memref<2048x80xi32, #tpu.memory_space<hbm>>, %arg5: memref<80x128xf32, #tpu.memory_space<hbm>>, %arg6: memref<20000x128xf32, #tpu.memory_space<hbm>>, %arg7: memref<64x80xi32, #tpu.memory_space<vmem>>, %arg8: memref<64x80xi32, #tpu.memory_space<vmem>>, %arg9: memref<80x128xf32, #tpu.memory_space<vmem>>, %arg10: memref<80x128xf32, #tpu.memory_space<vmem>>, %arg11: memref<10016x128xf32, #tpu.memory_space<vmem_shared>>, %arg12: memref<!tpu.dma_semaphore, #tpu.memory_space<semaphore_mem>>, %arg13: memref<!tpu.dma_semaphore, #tpu.memory_space<semaphore_mem>>) attributes {dimension_semantics = [#tpu.dimension_semantics<core_parallel>, #tpu.dimension_semantics<subcore_parallel>], iteration_bounds = array<i64: 2, 16>, scalar_prefetch = 0 : i64, scratch_operands = 7 : i64, tpu.core_type = #tpu.core_type<sc_vector_subcore>, window_params = [{transform_indices = #map}, {transform_indices = #map}, {transform_indices = #map}, {transform_indices = #map}, {transform_indices = #map}]} {
    %mul3A = arith.constant 16 : i32
    %mul3A_0 = arith.muli %arg0, %mul3A : i32
    %add3A = arith.addi %mul3A_0, %arg1 : i32
    "tpu.region"() ({
      %run_scoped3A = tpu.sem_alloc : memref<!tpu.dma_semaphore, #tpu.memory_space<semaphore_mem>>
      tpu.enqueue_dma source(%arg5 : memref<80x128xf32, #tpu.memory_space<hbm>>) target(%arg9 : memref<80x128xf32, #tpu.memory_space<vmem>>) target_semaphore(%run_scoped3A : memref<!tpu.dma_semaphore, #tpu.memory_space<semaphore_mem>>)
      tpu.wait_dma2 semaphore(%run_scoped3A : memref<!tpu.dma_semaphore, #tpu.memory_space<semaphore_mem>>) src(%arg5 : memref<80x128xf32, #tpu.memory_space<hbm>>) dst(%arg9 : memref<80x128xf32, #tpu.memory_space<vmem>>)
      tpu.yield
    }) : () -> ()
    %lt3A = arith.constant 15 : i32
    %lt3A_1 = arith.cmpi slt, %arg1, %lt3A : i32
    %convert_element_type3A = arith.extui %lt3A_1 : i1 to i32
    %cond3A = arith.constant 0 : i32
    %cond3A_2 = arith.cmpi ne, %convert_element_type3A, %cond3A : i32
    scf.if %cond3A_2 {
      %mul3A_37 = arith.constant 632 : i32
      %mul3A_38 = arith.muli %arg1, %mul3A_37 : i32
      %add3A_39 = arith.constant 0 : i32
      %add3A_40 = arith.addi %mul3A_38, %add3A_39 : i32
      "tpu.region"() ({
        %run_scoped3A = tpu.sem_alloc : memref<!tpu.dma_semaphore, #tpu.memory_space<semaphore_mem>>
        %dma_start3A_55 = arith.constant 0 : i32
        %dma_start3A_56 = arith.constant 0 : i32
        %dma_start3A_57 = tpu.memref_slice %arg9[%dma_start3A_55, %dma_start3A_56] : memref<80x128xf32, #tpu.memory_space<vmem>> -> memref<80x128xf32, #tpu.memory_space<vmem>>
        %dma_start3A_58 = arith.constant 0 : i32
        %dma_start3A_59 = tpu.memref_slice %arg11[%add3A_40, %dma_start3A_58] : memref<10016x128xf32, #tpu.memory_space<vmem_shared>> -> memref<80x128xf32, #tpu.memory_space<vmem_shared>>
        %dma_start3A_60 = arith.constant 0 : i32
        %dma_start3A_61 = tpu.memref_slice %arg11[%add3A_40, %dma_start3A_60] : memref<10016x128xf32, #tpu.memory_space<vmem_shared>> -> memref<80x128xf32, #tpu.memory_space<vmem_shared>>
        %dma_start3A_62 = arith.constant 0 : i32
        %dma_start3A_63 = arith.constant 0 : i32
        %dma_start3A_64 = tpu.memref_slice %arg9[%dma_start3A_62, %dma_start3A_63] : memref<80x128xf32, #tpu.memory_space<vmem>> -> memref<80x128xf32, #tpu.memory_space<vmem>>
        tpu.enqueue_dma source(%dma_start3A_64 : memref<80x128xf32, #tpu.memory_space<vmem>>) target(%dma_start3A_61 : memref<80x128xf32, #tpu.memory_space<vmem_shared>>) target_semaphore(%run_scoped3A : memref<!tpu.dma_semaphore, #tpu.memory_space<semaphore_mem>>)
        %dma_wait3A = arith.constant 0 : i32
        %dma_wait3A_65 = arith.constant 0 : i32
        %dma_wait3A_66 = tpu.memref_slice %arg9[%dma_wait3A, %dma_wait3A_65] : memref<80x128xf32, #tpu.memory_space<vmem>> -> memref<80x128xf32, #tpu.memory_space<vmem>>
        %dma_wait3A_67 = arith.constant 0 : i32
        %dma_wait3A_68 = tpu.memref_slice %arg11[%add3A_40, %dma_wait3A_67] : memref<10016x128xf32, #tpu.memory_space<vmem_shared>> -> memref<80x128xf32, #tpu.memory_space<vmem_shared>>
        %dma_wait3A_69 = arith.constant 0 : i32
        %dma_wait3A_70 = tpu.memref_slice %arg11[%add3A_40, %dma_wait3A_69] : memref<10016x128xf32, #tpu.memory_space<vmem_shared>> -> memref<80x128xf32, #tpu.memory_space<vmem_shared>>
        %dma_wait3A_71 = arith.constant 0 : i32
        %dma_wait3A_72 = arith.constant 0 : i32
        %dma_wait3A_73 = tpu.memref_slice %arg9[%dma_wait3A_71, %dma_wait3A_72] : memref<80x128xf32, #tpu.memory_space<vmem>> -> memref<80x128xf32, #tpu.memory_space<vmem>>
        tpu.wait_dma2 semaphore(%run_scoped3A : memref<!tpu.dma_semaphore, #tpu.memory_space<semaphore_mem>>) src(%dma_wait3A_73 : memref<80x128xf32, #tpu.memory_space<vmem>>) dst(%dma_wait3A_70 : memref<80x128xf32, #tpu.memory_space<vmem_shared>>)
        tpu.yield
      }) : () -> ()
      %add3A_41 = arith.constant 80 : i32
      %add3A_42 = arith.addi %mul3A_38, %add3A_41 : i32
      "tpu.region"() ({
        %run_scoped3A = tpu.sem_alloc : memref<!tpu.dma_semaphore, #tpu.memory_space<semaphore_mem>>
        %dma_start3A_55 = arith.constant 0 : i32
        %dma_start3A_56 = arith.constant 0 : i32
        %dma_start3A_57 = tpu.memref_slice %arg9[%dma_start3A_55, %dma_start3A_56] : memref<80x128xf32, #tpu.memory_space<vmem>> -> memref<80x128xf32, #tpu.memory_space<vmem>>
        %dma_start3A_58 = arith.constant 0 : i32
        %dma_start3A_59 = tpu.memref_slice %arg11[%add3A_42, %dma_start3A_58] : memref<10016x128xf32, #tpu.memory_space<vmem_shared>> -> memref<80x128xf32, #tpu.memory_space<vmem_shared>>
        %dma_start3A_60 = arith.constant 0 : i32
        %dma_start3A_61 = tpu.memref_slice %arg11[%add3A_42, %dma_start3A_60] : memref<10016x128xf32, #tpu.memory_space<vmem_shared>> -> memref<80x128xf32, #tpu.memory_space<vmem_shared>>
        %dma_start3A_62 = arith.constant 0 : i32
        %dma_start3A_63 = arith.constant 0 : i32
        %dma_start3A_64 = tpu.memref_slice %arg9[%dma_start3A_62, %dma_start3A_63] : memref<80x128xf32, #tpu.memory_space<vmem>> -> memref<80x128xf32, #tpu.memory_space<vmem>>
        tpu.enqueue_dma source(%dma_start3A_64 : memref<80x128xf32, #tpu.memory_space<vmem>>) target(%dma_start3A_61 : memref<80x128xf32, #tpu.memory_space<vmem_shared>>) target_semaphore(%run_scoped3A : memref<!tpu.dma_semaphore, #tpu.memory_space<semaphore_mem>>)
        %dma_wait3A = arith.constant 0 : i32
        %dma_wait3A_65 = arith.constant 0 : i32
        %dma_wait3A_66 = tpu.memref_slice %arg9[%dma_wait3A, %dma_wait3A_65] : memref<80x128xf32, #tpu.memory_space<vmem>> -> memref<80x128xf32, #tpu.memory_space<vmem>>
        %dma_wait3A_67 = arith.constant 0 : i32
        %dma_wait3A_68 = tpu.memref_slice %arg11[%add3A_42, %dma_wait3A_67] : memref<10016x128xf32, #tpu.memory_space<vmem_shared>> -> memref<80x128xf32, #tpu.memory_space<vmem_shared>>
        %dma_wait3A_69 = arith.constant 0 : i32
        %dma_wait3A_70 = tpu.memref_slice %arg11[%add3A_42, %dma_wait3A_69] : memref<10016x128xf32, #tpu.memory_space<vmem_shared>> -> memref<80x128xf32, #tpu.memory_space<vmem_shared>>
        %dma_wait3A_71 = arith.constant 0 : i32
        %dma_wait3A_72 = arith.constant 0 : i32
        %dma_wait3A_73 = tpu.memref_slice %arg9[%dma_wait3A_71, %dma_wait3A_72] : memref<80x128xf32, #tpu.memory_space<vmem>> -> memref<80x128xf32, #tpu.memory_space<vmem>>
        tpu.wait_dma2 semaphore(%run_scoped3A : memref<!tpu.dma_semaphore, #tpu.memory_space<semaphore_mem>>) src(%dma_wait3A_73 : memref<80x128xf32, #tpu.memory_space<vmem>>) dst(%dma_wait3A_70 : memref<80x128xf32, #tpu.memory_space<vmem_shared>>)
        tpu.yield
      }) : () -> ()
      %add3A_43 = arith.constant 160 : i32
      %add3A_44 = arith.addi %mul3A_38, %add3A_43 : i32
      "tpu.region"() ({
        %run_scoped3A = tpu.sem_alloc : memref<!tpu.dma_semaphore, #tpu.memory_space<semaphore_mem>>
        %dma_start3A_55 = arith.constant 0 : i32
        %dma_start3A_56 = arith.constant 0 : i32
        %dma_start3A_57 = tpu.memref_slice %arg9[%dma_start3A_55, %dma_start3A_56] : memref<80x128xf32, #tpu.memory_space<vmem>> -> memref<80x128xf32, #tpu.memory_space<vmem>>
        %dma_start3A_58 = arith.constant 0 : i32
        %dma_start3A_59 = tpu.memref_slice %arg11[%add3A_44, %dma_start3A_58] : memref<10016x128xf32, #tpu.memory_space<vmem_shared>> -> memref<80x128xf32, #tpu.memory_space<vmem_shared>>
        %dma_start3A_60 = arith.constant 0 : i32
        %dma_start3A_61 = tpu.memref_slice %arg11[%add3A_44, %dma_start3A_60] : memref<10016x128xf32, #tpu.memory_space<vmem_shared>> -> memref<80x128xf32, #tpu.memory_space<vmem_shared>>
        %dma_start3A_62 = arith.constant 0 : i32
        %dma_start3A_63 = arith.constant 0 : i32
        %dma_start3A_64 = tpu.memref_slice %arg9[%dma_start3A_62, %dma_start3A_63] : memref<80x128xf32, #tpu.memory_space<vmem>> -> memref<80x128xf32, #tpu.memory_space<vmem>>
        tpu.enqueue_dma source(%dma_start3A_64 : memref<80x128xf32, #tpu.memory_space<vmem>>) target(%dma_start3A_61 : memref<80x128xf32, #tpu.memory_space<vmem_shared>>) target_semaphore(%run_scoped3A : memref<!tpu.dma_semaphore, #tpu.memory_space<semaphore_mem>>)
        %dma_wait3A = arith.constant 0 : i32
        %dma_wait3A_65 = arith.constant 0 : i32
        %dma_wait3A_66 = tpu.memref_slice %arg9[%dma_wait3A, %dma_wait3A_65] : memref<80x128xf32, #tpu.memory_space<vmem>> -> memref<80x128xf32, #tpu.memory_space<vmem>>
        %dma_wait3A_67 = arith.constant 0 : i32
        %dma_wait3A_68 = tpu.memref_slice %arg11[%add3A_44, %dma_wait3A_67] : memref<10016x128xf32, #tpu.memory_space<vmem_shared>> -> memref<80x128xf32, #tpu.memory_space<vmem_shared>>
        %dma_wait3A_69 = arith.constant 0 : i32
        %dma_wait3A_70 = tpu.memref_slice %arg11[%add3A_44, %dma_wait3A_69] : memref<10016x128xf32, #tpu.memory_space<vmem_shared>> -> memref<80x128xf32, #tpu.memory_space<vmem_shared>>
        %dma_wait3A_71 = arith.constant 0 : i32
        %dma_wait3A_72 = arith.constant 0 : i32
        %dma_wait3A_73 = tpu.memref_slice %arg9[%dma_wait3A_71, %dma_wait3A_72] : memref<80x128xf32, #tpu.memory_space<vmem>> -> memref<80x128xf32, #tpu.memory_space<vmem>>
        tpu.wait_dma2 semaphore(%run_scoped3A : memref<!tpu.dma_semaphore, #tpu.memory_space<semaphore_mem>>) src(%dma_wait3A_73 : memref<80x128xf32, #tpu.memory_space<vmem>>) dst(%dma_wait3A_70 : memref<80x128xf32, #tpu.memory_space<vmem_shared>>)
        tpu.yield
      }) : () -> ()
      %add3A_45 = arith.constant 240 : i32
      %add3A_46 = arith.addi %mul3A_38, %add3A_45 : i32
      "tpu.region"() ({
        %run_scoped3A = tpu.sem_alloc : memref<!tpu.dma_semaphore, #tpu.memory_space<semaphore_mem>>
        %dma_start3A_55 = arith.constant 0 : i32
        %dma_start3A_56 = arith.constant 0 : i32
        %dma_start3A_57 = tpu.memref_slice %arg9[%dma_start3A_55, %dma_start3A_56] : memref<80x128xf32, #tpu.memory_space<vmem>> -> memref<80x128xf32, #tpu.memory_space<vmem>>
        %dma_start3A_58 = arith.constant 0 : i32
        %dma_start3A_59 = tpu.memref_slice %arg11[%add3A_46, %dma_start3A_58] : memref<10016x128xf32, #tpu.memory_space<vmem_shared>> -> memref<80x128xf32, #tpu.memory_space<vmem_shared>>
        %dma_start3A_60 = arith.constant 0 : i32
        %dma_start3A_61 = tpu.memref_slice %arg11[%add3A_46, %dma_start3A_60] : memref<10016x128xf32, #tpu.memory_space<vmem_shared>> -> memref<80x128xf32, #tpu.memory_space<vmem_shared>>
        %dma_start3A_62 = arith.constant 0 : i32
        %dma_start3A_63 = arith.constant 0 : i32
        %dma_start3A_64 = tpu.memref_slice %arg9[%dma_start3A_62, %dma_start3A_63] : memref<80x128xf32, #tpu.memory_space<vmem>> -> memref<80x128xf32, #tpu.memory_space<vmem>>
        tpu.enqueue_dma source(%dma_start3A_64 : memref<80x128xf32, #tpu.memory_space<vmem>>) target(%dma_start3A_61 : memref<80x128xf32, #tpu.memory_space<vmem_shared>>) target_semaphore(%run_scoped3A : memref<!tpu.dma_semaphore, #tpu.memory_space<semaphore_mem>>)
        %dma_wait3A = arith.constant 0 : i32
        %dma_wait3A_65 = arith.constant 0 : i32
        %dma_wait3A_66 = tpu.memref_slice %arg9[%dma_wait3A, %dma_wait3A_65] : memref<80x128xf32, #tpu.memory_space<vmem>> -> memref<80x128xf32, #tpu.memory_space<vmem>>
        %dma_wait3A_67 = arith.constant 0 : i32
        %dma_wait3A_68 = tpu.memref_slice %arg11[%add3A_46, %dma_wait3A_67] : memref<10016x128xf32, #tpu.memory_space<vmem_shared>> -> memref<80x128xf32, #tpu.memory_space<vmem_shared>>
        %dma_wait3A_69 = arith.constant 0 : i32
        %dma_wait3A_70 = tpu.memref_slice %arg11[%add3A_46, %dma_wait3A_69] : memref<10016x128xf32, #tpu.memory_space<vmem_shared>> -> memref<80x128xf32, #tpu.memory_space<vmem_shared>>
        %dma_wait3A_71 = arith.constant 0 : i32
        %dma_wait3A_72 = arith.constant 0 : i32
        %dma_wait3A_73 = tpu.memref_slice %arg9[%dma_wait3A_71, %dma_wait3A_72] : memref<80x128xf32, #tpu.memory_space<vmem>> -> memref<80x128xf32, #tpu.memory_space<vmem>>
        tpu.wait_dma2 semaphore(%run_scoped3A : memref<!tpu.dma_semaphore, #tpu.memory_space<semaphore_mem>>) src(%dma_wait3A_73 : memref<80x128xf32, #tpu.memory_space<vmem>>) dst(%dma_wait3A_70 : memref<80x128xf32, #tpu.memory_space<vmem_shared>>)
        tpu.yield
      }) : () -> ()
      %add3A_47 = arith.constant 320 : i32
      %add3A_48 = arith.addi %mul3A_38, %add3A_47 : i32
      "tpu.region"() ({
        %run_scoped3A = tpu.sem_alloc : memref<!tpu.dma_semaphore, #tpu.memory_space<semaphore_mem>>
        %dma_start3A_55 = arith.constant 0 : i32
        %dma_start3A_56 = arith.constant 0 : i32
        %dma_start3A_57 = tpu.memref_slice %arg9[%dma_start3A_55, %dma_start3A_56] : memref<80x128xf32, #tpu.memory_space<vmem>> -> memref<80x128xf32, #tpu.memory_space<vmem>>
        %dma_start3A_58 = arith.constant 0 : i32
        %dma_start3A_59 = tpu.memref_slice %arg11[%add3A_48, %dma_start3A_58] : memref<10016x128xf32, #tpu.memory_space<vmem_shared>> -> memref<80x128xf32, #tpu.memory_space<vmem_shared>>
        %dma_start3A_60 = arith.constant 0 : i32
        %dma_start3A_61 = tpu.memref_slice %arg11[%add3A_48, %dma_start3A_60] : memref<10016x128xf32, #tpu.memory_space<vmem_shared>> -> memref<80x128xf32, #tpu.memory_space<vmem_shared>>
        %dma_start3A_62 = arith.constant 0 : i32
        %dma_start3A_63 = arith.constant 0 : i32
        %dma_start3A_64 = tpu.memref_slice %arg9[%dma_start3A_62, %dma_start3A_63] : memref<80x128xf32, #tpu.memory_space<vmem>> -> memref<80x128xf32, #tpu.memory_space<vmem>>
        tpu.enqueue_dma source(%dma_start3A_64 : memref<80x128xf32, #tpu.memory_space<vmem>>) target(%dma_start3A_61 : memref<80x128xf32, #tpu.memory_space<vmem_shared>>) target_semaphore(%run_scoped3A : memref<!tpu.dma_semaphore, #tpu.memory_space<semaphore_mem>>)
        %dma_wait3A = arith.constant 0 : i32
        %dma_wait3A_65 = arith.constant 0 : i32
        %dma_wait3A_66 = tpu.memref_slice %arg9[%dma_wait3A, %dma_wait3A_65] : memref<80x128xf32, #tpu.memory_space<vmem>> -> memref<80x128xf32, #tpu.memory_space<vmem>>
        %dma_wait3A_67 = arith.constant 0 : i32
        %dma_wait3A_68 = tpu.memref_slice %arg11[%add3A_48, %dma_wait3A_67] : memref<10016x128xf32, #tpu.memory_space<vmem_shared>> -> memref<80x128xf32, #tpu.memory_space<vmem_shared>>
        %dma_wait3A_69 = arith.constant 0 : i32
        %dma_wait3A_70 = tpu.memref_slice %arg11[%add3A_48, %dma_wait3A_69] : memref<10016x128xf32, #tpu.memory_space<vmem_shared>> -> memref<80x128xf32, #tpu.memory_space<vmem_shared>>
        %dma_wait3A_71 = arith.constant 0 : i32
        %dma_wait3A_72 = arith.constant 0 : i32
        %dma_wait3A_73 = tpu.memref_slice %arg9[%dma_wait3A_71, %dma_wait3A_72] : memref<80x128xf32, #tpu.memory_space<vmem>> -> memref<80x128xf32, #tpu.memory_space<vmem>>
        tpu.wait_dma2 semaphore(%run_scoped3A : memref<!tpu.dma_semaphore, #tpu.memory_space<semaphore_mem>>) src(%dma_wait3A_73 : memref<80x128xf32, #tpu.memory_space<vmem>>) dst(%dma_wait3A_70 : memref<80x128xf32, #tpu.memory_space<vmem_shared>>)
        tpu.yield
      }) : () -> ()
      %add3A_49 = arith.constant 400 : i32
      %add3A_50 = arith.addi %mul3A_38, %add3A_49 : i32
      "tpu.region"() ({
        %run_scoped3A = tpu.sem_alloc : memref<!tpu.dma_semaphore, #tpu.memory_space<semaphore_mem>>
        %dma_start3A_55 = arith.constant 0 : i32
        %dma_start3A_56 = arith.constant 0 : i32
        %dma_start3A_57 = tpu.memref_slice %arg9[%dma_start3A_55, %dma_start3A_56] : memref<80x128xf32, #tpu.memory_space<vmem>> -> memref<80x128xf32, #tpu.memory_space<vmem>>
        %dma_start3A_58 = arith.constant 0 : i32
        %dma_start3A_59 = tpu.memref_slice %arg11[%add3A_50, %dma_start3A_58] : memref<10016x128xf32, #tpu.memory_space<vmem_shared>> -> memref<80x128xf32, #tpu.memory_space<vmem_shared>>
        %dma_start3A_60 = arith.constant 0 : i32
        %dma_start3A_61 = tpu.memref_slice %arg11[%add3A_50, %dma_start3A_60] : memref<10016x128xf32, #tpu.memory_space<vmem_shared>> -> memref<80x128xf32, #tpu.memory_space<vmem_shared>>
        %dma_start3A_62 = arith.constant 0 : i32
        %dma_start3A_63 = arith.constant 0 : i32
        %dma_start3A_64 = tpu.memref_slice %arg9[%dma_start3A_62, %dma_start3A_63] : memref<80x128xf32, #tpu.memory_space<vmem>> -> memref<80x128xf32, #tpu.memory_space<vmem>>
        tpu.enqueue_dma source(%dma_start3A_64 : memref<80x128xf32, #tpu.memory_space<vmem>>) target(%dma_start3A_61 : memref<80x128xf32, #tpu.memory_space<vmem_shared>>) target_semaphore(%run_scoped3A : memref<!tpu.dma_semaphore, #tpu.memory_space<semaphore_mem>>)
        %dma_wait3A = arith.constant 0 : i32
        %dma_wait3A_65 = arith.constant 0 : i32
        %dma_wait3A_66 = tpu.memref_slice %arg9[%dma_wait3A, %dma_wait3A_65] : memref<80x128xf32, #tpu.memory_space<vmem>> -> memref<80x128xf32, #tpu.memory_space<vmem>>
        %dma_wait3A_67 = arith.constant 0 : i32
        %dma_wait3A_68 = tpu.memref_slice %arg11[%add3A_50, %dma_wait3A_67] : memref<10016x128xf32, #tpu.memory_space<vmem_shared>> -> memref<80x128xf32, #tpu.memory_space<vmem_shared>>
        %dma_wait3A_69 = arith.constant 0 : i32
        %dma_wait3A_70 = tpu.memref_slice %arg11[%add3A_50, %dma_wait3A_69] : memref<10016x128xf32, #tpu.memory_space<vmem_shared>> -> memref<80x128xf32, #tpu.memory_space<vmem_shared>>
        %dma_wait3A_71 = arith.constant 0 : i32
        %dma_wait3A_72 = arith.constant 0 : i32
        %dma_wait3A_73 = tpu.memref_slice %arg9[%dma_wait3A_71, %dma_wait3A_72] : memref<80x128xf32, #tpu.memory_space<vmem>> -> memref<80x128xf32, #tpu.memory_space<vmem>>
        tpu.wait_dma2 semaphore(%run_scoped3A : memref<!tpu.dma_semaphore, #tpu.memory_space<semaphore_mem>>) src(%dma_wait3A_73 : memref<80x128xf32, #tpu.memory_space<vmem>>) dst(%dma_wait3A_70 : memref<80x128xf32, #tpu.memory_space<vmem_shared>>)
        tpu.yield
      }) : () -> ()
      %add3A_51 = arith.constant 480 : i32
      %add3A_52 = arith.addi %mul3A_38, %add3A_51 : i32
      "tpu.region"() ({
        %run_scoped3A = tpu.sem_alloc : memref<!tpu.dma_semaphore, #tpu.memory_space<semaphore_mem>>
        %dma_start3A_55 = arith.constant 0 : i32
        %dma_start3A_56 = arith.constant 0 : i32
        %dma_start3A_57 = tpu.memref_slice %arg9[%dma_start3A_55, %dma_start3A_56] : memref<80x128xf32, #tpu.memory_space<vmem>> -> memref<80x128xf32, #tpu.memory_space<vmem>>
        %dma_start3A_58 = arith.constant 0 : i32
        %dma_start3A_59 = tpu.memref_slice %arg11[%add3A_52, %dma_start3A_58] : memref<10016x128xf32, #tpu.memory_space<vmem_shared>> -> memref<80x128xf32, #tpu.memory_space<vmem_shared>>
        %dma_start3A_60 = arith.constant 0 : i32
        %dma_start3A_61 = tpu.memref_slice %arg11[%add3A_52, %dma_start3A_60] : memref<10016x128xf32, #tpu.memory_space<vmem_shared>> -> memref<80x128xf32, #tpu.memory_space<vmem_shared>>
        %dma_start3A_62 = arith.constant 0 : i32
        %dma_start3A_63 = arith.constant 0 : i32
        %dma_start3A_64 = tpu.memref_slice %arg9[%dma_start3A_62, %dma_start3A_63] : memref<80x128xf32, #tpu.memory_space<vmem>> -> memref<80x128xf32, #tpu.memory_space<vmem>>
        tpu.enqueue_dma source(%dma_start3A_64 : memref<80x128xf32, #tpu.memory_space<vmem>>) target(%dma_start3A_61 : memref<80x128xf32, #tpu.memory_space<vmem_shared>>) target_semaphore(%run_scoped3A : memref<!tpu.dma_semaphore, #tpu.memory_space<semaphore_mem>>)
        %dma_wait3A = arith.constant 0 : i32
        %dma_wait3A_65 = arith.constant 0 : i32
        %dma_wait3A_66 = tpu.memref_slice %arg9[%dma_wait3A, %dma_wait3A_65] : memref<80x128xf32, #tpu.memory_space<vmem>> -> memref<80x128xf32, #tpu.memory_space<vmem>>
        %dma_wait3A_67 = arith.constant 0 : i32
        %dma_wait3A_68 = tpu.memref_slice %arg11[%add3A_52, %dma_wait3A_67] : memref<10016x128xf32, #tpu.memory_space<vmem_shared>> -> memref<80x128xf32, #tpu.memory_space<vmem_shared>>
        %dma_wait3A_69 = arith.constant 0 : i32
        %dma_wait3A_70 = tpu.memref_slice %arg11[%add3A_52, %dma_wait3A_69] : memref<10016x128xf32, #tpu.memory_space<vmem_shared>> -> memref<80x128xf32, #tpu.memory_space<vmem_shared>>
        %dma_wait3A_71 = arith.constant 0 : i32
        %dma_wait3A_72 = arith.constant 0 : i32
        %dma_wait3A_73 = tpu.memref_slice %arg9[%dma_wait3A_71, %dma_wait3A_72] : memref<80x128xf32, #tpu.memory_space<vmem>> -> memref<80x128xf32, #tpu.memory_space<vmem>>
        tpu.wait_dma2 semaphore(%run_scoped3A : memref<!tpu.dma_semaphore, #tpu.memory_space<semaphore_mem>>) src(%dma_wait3A_73 : memref<80x128xf32, #tpu.memory_space<vmem>>) dst(%dma_wait3A_70 : memref<80x128xf32, #tpu.memory_space<vmem_shared>>)
        tpu.yield
      }) : () -> ()
      %add3A_53 = arith.constant 560 : i32
      %add3A_54 = arith.addi %mul3A_38, %add3A_53 : i32
      "tpu.region"() ({
        %run_scoped3A = tpu.sem_alloc : memref<!tpu.dma_semaphore, #tpu.memory_space<semaphore_mem>>
        %dma_start3A_55 = arith.constant 0 : i32
        %dma_start3A_56 = arith.constant 0 : i32
        %dma_start3A_57 = tpu.memref_slice %arg9[%dma_start3A_55, %dma_start3A_56] : memref<80x128xf32, #tpu.memory_space<vmem>> -> memref<72x128xf32, #tpu.memory_space<vmem>>
        %dma_start3A_58 = arith.constant 0 : i32
        %dma_start3A_59 = tpu.memref_slice %arg11[%add3A_54, %dma_start3A_58] : memref<10016x128xf32, #tpu.memory_space<vmem_shared>> -> memref<72x128xf32, #tpu.memory_space<vmem_shared>>
        %dma_start3A_60 = arith.constant 0 : i32
        %dma_start3A_61 = tpu.memref_slice %arg11[%add3A_54, %dma_start3A_60] : memref<10016x128xf32, #tpu.memory_space<vmem_shared>> -> memref<72x128xf32, #tpu.memory_space<vmem_shared>>
        %dma_start3A_62 = arith.constant 0 : i32
        %dma_start3A_63 = arith.constant 0 : i32
        %dma_start3A_64 = tpu.memref_slice %arg9[%dma_start3A_62, %dma_start3A_63] : memref<80x128xf32, #tpu.memory_space<vmem>> -> memref<72x128xf32, #tpu.memory_space<vmem>>
        tpu.enqueue_dma source(%dma_start3A_64 : memref<72x128xf32, #tpu.memory_space<vmem>>) target(%dma_start3A_61 : memref<72x128xf32, #tpu.memory_space<vmem_shared>>) target_semaphore(%run_scoped3A : memref<!tpu.dma_semaphore, #tpu.memory_space<semaphore_mem>>)
        %dma_wait3A = arith.constant 0 : i32
        %dma_wait3A_65 = arith.constant 0 : i32
        %dma_wait3A_66 = tpu.memref_slice %arg9[%dma_wait3A, %dma_wait3A_65] : memref<80x128xf32, #tpu.memory_space<vmem>> -> memref<72x128xf32, #tpu.memory_space<vmem>>
        %dma_wait3A_67 = arith.constant 0 : i32
        %dma_wait3A_68 = tpu.memref_slice %arg11[%add3A_54, %dma_wait3A_67] : memref<10016x128xf32, #tpu.memory_space<vmem_shared>> -> memref<72x128xf32, #tpu.memory_space<vmem_shared>>
        %dma_wait3A_69 = arith.constant 0 : i32
        %dma_wait3A_70 = tpu.memref_slice %arg11[%add3A_54, %dma_wait3A_69] : memref<10016x128xf32, #tpu.memory_space<vmem_shared>> -> memref<72x128xf32, #tpu.memory_space<vmem_shared>>
        %dma_wait3A_71 = arith.constant 0 : i32
        %dma_wait3A_72 = arith.constant 0 : i32
        %dma_wait3A_73 = tpu.memref_slice %arg9[%dma_wait3A_71, %dma_wait3A_72] : memref<80x128xf32, #tpu.memory_space<vmem>> -> memref<72x128xf32, #tpu.memory_space<vmem>>
        tpu.wait_dma2 semaphore(%run_scoped3A : memref<!tpu.dma_semaphore, #tpu.memory_space<semaphore_mem>>) src(%dma_wait3A_73 : memref<72x128xf32, #tpu.memory_space<vmem>>) dst(%dma_wait3A_70 : memref<72x128xf32, #tpu.memory_space<vmem_shared>>)
        tpu.yield
      }) : () -> ()
    } else {
    }
    %eq3A = arith.constant 15 : i32
    %eq3A_3 = arith.cmpi eq, %arg1, %eq3A : i32
    %convert_element_type3A_4 = arith.extui %eq3A_3 : i1 to i32
    %cond3A_5 = arith.constant 0 : i32
    %cond3A_6 = arith.cmpi ne, %convert_element_type3A_4, %cond3A_5 : i32
    scf.if %cond3A_6 {
      %mul3A_37 = arith.constant 632 : i32
      %mul3A_38 = arith.muli %arg1, %mul3A_37 : i32
      %add3A_39 = arith.constant 0 : i32
      %add3A_40 = arith.addi %mul3A_38, %add3A_39 : i32
      "tpu.region"() ({
        %run_scoped3A = tpu.sem_alloc : memref<!tpu.dma_semaphore, #tpu.memory_space<semaphore_mem>>
        %dma_start3A_53 = arith.constant 0 : i32
        %dma_start3A_54 = arith.constant 0 : i32
        %dma_start3A_55 = tpu.memref_slice %arg9[%dma_start3A_53, %dma_start3A_54] : memref<80x128xf32, #tpu.memory_space<vmem>> -> memref<80x128xf32, #tpu.memory_space<vmem>>
        %dma_start3A_56 = arith.constant 0 : i32
        %dma_start3A_57 = tpu.memref_slice %arg11[%add3A_40, %dma_start3A_56] : memref<10016x128xf32, #tpu.memory_space<vmem_shared>> -> memref<80x128xf32, #tpu.memory_space<vmem_shared>>
        %dma_start3A_58 = arith.constant 0 : i32
        %dma_start3A_59 = tpu.memref_slice %arg11[%add3A_40, %dma_start3A_58] : memref<10016x128xf32, #tpu.memory_space<vmem_shared>> -> memref<80x128xf32, #tpu.memory_space<vmem_shared>>
        %dma_start3A_60 = arith.constant 0 : i32
        %dma_start3A_61 = arith.constant 0 : i32
        %dma_start3A_62 = tpu.memref_slice %arg9[%dma_start3A_60, %dma_start3A_61] : memref<80x128xf32, #tpu.memory_space<vmem>> -> memref<80x128xf32, #tpu.memory_space<vmem>>
        tpu.enqueue_dma source(%dma_start3A_62 : memref<80x128xf32, #tpu.memory_space<vmem>>) target(%dma_start3A_59 : memref<80x128xf32, #tpu.memory_space<vmem_shared>>) target_semaphore(%run_scoped3A : memref<!tpu.dma_semaphore, #tpu.memory_space<semaphore_mem>>)
        %dma_wait3A = arith.constant 0 : i32
        %dma_wait3A_63 = arith.constant 0 : i32
        %dma_wait3A_64 = tpu.memref_slice %arg9[%dma_wait3A, %dma_wait3A_63] : memref<80x128xf32, #tpu.memory_space<vmem>> -> memref<80x128xf32, #tpu.memory_space<vmem>>
        %dma_wait3A_65 = arith.constant 0 : i32
        %dma_wait3A_66 = tpu.memref_slice %arg11[%add3A_40, %dma_wait3A_65] : memref<10016x128xf32, #tpu.memory_space<vmem_shared>> -> memref<80x128xf32, #tpu.memory_space<vmem_shared>>
        %dma_wait3A_67 = arith.constant 0 : i32
        %dma_wait3A_68 = tpu.memref_slice %arg11[%add3A_40, %dma_wait3A_67] : memref<10016x128xf32, #tpu.memory_space<vmem_shared>> -> memref<80x128xf32, #tpu.memory_space<vmem_shared>>
        %dma_wait3A_69 = arith.constant 0 : i32
        %dma_wait3A_70 = arith.constant 0 : i32
        %dma_wait3A_71 = tpu.memref_slice %arg9[%dma_wait3A_69, %dma_wait3A_70] : memref<80x128xf32, #tpu.memory_space<vmem>> -> memref<80x128xf32, #tpu.memory_space<vmem>>
        tpu.wait_dma2 semaphore(%run_scoped3A : memref<!tpu.dma_semaphore, #tpu.memory_space<semaphore_mem>>) src(%dma_wait3A_71 : memref<80x128xf32, #tpu.memory_space<vmem>>) dst(%dma_wait3A_68 : memref<80x128xf32, #tpu.memory_space<vmem_shared>>)
        tpu.yield
      }) : () -> ()
      %add3A_41 = arith.constant 80 : i32
      %add3A_42 = arith.addi %mul3A_38, %add3A_41 : i32
      "tpu.region"() ({
        %run_scoped3A = tpu.sem_alloc : memref<!tpu.dma_semaphore, #tpu.memory_space<semaphore_mem>>
        %dma_start3A_53 = arith.constant 0 : i32
        %dma_start3A_54 = arith.constant 0 : i32
        %dma_start3A_55 = tpu.memref_slice %arg9[%dma_start3A_53, %dma_start3A_54] : memref<80x128xf32, #tpu.memory_space<vmem>> -> memref<80x128xf32, #tpu.memory_space<vmem>>
        %dma_start3A_56 = arith.constant 0 : i32
        %dma_start3A_57 = tpu.memref_slice %arg11[%add3A_42, %dma_start3A_56] : memref<10016x128xf32, #tpu.memory_space<vmem_shared>> -> memref<80x128xf32, #tpu.memory_space<vmem_shared>>
        %dma_start3A_58 = arith.constant 0 : i32
        %dma_start3A_59 = tpu.memref_slice %arg11[%add3A_42, %dma_start3A_58] : memref<10016x128xf32, #tpu.memory_space<vmem_shared>> -> memref<80x128xf32, #tpu.memory_space<vmem_shared>>
        %dma_start3A_60 = arith.constant 0 : i32
        %dma_start3A_61 = arith.constant 0 : i32
        %dma_start3A_62 = tpu.memref_slice %arg9[%dma_start3A_60, %dma_start3A_61] : memref<80x128xf32, #tpu.memory_space<vmem>> -> memref<80x128xf32, #tpu.memory_space<vmem>>
        tpu.enqueue_dma source(%dma_start3A_62 : memref<80x128xf32, #tpu.memory_space<vmem>>) target(%dma_start3A_59 : memref<80x128xf32, #tpu.memory_space<vmem_shared>>) target_semaphore(%run_scoped3A : memref<!tpu.dma_semaphore, #tpu.memory_space<semaphore_mem>>)
        %dma_wait3A = arith.constant 0 : i32
        %dma_wait3A_63 = arith.constant 0 : i32
        %dma_wait3A_64 = tpu.memref_slice %arg9[%dma_wait3A, %dma_wait3A_63] : memref<80x128xf32, #tpu.memory_space<vmem>> -> memref<80x128xf32, #tpu.memory_space<vmem>>
        %dma_wait3A_65 = arith.constant 0 : i32
        %dma_wait3A_66 = tpu.memref_slice %arg11[%add3A_42, %dma_wait3A_65] : memref<10016x128xf32, #tpu.memory_space<vmem_shared>> -> memref<80x128xf32, #tpu.memory_space<vmem_shared>>
        %dma_wait3A_67 = arith.constant 0 : i32
        %dma_wait3A_68 = tpu.memref_slice %arg11[%add3A_42, %dma_wait3A_67] : memref<10016x128xf32, #tpu.memory_space<vmem_shared>> -> memref<80x128xf32, #tpu.memory_space<vmem_shared>>
        %dma_wait3A_69 = arith.constant 0 : i32
        %dma_wait3A_70 = arith.constant 0 : i32
        %dma_wait3A_71 = tpu.memref_slice %arg9[%dma_wait3A_69, %dma_wait3A_70] : memref<80x128xf32, #tpu.memory_space<vmem>> -> memref<80x128xf32, #tpu.memory_space<vmem>>
        tpu.wait_dma2 semaphore(%run_scoped3A : memref<!tpu.dma_semaphore, #tpu.memory_space<semaphore_mem>>) src(%dma_wait3A_71 : memref<80x128xf32, #tpu.memory_space<vmem>>) dst(%dma_wait3A_68 : memref<80x128xf32, #tpu.memory_space<vmem_shared>>)
        tpu.yield
      }) : () -> ()
      %add3A_43 = arith.constant 160 : i32
      %add3A_44 = arith.addi %mul3A_38, %add3A_43 : i32
      "tpu.region"() ({
        %run_scoped3A = tpu.sem_alloc : memref<!tpu.dma_semaphore, #tpu.memory_space<semaphore_mem>>
        %dma_start3A_53 = arith.constant 0 : i32
        %dma_start3A_54 = arith.constant 0 : i32
        %dma_start3A_55 = tpu.memref_slice %arg9[%dma_start3A_53, %dma_start3A_54] : memref<80x128xf32, #tpu.memory_space<vmem>> -> memref<80x128xf32, #tpu.memory_space<vmem>>
        %dma_start3A_56 = arith.constant 0 : i32
        %dma_start3A_57 = tpu.memref_slice %arg11[%add3A_44, %dma_start3A_56] : memref<10016x128xf32, #tpu.memory_space<vmem_shared>> -> memref<80x128xf32, #tpu.memory_space<vmem_shared>>
        %dma_start3A_58 = arith.constant 0 : i32
        %dma_start3A_59 = tpu.memref_slice %arg11[%add3A_44, %dma_start3A_58] : memref<10016x128xf32, #tpu.memory_space<vmem_shared>> -> memref<80x128xf32, #tpu.memory_space<vmem_shared>>
        %dma_start3A_60 = arith.constant 0 : i32
        %dma_start3A_61 = arith.constant 0 : i32
        %dma_start3A_62 = tpu.memref_slice %arg9[%dma_start3A_60, %dma_start3A_61] : memref<80x128xf32, #tpu.memory_space<vmem>> -> memref<80x128xf32, #tpu.memory_space<vmem>>
        tpu.enqueue_dma source(%dma_start3A_62 : memref<80x128xf32, #tpu.memory_space<vmem>>) target(%dma_start3A_59 : memref<80x128xf32, #tpu.memory_space<vmem_shared>>) target_semaphore(%run_scoped3A : memref<!tpu.dma_semaphore, #tpu.memory_space<semaphore_mem>>)
        %dma_wait3A = arith.constant 0 : i32
        %dma_wait3A_63 = arith.constant 0 : i32
        %dma_wait3A_64 = tpu.memref_slice %arg9[%dma_wait3A, %dma_wait3A_63] : memref<80x128xf32, #tpu.memory_space<vmem>> -> memref<80x128xf32, #tpu.memory_space<vmem>>
        %dma_wait3A_65 = arith.constant 0 : i32
        %dma_wait3A_66 = tpu.memref_slice %arg11[%add3A_44, %dma_wait3A_65] : memref<10016x128xf32, #tpu.memory_space<vmem_shared>> -> memref<80x128xf32, #tpu.memory_space<vmem_shared>>
        %dma_wait3A_67 = arith.constant 0 : i32
        %dma_wait3A_68 = tpu.memref_slice %arg11[%add3A_44, %dma_wait3A_67] : memref<10016x128xf32, #tpu.memory_space<vmem_shared>> -> memref<80x128xf32, #tpu.memory_space<vmem_shared>>
        %dma_wait3A_69 = arith.constant 0 : i32
        %dma_wait3A_70 = arith.constant 0 : i32
        %dma_wait3A_71 = tpu.memref_slice %arg9[%dma_wait3A_69, %dma_wait3A_70] : memref<80x128xf32, #tpu.memory_space<vmem>> -> memref<80x128xf32, #tpu.memory_space<vmem>>
        tpu.wait_dma2 semaphore(%run_scoped3A : memref<!tpu.dma_semaphore, #tpu.memory_space<semaphore_mem>>) src(%dma_wait3A_71 : memref<80x128xf32, #tpu.memory_space<vmem>>) dst(%dma_wait3A_68 : memref<80x128xf32, #tpu.memory_space<vmem_shared>>)
        tpu.yield
      }) : () -> ()
      %add3A_45 = arith.constant 240 : i32
      %add3A_46 = arith.addi %mul3A_38, %add3A_45 : i32
      "tpu.region"() ({
        %run_scoped3A = tpu.sem_alloc : memref<!tpu.dma_semaphore, #tpu.memory_space<semaphore_mem>>
        %dma_start3A_53 = arith.constant 0 : i32
        %dma_start3A_54 = arith.constant 0 : i32
        %dma_start3A_55 = tpu.memref_slice %arg9[%dma_start3A_53, %dma_start3A_54] : memref<80x128xf32, #tpu.memory_space<vmem>> -> memref<80x128xf32, #tpu.memory_space<vmem>>
        %dma_start3A_56 = arith.constant 0 : i32
        %dma_start3A_57 = tpu.memref_slice %arg11[%add3A_46, %dma_start3A_56] : memref<10016x128xf32, #tpu.memory_space<vmem_shared>> -> memref<80x128xf32, #tpu.memory_space<vmem_shared>>
        %dma_start3A_58 = arith.constant 0 : i32
        %dma_start3A_59 = tpu.memref_slice %arg11[%add3A_46, %dma_start3A_58] : memref<10016x128xf32, #tpu.memory_space<vmem_shared>> -> memref<80x128xf32, #tpu.memory_space<vmem_shared>>
        %dma_start3A_60 = arith.constant 0 : i32
        %dma_start3A_61 = arith.constant 0 : i32
        %dma_start3A_62 = tpu.memref_slice %arg9[%dma_start3A_60, %dma_start3A_61] : memref<80x128xf32, #tpu.memory_space<vmem>> -> memref<80x128xf32, #tpu.memory_space<vmem>>
        tpu.enqueue_dma source(%dma_start3A_62 : memref<80x128xf32, #tpu.memory_space<vmem>>) target(%dma_start3A_59 : memref<80x128xf32, #tpu.memory_space<vmem_shared>>) target_semaphore(%run_scoped3A : memref<!tpu.dma_semaphore, #tpu.memory_space<semaphore_mem>>)
        %dma_wait3A = arith.constant 0 : i32
        %dma_wait3A_63 = arith.constant 0 : i32
        %dma_wait3A_64 = tpu.memref_slice %arg9[%dma_wait3A, %dma_wait3A_63] : memref<80x128xf32, #tpu.memory_space<vmem>> -> memref<80x128xf32, #tpu.memory_space<vmem>>
        %dma_wait3A_65 = arith.constant 0 : i32
        %dma_wait3A_66 = tpu.memref_slice %arg11[%add3A_46, %dma_wait3A_65] : memref<10016x128xf32, #tpu.memory_space<vmem_shared>> -> memref<80x128xf32, #tpu.memory_space<vmem_shared>>
        %dma_wait3A_67 = arith.constant 0 : i32
        %dma_wait3A_68 = tpu.memref_slice %arg11[%add3A_46, %dma_wait3A_67] : memref<10016x128xf32, #tpu.memory_space<vmem_shared>> -> memref<80x128xf32, #tpu.memory_space<vmem_shared>>
        %dma_wait3A_69 = arith.constant 0 : i32
        %dma_wait3A_70 = arith.constant 0 : i32
        %dma_wait3A_71 = tpu.memref_slice %arg9[%dma_wait3A_69, %dma_wait3A_70] : memref<80x128xf32, #tpu.memory_space<vmem>> -> memref<80x128xf32, #tpu.memory_space<vmem>>
        tpu.wait_dma2 semaphore(%run_scoped3A : memref<!tpu.dma_semaphore, #tpu.memory_space<semaphore_mem>>) src(%dma_wait3A_71 : memref<80x128xf32, #tpu.memory_space<vmem>>) dst(%dma_wait3A_68 : memref<80x128xf32, #tpu.memory_space<vmem_shared>>)
        tpu.yield
      }) : () -> ()
      %add3A_47 = arith.constant 320 : i32
      %add3A_48 = arith.addi %mul3A_38, %add3A_47 : i32
      "tpu.region"() ({
        %run_scoped3A = tpu.sem_alloc : memref<!tpu.dma_semaphore, #tpu.memory_space<semaphore_mem>>
        %dma_start3A_53 = arith.constant 0 : i32
        %dma_start3A_54 = arith.constant 0 : i32
        %dma_start3A_55 = tpu.memref_slice %arg9[%dma_start3A_53, %dma_start3A_54] : memref<80x128xf32, #tpu.memory_space<vmem>> -> memref<80x128xf32, #tpu.memory_space<vmem>>
        %dma_start3A_56 = arith.constant 0 : i32
        %dma_start3A_57 = tpu.memref_slice %arg11[%add3A_48, %dma_start3A_56] : memref<10016x128xf32, #tpu.memory_space<vmem_shared>> -> memref<80x128xf32, #tpu.memory_space<vmem_shared>>
        %dma_start3A_58 = arith.constant 0 : i32
        %dma_start3A_59 = tpu.memref_slice %arg11[%add3A_48, %dma_start3A_58] : memref<10016x128xf32, #tpu.memory_space<vmem_shared>> -> memref<80x128xf32, #tpu.memory_space<vmem_shared>>
        %dma_start3A_60 = arith.constant 0 : i32
        %dma_start3A_61 = arith.constant 0 : i32
        %dma_start3A_62 = tpu.memref_slice %arg9[%dma_start3A_60, %dma_start3A_61] : memref<80x128xf32, #tpu.memory_space<vmem>> -> memref<80x128xf32, #tpu.memory_space<vmem>>
        tpu.enqueue_dma source(%dma_start3A_62 : memref<80x128xf32, #tpu.memory_space<vmem>>) target(%dma_start3A_59 : memref<80x128xf32, #tpu.memory_space<vmem_shared>>) target_semaphore(%run_scoped3A : memref<!tpu.dma_semaphore, #tpu.memory_space<semaphore_mem>>)
        %dma_wait3A = arith.constant 0 : i32
        %dma_wait3A_63 = arith.constant 0 : i32
        %dma_wait3A_64 = tpu.memref_slice %arg9[%dma_wait3A, %dma_wait3A_63] : memref<80x128xf32, #tpu.memory_space<vmem>> -> memref<80x128xf32, #tpu.memory_space<vmem>>
        %dma_wait3A_65 = arith.constant 0 : i32
        %dma_wait3A_66 = tpu.memref_slice %arg11[%add3A_48, %dma_wait3A_65] : memref<10016x128xf32, #tpu.memory_space<vmem_shared>> -> memref<80x128xf32, #tpu.memory_space<vmem_shared>>
        %dma_wait3A_67 = arith.constant 0 : i32
        %dma_wait3A_68 = tpu.memref_slice %arg11[%add3A_48, %dma_wait3A_67] : memref<10016x128xf32, #tpu.memory_space<vmem_shared>> -> memref<80x128xf32, #tpu.memory_space<vmem_shared>>
        %dma_wait3A_69 = arith.constant 0 : i32
        %dma_wait3A_70 = arith.constant 0 : i32
        %dma_wait3A_71 = tpu.memref_slice %arg9[%dma_wait3A_69, %dma_wait3A_70] : memref<80x128xf32, #tpu.memory_space<vmem>> -> memref<80x128xf32, #tpu.memory_space<vmem>>
        tpu.wait_dma2 semaphore(%run_scoped3A : memref<!tpu.dma_semaphore, #tpu.memory_space<semaphore_mem>>) src(%dma_wait3A_71 : memref<80x128xf32, #tpu.memory_space<vmem>>) dst(%dma_wait3A_68 : memref<80x128xf32, #tpu.memory_space<vmem_shared>>)
        tpu.yield
      }) : () -> ()
      %add3A_49 = arith.constant 400 : i32
      %add3A_50 = arith.addi %mul3A_38, %add3A_49 : i32
      "tpu.region"() ({
        %run_scoped3A = tpu.sem_alloc : memref<!tpu.dma_semaphore, #tpu.memory_space<semaphore_mem>>
        %dma_start3A_53 = arith.constant 0 : i32
        %dma_start3A_54 = arith.constant 0 : i32
        %dma_start3A_55 = tpu.memref_slice %arg9[%dma_start3A_53, %dma_start3A_54] : memref<80x128xf32, #tpu.memory_space<vmem>> -> memref<80x128xf32, #tpu.memory_space<vmem>>
        %dma_start3A_56 = arith.constant 0 : i32
        %dma_start3A_57 = tpu.memref_slice %arg11[%add3A_50, %dma_start3A_56] : memref<10016x128xf32, #tpu.memory_space<vmem_shared>> -> memref<80x128xf32, #tpu.memory_space<vmem_shared>>
        %dma_start3A_58 = arith.constant 0 : i32
        %dma_start3A_59 = tpu.memref_slice %arg11[%add3A_50, %dma_start3A_58] : memref<10016x128xf32, #tpu.memory_space<vmem_shared>> -> memref<80x128xf32, #tpu.memory_space<vmem_shared>>
        %dma_start3A_60 = arith.constant 0 : i32
        %dma_start3A_61 = arith.constant 0 : i32
        %dma_start3A_62 = tpu.memref_slice %arg9[%dma_start3A_60, %dma_start3A_61] : memref<80x128xf32, #tpu.memory_space<vmem>> -> memref<80x128xf32, #tpu.memory_space<vmem>>
        tpu.enqueue_dma source(%dma_start3A_62 : memref<80x128xf32, #tpu.memory_space<vmem>>) target(%dma_start3A_59 : memref<80x128xf32, #tpu.memory_space<vmem_shared>>) target_semaphore(%run_scoped3A : memref<!tpu.dma_semaphore, #tpu.memory_space<semaphore_mem>>)
        %dma_wait3A = arith.constant 0 : i32
        %dma_wait3A_63 = arith.constant 0 : i32
        %dma_wait3A_64 = tpu.memref_slice %arg9[%dma_wait3A, %dma_wait3A_63] : memref<80x128xf32, #tpu.memory_space<vmem>> -> memref<80x128xf32, #tpu.memory_space<vmem>>
        %dma_wait3A_65 = arith.constant 0 : i32
        %dma_wait3A_66 = tpu.memref_slice %arg11[%add3A_50, %dma_wait3A_65] : memref<10016x128xf32, #tpu.memory_space<vmem_shared>> -> memref<80x128xf32, #tpu.memory_space<vmem_shared>>
        %dma_wait3A_67 = arith.constant 0 : i32
        %dma_wait3A_68 = tpu.memref_slice %arg11[%add3A_50, %dma_wait3A_67] : memref<10016x128xf32, #tpu.memory_space<vmem_shared>> -> memref<80x128xf32, #tpu.memory_space<vmem_shared>>
        %dma_wait3A_69 = arith.constant 0 : i32
        %dma_wait3A_70 = arith.constant 0 : i32
        %dma_wait3A_71 = tpu.memref_slice %arg9[%dma_wait3A_69, %dma_wait3A_70] : memref<80x128xf32, #tpu.memory_space<vmem>> -> memref<80x128xf32, #tpu.memory_space<vmem>>
        tpu.wait_dma2 semaphore(%run_scoped3A : memref<!tpu.dma_semaphore, #tpu.memory_space<semaphore_mem>>) src(%dma_wait3A_71 : memref<80x128xf32, #tpu.memory_space<vmem>>) dst(%dma_wait3A_68 : memref<80x128xf32, #tpu.memory_space<vmem_shared>>)
        tpu.yield
      }) : () -> ()
      %add3A_51 = arith.constant 480 : i32
      %add3A_52 = arith.addi %mul3A_38, %add3A_51 : i32
      "tpu.region"() ({
        %run_scoped3A = tpu.sem_alloc : memref<!tpu.dma_semaphore, #tpu.memory_space<semaphore_mem>>
        %dma_start3A_53 = arith.constant 0 : i32
        %dma_start3A_54 = arith.constant 0 : i32
        %dma_start3A_55 = tpu.memref_slice %arg9[%dma_start3A_53, %dma_start3A_54] : memref<80x128xf32, #tpu.memory_space<vmem>> -> memref<56x128xf32, #tpu.memory_space<vmem>>
        %dma_start3A_56 = arith.constant 0 : i32
        %dma_start3A_57 = tpu.memref_slice %arg11[%add3A_52, %dma_start3A_56] : memref<10016x128xf32, #tpu.memory_space<vmem_shared>> -> memref<56x128xf32, #tpu.memory_space<vmem_shared>>
        %dma_start3A_58 = arith.constant 0 : i32
        %dma_start3A_59 = tpu.memref_slice %arg11[%add3A_52, %dma_start3A_58] : memref<10016x128xf32, #tpu.memory_space<vmem_shared>> -> memref<56x128xf32, #tpu.memory_space<vmem_shared>>
        %dma_start3A_60 = arith.constant 0 : i32
        %dma_start3A_61 = arith.constant 0 : i32
        %dma_start3A_62 = tpu.memref_slice %arg9[%dma_start3A_60, %dma_start3A_61] : memref<80x128xf32, #tpu.memory_space<vmem>> -> memref<56x128xf32, #tpu.memory_space<vmem>>
        tpu.enqueue_dma source(%dma_start3A_62 : memref<56x128xf32, #tpu.memory_space<vmem>>) target(%dma_start3A_59 : memref<56x128xf32, #tpu.memory_space<vmem_shared>>) target_semaphore(%run_scoped3A : memref<!tpu.dma_semaphore, #tpu.memory_space<semaphore_mem>>)
        %dma_wait3A = arith.constant 0 : i32
        %dma_wait3A_63 = arith.constant 0 : i32
        %dma_wait3A_64 = tpu.memref_slice %arg9[%dma_wait3A, %dma_wait3A_63] : memref<80x128xf32, #tpu.memory_space<vmem>> -> memref<56x128xf32, #tpu.memory_space<vmem>>
        %dma_wait3A_65 = arith.constant 0 : i32
        %dma_wait3A_66 = tpu.memref_slice %arg11[%add3A_52, %dma_wait3A_65] : memref<10016x128xf32, #tpu.memory_space<vmem_shared>> -> memref<56x128xf32, #tpu.memory_space<vmem_shared>>
        %dma_wait3A_67 = arith.constant 0 : i32
        %dma_wait3A_68 = tpu.memref_slice %arg11[%add3A_52, %dma_wait3A_67] : memref<10016x128xf32, #tpu.memory_space<vmem_shared>> -> memref<56x128xf32, #tpu.memory_space<vmem_shared>>
        %dma_wait3A_69 = arith.constant 0 : i32
        %dma_wait3A_70 = arith.constant 0 : i32
        %dma_wait3A_71 = tpu.memref_slice %arg9[%dma_wait3A_69, %dma_wait3A_70] : memref<80x128xf32, #tpu.memory_space<vmem>> -> memref<56x128xf32, #tpu.memory_space<vmem>>
        tpu.wait_dma2 semaphore(%run_scoped3A : memref<!tpu.dma_semaphore, #tpu.memory_space<semaphore_mem>>) src(%dma_wait3A_71 : memref<56x128xf32, #tpu.memory_space<vmem>>) dst(%dma_wait3A_68 : memref<56x128xf32, #tpu.memory_space<vmem_shared>>)
        tpu.yield
      }) : () -> ()
    } else {
    }
    %barrier3A = arith.constant 0 : index
    tpu.barrier barrier_id(%barrier3A)
    %mul3A_7 = arith.constant 64 : i32
    %mul3A_8 = arith.muli %add3A, %mul3A_7 : i32
    %mul3A_9 = arith.constant 64 : i32
    %mul3A_10 = arith.muli %add3A, %mul3A_9 : i32
    %add3A_11 = arith.constant 0 : i32
    %add3A_12 = arith.addi %mul3A_8, %add3A_11 : i32
    "tpu.region"() ({
      %run_scoped3A = tpu.sem_alloc : memref<!tpu.dma_semaphore, #tpu.memory_space<semaphore_mem>>
      %dma_start3A_37 = arith.constant 0 : i32
      %dma_start3A_38 = tpu.memref_slice %arg3[%add3A_12, %dma_start3A_37] : memref<4096x80xi32, #tpu.memory_space<hbm>> -> memref<64x80xi32, #tpu.memory_space<hbm>>
      %dma_start3A_39 = arith.constant 0 : i32
      %dma_start3A_40 = tpu.memref_slice %arg3[%add3A_12, %dma_start3A_39] : memref<4096x80xi32, #tpu.memory_space<hbm>> -> memref<64x80xi32, #tpu.memory_space<hbm>>
      tpu.enqueue_dma source(%dma_start3A_40 : memref<64x80xi32, #tpu.memory_space<hbm>>) target(%arg7 : memref<64x80xi32, #tpu.memory_space<vmem>>) target_semaphore(%run_scoped3A : memref<!tpu.dma_semaphore, #tpu.memory_space<semaphore_mem>>)
      %dma_wait3A = arith.constant 0 : i32
      %dma_wait3A_41 = tpu.memref_slice %arg3[%add3A_12, %dma_wait3A] : memref<4096x80xi32, #tpu.memory_space<hbm>> -> memref<64x80xi32, #tpu.memory_space<hbm>>
      %dma_wait3A_42 = arith.constant 0 : i32
      %dma_wait3A_43 = tpu.memref_slice %arg3[%add3A_12, %dma_wait3A_42] : memref<4096x80xi32, #tpu.memory_space<hbm>> -> memref<64x80xi32, #tpu.memory_space<hbm>>
      tpu.wait_dma2 semaphore(%run_scoped3A : memref<!tpu.dma_semaphore, #tpu.memory_space<semaphore_mem>>) src(%dma_wait3A_43 : memref<64x80xi32, #tpu.memory_space<hbm>>) dst(%arg7 : memref<64x80xi32, #tpu.memory_space<vmem>>)
      tpu.yield
    }) : () -> ()
    %add3A_13 = arith.constant 0 : i32
    %add3A_14 = arith.addi %mul3A_10, %add3A_13 : i32
    "tpu.region"() ({
      %run_scoped3A = tpu.sem_alloc : memref<!tpu.dma_semaphore, #tpu.memory_space<semaphore_mem>>
      %dma_start3A_37 = arith.constant 0 : i32
      %dma_start3A_38 = tpu.memref_slice %arg4[%add3A_14, %dma_start3A_37] : memref<2048x80xi32, #tpu.memory_space<hbm>> -> memref<64x80xi32, #tpu.memory_space<hbm>>
      %dma_start3A_39 = arith.constant 0 : i32
      %dma_start3A_40 = tpu.memref_slice %arg4[%add3A_14, %dma_start3A_39] : memref<2048x80xi32, #tpu.memory_space<hbm>> -> memref<64x80xi32, #tpu.memory_space<hbm>>
      tpu.enqueue_dma source(%dma_start3A_40 : memref<64x80xi32, #tpu.memory_space<hbm>>) target(%arg8 : memref<64x80xi32, #tpu.memory_space<vmem>>) target_semaphore(%run_scoped3A : memref<!tpu.dma_semaphore, #tpu.memory_space<semaphore_mem>>)
      %dma_wait3A = arith.constant 0 : i32
      %dma_wait3A_41 = tpu.memref_slice %arg4[%add3A_14, %dma_wait3A] : memref<2048x80xi32, #tpu.memory_space<hbm>> -> memref<64x80xi32, #tpu.memory_space<hbm>>
      %dma_wait3A_42 = arith.constant 0 : i32
      %dma_wait3A_43 = tpu.memref_slice %arg4[%add3A_14, %dma_wait3A_42] : memref<2048x80xi32, #tpu.memory_space<hbm>> -> memref<64x80xi32, #tpu.memory_space<hbm>>
      tpu.wait_dma2 semaphore(%run_scoped3A : memref<!tpu.dma_semaphore, #tpu.memory_space<semaphore_mem>>) src(%dma_wait3A_43 : memref<64x80xi32, #tpu.memory_space<hbm>>) dst(%arg8 : memref<64x80xi32, #tpu.memory_space<vmem>>)
      tpu.yield
    }) : () -> ()
    %dma_start3A = arith.constant 0 : i32
    %dma_start3A_15 = arith.constant 0 : i32
    %dma_start3A_16 = tpu.memref_slice %arg7[%dma_start3A, %dma_start3A_15] : memref<64x80xi32, #tpu.memory_space<vmem>> -> memref<1x80xi32, #tpu.memory_space<vmem>>
    %dma_start3A_17 = tpu.memref_squeeze %dma_start3A_16 : memref<1x80xi32, #tpu.memory_space<vmem>> -> memref<80xi32, #tpu.memory_space<vmem>>
    %dma_start3A_18 = arith.constant 0 : i32
    %dma_start3A_19 = arith.constant 0 : i32
    %dma_start3A_20 = tpu.memref_slice %arg2[%dma_start3A_18, %dma_start3A_19] : memref<10000x128xf32, #tpu.memory_space<hbm>> -> memref<10000x128xf32, #tpu.memory_space<hbm>>
    tpu.enqueue_indirect_dma source(%dma_start3A_20 : memref<10000x128xf32, #tpu.memory_space<hbm>>) target(%arg9 : memref<80x128xf32, #tpu.memory_space<vmem>>) offsets(%dma_start3A_17 : memref<80xi32, #tpu.memory_space<vmem>>) semaphore(%arg12 : memref<!tpu.dma_semaphore, #tpu.memory_space<semaphore_mem>>)
    %scan3A = arith.constant 0 : i32
    %scan3A_21 = arith.constant 0 : i32
    %scan3A_22 = arith.constant 32 : i32
    %scan3A_23 = arith.addi %scan3A_21, %scan3A_22 : i32
    %scan3A_24 = arith.constant 1 : i32
    scf.for %scan3A_37 = %scan3A_21 to %scan3A_23 step %scan3A_24  : i32 {
      %mul3A_38 = arith.constant 2 : i32
      %mul3A_39 = arith.muli %mul3A_38, %scan3A_37 : i32
      %add3A_40 = arith.constant 0 : i32
      %add3A_41 = arith.addi %mul3A_39, %add3A_40 : i32
      %add3A_42 = arith.constant 2 : i32
      %add3A_43 = arith.addi %add3A_41, %add3A_42 : i32
      %sub3A = arith.constant 1 : i32
      %sub3A_44 = arith.subi %add3A_43, %sub3A : i32
      %lt3A_45 = arith.constant 64 : i32
      %lt3A_46 = arith.cmpi slt, %sub3A_44, %lt3A_45 : i32
      %convert_element_type3A_47 = arith.extui %lt3A_46 : i1 to i32
      %cond3A_48 = arith.constant 0 : i32
      %cond3A_49 = arith.cmpi ne, %convert_element_type3A_47, %cond3A_48 : i32
      scf.if %cond3A_49 {
        %add3A_76 = arith.constant 2 : i32
        %add3A_77 = arith.addi %add3A_41, %add3A_76 : i32
        %sub3A_78 = arith.constant 1 : i32
        %sub3A_79 = arith.subi %add3A_77, %sub3A_78 : i32
        %dma_start3A_80 = arith.constant 0 : i32
        %dma_start3A_81 = tpu.memref_slice %arg7[%sub3A_79, %dma_start3A_80] : memref<64x80xi32, #tpu.memory_space<vmem>> -> memref<1x80xi32, #tpu.memory_space<vmem>>
        %dma_start3A_82 = tpu.memref_squeeze %dma_start3A_81 : memref<1x80xi32, #tpu.memory_space<vmem>> -> memref<80xi32, #tpu.memory_space<vmem>>
        %dma_start3A_83 = arith.constant 0 : i32
        %dma_start3A_84 = arith.constant 0 : i32
        %dma_start3A_85 = tpu.memref_slice %arg2[%dma_start3A_83, %dma_start3A_84] : memref<10000x128xf32, #tpu.memory_space<hbm>> -> memref<10000x128xf32, #tpu.memory_space<hbm>>
        tpu.enqueue_indirect_dma source(%dma_start3A_85 : memref<10000x128xf32, #tpu.memory_space<hbm>>) target(%arg10 : memref<80x128xf32, #tpu.memory_space<vmem>>) offsets(%dma_start3A_82 : memref<80xi32, #tpu.memory_space<vmem>>) semaphore(%arg13 : memref<!tpu.dma_semaphore, #tpu.memory_space<semaphore_mem>>)
      } else {
      }
      %dma_wait3A = arith.constant 0 : i32
      %dma_wait3A_50 = arith.constant 0 : i32
      %dma_wait3A_51 = tpu.memref_slice %arg7[%dma_wait3A, %dma_wait3A_50] : memref<64x80xi32, #tpu.memory_space<vmem>> -> memref<1x80xi32, #tpu.memory_space<vmem>>
      %dma_wait3A_52 = tpu.memref_squeeze %dma_wait3A_51 : memref<1x80xi32, #tpu.memory_space<vmem>> -> memref<80xi32, #tpu.memory_space<vmem>>
      %dma_wait3A_53 = arith.constant 0 : i32
      %dma_wait3A_54 = arith.constant 0 : i32
      %dma_wait3A_55 = tpu.memref_slice %arg2[%dma_wait3A_53, %dma_wait3A_54] : memref<10000x128xf32, #tpu.memory_space<hbm>> -> memref<10000x128xf32, #tpu.memory_space<hbm>>
      tpu.wait_indirect_dma semaphore(%arg12 : memref<!tpu.dma_semaphore, #tpu.memory_space<semaphore_mem>>) src(%dma_wait3A_55 : memref<10000x128xf32, #tpu.memory_space<hbm>>) dst(%arg9 : memref<80x128xf32, #tpu.memory_space<vmem>>)
      "tpu.region"() ({
        %run_scoped3A = tpu.sem_alloc : memref<!tpu.dma_semaphore, #tpu.memory_space<semaphore_mem>>
        %dma_start3A_76 = arith.constant 0 : i32
        %dma_start3A_77 = tpu.memref_slice %arg8[%add3A_41, %dma_start3A_76] : memref<64x80xi32, #tpu.memory_space<vmem>> -> memref<1x80xi32, #tpu.memory_space<vmem>>
        %dma_start3A_78 = tpu.memref_squeeze %dma_start3A_77 : memref<1x80xi32, #tpu.memory_space<vmem>> -> memref<80xi32, #tpu.memory_space<vmem>>
        %dma_start3A_79 = arith.constant 0 : i32
        %dma_start3A_80 = arith.constant 0 : i32
        %dma_start3A_81 = tpu.memref_slice %arg11[%dma_start3A_79, %dma_start3A_80] : memref<10016x128xf32, #tpu.memory_space<vmem_shared>> -> memref<10016x128xf32, #tpu.memory_space<vmem_shared>>
        tpu.enqueue_indirect_dma source(%arg9 : memref<80x128xf32, #tpu.memory_space<vmem>>) target(%dma_start3A_81 : memref<10016x128xf32, #tpu.memory_space<vmem_shared>>) offsets(%dma_start3A_78 : memref<80xi32, #tpu.memory_space<vmem>>) semaphore(%run_scoped3A : memref<!tpu.dma_semaphore, #tpu.memory_space<semaphore_mem>>) {add = true}
        %dma_wait3A_82 = arith.constant 0 : i32
        %dma_wait3A_83 = tpu.memref_slice %arg8[%add3A_41, %dma_wait3A_82] : memref<64x80xi32, #tpu.memory_space<vmem>> -> memref<1x80xi32, #tpu.memory_space<vmem>>
        %dma_wait3A_84 = tpu.memref_squeeze %dma_wait3A_83 : memref<1x80xi32, #tpu.memory_space<vmem>> -> memref<80xi32, #tpu.memory_space<vmem>>
        %dma_wait3A_85 = arith.constant 0 : i32
        %dma_wait3A_86 = arith.constant 0 : i32
        %dma_wait3A_87 = tpu.memref_slice %arg11[%dma_wait3A_85, %dma_wait3A_86] : memref<10016x128xf32, #tpu.memory_space<vmem_shared>> -> memref<10016x128xf32, #tpu.memory_space<vmem_shared>>
        tpu.wait_indirect_dma semaphore(%run_scoped3A : memref<!tpu.dma_semaphore, #tpu.memory_space<semaphore_mem>>) src(%arg9 : memref<80x128xf32, #tpu.memory_space<vmem>>) dst(%dma_wait3A_87 : memref<10016x128xf32, #tpu.memory_space<vmem_shared>>)
        tpu.yield
      }) : () -> ()
      %mul3A_56 = arith.constant 2 : i32
      %mul3A_57 = arith.muli %mul3A_56, %scan3A_37 : i32
      %add3A_58 = arith.constant 1 : i32
      %add3A_59 = arith.addi %mul3A_57, %add3A_58 : i32
      %add3A_60 = arith.constant 2 : i32
      %add3A_61 = arith.addi %add3A_59, %add3A_60 : i32
      %sub3A_62 = arith.constant 1 : i32
      %sub3A_63 = arith.subi %add3A_61, %sub3A_62 : i32
      %lt3A_64 = arith.constant 64 : i32
      %lt3A_65 = arith.cmpi slt, %sub3A_63, %lt3A_64 : i32
      %convert_element_type3A_66 = arith.extui %lt3A_65 : i1 to i32
      %cond3A_67 = arith.constant 0 : i32
      %cond3A_68 = arith.cmpi ne, %convert_element_type3A_66, %cond3A_67 : i32
      scf.if %cond3A_68 {
        %add3A_76 = arith.constant 2 : i32
        %add3A_77 = arith.addi %add3A_59, %add3A_76 : i32
        %sub3A_78 = arith.constant 1 : i32
        %sub3A_79 = arith.subi %add3A_77, %sub3A_78 : i32
        %dma_start3A_80 = arith.constant 0 : i32
        %dma_start3A_81 = tpu.memref_slice %arg7[%sub3A_79, %dma_start3A_80] : memref<64x80xi32, #tpu.memory_space<vmem>> -> memref<1x80xi32, #tpu.memory_space<vmem>>
        %dma_start3A_82 = tpu.memref_squeeze %dma_start3A_81 : memref<1x80xi32, #tpu.memory_space<vmem>> -> memref<80xi32, #tpu.memory_space<vmem>>
        %dma_start3A_83 = arith.constant 0 : i32
        %dma_start3A_84 = arith.constant 0 : i32
        %dma_start3A_85 = tpu.memref_slice %arg2[%dma_start3A_83, %dma_start3A_84] : memref<10000x128xf32, #tpu.memory_space<hbm>> -> memref<10000x128xf32, #tpu.memory_space<hbm>>
        tpu.enqueue_indirect_dma source(%dma_start3A_85 : memref<10000x128xf32, #tpu.memory_space<hbm>>) target(%arg9 : memref<80x128xf32, #tpu.memory_space<vmem>>) offsets(%dma_start3A_82 : memref<80xi32, #tpu.memory_space<vmem>>) semaphore(%arg12 : memref<!tpu.dma_semaphore, #tpu.memory_space<semaphore_mem>>)
      } else {
      }
      %dma_wait3A_69 = arith.constant 0 : i32
      %dma_wait3A_70 = arith.constant 0 : i32
      %dma_wait3A_71 = tpu.memref_slice %arg7[%dma_wait3A_69, %dma_wait3A_70] : memref<64x80xi32, #tpu.memory_space<vmem>> -> memref<1x80xi32, #tpu.memory_space<vmem>>
      %dma_wait3A_72 = tpu.memref_squeeze %dma_wait3A_71 : memref<1x80xi32, #tpu.memory_space<vmem>> -> memref<80xi32, #tpu.memory_space<vmem>>
      %dma_wait3A_73 = arith.constant 0 : i32
      %dma_wait3A_74 = arith.constant 0 : i32
      %dma_wait3A_75 = tpu.memref_slice %arg2[%dma_wait3A_73, %dma_wait3A_74] : memref<10000x128xf32, #tpu.memory_space<hbm>> -> memref<10000x128xf32, #tpu.memory_space<hbm>>
      tpu.wait_indirect_dma semaphore(%arg13 : memref<!tpu.dma_semaphore, #tpu.memory_space<semaphore_mem>>) src(%dma_wait3A_75 : memref<10000x128xf32, #tpu.memory_space<hbm>>) dst(%arg10 : memref<80x128xf32, #tpu.memory_space<vmem>>)
      "tpu.region"() ({
        %run_scoped3A = tpu.sem_alloc : memref<!tpu.dma_semaphore, #tpu.memory_space<semaphore_mem>>
        %dma_start3A_76 = arith.constant 0 : i32
        %dma_start3A_77 = tpu.memref_slice %arg8[%add3A_59, %dma_start3A_76] : memref<64x80xi32, #tpu.memory_space<vmem>> -> memref<1x80xi32, #tpu.memory_space<vmem>>
        %dma_start3A_78 = tpu.memref_squeeze %dma_start3A_77 : memref<1x80xi32, #tpu.memory_space<vmem>> -> memref<80xi32, #tpu.memory_space<vmem>>
        %dma_start3A_79 = arith.constant 0 : i32
        %dma_start3A_80 = arith.constant 0 : i32
        %dma_start3A_81 = tpu.memref_slice %arg11[%dma_start3A_79, %dma_start3A_80] : memref<10016x128xf32, #tpu.memory_space<vmem_shared>> -> memref<10016x128xf32, #tpu.memory_space<vmem_shared>>
        tpu.enqueue_indirect_dma source(%arg10 : memref<80x128xf32, #tpu.memory_space<vmem>>) target(%dma_start3A_81 : memref<10016x128xf32, #tpu.memory_space<vmem_shared>>) offsets(%dma_start3A_78 : memref<80xi32, #tpu.memory_space<vmem>>) semaphore(%run_scoped3A : memref<!tpu.dma_semaphore, #tpu.memory_space<semaphore_mem>>) {add = true}
        %dma_wait3A_82 = arith.constant 0 : i32
        %dma_wait3A_83 = tpu.memref_slice %arg8[%add3A_59, %dma_wait3A_82] : memref<64x80xi32, #tpu.memory_space<vmem>> -> memref<1x80xi32, #tpu.memory_space<vmem>>
        %dma_wait3A_84 = tpu.memref_squeeze %dma_wait3A_83 : memref<1x80xi32, #tpu.memory_space<vmem>> -> memref<80xi32, #tpu.memory_space<vmem>>
        %dma_wait3A_85 = arith.constant 0 : i32
        %dma_wait3A_86 = arith.constant 0 : i32
        %dma_wait3A_87 = tpu.memref_slice %arg11[%dma_wait3A_85, %dma_wait3A_86] : memref<10016x128xf32, #tpu.memory_space<vmem_shared>> -> memref<10016x128xf32, #tpu.memory_space<vmem_shared>>
        tpu.wait_indirect_dma semaphore(%run_scoped3A : memref<!tpu.dma_semaphore, #tpu.memory_space<semaphore_mem>>) src(%arg10 : memref<80x128xf32, #tpu.memory_space<vmem>>) dst(%dma_wait3A_87 : memref<10016x128xf32, #tpu.memory_space<vmem_shared>>)
        tpu.yield
      }) : () -> ()
    }
    %scan3A_25 = arith.constant 32 : i32
    %barrier3A_26 = arith.constant 0 : index
    tpu.barrier barrier_id(%barrier3A_26)
    %lt3A_27 = arith.constant 15 : i32
    %lt3A_28 = arith.cmpi slt, %arg1, %lt3A_27 : i32
    %convert_element_type3A_29 = arith.extui %lt3A_28 : i1 to i32
    %cond3A_30 = arith.constant 0 : i32
    %cond3A_31 = arith.cmpi ne, %convert_element_type3A_29, %cond3A_30 : i32
    scf.if %cond3A_31 {
      %mul3A_37 = arith.constant 632 : i32
      %mul3A_38 = arith.muli %arg1, %mul3A_37 : i32
      %mul3A_39 = arith.constant 10000 : i32
      %mul3A_40 = arith.muli %arg0, %mul3A_39 : i32
      %mul3A_41 = arith.constant 632 : i32
      %mul3A_42 = arith.muli %arg1, %mul3A_41 : i32
      %add3A_43 = arith.addi %mul3A_40, %mul3A_42 : i32
      "tpu.region"() ({
        %run_scoped3A = tpu.sem_alloc : memref<!tpu.dma_semaphore, #tpu.memory_space<semaphore_mem>>
        %dma_start3A_44 = arith.constant 0 : i32
        %dma_start3A_45 = tpu.memref_slice %arg6[%add3A_43, %dma_start3A_44] : memref<20000x128xf32, #tpu.memory_space<hbm>> -> memref<632x128xf32, #tpu.memory_space<hbm>>
        %dma_start3A_46 = arith.constant 0 : i32
        %dma_start3A_47 = tpu.memref_slice %arg11[%mul3A_38, %dma_start3A_46] : memref<10016x128xf32, #tpu.memory_space<vmem_shared>> -> memref<632x128xf32, #tpu.memory_space<vmem_shared>>
        tpu.enqueue_dma source(%dma_start3A_47 : memref<632x128xf32, #tpu.memory_space<vmem_shared>>) target(%dma_start3A_45 : memref<632x128xf32, #tpu.memory_space<hbm>>) target_semaphore(%run_scoped3A : memref<!tpu.dma_semaphore, #tpu.memory_space<semaphore_mem>>)
        %dma_wait3A = arith.constant 0 : i32
        %dma_wait3A_48 = tpu.memref_slice %arg6[%add3A_43, %dma_wait3A] : memref<20000x128xf32, #tpu.memory_space<hbm>> -> memref<632x128xf32, #tpu.memory_space<hbm>>
        %dma_wait3A_49 = arith.constant 0 : i32
        %dma_wait3A_50 = tpu.memref_slice %arg11[%mul3A_38, %dma_wait3A_49] : memref<10016x128xf32, #tpu.memory_space<vmem_shared>> -> memref<632x128xf32, #tpu.memory_space<vmem_shared>>
        tpu.wait_dma2 semaphore(%run_scoped3A : memref<!tpu.dma_semaphore, #tpu.memory_space<semaphore_mem>>) src(%dma_wait3A_50 : memref<632x128xf32, #tpu.memory_space<vmem_shared>>) dst(%dma_wait3A_48 : memref<632x128xf32, #tpu.memory_space<hbm>>)
        tpu.yield
      }) : () -> ()
    } else {
    }
    %eq3A_32 = arith.constant 15 : i32
    %eq3A_33 = arith.cmpi eq, %arg1, %eq3A_32 : i32
    %convert_element_type3A_34 = arith.extui %eq3A_33 : i1 to i32
    %cond3A_35 = arith.constant 0 : i32
    %cond3A_36 = arith.cmpi ne, %convert_element_type3A_34, %cond3A_35 : i32
    scf.if %cond3A_36 {
      %mul3A_37 = arith.constant 10000 : i32
      %mul3A_38 = arith.muli %arg0, %mul3A_37 : i32
      %add3A_39 = arith.constant 9480 : i32
      %add3A_40 = arith.addi %mul3A_38, %add3A_39 : i32
      "tpu.region"() ({
        %run_scoped3A = tpu.sem_alloc : memref<!tpu.dma_semaphore, #tpu.memory_space<semaphore_mem>>
        %dma_start3A_41 = arith.constant 0 : i32
        %dma_start3A_42 = tpu.memref_slice %arg6[%add3A_40, %dma_start3A_41] : memref<20000x128xf32, #tpu.memory_space<hbm>> -> memref<520x128xf32, #tpu.memory_space<hbm>>
        %dma_start3A_43 = arith.constant 9480 : i32
        %dma_start3A_44 = arith.constant 0 : i32
        %dma_start3A_45 = tpu.memref_slice %arg11[%dma_start3A_43, %dma_start3A_44] : memref<10016x128xf32, #tpu.memory_space<vmem_shared>> -> memref<520x128xf32, #tpu.memory_space<vmem_shared>>
        tpu.enqueue_dma source(%dma_start3A_45 : memref<520x128xf32, #tpu.memory_space<vmem_shared>>) target(%dma_start3A_42 : memref<520x128xf32, #tpu.memory_space<hbm>>) target_semaphore(%run_scoped3A : memref<!tpu.dma_semaphore, #tpu.memory_space<semaphore_mem>>)
        %dma_wait3A = arith.constant 0 : i32
        %dma_wait3A_46 = tpu.memref_slice %arg6[%add3A_40, %dma_wait3A] : memref<20000x128xf32, #tpu.memory_space<hbm>> -> memref<520x128xf32, #tpu.memory_space<hbm>>
        %dma_wait3A_47 = arith.constant 9480 : i32
        %dma_wait3A_48 = arith.constant 0 : i32
        %dma_wait3A_49 = tpu.memref_slice %arg11[%dma_wait3A_47, %dma_wait3A_48] : memref<10016x128xf32, #tpu.memory_space<vmem_shared>> -> memref<520x128xf32, #tpu.memory_space<vmem_shared>>
        tpu.wait_dma2 semaphore(%run_scoped3A : memref<!tpu.dma_semaphore, #tpu.memory_space<semaphore_mem>>) src(%dma_wait3A_49 : memref<520x128xf32, #tpu.memory_space<vmem_shared>>) dst(%dma_wait3A_46 : memref<520x128xf32, #tpu.memory_space<hbm>>)
        tpu.yield
      }) : () -> ()
    } else {
    }
    return
  }
}

#map = affine_map<(d0, d1) -> (0, 0)>
module attributes {stable_mosaic.version = 14 : i64} {
  func.func @agg_kernel(%arg0: i32, %arg1: i32, %arg2: memref<20000x128xf32, #tpu.memory_space<hbm>>, %arg3: memref<4096x80xi32, #tpu.memory_space<hbm>>, %arg4: memref<2048x80xi32, #tpu.memory_space<hbm>>, %arg5: memref<80x128xf32, #tpu.memory_space<hbm>>, %arg6: memref<20000x128xf32, #tpu.memory_space<hbm>>, %arg7: memref<64x80xi32, #tpu.memory_space<vmem>>, %arg8: memref<64x80xi32, #tpu.memory_space<vmem>>, %arg9: memref<80x128xf32, #tpu.memory_space<vmem>>, %arg10: memref<80x128xf32, #tpu.memory_space<vmem>>, %arg11: memref<10016x128xf32, #tpu.memory_space<vmem_shared>>, %arg12: memref<!tpu.dma_semaphore, #tpu.memory_space<semaphore_mem>>, %arg13: memref<!tpu.dma_semaphore, #tpu.memory_space<semaphore_mem>>) attributes {dimension_semantics = [#tpu.dimension_semantics<core_parallel>, #tpu.dimension_semantics<subcore_parallel>], iteration_bounds = array<i64: 2, 16>, scalar_prefetch = 0 : i64, scratch_operands = 7 : i64, tpu.core_type = #tpu.core_type<sc_vector_subcore>, window_params = [{transform_indices = #map}, {transform_indices = #map}, {transform_indices = #map}, {transform_indices = #map}, {transform_indices = #map}]} {
    "tpu.region"() ({
      %run_scoped3A = tpu.sem_alloc : memref<!tpu.dma_semaphore, #tpu.memory_space<semaphore_mem>>
      tpu.enqueue_dma source(%arg5 : memref<80x128xf32, #tpu.memory_space<hbm>>) target(%arg9 : memref<80x128xf32, #tpu.memory_space<vmem>>) target_semaphore(%run_scoped3A : memref<!tpu.dma_semaphore, #tpu.memory_space<semaphore_mem>>)
      tpu.wait_dma2 semaphore(%run_scoped3A : memref<!tpu.dma_semaphore, #tpu.memory_space<semaphore_mem>>) src(%arg5 : memref<80x128xf32, #tpu.memory_space<hbm>>) dst(%arg9 : memref<80x128xf32, #tpu.memory_space<vmem>>)
      tpu.yield
    }) : () -> ()
    %lt3A = arith.constant 15 : i32
    %lt3A_0 = arith.cmpi slt, %arg1, %lt3A : i32
    %convert_element_type3A = arith.extui %lt3A_0 : i1 to i32
    %cond3A = arith.constant 0 : i32
    %cond3A_1 = arith.cmpi ne, %convert_element_type3A, %cond3A : i32
    scf.if %cond3A_1 {
      %mul3A_54 = arith.constant 632 : i32
      %mul3A_55 = arith.muli %arg1, %mul3A_54 : i32
      %add3A_56 = arith.constant 0 : i32
      %add3A_57 = arith.addi %mul3A_55, %add3A_56 : i32
      "tpu.region"() ({
        %run_scoped3A = tpu.sem_alloc : memref<!tpu.dma_semaphore, #tpu.memory_space<semaphore_mem>>
        %dma_start3A_72 = arith.constant 0 : i32
        %dma_start3A_73 = arith.constant 0 : i32
        %dma_start3A_74 = tpu.memref_slice %arg9[%dma_start3A_72, %dma_start3A_73] : memref<80x128xf32, #tpu.memory_space<vmem>> -> memref<80x128xf32, #tpu.memory_space<vmem>>
        %dma_start3A_75 = arith.constant 0 : i32
        %dma_start3A_76 = tpu.memref_slice %arg11[%add3A_57, %dma_start3A_75] : memref<10016x128xf32, #tpu.memory_space<vmem_shared>> -> memref<80x128xf32, #tpu.memory_space<vmem_shared>>
        %dma_start3A_77 = arith.constant 0 : i32
        %dma_start3A_78 = tpu.memref_slice %arg11[%add3A_57, %dma_start3A_77] : memref<10016x128xf32, #tpu.memory_space<vmem_shared>> -> memref<80x128xf32, #tpu.memory_space<vmem_shared>>
        %dma_start3A_79 = arith.constant 0 : i32
        %dma_start3A_80 = arith.constant 0 : i32
        %dma_start3A_81 = tpu.memref_slice %arg9[%dma_start3A_79, %dma_start3A_80] : memref<80x128xf32, #tpu.memory_space<vmem>> -> memref<80x128xf32, #tpu.memory_space<vmem>>
        tpu.enqueue_dma source(%dma_start3A_81 : memref<80x128xf32, #tpu.memory_space<vmem>>) target(%dma_start3A_78 : memref<80x128xf32, #tpu.memory_space<vmem_shared>>) target_semaphore(%run_scoped3A : memref<!tpu.dma_semaphore, #tpu.memory_space<semaphore_mem>>)
        %dma_wait3A = arith.constant 0 : i32
        %dma_wait3A_82 = arith.constant 0 : i32
        %dma_wait3A_83 = tpu.memref_slice %arg9[%dma_wait3A, %dma_wait3A_82] : memref<80x128xf32, #tpu.memory_space<vmem>> -> memref<80x128xf32, #tpu.memory_space<vmem>>
        %dma_wait3A_84 = arith.constant 0 : i32
        %dma_wait3A_85 = tpu.memref_slice %arg11[%add3A_57, %dma_wait3A_84] : memref<10016x128xf32, #tpu.memory_space<vmem_shared>> -> memref<80x128xf32, #tpu.memory_space<vmem_shared>>
        %dma_wait3A_86 = arith.constant 0 : i32
        %dma_wait3A_87 = tpu.memref_slice %arg11[%add3A_57, %dma_wait3A_86] : memref<10016x128xf32, #tpu.memory_space<vmem_shared>> -> memref<80x128xf32, #tpu.memory_space<vmem_shared>>
        %dma_wait3A_88 = arith.constant 0 : i32
        %dma_wait3A_89 = arith.constant 0 : i32
        %dma_wait3A_90 = tpu.memref_slice %arg9[%dma_wait3A_88, %dma_wait3A_89] : memref<80x128xf32, #tpu.memory_space<vmem>> -> memref<80x128xf32, #tpu.memory_space<vmem>>
        tpu.wait_dma2 semaphore(%run_scoped3A : memref<!tpu.dma_semaphore, #tpu.memory_space<semaphore_mem>>) src(%dma_wait3A_90 : memref<80x128xf32, #tpu.memory_space<vmem>>) dst(%dma_wait3A_87 : memref<80x128xf32, #tpu.memory_space<vmem_shared>>)
        tpu.yield
      }) : () -> ()
      %add3A_58 = arith.constant 80 : i32
      %add3A_59 = arith.addi %mul3A_55, %add3A_58 : i32
      "tpu.region"() ({
        %run_scoped3A = tpu.sem_alloc : memref<!tpu.dma_semaphore, #tpu.memory_space<semaphore_mem>>
        %dma_start3A_72 = arith.constant 0 : i32
        %dma_start3A_73 = arith.constant 0 : i32
        %dma_start3A_74 = tpu.memref_slice %arg9[%dma_start3A_72, %dma_start3A_73] : memref<80x128xf32, #tpu.memory_space<vmem>> -> memref<80x128xf32, #tpu.memory_space<vmem>>
        %dma_start3A_75 = arith.constant 0 : i32
        %dma_start3A_76 = tpu.memref_slice %arg11[%add3A_59, %dma_start3A_75] : memref<10016x128xf32, #tpu.memory_space<vmem_shared>> -> memref<80x128xf32, #tpu.memory_space<vmem_shared>>
        %dma_start3A_77 = arith.constant 0 : i32
        %dma_start3A_78 = tpu.memref_slice %arg11[%add3A_59, %dma_start3A_77] : memref<10016x128xf32, #tpu.memory_space<vmem_shared>> -> memref<80x128xf32, #tpu.memory_space<vmem_shared>>
        %dma_start3A_79 = arith.constant 0 : i32
        %dma_start3A_80 = arith.constant 0 : i32
        %dma_start3A_81 = tpu.memref_slice %arg9[%dma_start3A_79, %dma_start3A_80] : memref<80x128xf32, #tpu.memory_space<vmem>> -> memref<80x128xf32, #tpu.memory_space<vmem>>
        tpu.enqueue_dma source(%dma_start3A_81 : memref<80x128xf32, #tpu.memory_space<vmem>>) target(%dma_start3A_78 : memref<80x128xf32, #tpu.memory_space<vmem_shared>>) target_semaphore(%run_scoped3A : memref<!tpu.dma_semaphore, #tpu.memory_space<semaphore_mem>>)
        %dma_wait3A = arith.constant 0 : i32
        %dma_wait3A_82 = arith.constant 0 : i32
        %dma_wait3A_83 = tpu.memref_slice %arg9[%dma_wait3A, %dma_wait3A_82] : memref<80x128xf32, #tpu.memory_space<vmem>> -> memref<80x128xf32, #tpu.memory_space<vmem>>
        %dma_wait3A_84 = arith.constant 0 : i32
        %dma_wait3A_85 = tpu.memref_slice %arg11[%add3A_59, %dma_wait3A_84] : memref<10016x128xf32, #tpu.memory_space<vmem_shared>> -> memref<80x128xf32, #tpu.memory_space<vmem_shared>>
        %dma_wait3A_86 = arith.constant 0 : i32
        %dma_wait3A_87 = tpu.memref_slice %arg11[%add3A_59, %dma_wait3A_86] : memref<10016x128xf32, #tpu.memory_space<vmem_shared>> -> memref<80x128xf32, #tpu.memory_space<vmem_shared>>
        %dma_wait3A_88 = arith.constant 0 : i32
        %dma_wait3A_89 = arith.constant 0 : i32
        %dma_wait3A_90 = tpu.memref_slice %arg9[%dma_wait3A_88, %dma_wait3A_89] : memref<80x128xf32, #tpu.memory_space<vmem>> -> memref<80x128xf32, #tpu.memory_space<vmem>>
        tpu.wait_dma2 semaphore(%run_scoped3A : memref<!tpu.dma_semaphore, #tpu.memory_space<semaphore_mem>>) src(%dma_wait3A_90 : memref<80x128xf32, #tpu.memory_space<vmem>>) dst(%dma_wait3A_87 : memref<80x128xf32, #tpu.memory_space<vmem_shared>>)
        tpu.yield
      }) : () -> ()
      %add3A_60 = arith.constant 160 : i32
      %add3A_61 = arith.addi %mul3A_55, %add3A_60 : i32
      "tpu.region"() ({
        %run_scoped3A = tpu.sem_alloc : memref<!tpu.dma_semaphore, #tpu.memory_space<semaphore_mem>>
        %dma_start3A_72 = arith.constant 0 : i32
        %dma_start3A_73 = arith.constant 0 : i32
        %dma_start3A_74 = tpu.memref_slice %arg9[%dma_start3A_72, %dma_start3A_73] : memref<80x128xf32, #tpu.memory_space<vmem>> -> memref<80x128xf32, #tpu.memory_space<vmem>>
        %dma_start3A_75 = arith.constant 0 : i32
        %dma_start3A_76 = tpu.memref_slice %arg11[%add3A_61, %dma_start3A_75] : memref<10016x128xf32, #tpu.memory_space<vmem_shared>> -> memref<80x128xf32, #tpu.memory_space<vmem_shared>>
        %dma_start3A_77 = arith.constant 0 : i32
        %dma_start3A_78 = tpu.memref_slice %arg11[%add3A_61, %dma_start3A_77] : memref<10016x128xf32, #tpu.memory_space<vmem_shared>> -> memref<80x128xf32, #tpu.memory_space<vmem_shared>>
        %dma_start3A_79 = arith.constant 0 : i32
        %dma_start3A_80 = arith.constant 0 : i32
        %dma_start3A_81 = tpu.memref_slice %arg9[%dma_start3A_79, %dma_start3A_80] : memref<80x128xf32, #tpu.memory_space<vmem>> -> memref<80x128xf32, #tpu.memory_space<vmem>>
        tpu.enqueue_dma source(%dma_start3A_81 : memref<80x128xf32, #tpu.memory_space<vmem>>) target(%dma_start3A_78 : memref<80x128xf32, #tpu.memory_space<vmem_shared>>) target_semaphore(%run_scoped3A : memref<!tpu.dma_semaphore, #tpu.memory_space<semaphore_mem>>)
        %dma_wait3A = arith.constant 0 : i32
        %dma_wait3A_82 = arith.constant 0 : i32
        %dma_wait3A_83 = tpu.memref_slice %arg9[%dma_wait3A, %dma_wait3A_82] : memref<80x128xf32, #tpu.memory_space<vmem>> -> memref<80x128xf32, #tpu.memory_space<vmem>>
        %dma_wait3A_84 = arith.constant 0 : i32
        %dma_wait3A_85 = tpu.memref_slice %arg11[%add3A_61, %dma_wait3A_84] : memref<10016x128xf32, #tpu.memory_space<vmem_shared>> -> memref<80x128xf32, #tpu.memory_space<vmem_shared>>
        %dma_wait3A_86 = arith.constant 0 : i32
        %dma_wait3A_87 = tpu.memref_slice %arg11[%add3A_61, %dma_wait3A_86] : memref<10016x128xf32, #tpu.memory_space<vmem_shared>> -> memref<80x128xf32, #tpu.memory_space<vmem_shared>>
        %dma_wait3A_88 = arith.constant 0 : i32
        %dma_wait3A_89 = arith.constant 0 : i32
        %dma_wait3A_90 = tpu.memref_slice %arg9[%dma_wait3A_88, %dma_wait3A_89] : memref<80x128xf32, #tpu.memory_space<vmem>> -> memref<80x128xf32, #tpu.memory_space<vmem>>
        tpu.wait_dma2 semaphore(%run_scoped3A : memref<!tpu.dma_semaphore, #tpu.memory_space<semaphore_mem>>) src(%dma_wait3A_90 : memref<80x128xf32, #tpu.memory_space<vmem>>) dst(%dma_wait3A_87 : memref<80x128xf32, #tpu.memory_space<vmem_shared>>)
        tpu.yield
      }) : () -> ()
      %add3A_62 = arith.constant 240 : i32
      %add3A_63 = arith.addi %mul3A_55, %add3A_62 : i32
      "tpu.region"() ({
        %run_scoped3A = tpu.sem_alloc : memref<!tpu.dma_semaphore, #tpu.memory_space<semaphore_mem>>
        %dma_start3A_72 = arith.constant 0 : i32
        %dma_start3A_73 = arith.constant 0 : i32
        %dma_start3A_74 = tpu.memref_slice %arg9[%dma_start3A_72, %dma_start3A_73] : memref<80x128xf32, #tpu.memory_space<vmem>> -> memref<80x128xf32, #tpu.memory_space<vmem>>
        %dma_start3A_75 = arith.constant 0 : i32
        %dma_start3A_76 = tpu.memref_slice %arg11[%add3A_63, %dma_start3A_75] : memref<10016x128xf32, #tpu.memory_space<vmem_shared>> -> memref<80x128xf32, #tpu.memory_space<vmem_shared>>
        %dma_start3A_77 = arith.constant 0 : i32
        %dma_start3A_78 = tpu.memref_slice %arg11[%add3A_63, %dma_start3A_77] : memref<10016x128xf32, #tpu.memory_space<vmem_shared>> -> memref<80x128xf32, #tpu.memory_space<vmem_shared>>
        %dma_start3A_79 = arith.constant 0 : i32
        %dma_start3A_80 = arith.constant 0 : i32
        %dma_start3A_81 = tpu.memref_slice %arg9[%dma_start3A_79, %dma_start3A_80] : memref<80x128xf32, #tpu.memory_space<vmem>> -> memref<80x128xf32, #tpu.memory_space<vmem>>
        tpu.enqueue_dma source(%dma_start3A_81 : memref<80x128xf32, #tpu.memory_space<vmem>>) target(%dma_start3A_78 : memref<80x128xf32, #tpu.memory_space<vmem_shared>>) target_semaphore(%run_scoped3A : memref<!tpu.dma_semaphore, #tpu.memory_space<semaphore_mem>>)
        %dma_wait3A = arith.constant 0 : i32
        %dma_wait3A_82 = arith.constant 0 : i32
        %dma_wait3A_83 = tpu.memref_slice %arg9[%dma_wait3A, %dma_wait3A_82] : memref<80x128xf32, #tpu.memory_space<vmem>> -> memref<80x128xf32, #tpu.memory_space<vmem>>
        %dma_wait3A_84 = arith.constant 0 : i32
        %dma_wait3A_85 = tpu.memref_slice %arg11[%add3A_63, %dma_wait3A_84] : memref<10016x128xf32, #tpu.memory_space<vmem_shared>> -> memref<80x128xf32, #tpu.memory_space<vmem_shared>>
        %dma_wait3A_86 = arith.constant 0 : i32
        %dma_wait3A_87 = tpu.memref_slice %arg11[%add3A_63, %dma_wait3A_86] : memref<10016x128xf32, #tpu.memory_space<vmem_shared>> -> memref<80x128xf32, #tpu.memory_space<vmem_shared>>
        %dma_wait3A_88 = arith.constant 0 : i32
        %dma_wait3A_89 = arith.constant 0 : i32
        %dma_wait3A_90 = tpu.memref_slice %arg9[%dma_wait3A_88, %dma_wait3A_89] : memref<80x128xf32, #tpu.memory_space<vmem>> -> memref<80x128xf32, #tpu.memory_space<vmem>>
        tpu.wait_dma2 semaphore(%run_scoped3A : memref<!tpu.dma_semaphore, #tpu.memory_space<semaphore_mem>>) src(%dma_wait3A_90 : memref<80x128xf32, #tpu.memory_space<vmem>>) dst(%dma_wait3A_87 : memref<80x128xf32, #tpu.memory_space<vmem_shared>>)
        tpu.yield
      }) : () -> ()
      %add3A_64 = arith.constant 320 : i32
      %add3A_65 = arith.addi %mul3A_55, %add3A_64 : i32
      "tpu.region"() ({
        %run_scoped3A = tpu.sem_alloc : memref<!tpu.dma_semaphore, #tpu.memory_space<semaphore_mem>>
        %dma_start3A_72 = arith.constant 0 : i32
        %dma_start3A_73 = arith.constant 0 : i32
        %dma_start3A_74 = tpu.memref_slice %arg9[%dma_start3A_72, %dma_start3A_73] : memref<80x128xf32, #tpu.memory_space<vmem>> -> memref<80x128xf32, #tpu.memory_space<vmem>>
        %dma_start3A_75 = arith.constant 0 : i32
        %dma_start3A_76 = tpu.memref_slice %arg11[%add3A_65, %dma_start3A_75] : memref<10016x128xf32, #tpu.memory_space<vmem_shared>> -> memref<80x128xf32, #tpu.memory_space<vmem_shared>>
        %dma_start3A_77 = arith.constant 0 : i32
        %dma_start3A_78 = tpu.memref_slice %arg11[%add3A_65, %dma_start3A_77] : memref<10016x128xf32, #tpu.memory_space<vmem_shared>> -> memref<80x128xf32, #tpu.memory_space<vmem_shared>>
        %dma_start3A_79 = arith.constant 0 : i32
        %dma_start3A_80 = arith.constant 0 : i32
        %dma_start3A_81 = tpu.memref_slice %arg9[%dma_start3A_79, %dma_start3A_80] : memref<80x128xf32, #tpu.memory_space<vmem>> -> memref<80x128xf32, #tpu.memory_space<vmem>>
        tpu.enqueue_dma source(%dma_start3A_81 : memref<80x128xf32, #tpu.memory_space<vmem>>) target(%dma_start3A_78 : memref<80x128xf32, #tpu.memory_space<vmem_shared>>) target_semaphore(%run_scoped3A : memref<!tpu.dma_semaphore, #tpu.memory_space<semaphore_mem>>)
        %dma_wait3A = arith.constant 0 : i32
        %dma_wait3A_82 = arith.constant 0 : i32
        %dma_wait3A_83 = tpu.memref_slice %arg9[%dma_wait3A, %dma_wait3A_82] : memref<80x128xf32, #tpu.memory_space<vmem>> -> memref<80x128xf32, #tpu.memory_space<vmem>>
        %dma_wait3A_84 = arith.constant 0 : i32
        %dma_wait3A_85 = tpu.memref_slice %arg11[%add3A_65, %dma_wait3A_84] : memref<10016x128xf32, #tpu.memory_space<vmem_shared>> -> memref<80x128xf32, #tpu.memory_space<vmem_shared>>
        %dma_wait3A_86 = arith.constant 0 : i32
        %dma_wait3A_87 = tpu.memref_slice %arg11[%add3A_65, %dma_wait3A_86] : memref<10016x128xf32, #tpu.memory_space<vmem_shared>> -> memref<80x128xf32, #tpu.memory_space<vmem_shared>>
        %dma_wait3A_88 = arith.constant 0 : i32
        %dma_wait3A_89 = arith.constant 0 : i32
        %dma_wait3A_90 = tpu.memref_slice %arg9[%dma_wait3A_88, %dma_wait3A_89] : memref<80x128xf32, #tpu.memory_space<vmem>> -> memref<80x128xf32, #tpu.memory_space<vmem>>
        tpu.wait_dma2 semaphore(%run_scoped3A : memref<!tpu.dma_semaphore, #tpu.memory_space<semaphore_mem>>) src(%dma_wait3A_90 : memref<80x128xf32, #tpu.memory_space<vmem>>) dst(%dma_wait3A_87 : memref<80x128xf32, #tpu.memory_space<vmem_shared>>)
        tpu.yield
      }) : () -> ()
      %add3A_66 = arith.constant 400 : i32
      %add3A_67 = arith.addi %mul3A_55, %add3A_66 : i32
      "tpu.region"() ({
        %run_scoped3A = tpu.sem_alloc : memref<!tpu.dma_semaphore, #tpu.memory_space<semaphore_mem>>
        %dma_start3A_72 = arith.constant 0 : i32
        %dma_start3A_73 = arith.constant 0 : i32
        %dma_start3A_74 = tpu.memref_slice %arg9[%dma_start3A_72, %dma_start3A_73] : memref<80x128xf32, #tpu.memory_space<vmem>> -> memref<80x128xf32, #tpu.memory_space<vmem>>
        %dma_start3A_75 = arith.constant 0 : i32
        %dma_start3A_76 = tpu.memref_slice %arg11[%add3A_67, %dma_start3A_75] : memref<10016x128xf32, #tpu.memory_space<vmem_shared>> -> memref<80x128xf32, #tpu.memory_space<vmem_shared>>
        %dma_start3A_77 = arith.constant 0 : i32
        %dma_start3A_78 = tpu.memref_slice %arg11[%add3A_67, %dma_start3A_77] : memref<10016x128xf32, #tpu.memory_space<vmem_shared>> -> memref<80x128xf32, #tpu.memory_space<vmem_shared>>
        %dma_start3A_79 = arith.constant 0 : i32
        %dma_start3A_80 = arith.constant 0 : i32
        %dma_start3A_81 = tpu.memref_slice %arg9[%dma_start3A_79, %dma_start3A_80] : memref<80x128xf32, #tpu.memory_space<vmem>> -> memref<80x128xf32, #tpu.memory_space<vmem>>
        tpu.enqueue_dma source(%dma_start3A_81 : memref<80x128xf32, #tpu.memory_space<vmem>>) target(%dma_start3A_78 : memref<80x128xf32, #tpu.memory_space<vmem_shared>>) target_semaphore(%run_scoped3A : memref<!tpu.dma_semaphore, #tpu.memory_space<semaphore_mem>>)
        %dma_wait3A = arith.constant 0 : i32
        %dma_wait3A_82 = arith.constant 0 : i32
        %dma_wait3A_83 = tpu.memref_slice %arg9[%dma_wait3A, %dma_wait3A_82] : memref<80x128xf32, #tpu.memory_space<vmem>> -> memref<80x128xf32, #tpu.memory_space<vmem>>
        %dma_wait3A_84 = arith.constant 0 : i32
        %dma_wait3A_85 = tpu.memref_slice %arg11[%add3A_67, %dma_wait3A_84] : memref<10016x128xf32, #tpu.memory_space<vmem_shared>> -> memref<80x128xf32, #tpu.memory_space<vmem_shared>>
        %dma_wait3A_86 = arith.constant 0 : i32
        %dma_wait3A_87 = tpu.memref_slice %arg11[%add3A_67, %dma_wait3A_86] : memref<10016x128xf32, #tpu.memory_space<vmem_shared>> -> memref<80x128xf32, #tpu.memory_space<vmem_shared>>
        %dma_wait3A_88 = arith.constant 0 : i32
        %dma_wait3A_89 = arith.constant 0 : i32
        %dma_wait3A_90 = tpu.memref_slice %arg9[%dma_wait3A_88, %dma_wait3A_89] : memref<80x128xf32, #tpu.memory_space<vmem>> -> memref<80x128xf32, #tpu.memory_space<vmem>>
        tpu.wait_dma2 semaphore(%run_scoped3A : memref<!tpu.dma_semaphore, #tpu.memory_space<semaphore_mem>>) src(%dma_wait3A_90 : memref<80x128xf32, #tpu.memory_space<vmem>>) dst(%dma_wait3A_87 : memref<80x128xf32, #tpu.memory_space<vmem_shared>>)
        tpu.yield
      }) : () -> ()
      %add3A_68 = arith.constant 480 : i32
      %add3A_69 = arith.addi %mul3A_55, %add3A_68 : i32
      "tpu.region"() ({
        %run_scoped3A = tpu.sem_alloc : memref<!tpu.dma_semaphore, #tpu.memory_space<semaphore_mem>>
        %dma_start3A_72 = arith.constant 0 : i32
        %dma_start3A_73 = arith.constant 0 : i32
        %dma_start3A_74 = tpu.memref_slice %arg9[%dma_start3A_72, %dma_start3A_73] : memref<80x128xf32, #tpu.memory_space<vmem>> -> memref<80x128xf32, #tpu.memory_space<vmem>>
        %dma_start3A_75 = arith.constant 0 : i32
        %dma_start3A_76 = tpu.memref_slice %arg11[%add3A_69, %dma_start3A_75] : memref<10016x128xf32, #tpu.memory_space<vmem_shared>> -> memref<80x128xf32, #tpu.memory_space<vmem_shared>>
        %dma_start3A_77 = arith.constant 0 : i32
        %dma_start3A_78 = tpu.memref_slice %arg11[%add3A_69, %dma_start3A_77] : memref<10016x128xf32, #tpu.memory_space<vmem_shared>> -> memref<80x128xf32, #tpu.memory_space<vmem_shared>>
        %dma_start3A_79 = arith.constant 0 : i32
        %dma_start3A_80 = arith.constant 0 : i32
        %dma_start3A_81 = tpu.memref_slice %arg9[%dma_start3A_79, %dma_start3A_80] : memref<80x128xf32, #tpu.memory_space<vmem>> -> memref<80x128xf32, #tpu.memory_space<vmem>>
        tpu.enqueue_dma source(%dma_start3A_81 : memref<80x128xf32, #tpu.memory_space<vmem>>) target(%dma_start3A_78 : memref<80x128xf32, #tpu.memory_space<vmem_shared>>) target_semaphore(%run_scoped3A : memref<!tpu.dma_semaphore, #tpu.memory_space<semaphore_mem>>)
        %dma_wait3A = arith.constant 0 : i32
        %dma_wait3A_82 = arith.constant 0 : i32
        %dma_wait3A_83 = tpu.memref_slice %arg9[%dma_wait3A, %dma_wait3A_82] : memref<80x128xf32, #tpu.memory_space<vmem>> -> memref<80x128xf32, #tpu.memory_space<vmem>>
        %dma_wait3A_84 = arith.constant 0 : i32
        %dma_wait3A_85 = tpu.memref_slice %arg11[%add3A_69, %dma_wait3A_84] : memref<10016x128xf32, #tpu.memory_space<vmem_shared>> -> memref<80x128xf32, #tpu.memory_space<vmem_shared>>
        %dma_wait3A_86 = arith.constant 0 : i32
        %dma_wait3A_87 = tpu.memref_slice %arg11[%add3A_69, %dma_wait3A_86] : memref<10016x128xf32, #tpu.memory_space<vmem_shared>> -> memref<80x128xf32, #tpu.memory_space<vmem_shared>>
        %dma_wait3A_88 = arith.constant 0 : i32
        %dma_wait3A_89 = arith.constant 0 : i32
        %dma_wait3A_90 = tpu.memref_slice %arg9[%dma_wait3A_88, %dma_wait3A_89] : memref<80x128xf32, #tpu.memory_space<vmem>> -> memref<80x128xf32, #tpu.memory_space<vmem>>
        tpu.wait_dma2 semaphore(%run_scoped3A : memref<!tpu.dma_semaphore, #tpu.memory_space<semaphore_mem>>) src(%dma_wait3A_90 : memref<80x128xf32, #tpu.memory_space<vmem>>) dst(%dma_wait3A_87 : memref<80x128xf32, #tpu.memory_space<vmem_shared>>)
        tpu.yield
      }) : () -> ()
      %add3A_70 = arith.constant 560 : i32
      %add3A_71 = arith.addi %mul3A_55, %add3A_70 : i32
      "tpu.region"() ({
        %run_scoped3A = tpu.sem_alloc : memref<!tpu.dma_semaphore, #tpu.memory_space<semaphore_mem>>
        %dma_start3A_72 = arith.constant 0 : i32
        %dma_start3A_73 = arith.constant 0 : i32
        %dma_start3A_74 = tpu.memref_slice %arg9[%dma_start3A_72, %dma_start3A_73] : memref<80x128xf32, #tpu.memory_space<vmem>> -> memref<72x128xf32, #tpu.memory_space<vmem>>
        %dma_start3A_75 = arith.constant 0 : i32
        %dma_start3A_76 = tpu.memref_slice %arg11[%add3A_71, %dma_start3A_75] : memref<10016x128xf32, #tpu.memory_space<vmem_shared>> -> memref<72x128xf32, #tpu.memory_space<vmem_shared>>
        %dma_start3A_77 = arith.constant 0 : i32
        %dma_start3A_78 = tpu.memref_slice %arg11[%add3A_71, %dma_start3A_77] : memref<10016x128xf32, #tpu.memory_space<vmem_shared>> -> memref<72x128xf32, #tpu.memory_space<vmem_shared>>
        %dma_start3A_79 = arith.constant 0 : i32
        %dma_start3A_80 = arith.constant 0 : i32
        %dma_start3A_81 = tpu.memref_slice %arg9[%dma_start3A_79, %dma_start3A_80] : memref<80x128xf32, #tpu.memory_space<vmem>> -> memref<72x128xf32, #tpu.memory_space<vmem>>
        tpu.enqueue_dma source(%dma_start3A_81 : memref<72x128xf32, #tpu.memory_space<vmem>>) target(%dma_start3A_78 : memref<72x128xf32, #tpu.memory_space<vmem_shared>>) target_semaphore(%run_scoped3A : memref<!tpu.dma_semaphore, #tpu.memory_space<semaphore_mem>>)
        %dma_wait3A = arith.constant 0 : i32
        %dma_wait3A_82 = arith.constant 0 : i32
        %dma_wait3A_83 = tpu.memref_slice %arg9[%dma_wait3A, %dma_wait3A_82] : memref<80x128xf32, #tpu.memory_space<vmem>> -> memref<72x128xf32, #tpu.memory_space<vmem>>
        %dma_wait3A_84 = arith.constant 0 : i32
        %dma_wait3A_85 = tpu.memref_slice %arg11[%add3A_71, %dma_wait3A_84] : memref<10016x128xf32, #tpu.memory_space<vmem_shared>> -> memref<72x128xf32, #tpu.memory_space<vmem_shared>>
        %dma_wait3A_86 = arith.constant 0 : i32
        %dma_wait3A_87 = tpu.memref_slice %arg11[%add3A_71, %dma_wait3A_86] : memref<10016x128xf32, #tpu.memory_space<vmem_shared>> -> memref<72x128xf32, #tpu.memory_space<vmem_shared>>
        %dma_wait3A_88 = arith.constant 0 : i32
        %dma_wait3A_89 = arith.constant 0 : i32
        %dma_wait3A_90 = tpu.memref_slice %arg9[%dma_wait3A_88, %dma_wait3A_89] : memref<80x128xf32, #tpu.memory_space<vmem>> -> memref<72x128xf32, #tpu.memory_space<vmem>>
        tpu.wait_dma2 semaphore(%run_scoped3A : memref<!tpu.dma_semaphore, #tpu.memory_space<semaphore_mem>>) src(%dma_wait3A_90 : memref<72x128xf32, #tpu.memory_space<vmem>>) dst(%dma_wait3A_87 : memref<72x128xf32, #tpu.memory_space<vmem_shared>>)
        tpu.yield
      }) : () -> ()
    } else {
    }
    %eq3A = arith.constant 15 : i32
    %eq3A_2 = arith.cmpi eq, %arg1, %eq3A : i32
    %convert_element_type3A_3 = arith.extui %eq3A_2 : i1 to i32
    %cond3A_4 = arith.constant 0 : i32
    %cond3A_5 = arith.cmpi ne, %convert_element_type3A_3, %cond3A_4 : i32
    scf.if %cond3A_5 {
      %mul3A_54 = arith.constant 632 : i32
      %mul3A_55 = arith.muli %arg1, %mul3A_54 : i32
      %add3A_56 = arith.constant 0 : i32
      %add3A_57 = arith.addi %mul3A_55, %add3A_56 : i32
      "tpu.region"() ({
        %run_scoped3A = tpu.sem_alloc : memref<!tpu.dma_semaphore, #tpu.memory_space<semaphore_mem>>
        %dma_start3A_70 = arith.constant 0 : i32
        %dma_start3A_71 = arith.constant 0 : i32
        %dma_start3A_72 = tpu.memref_slice %arg9[%dma_start3A_70, %dma_start3A_71] : memref<80x128xf32, #tpu.memory_space<vmem>> -> memref<80x128xf32, #tpu.memory_space<vmem>>
        %dma_start3A_73 = arith.constant 0 : i32
        %dma_start3A_74 = tpu.memref_slice %arg11[%add3A_57, %dma_start3A_73] : memref<10016x128xf32, #tpu.memory_space<vmem_shared>> -> memref<80x128xf32, #tpu.memory_space<vmem_shared>>
        %dma_start3A_75 = arith.constant 0 : i32
        %dma_start3A_76 = tpu.memref_slice %arg11[%add3A_57, %dma_start3A_75] : memref<10016x128xf32, #tpu.memory_space<vmem_shared>> -> memref<80x128xf32, #tpu.memory_space<vmem_shared>>
        %dma_start3A_77 = arith.constant 0 : i32
        %dma_start3A_78 = arith.constant 0 : i32
        %dma_start3A_79 = tpu.memref_slice %arg9[%dma_start3A_77, %dma_start3A_78] : memref<80x128xf32, #tpu.memory_space<vmem>> -> memref<80x128xf32, #tpu.memory_space<vmem>>
        tpu.enqueue_dma source(%dma_start3A_79 : memref<80x128xf32, #tpu.memory_space<vmem>>) target(%dma_start3A_76 : memref<80x128xf32, #tpu.memory_space<vmem_shared>>) target_semaphore(%run_scoped3A : memref<!tpu.dma_semaphore, #tpu.memory_space<semaphore_mem>>)
        %dma_wait3A = arith.constant 0 : i32
        %dma_wait3A_80 = arith.constant 0 : i32
        %dma_wait3A_81 = tpu.memref_slice %arg9[%dma_wait3A, %dma_wait3A_80] : memref<80x128xf32, #tpu.memory_space<vmem>> -> memref<80x128xf32, #tpu.memory_space<vmem>>
        %dma_wait3A_82 = arith.constant 0 : i32
        %dma_wait3A_83 = tpu.memref_slice %arg11[%add3A_57, %dma_wait3A_82] : memref<10016x128xf32, #tpu.memory_space<vmem_shared>> -> memref<80x128xf32, #tpu.memory_space<vmem_shared>>
        %dma_wait3A_84 = arith.constant 0 : i32
        %dma_wait3A_85 = tpu.memref_slice %arg11[%add3A_57, %dma_wait3A_84] : memref<10016x128xf32, #tpu.memory_space<vmem_shared>> -> memref<80x128xf32, #tpu.memory_space<vmem_shared>>
        %dma_wait3A_86 = arith.constant 0 : i32
        %dma_wait3A_87 = arith.constant 0 : i32
        %dma_wait3A_88 = tpu.memref_slice %arg9[%dma_wait3A_86, %dma_wait3A_87] : memref<80x128xf32, #tpu.memory_space<vmem>> -> memref<80x128xf32, #tpu.memory_space<vmem>>
        tpu.wait_dma2 semaphore(%run_scoped3A : memref<!tpu.dma_semaphore, #tpu.memory_space<semaphore_mem>>) src(%dma_wait3A_88 : memref<80x128xf32, #tpu.memory_space<vmem>>) dst(%dma_wait3A_85 : memref<80x128xf32, #tpu.memory_space<vmem_shared>>)
        tpu.yield
      }) : () -> ()
      %add3A_58 = arith.constant 80 : i32
      %add3A_59 = arith.addi %mul3A_55, %add3A_58 : i32
      "tpu.region"() ({
        %run_scoped3A = tpu.sem_alloc : memref<!tpu.dma_semaphore, #tpu.memory_space<semaphore_mem>>
        %dma_start3A_70 = arith.constant 0 : i32
        %dma_start3A_71 = arith.constant 0 : i32
        %dma_start3A_72 = tpu.memref_slice %arg9[%dma_start3A_70, %dma_start3A_71] : memref<80x128xf32, #tpu.memory_space<vmem>> -> memref<80x128xf32, #tpu.memory_space<vmem>>
        %dma_start3A_73 = arith.constant 0 : i32
        %dma_start3A_74 = tpu.memref_slice %arg11[%add3A_59, %dma_start3A_73] : memref<10016x128xf32, #tpu.memory_space<vmem_shared>> -> memref<80x128xf32, #tpu.memory_space<vmem_shared>>
        %dma_start3A_75 = arith.constant 0 : i32
        %dma_start3A_76 = tpu.memref_slice %arg11[%add3A_59, %dma_start3A_75] : memref<10016x128xf32, #tpu.memory_space<vmem_shared>> -> memref<80x128xf32, #tpu.memory_space<vmem_shared>>
        %dma_start3A_77 = arith.constant 0 : i32
        %dma_start3A_78 = arith.constant 0 : i32
        %dma_start3A_79 = tpu.memref_slice %arg9[%dma_start3A_77, %dma_start3A_78] : memref<80x128xf32, #tpu.memory_space<vmem>> -> memref<80x128xf32, #tpu.memory_space<vmem>>
        tpu.enqueue_dma source(%dma_start3A_79 : memref<80x128xf32, #tpu.memory_space<vmem>>) target(%dma_start3A_76 : memref<80x128xf32, #tpu.memory_space<vmem_shared>>) target_semaphore(%run_scoped3A : memref<!tpu.dma_semaphore, #tpu.memory_space<semaphore_mem>>)
        %dma_wait3A = arith.constant 0 : i32
        %dma_wait3A_80 = arith.constant 0 : i32
        %dma_wait3A_81 = tpu.memref_slice %arg9[%dma_wait3A, %dma_wait3A_80] : memref<80x128xf32, #tpu.memory_space<vmem>> -> memref<80x128xf32, #tpu.memory_space<vmem>>
        %dma_wait3A_82 = arith.constant 0 : i32
        %dma_wait3A_83 = tpu.memref_slice %arg11[%add3A_59, %dma_wait3A_82] : memref<10016x128xf32, #tpu.memory_space<vmem_shared>> -> memref<80x128xf32, #tpu.memory_space<vmem_shared>>
        %dma_wait3A_84 = arith.constant 0 : i32
        %dma_wait3A_85 = tpu.memref_slice %arg11[%add3A_59, %dma_wait3A_84] : memref<10016x128xf32, #tpu.memory_space<vmem_shared>> -> memref<80x128xf32, #tpu.memory_space<vmem_shared>>
        %dma_wait3A_86 = arith.constant 0 : i32
        %dma_wait3A_87 = arith.constant 0 : i32
        %dma_wait3A_88 = tpu.memref_slice %arg9[%dma_wait3A_86, %dma_wait3A_87] : memref<80x128xf32, #tpu.memory_space<vmem>> -> memref<80x128xf32, #tpu.memory_space<vmem>>
        tpu.wait_dma2 semaphore(%run_scoped3A : memref<!tpu.dma_semaphore, #tpu.memory_space<semaphore_mem>>) src(%dma_wait3A_88 : memref<80x128xf32, #tpu.memory_space<vmem>>) dst(%dma_wait3A_85 : memref<80x128xf32, #tpu.memory_space<vmem_shared>>)
        tpu.yield
      }) : () -> ()
      %add3A_60 = arith.constant 160 : i32
      %add3A_61 = arith.addi %mul3A_55, %add3A_60 : i32
      "tpu.region"() ({
        %run_scoped3A = tpu.sem_alloc : memref<!tpu.dma_semaphore, #tpu.memory_space<semaphore_mem>>
        %dma_start3A_70 = arith.constant 0 : i32
        %dma_start3A_71 = arith.constant 0 : i32
        %dma_start3A_72 = tpu.memref_slice %arg9[%dma_start3A_70, %dma_start3A_71] : memref<80x128xf32, #tpu.memory_space<vmem>> -> memref<80x128xf32, #tpu.memory_space<vmem>>
        %dma_start3A_73 = arith.constant 0 : i32
        %dma_start3A_74 = tpu.memref_slice %arg11[%add3A_61, %dma_start3A_73] : memref<10016x128xf32, #tpu.memory_space<vmem_shared>> -> memref<80x128xf32, #tpu.memory_space<vmem_shared>>
        %dma_start3A_75 = arith.constant 0 : i32
        %dma_start3A_76 = tpu.memref_slice %arg11[%add3A_61, %dma_start3A_75] : memref<10016x128xf32, #tpu.memory_space<vmem_shared>> -> memref<80x128xf32, #tpu.memory_space<vmem_shared>>
        %dma_start3A_77 = arith.constant 0 : i32
        %dma_start3A_78 = arith.constant 0 : i32
        %dma_start3A_79 = tpu.memref_slice %arg9[%dma_start3A_77, %dma_start3A_78] : memref<80x128xf32, #tpu.memory_space<vmem>> -> memref<80x128xf32, #tpu.memory_space<vmem>>
        tpu.enqueue_dma source(%dma_start3A_79 : memref<80x128xf32, #tpu.memory_space<vmem>>) target(%dma_start3A_76 : memref<80x128xf32, #tpu.memory_space<vmem_shared>>) target_semaphore(%run_scoped3A : memref<!tpu.dma_semaphore, #tpu.memory_space<semaphore_mem>>)
        %dma_wait3A = arith.constant 0 : i32
        %dma_wait3A_80 = arith.constant 0 : i32
        %dma_wait3A_81 = tpu.memref_slice %arg9[%dma_wait3A, %dma_wait3A_80] : memref<80x128xf32, #tpu.memory_space<vmem>> -> memref<80x128xf32, #tpu.memory_space<vmem>>
        %dma_wait3A_82 = arith.constant 0 : i32
        %dma_wait3A_83 = tpu.memref_slice %arg11[%add3A_61, %dma_wait3A_82] : memref<10016x128xf32, #tpu.memory_space<vmem_shared>> -> memref<80x128xf32, #tpu.memory_space<vmem_shared>>
        %dma_wait3A_84 = arith.constant 0 : i32
        %dma_wait3A_85 = tpu.memref_slice %arg11[%add3A_61, %dma_wait3A_84] : memref<10016x128xf32, #tpu.memory_space<vmem_shared>> -> memref<80x128xf32, #tpu.memory_space<vmem_shared>>
        %dma_wait3A_86 = arith.constant 0 : i32
        %dma_wait3A_87 = arith.constant 0 : i32
        %dma_wait3A_88 = tpu.memref_slice %arg9[%dma_wait3A_86, %dma_wait3A_87] : memref<80x128xf32, #tpu.memory_space<vmem>> -> memref<80x128xf32, #tpu.memory_space<vmem>>
        tpu.wait_dma2 semaphore(%run_scoped3A : memref<!tpu.dma_semaphore, #tpu.memory_space<semaphore_mem>>) src(%dma_wait3A_88 : memref<80x128xf32, #tpu.memory_space<vmem>>) dst(%dma_wait3A_85 : memref<80x128xf32, #tpu.memory_space<vmem_shared>>)
        tpu.yield
      }) : () -> ()
      %add3A_62 = arith.constant 240 : i32
      %add3A_63 = arith.addi %mul3A_55, %add3A_62 : i32
      "tpu.region"() ({
        %run_scoped3A = tpu.sem_alloc : memref<!tpu.dma_semaphore, #tpu.memory_space<semaphore_mem>>
        %dma_start3A_70 = arith.constant 0 : i32
        %dma_start3A_71 = arith.constant 0 : i32
        %dma_start3A_72 = tpu.memref_slice %arg9[%dma_start3A_70, %dma_start3A_71] : memref<80x128xf32, #tpu.memory_space<vmem>> -> memref<80x128xf32, #tpu.memory_space<vmem>>
        %dma_start3A_73 = arith.constant 0 : i32
        %dma_start3A_74 = tpu.memref_slice %arg11[%add3A_63, %dma_start3A_73] : memref<10016x128xf32, #tpu.memory_space<vmem_shared>> -> memref<80x128xf32, #tpu.memory_space<vmem_shared>>
        %dma_start3A_75 = arith.constant 0 : i32
        %dma_start3A_76 = tpu.memref_slice %arg11[%add3A_63, %dma_start3A_75] : memref<10016x128xf32, #tpu.memory_space<vmem_shared>> -> memref<80x128xf32, #tpu.memory_space<vmem_shared>>
        %dma_start3A_77 = arith.constant 0 : i32
        %dma_start3A_78 = arith.constant 0 : i32
        %dma_start3A_79 = tpu.memref_slice %arg9[%dma_start3A_77, %dma_start3A_78] : memref<80x128xf32, #tpu.memory_space<vmem>> -> memref<80x128xf32, #tpu.memory_space<vmem>>
        tpu.enqueue_dma source(%dma_start3A_79 : memref<80x128xf32, #tpu.memory_space<vmem>>) target(%dma_start3A_76 : memref<80x128xf32, #tpu.memory_space<vmem_shared>>) target_semaphore(%run_scoped3A : memref<!tpu.dma_semaphore, #tpu.memory_space<semaphore_mem>>)
        %dma_wait3A = arith.constant 0 : i32
        %dma_wait3A_80 = arith.constant 0 : i32
        %dma_wait3A_81 = tpu.memref_slice %arg9[%dma_wait3A, %dma_wait3A_80] : memref<80x128xf32, #tpu.memory_space<vmem>> -> memref<80x128xf32, #tpu.memory_space<vmem>>
        %dma_wait3A_82 = arith.constant 0 : i32
        %dma_wait3A_83 = tpu.memref_slice %arg11[%add3A_63, %dma_wait3A_82] : memref<10016x128xf32, #tpu.memory_space<vmem_shared>> -> memref<80x128xf32, #tpu.memory_space<vmem_shared>>
        %dma_wait3A_84 = arith.constant 0 : i32
        %dma_wait3A_85 = tpu.memref_slice %arg11[%add3A_63, %dma_wait3A_84] : memref<10016x128xf32, #tpu.memory_space<vmem_shared>> -> memref<80x128xf32, #tpu.memory_space<vmem_shared>>
        %dma_wait3A_86 = arith.constant 0 : i32
        %dma_wait3A_87 = arith.constant 0 : i32
        %dma_wait3A_88 = tpu.memref_slice %arg9[%dma_wait3A_86, %dma_wait3A_87] : memref<80x128xf32, #tpu.memory_space<vmem>> -> memref<80x128xf32, #tpu.memory_space<vmem>>
        tpu.wait_dma2 semaphore(%run_scoped3A : memref<!tpu.dma_semaphore, #tpu.memory_space<semaphore_mem>>) src(%dma_wait3A_88 : memref<80x128xf32, #tpu.memory_space<vmem>>) dst(%dma_wait3A_85 : memref<80x128xf32, #tpu.memory_space<vmem_shared>>)
        tpu.yield
      }) : () -> ()
      %add3A_64 = arith.constant 320 : i32
      %add3A_65 = arith.addi %mul3A_55, %add3A_64 : i32
      "tpu.region"() ({
        %run_scoped3A = tpu.sem_alloc : memref<!tpu.dma_semaphore, #tpu.memory_space<semaphore_mem>>
        %dma_start3A_70 = arith.constant 0 : i32
        %dma_start3A_71 = arith.constant 0 : i32
        %dma_start3A_72 = tpu.memref_slice %arg9[%dma_start3A_70, %dma_start3A_71] : memref<80x128xf32, #tpu.memory_space<vmem>> -> memref<80x128xf32, #tpu.memory_space<vmem>>
        %dma_start3A_73 = arith.constant 0 : i32
        %dma_start3A_74 = tpu.memref_slice %arg11[%add3A_65, %dma_start3A_73] : memref<10016x128xf32, #tpu.memory_space<vmem_shared>> -> memref<80x128xf32, #tpu.memory_space<vmem_shared>>
        %dma_start3A_75 = arith.constant 0 : i32
        %dma_start3A_76 = tpu.memref_slice %arg11[%add3A_65, %dma_start3A_75] : memref<10016x128xf32, #tpu.memory_space<vmem_shared>> -> memref<80x128xf32, #tpu.memory_space<vmem_shared>>
        %dma_start3A_77 = arith.constant 0 : i32
        %dma_start3A_78 = arith.constant 0 : i32
        %dma_start3A_79 = tpu.memref_slice %arg9[%dma_start3A_77, %dma_start3A_78] : memref<80x128xf32, #tpu.memory_space<vmem>> -> memref<80x128xf32, #tpu.memory_space<vmem>>
        tpu.enqueue_dma source(%dma_start3A_79 : memref<80x128xf32, #tpu.memory_space<vmem>>) target(%dma_start3A_76 : memref<80x128xf32, #tpu.memory_space<vmem_shared>>) target_semaphore(%run_scoped3A : memref<!tpu.dma_semaphore, #tpu.memory_space<semaphore_mem>>)
        %dma_wait3A = arith.constant 0 : i32
        %dma_wait3A_80 = arith.constant 0 : i32
        %dma_wait3A_81 = tpu.memref_slice %arg9[%dma_wait3A, %dma_wait3A_80] : memref<80x128xf32, #tpu.memory_space<vmem>> -> memref<80x128xf32, #tpu.memory_space<vmem>>
        %dma_wait3A_82 = arith.constant 0 : i32
        %dma_wait3A_83 = tpu.memref_slice %arg11[%add3A_65, %dma_wait3A_82] : memref<10016x128xf32, #tpu.memory_space<vmem_shared>> -> memref<80x128xf32, #tpu.memory_space<vmem_shared>>
        %dma_wait3A_84 = arith.constant 0 : i32
        %dma_wait3A_85 = tpu.memref_slice %arg11[%add3A_65, %dma_wait3A_84] : memref<10016x128xf32, #tpu.memory_space<vmem_shared>> -> memref<80x128xf32, #tpu.memory_space<vmem_shared>>
        %dma_wait3A_86 = arith.constant 0 : i32
        %dma_wait3A_87 = arith.constant 0 : i32
        %dma_wait3A_88 = tpu.memref_slice %arg9[%dma_wait3A_86, %dma_wait3A_87] : memref<80x128xf32, #tpu.memory_space<vmem>> -> memref<80x128xf32, #tpu.memory_space<vmem>>
        tpu.wait_dma2 semaphore(%run_scoped3A : memref<!tpu.dma_semaphore, #tpu.memory_space<semaphore_mem>>) src(%dma_wait3A_88 : memref<80x128xf32, #tpu.memory_space<vmem>>) dst(%dma_wait3A_85 : memref<80x128xf32, #tpu.memory_space<vmem_shared>>)
        tpu.yield
      }) : () -> ()
      %add3A_66 = arith.constant 400 : i32
      %add3A_67 = arith.addi %mul3A_55, %add3A_66 : i32
      "tpu.region"() ({
        %run_scoped3A = tpu.sem_alloc : memref<!tpu.dma_semaphore, #tpu.memory_space<semaphore_mem>>
        %dma_start3A_70 = arith.constant 0 : i32
        %dma_start3A_71 = arith.constant 0 : i32
        %dma_start3A_72 = tpu.memref_slice %arg9[%dma_start3A_70, %dma_start3A_71] : memref<80x128xf32, #tpu.memory_space<vmem>> -> memref<80x128xf32, #tpu.memory_space<vmem>>
        %dma_start3A_73 = arith.constant 0 : i32
        %dma_start3A_74 = tpu.memref_slice %arg11[%add3A_67, %dma_start3A_73] : memref<10016x128xf32, #tpu.memory_space<vmem_shared>> -> memref<80x128xf32, #tpu.memory_space<vmem_shared>>
        %dma_start3A_75 = arith.constant 0 : i32
        %dma_start3A_76 = tpu.memref_slice %arg11[%add3A_67, %dma_start3A_75] : memref<10016x128xf32, #tpu.memory_space<vmem_shared>> -> memref<80x128xf32, #tpu.memory_space<vmem_shared>>
        %dma_start3A_77 = arith.constant 0 : i32
        %dma_start3A_78 = arith.constant 0 : i32
        %dma_start3A_79 = tpu.memref_slice %arg9[%dma_start3A_77, %dma_start3A_78] : memref<80x128xf32, #tpu.memory_space<vmem>> -> memref<80x128xf32, #tpu.memory_space<vmem>>
        tpu.enqueue_dma source(%dma_start3A_79 : memref<80x128xf32, #tpu.memory_space<vmem>>) target(%dma_start3A_76 : memref<80x128xf32, #tpu.memory_space<vmem_shared>>) target_semaphore(%run_scoped3A : memref<!tpu.dma_semaphore, #tpu.memory_space<semaphore_mem>>)
        %dma_wait3A = arith.constant 0 : i32
        %dma_wait3A_80 = arith.constant 0 : i32
        %dma_wait3A_81 = tpu.memref_slice %arg9[%dma_wait3A, %dma_wait3A_80] : memref<80x128xf32, #tpu.memory_space<vmem>> -> memref<80x128xf32, #tpu.memory_space<vmem>>
        %dma_wait3A_82 = arith.constant 0 : i32
        %dma_wait3A_83 = tpu.memref_slice %arg11[%add3A_67, %dma_wait3A_82] : memref<10016x128xf32, #tpu.memory_space<vmem_shared>> -> memref<80x128xf32, #tpu.memory_space<vmem_shared>>
        %dma_wait3A_84 = arith.constant 0 : i32
        %dma_wait3A_85 = tpu.memref_slice %arg11[%add3A_67, %dma_wait3A_84] : memref<10016x128xf32, #tpu.memory_space<vmem_shared>> -> memref<80x128xf32, #tpu.memory_space<vmem_shared>>
        %dma_wait3A_86 = arith.constant 0 : i32
        %dma_wait3A_87 = arith.constant 0 : i32
        %dma_wait3A_88 = tpu.memref_slice %arg9[%dma_wait3A_86, %dma_wait3A_87] : memref<80x128xf32, #tpu.memory_space<vmem>> -> memref<80x128xf32, #tpu.memory_space<vmem>>
        tpu.wait_dma2 semaphore(%run_scoped3A : memref<!tpu.dma_semaphore, #tpu.memory_space<semaphore_mem>>) src(%dma_wait3A_88 : memref<80x128xf32, #tpu.memory_space<vmem>>) dst(%dma_wait3A_85 : memref<80x128xf32, #tpu.memory_space<vmem_shared>>)
        tpu.yield
      }) : () -> ()
      %add3A_68 = arith.constant 480 : i32
      %add3A_69 = arith.addi %mul3A_55, %add3A_68 : i32
      "tpu.region"() ({
        %run_scoped3A = tpu.sem_alloc : memref<!tpu.dma_semaphore, #tpu.memory_space<semaphore_mem>>
        %dma_start3A_70 = arith.constant 0 : i32
        %dma_start3A_71 = arith.constant 0 : i32
        %dma_start3A_72 = tpu.memref_slice %arg9[%dma_start3A_70, %dma_start3A_71] : memref<80x128xf32, #tpu.memory_space<vmem>> -> memref<56x128xf32, #tpu.memory_space<vmem>>
        %dma_start3A_73 = arith.constant 0 : i32
        %dma_start3A_74 = tpu.memref_slice %arg11[%add3A_69, %dma_start3A_73] : memref<10016x128xf32, #tpu.memory_space<vmem_shared>> -> memref<56x128xf32, #tpu.memory_space<vmem_shared>>
        %dma_start3A_75 = arith.constant 0 : i32
        %dma_start3A_76 = tpu.memref_slice %arg11[%add3A_69, %dma_start3A_75] : memref<10016x128xf32, #tpu.memory_space<vmem_shared>> -> memref<56x128xf32, #tpu.memory_space<vmem_shared>>
        %dma_start3A_77 = arith.constant 0 : i32
        %dma_start3A_78 = arith.constant 0 : i32
        %dma_start3A_79 = tpu.memref_slice %arg9[%dma_start3A_77, %dma_start3A_78] : memref<80x128xf32, #tpu.memory_space<vmem>> -> memref<56x128xf32, #tpu.memory_space<vmem>>
        tpu.enqueue_dma source(%dma_start3A_79 : memref<56x128xf32, #tpu.memory_space<vmem>>) target(%dma_start3A_76 : memref<56x128xf32, #tpu.memory_space<vmem_shared>>) target_semaphore(%run_scoped3A : memref<!tpu.dma_semaphore, #tpu.memory_space<semaphore_mem>>)
        %dma_wait3A = arith.constant 0 : i32
        %dma_wait3A_80 = arith.constant 0 : i32
        %dma_wait3A_81 = tpu.memref_slice %arg9[%dma_wait3A, %dma_wait3A_80] : memref<80x128xf32, #tpu.memory_space<vmem>> -> memref<56x128xf32, #tpu.memory_space<vmem>>
        %dma_wait3A_82 = arith.constant 0 : i32
        %dma_wait3A_83 = tpu.memref_slice %arg11[%add3A_69, %dma_wait3A_82] : memref<10016x128xf32, #tpu.memory_space<vmem_shared>> -> memref<56x128xf32, #tpu.memory_space<vmem_shared>>
        %dma_wait3A_84 = arith.constant 0 : i32
        %dma_wait3A_85 = tpu.memref_slice %arg11[%add3A_69, %dma_wait3A_84] : memref<10016x128xf32, #tpu.memory_space<vmem_shared>> -> memref<56x128xf32, #tpu.memory_space<vmem_shared>>
        %dma_wait3A_86 = arith.constant 0 : i32
        %dma_wait3A_87 = arith.constant 0 : i32
        %dma_wait3A_88 = tpu.memref_slice %arg9[%dma_wait3A_86, %dma_wait3A_87] : memref<80x128xf32, #tpu.memory_space<vmem>> -> memref<56x128xf32, #tpu.memory_space<vmem>>
        tpu.wait_dma2 semaphore(%run_scoped3A : memref<!tpu.dma_semaphore, #tpu.memory_space<semaphore_mem>>) src(%dma_wait3A_88 : memref<56x128xf32, #tpu.memory_space<vmem>>) dst(%dma_wait3A_85 : memref<56x128xf32, #tpu.memory_space<vmem_shared>>)
        tpu.yield
      }) : () -> ()
    } else {
    }
    %barrier3A = arith.constant 0 : index
    tpu.barrier barrier_id(%barrier3A)
    %mul3A = arith.constant 16 : i32
    %mul3A_6 = arith.muli %arg0, %mul3A : i32
    %add3A = arith.addi %mul3A_6, %arg1 : i32
    %mul3A_7 = arith.constant 128 : i32
    %mul3A_8 = arith.muli %add3A, %mul3A_7 : i32
    %mul3A_9 = arith.constant 128 : i32
    %mul3A_10 = arith.muli %arg1, %mul3A_9 : i32
    %add3A_11 = arith.constant 0 : i32
    %add3A_12 = arith.addi %mul3A_8, %add3A_11 : i32
    "tpu.region"() ({
      %run_scoped3A = tpu.sem_alloc : memref<!tpu.dma_semaphore, #tpu.memory_space<semaphore_mem>>
      %dma_start3A_54 = arith.constant 0 : i32
      %dma_start3A_55 = tpu.memref_slice %arg3[%add3A_12, %dma_start3A_54] : memref<4096x80xi32, #tpu.memory_space<hbm>> -> memref<64x80xi32, #tpu.memory_space<hbm>>
      %dma_start3A_56 = arith.constant 0 : i32
      %dma_start3A_57 = tpu.memref_slice %arg3[%add3A_12, %dma_start3A_56] : memref<4096x80xi32, #tpu.memory_space<hbm>> -> memref<64x80xi32, #tpu.memory_space<hbm>>
      tpu.enqueue_dma source(%dma_start3A_57 : memref<64x80xi32, #tpu.memory_space<hbm>>) target(%arg7 : memref<64x80xi32, #tpu.memory_space<vmem>>) target_semaphore(%run_scoped3A : memref<!tpu.dma_semaphore, #tpu.memory_space<semaphore_mem>>)
      %dma_wait3A = arith.constant 0 : i32
      %dma_wait3A_58 = tpu.memref_slice %arg3[%add3A_12, %dma_wait3A] : memref<4096x80xi32, #tpu.memory_space<hbm>> -> memref<64x80xi32, #tpu.memory_space<hbm>>
      %dma_wait3A_59 = arith.constant 0 : i32
      %dma_wait3A_60 = tpu.memref_slice %arg3[%add3A_12, %dma_wait3A_59] : memref<4096x80xi32, #tpu.memory_space<hbm>> -> memref<64x80xi32, #tpu.memory_space<hbm>>
      tpu.wait_dma2 semaphore(%run_scoped3A : memref<!tpu.dma_semaphore, #tpu.memory_space<semaphore_mem>>) src(%dma_wait3A_60 : memref<64x80xi32, #tpu.memory_space<hbm>>) dst(%arg7 : memref<64x80xi32, #tpu.memory_space<vmem>>)
      tpu.yield
    }) : () -> ()
    %add3A_13 = arith.constant 0 : i32
    %add3A_14 = arith.addi %mul3A_10, %add3A_13 : i32
    "tpu.region"() ({
      %run_scoped3A = tpu.sem_alloc : memref<!tpu.dma_semaphore, #tpu.memory_space<semaphore_mem>>
      %dma_start3A_54 = arith.constant 0 : i32
      %dma_start3A_55 = tpu.memref_slice %arg4[%add3A_14, %dma_start3A_54] : memref<2048x80xi32, #tpu.memory_space<hbm>> -> memref<64x80xi32, #tpu.memory_space<hbm>>
      %dma_start3A_56 = arith.constant 0 : i32
      %dma_start3A_57 = tpu.memref_slice %arg4[%add3A_14, %dma_start3A_56] : memref<2048x80xi32, #tpu.memory_space<hbm>> -> memref<64x80xi32, #tpu.memory_space<hbm>>
      tpu.enqueue_dma source(%dma_start3A_57 : memref<64x80xi32, #tpu.memory_space<hbm>>) target(%arg8 : memref<64x80xi32, #tpu.memory_space<vmem>>) target_semaphore(%run_scoped3A : memref<!tpu.dma_semaphore, #tpu.memory_space<semaphore_mem>>)
      %dma_wait3A = arith.constant 0 : i32
      %dma_wait3A_58 = tpu.memref_slice %arg4[%add3A_14, %dma_wait3A] : memref<2048x80xi32, #tpu.memory_space<hbm>> -> memref<64x80xi32, #tpu.memory_space<hbm>>
      %dma_wait3A_59 = arith.constant 0 : i32
      %dma_wait3A_60 = tpu.memref_slice %arg4[%add3A_14, %dma_wait3A_59] : memref<2048x80xi32, #tpu.memory_space<hbm>> -> memref<64x80xi32, #tpu.memory_space<hbm>>
      tpu.wait_dma2 semaphore(%run_scoped3A : memref<!tpu.dma_semaphore, #tpu.memory_space<semaphore_mem>>) src(%dma_wait3A_60 : memref<64x80xi32, #tpu.memory_space<hbm>>) dst(%arg8 : memref<64x80xi32, #tpu.memory_space<vmem>>)
      tpu.yield
    }) : () -> ()
    %dma_start3A = arith.constant 0 : i32
    %dma_start3A_15 = arith.constant 0 : i32
    %dma_start3A_16 = tpu.memref_slice %arg7[%dma_start3A, %dma_start3A_15] : memref<64x80xi32, #tpu.memory_space<vmem>> -> memref<1x80xi32, #tpu.memory_space<vmem>>
    %dma_start3A_17 = tpu.memref_squeeze %dma_start3A_16 : memref<1x80xi32, #tpu.memory_space<vmem>> -> memref<80xi32, #tpu.memory_space<vmem>>
    %dma_start3A_18 = arith.constant 0 : i32
    %dma_start3A_19 = arith.constant 0 : i32
    %dma_start3A_20 = tpu.memref_slice %arg2[%dma_start3A_18, %dma_start3A_19] : memref<20000x128xf32, #tpu.memory_space<hbm>> -> memref<20000x128xf32, #tpu.memory_space<hbm>>
    tpu.enqueue_indirect_dma source(%dma_start3A_20 : memref<20000x128xf32, #tpu.memory_space<hbm>>) target(%arg9 : memref<80x128xf32, #tpu.memory_space<vmem>>) offsets(%dma_start3A_17 : memref<80xi32, #tpu.memory_space<vmem>>) semaphore(%arg12 : memref<!tpu.dma_semaphore, #tpu.memory_space<semaphore_mem>>)
    %scan3A = arith.constant 0 : i32
    %scan3A_21 = arith.constant 0 : i32
    %scan3A_22 = arith.constant 32 : i32
    %scan3A_23 = arith.addi %scan3A_21, %scan3A_22 : i32
    %scan3A_24 = arith.constant 1 : i32
    scf.for %scan3A_54 = %scan3A_21 to %scan3A_23 step %scan3A_24  : i32 {
      %mul3A_55 = arith.constant 2 : i32
      %mul3A_56 = arith.muli %mul3A_55, %scan3A_54 : i32
      %add3A_57 = arith.constant 0 : i32
      %add3A_58 = arith.addi %mul3A_56, %add3A_57 : i32
      %add3A_59 = arith.constant 2 : i32
      %add3A_60 = arith.addi %add3A_58, %add3A_59 : i32
      %sub3A = arith.constant 1 : i32
      %sub3A_61 = arith.subi %add3A_60, %sub3A : i32
      %lt3A_62 = arith.constant 64 : i32
      %lt3A_63 = arith.cmpi slt, %sub3A_61, %lt3A_62 : i32
      %convert_element_type3A_64 = arith.extui %lt3A_63 : i1 to i32
      %cond3A_65 = arith.constant 0 : i32
      %cond3A_66 = arith.cmpi ne, %convert_element_type3A_64, %cond3A_65 : i32
      scf.if %cond3A_66 {
        %add3A_93 = arith.constant 2 : i32
        %add3A_94 = arith.addi %add3A_58, %add3A_93 : i32
        %sub3A_95 = arith.constant 1 : i32
        %sub3A_96 = arith.subi %add3A_94, %sub3A_95 : i32
        %dma_start3A_97 = arith.constant 0 : i32
        %dma_start3A_98 = tpu.memref_slice %arg7[%sub3A_96, %dma_start3A_97] : memref<64x80xi32, #tpu.memory_space<vmem>> -> memref<1x80xi32, #tpu.memory_space<vmem>>
        %dma_start3A_99 = tpu.memref_squeeze %dma_start3A_98 : memref<1x80xi32, #tpu.memory_space<vmem>> -> memref<80xi32, #tpu.memory_space<vmem>>
        %dma_start3A_100 = arith.constant 0 : i32
        %dma_start3A_101 = arith.constant 0 : i32
        %dma_start3A_102 = tpu.memref_slice %arg2[%dma_start3A_100, %dma_start3A_101] : memref<20000x128xf32, #tpu.memory_space<hbm>> -> memref<20000x128xf32, #tpu.memory_space<hbm>>
        tpu.enqueue_indirect_dma source(%dma_start3A_102 : memref<20000x128xf32, #tpu.memory_space<hbm>>) target(%arg10 : memref<80x128xf32, #tpu.memory_space<vmem>>) offsets(%dma_start3A_99 : memref<80xi32, #tpu.memory_space<vmem>>) semaphore(%arg13 : memref<!tpu.dma_semaphore, #tpu.memory_space<semaphore_mem>>)
      } else {
      }
      %dma_wait3A = arith.constant 0 : i32
      %dma_wait3A_67 = arith.constant 0 : i32
      %dma_wait3A_68 = tpu.memref_slice %arg7[%dma_wait3A, %dma_wait3A_67] : memref<64x80xi32, #tpu.memory_space<vmem>> -> memref<1x80xi32, #tpu.memory_space<vmem>>
      %dma_wait3A_69 = tpu.memref_squeeze %dma_wait3A_68 : memref<1x80xi32, #tpu.memory_space<vmem>> -> memref<80xi32, #tpu.memory_space<vmem>>
      %dma_wait3A_70 = arith.constant 0 : i32
      %dma_wait3A_71 = arith.constant 0 : i32
      %dma_wait3A_72 = tpu.memref_slice %arg2[%dma_wait3A_70, %dma_wait3A_71] : memref<20000x128xf32, #tpu.memory_space<hbm>> -> memref<20000x128xf32, #tpu.memory_space<hbm>>
      tpu.wait_indirect_dma semaphore(%arg12 : memref<!tpu.dma_semaphore, #tpu.memory_space<semaphore_mem>>) src(%dma_wait3A_72 : memref<20000x128xf32, #tpu.memory_space<hbm>>) dst(%arg9 : memref<80x128xf32, #tpu.memory_space<vmem>>)
      "tpu.region"() ({
        %run_scoped3A = tpu.sem_alloc : memref<!tpu.dma_semaphore, #tpu.memory_space<semaphore_mem>>
        %dma_start3A_93 = arith.constant 0 : i32
        %dma_start3A_94 = tpu.memref_slice %arg8[%add3A_58, %dma_start3A_93] : memref<64x80xi32, #tpu.memory_space<vmem>> -> memref<1x80xi32, #tpu.memory_space<vmem>>
        %dma_start3A_95 = tpu.memref_squeeze %dma_start3A_94 : memref<1x80xi32, #tpu.memory_space<vmem>> -> memref<80xi32, #tpu.memory_space<vmem>>
        %dma_start3A_96 = arith.constant 0 : i32
        %dma_start3A_97 = arith.constant 0 : i32
        %dma_start3A_98 = tpu.memref_slice %arg11[%dma_start3A_96, %dma_start3A_97] : memref<10016x128xf32, #tpu.memory_space<vmem_shared>> -> memref<10016x128xf32, #tpu.memory_space<vmem_shared>>
        tpu.enqueue_indirect_dma source(%arg9 : memref<80x128xf32, #tpu.memory_space<vmem>>) target(%dma_start3A_98 : memref<10016x128xf32, #tpu.memory_space<vmem_shared>>) offsets(%dma_start3A_95 : memref<80xi32, #tpu.memory_space<vmem>>) semaphore(%run_scoped3A : memref<!tpu.dma_semaphore, #tpu.memory_space<semaphore_mem>>) {add = true}
        %dma_wait3A_99 = arith.constant 0 : i32
        %dma_wait3A_100 = tpu.memref_slice %arg8[%add3A_58, %dma_wait3A_99] : memref<64x80xi32, #tpu.memory_space<vmem>> -> memref<1x80xi32, #tpu.memory_space<vmem>>
        %dma_wait3A_101 = tpu.memref_squeeze %dma_wait3A_100 : memref<1x80xi32, #tpu.memory_space<vmem>> -> memref<80xi32, #tpu.memory_space<vmem>>
        %dma_wait3A_102 = arith.constant 0 : i32
        %dma_wait3A_103 = arith.constant 0 : i32
        %dma_wait3A_104 = tpu.memref_slice %arg11[%dma_wait3A_102, %dma_wait3A_103] : memref<10016x128xf32, #tpu.memory_space<vmem_shared>> -> memref<10016x128xf32, #tpu.memory_space<vmem_shared>>
        tpu.wait_indirect_dma semaphore(%run_scoped3A : memref<!tpu.dma_semaphore, #tpu.memory_space<semaphore_mem>>) src(%arg9 : memref<80x128xf32, #tpu.memory_space<vmem>>) dst(%dma_wait3A_104 : memref<10016x128xf32, #tpu.memory_space<vmem_shared>>)
        tpu.yield
      }) : () -> ()
      %mul3A_73 = arith.constant 2 : i32
      %mul3A_74 = arith.muli %mul3A_73, %scan3A_54 : i32
      %add3A_75 = arith.constant 1 : i32
      %add3A_76 = arith.addi %mul3A_74, %add3A_75 : i32
      %add3A_77 = arith.constant 2 : i32
      %add3A_78 = arith.addi %add3A_76, %add3A_77 : i32
      %sub3A_79 = arith.constant 1 : i32
      %sub3A_80 = arith.subi %add3A_78, %sub3A_79 : i32
      %lt3A_81 = arith.constant 64 : i32
      %lt3A_82 = arith.cmpi slt, %sub3A_80, %lt3A_81 : i32
      %convert_element_type3A_83 = arith.extui %lt3A_82 : i1 to i32
      %cond3A_84 = arith.constant 0 : i32
      %cond3A_85 = arith.cmpi ne, %convert_element_type3A_83, %cond3A_84 : i32
      scf.if %cond3A_85 {
        %add3A_93 = arith.constant 2 : i32
        %add3A_94 = arith.addi %add3A_76, %add3A_93 : i32
        %sub3A_95 = arith.constant 1 : i32
        %sub3A_96 = arith.subi %add3A_94, %sub3A_95 : i32
        %dma_start3A_97 = arith.constant 0 : i32
        %dma_start3A_98 = tpu.memref_slice %arg7[%sub3A_96, %dma_start3A_97] : memref<64x80xi32, #tpu.memory_space<vmem>> -> memref<1x80xi32, #tpu.memory_space<vmem>>
        %dma_start3A_99 = tpu.memref_squeeze %dma_start3A_98 : memref<1x80xi32, #tpu.memory_space<vmem>> -> memref<80xi32, #tpu.memory_space<vmem>>
        %dma_start3A_100 = arith.constant 0 : i32
        %dma_start3A_101 = arith.constant 0 : i32
        %dma_start3A_102 = tpu.memref_slice %arg2[%dma_start3A_100, %dma_start3A_101] : memref<20000x128xf32, #tpu.memory_space<hbm>> -> memref<20000x128xf32, #tpu.memory_space<hbm>>
        tpu.enqueue_indirect_dma source(%dma_start3A_102 : memref<20000x128xf32, #tpu.memory_space<hbm>>) target(%arg9 : memref<80x128xf32, #tpu.memory_space<vmem>>) offsets(%dma_start3A_99 : memref<80xi32, #tpu.memory_space<vmem>>) semaphore(%arg12 : memref<!tpu.dma_semaphore, #tpu.memory_space<semaphore_mem>>)
      } else {
      }
      %dma_wait3A_86 = arith.constant 0 : i32
      %dma_wait3A_87 = arith.constant 0 : i32
      %dma_wait3A_88 = tpu.memref_slice %arg7[%dma_wait3A_86, %dma_wait3A_87] : memref<64x80xi32, #tpu.memory_space<vmem>> -> memref<1x80xi32, #tpu.memory_space<vmem>>
      %dma_wait3A_89 = tpu.memref_squeeze %dma_wait3A_88 : memref<1x80xi32, #tpu.memory_space<vmem>> -> memref<80xi32, #tpu.memory_space<vmem>>
      %dma_wait3A_90 = arith.constant 0 : i32
      %dma_wait3A_91 = arith.constant 0 : i32
      %dma_wait3A_92 = tpu.memref_slice %arg2[%dma_wait3A_90, %dma_wait3A_91] : memref<20000x128xf32, #tpu.memory_space<hbm>> -> memref<20000x128xf32, #tpu.memory_space<hbm>>
      tpu.wait_indirect_dma semaphore(%arg13 : memref<!tpu.dma_semaphore, #tpu.memory_space<semaphore_mem>>) src(%dma_wait3A_92 : memref<20000x128xf32, #tpu.memory_space<hbm>>) dst(%arg10 : memref<80x128xf32, #tpu.memory_space<vmem>>)
      "tpu.region"() ({
        %run_scoped3A = tpu.sem_alloc : memref<!tpu.dma_semaphore, #tpu.memory_space<semaphore_mem>>
        %dma_start3A_93 = arith.constant 0 : i32
        %dma_start3A_94 = tpu.memref_slice %arg8[%add3A_76, %dma_start3A_93] : memref<64x80xi32, #tpu.memory_space<vmem>> -> memref<1x80xi32, #tpu.memory_space<vmem>>
        %dma_start3A_95 = tpu.memref_squeeze %dma_start3A_94 : memref<1x80xi32, #tpu.memory_space<vmem>> -> memref<80xi32, #tpu.memory_space<vmem>>
        %dma_start3A_96 = arith.constant 0 : i32
        %dma_start3A_97 = arith.constant 0 : i32
        %dma_start3A_98 = tpu.memref_slice %arg11[%dma_start3A_96, %dma_start3A_97] : memref<10016x128xf32, #tpu.memory_space<vmem_shared>> -> memref<10016x128xf32, #tpu.memory_space<vmem_shared>>
        tpu.enqueue_indirect_dma source(%arg10 : memref<80x128xf32, #tpu.memory_space<vmem>>) target(%dma_start3A_98 : memref<10016x128xf32, #tpu.memory_space<vmem_shared>>) offsets(%dma_start3A_95 : memref<80xi32, #tpu.memory_space<vmem>>) semaphore(%run_scoped3A : memref<!tpu.dma_semaphore, #tpu.memory_space<semaphore_mem>>) {add = true}
        %dma_wait3A_99 = arith.constant 0 : i32
        %dma_wait3A_100 = tpu.memref_slice %arg8[%add3A_76, %dma_wait3A_99] : memref<64x80xi32, #tpu.memory_space<vmem>> -> memref<1x80xi32, #tpu.memory_space<vmem>>
        %dma_wait3A_101 = tpu.memref_squeeze %dma_wait3A_100 : memref<1x80xi32, #tpu.memory_space<vmem>> -> memref<80xi32, #tpu.memory_space<vmem>>
        %dma_wait3A_102 = arith.constant 0 : i32
        %dma_wait3A_103 = arith.constant 0 : i32
        %dma_wait3A_104 = tpu.memref_slice %arg11[%dma_wait3A_102, %dma_wait3A_103] : memref<10016x128xf32, #tpu.memory_space<vmem_shared>> -> memref<10016x128xf32, #tpu.memory_space<vmem_shared>>
        tpu.wait_indirect_dma semaphore(%run_scoped3A : memref<!tpu.dma_semaphore, #tpu.memory_space<semaphore_mem>>) src(%arg10 : memref<80x128xf32, #tpu.memory_space<vmem>>) dst(%dma_wait3A_104 : memref<10016x128xf32, #tpu.memory_space<vmem_shared>>)
        tpu.yield
      }) : () -> ()
    }
    %scan3A_25 = arith.constant 32 : i32
    %add3A_26 = arith.constant 64 : i32
    %add3A_27 = arith.addi %mul3A_8, %add3A_26 : i32
    "tpu.region"() ({
      %run_scoped3A = tpu.sem_alloc : memref<!tpu.dma_semaphore, #tpu.memory_space<semaphore_mem>>
      %dma_start3A_54 = arith.constant 0 : i32
      %dma_start3A_55 = tpu.memref_slice %arg3[%add3A_27, %dma_start3A_54] : memref<4096x80xi32, #tpu.memory_space<hbm>> -> memref<64x80xi32, #tpu.memory_space<hbm>>
      %dma_start3A_56 = arith.constant 0 : i32
      %dma_start3A_57 = tpu.memref_slice %arg3[%add3A_27, %dma_start3A_56] : memref<4096x80xi32, #tpu.memory_space<hbm>> -> memref<64x80xi32, #tpu.memory_space<hbm>>
      tpu.enqueue_dma source(%dma_start3A_57 : memref<64x80xi32, #tpu.memory_space<hbm>>) target(%arg7 : memref<64x80xi32, #tpu.memory_space<vmem>>) target_semaphore(%run_scoped3A : memref<!tpu.dma_semaphore, #tpu.memory_space<semaphore_mem>>)
      %dma_wait3A = arith.constant 0 : i32
      %dma_wait3A_58 = tpu.memref_slice %arg3[%add3A_27, %dma_wait3A] : memref<4096x80xi32, #tpu.memory_space<hbm>> -> memref<64x80xi32, #tpu.memory_space<hbm>>
      %dma_wait3A_59 = arith.constant 0 : i32
      %dma_wait3A_60 = tpu.memref_slice %arg3[%add3A_27, %dma_wait3A_59] : memref<4096x80xi32, #tpu.memory_space<hbm>> -> memref<64x80xi32, #tpu.memory_space<hbm>>
      tpu.wait_dma2 semaphore(%run_scoped3A : memref<!tpu.dma_semaphore, #tpu.memory_space<semaphore_mem>>) src(%dma_wait3A_60 : memref<64x80xi32, #tpu.memory_space<hbm>>) dst(%arg7 : memref<64x80xi32, #tpu.memory_space<vmem>>)
      tpu.yield
    }) : () -> ()
    %add3A_28 = arith.constant 64 : i32
    %add3A_29 = arith.addi %mul3A_10, %add3A_28 : i32
    "tpu.region"() ({
      %run_scoped3A = tpu.sem_alloc : memref<!tpu.dma_semaphore, #tpu.memory_space<semaphore_mem>>
      %dma_start3A_54 = arith.constant 0 : i32
      %dma_start3A_55 = tpu.memref_slice %arg4[%add3A_29, %dma_start3A_54] : memref<2048x80xi32, #tpu.memory_space<hbm>> -> memref<64x80xi32, #tpu.memory_space<hbm>>
      %dma_start3A_56 = arith.constant 0 : i32
      %dma_start3A_57 = tpu.memref_slice %arg4[%add3A_29, %dma_start3A_56] : memref<2048x80xi32, #tpu.memory_space<hbm>> -> memref<64x80xi32, #tpu.memory_space<hbm>>
      tpu.enqueue_dma source(%dma_start3A_57 : memref<64x80xi32, #tpu.memory_space<hbm>>) target(%arg8 : memref<64x80xi32, #tpu.memory_space<vmem>>) target_semaphore(%run_scoped3A : memref<!tpu.dma_semaphore, #tpu.memory_space<semaphore_mem>>)
      %dma_wait3A = arith.constant 0 : i32
      %dma_wait3A_58 = tpu.memref_slice %arg4[%add3A_29, %dma_wait3A] : memref<2048x80xi32, #tpu.memory_space<hbm>> -> memref<64x80xi32, #tpu.memory_space<hbm>>
      %dma_wait3A_59 = arith.constant 0 : i32
      %dma_wait3A_60 = tpu.memref_slice %arg4[%add3A_29, %dma_wait3A_59] : memref<2048x80xi32, #tpu.memory_space<hbm>> -> memref<64x80xi32, #tpu.memory_space<hbm>>
      tpu.wait_dma2 semaphore(%run_scoped3A : memref<!tpu.dma_semaphore, #tpu.memory_space<semaphore_mem>>) src(%dma_wait3A_60 : memref<64x80xi32, #tpu.memory_space<hbm>>) dst(%arg8 : memref<64x80xi32, #tpu.memory_space<vmem>>)
      tpu.yield
    }) : () -> ()
    %dma_start3A_30 = arith.constant 0 : i32
    %dma_start3A_31 = arith.constant 0 : i32
    %dma_start3A_32 = tpu.memref_slice %arg7[%dma_start3A_30, %dma_start3A_31] : memref<64x80xi32, #tpu.memory_space<vmem>> -> memref<1x80xi32, #tpu.memory_space<vmem>>
    %dma_start3A_33 = tpu.memref_squeeze %dma_start3A_32 : memref<1x80xi32, #tpu.memory_space<vmem>> -> memref<80xi32, #tpu.memory_space<vmem>>
    %dma_start3A_34 = arith.constant 0 : i32
    %dma_start3A_35 = arith.constant 0 : i32
    %dma_start3A_36 = tpu.memref_slice %arg2[%dma_start3A_34, %dma_start3A_35] : memref<20000x128xf32, #tpu.memory_space<hbm>> -> memref<20000x128xf32, #tpu.memory_space<hbm>>
    tpu.enqueue_indirect_dma source(%dma_start3A_36 : memref<20000x128xf32, #tpu.memory_space<hbm>>) target(%arg9 : memref<80x128xf32, #tpu.memory_space<vmem>>) offsets(%dma_start3A_33 : memref<80xi32, #tpu.memory_space<vmem>>) semaphore(%arg12 : memref<!tpu.dma_semaphore, #tpu.memory_space<semaphore_mem>>)
    %scan3A_37 = arith.constant 0 : i32
    %scan3A_38 = arith.constant 0 : i32
    %scan3A_39 = arith.constant 32 : i32
    %scan3A_40 = arith.addi %scan3A_38, %scan3A_39 : i32
    %scan3A_41 = arith.constant 1 : i32
    scf.for %scan3A_54 = %scan3A_38 to %scan3A_40 step %scan3A_41  : i32 {
      %mul3A_55 = arith.constant 2 : i32
      %mul3A_56 = arith.muli %mul3A_55, %scan3A_54 : i32
      %add3A_57 = arith.constant 0 : i32
      %add3A_58 = arith.addi %mul3A_56, %add3A_57 : i32
      %add3A_59 = arith.constant 2 : i32
      %add3A_60 = arith.addi %add3A_58, %add3A_59 : i32
      %sub3A = arith.constant 1 : i32
      %sub3A_61 = arith.subi %add3A_60, %sub3A : i32
      %lt3A_62 = arith.constant 64 : i32
      %lt3A_63 = arith.cmpi slt, %sub3A_61, %lt3A_62 : i32
      %convert_element_type3A_64 = arith.extui %lt3A_63 : i1 to i32
      %cond3A_65 = arith.constant 0 : i32
      %cond3A_66 = arith.cmpi ne, %convert_element_type3A_64, %cond3A_65 : i32
      scf.if %cond3A_66 {
        %add3A_93 = arith.constant 2 : i32
        %add3A_94 = arith.addi %add3A_58, %add3A_93 : i32
        %sub3A_95 = arith.constant 1 : i32
        %sub3A_96 = arith.subi %add3A_94, %sub3A_95 : i32
        %dma_start3A_97 = arith.constant 0 : i32
        %dma_start3A_98 = tpu.memref_slice %arg7[%sub3A_96, %dma_start3A_97] : memref<64x80xi32, #tpu.memory_space<vmem>> -> memref<1x80xi32, #tpu.memory_space<vmem>>
        %dma_start3A_99 = tpu.memref_squeeze %dma_start3A_98 : memref<1x80xi32, #tpu.memory_space<vmem>> -> memref<80xi32, #tpu.memory_space<vmem>>
        %dma_start3A_100 = arith.constant 0 : i32
        %dma_start3A_101 = arith.constant 0 : i32
        %dma_start3A_102 = tpu.memref_slice %arg2[%dma_start3A_100, %dma_start3A_101] : memref<20000x128xf32, #tpu.memory_space<hbm>> -> memref<20000x128xf32, #tpu.memory_space<hbm>>
        tpu.enqueue_indirect_dma source(%dma_start3A_102 : memref<20000x128xf32, #tpu.memory_space<hbm>>) target(%arg10 : memref<80x128xf32, #tpu.memory_space<vmem>>) offsets(%dma_start3A_99 : memref<80xi32, #tpu.memory_space<vmem>>) semaphore(%arg13 : memref<!tpu.dma_semaphore, #tpu.memory_space<semaphore_mem>>)
      } else {
      }
      %dma_wait3A = arith.constant 0 : i32
      %dma_wait3A_67 = arith.constant 0 : i32
      %dma_wait3A_68 = tpu.memref_slice %arg7[%dma_wait3A, %dma_wait3A_67] : memref<64x80xi32, #tpu.memory_space<vmem>> -> memref<1x80xi32, #tpu.memory_space<vmem>>
      %dma_wait3A_69 = tpu.memref_squeeze %dma_wait3A_68 : memref<1x80xi32, #tpu.memory_space<vmem>> -> memref<80xi32, #tpu.memory_space<vmem>>
      %dma_wait3A_70 = arith.constant 0 : i32
      %dma_wait3A_71 = arith.constant 0 : i32
      %dma_wait3A_72 = tpu.memref_slice %arg2[%dma_wait3A_70, %dma_wait3A_71] : memref<20000x128xf32, #tpu.memory_space<hbm>> -> memref<20000x128xf32, #tpu.memory_space<hbm>>
      tpu.wait_indirect_dma semaphore(%arg12 : memref<!tpu.dma_semaphore, #tpu.memory_space<semaphore_mem>>) src(%dma_wait3A_72 : memref<20000x128xf32, #tpu.memory_space<hbm>>) dst(%arg9 : memref<80x128xf32, #tpu.memory_space<vmem>>)
      "tpu.region"() ({
        %run_scoped3A = tpu.sem_alloc : memref<!tpu.dma_semaphore, #tpu.memory_space<semaphore_mem>>
        %dma_start3A_93 = arith.constant 0 : i32
        %dma_start3A_94 = tpu.memref_slice %arg8[%add3A_58, %dma_start3A_93] : memref<64x80xi32, #tpu.memory_space<vmem>> -> memref<1x80xi32, #tpu.memory_space<vmem>>
        %dma_start3A_95 = tpu.memref_squeeze %dma_start3A_94 : memref<1x80xi32, #tpu.memory_space<vmem>> -> memref<80xi32, #tpu.memory_space<vmem>>
        %dma_start3A_96 = arith.constant 0 : i32
        %dma_start3A_97 = arith.constant 0 : i32
        %dma_start3A_98 = tpu.memref_slice %arg11[%dma_start3A_96, %dma_start3A_97] : memref<10016x128xf32, #tpu.memory_space<vmem_shared>> -> memref<10016x128xf32, #tpu.memory_space<vmem_shared>>
        tpu.enqueue_indirect_dma source(%arg9 : memref<80x128xf32, #tpu.memory_space<vmem>>) target(%dma_start3A_98 : memref<10016x128xf32, #tpu.memory_space<vmem_shared>>) offsets(%dma_start3A_95 : memref<80xi32, #tpu.memory_space<vmem>>) semaphore(%run_scoped3A : memref<!tpu.dma_semaphore, #tpu.memory_space<semaphore_mem>>) {add = true}
        %dma_wait3A_99 = arith.constant 0 : i32
        %dma_wait3A_100 = tpu.memref_slice %arg8[%add3A_58, %dma_wait3A_99] : memref<64x80xi32, #tpu.memory_space<vmem>> -> memref<1x80xi32, #tpu.memory_space<vmem>>
        %dma_wait3A_101 = tpu.memref_squeeze %dma_wait3A_100 : memref<1x80xi32, #tpu.memory_space<vmem>> -> memref<80xi32, #tpu.memory_space<vmem>>
        %dma_wait3A_102 = arith.constant 0 : i32
        %dma_wait3A_103 = arith.constant 0 : i32
        %dma_wait3A_104 = tpu.memref_slice %arg11[%dma_wait3A_102, %dma_wait3A_103] : memref<10016x128xf32, #tpu.memory_space<vmem_shared>> -> memref<10016x128xf32, #tpu.memory_space<vmem_shared>>
        tpu.wait_indirect_dma semaphore(%run_scoped3A : memref<!tpu.dma_semaphore, #tpu.memory_space<semaphore_mem>>) src(%arg9 : memref<80x128xf32, #tpu.memory_space<vmem>>) dst(%dma_wait3A_104 : memref<10016x128xf32, #tpu.memory_space<vmem_shared>>)
        tpu.yield
      }) : () -> ()
      %mul3A_73 = arith.constant 2 : i32
      %mul3A_74 = arith.muli %mul3A_73, %scan3A_54 : i32
      %add3A_75 = arith.constant 1 : i32
      %add3A_76 = arith.addi %mul3A_74, %add3A_75 : i32
      %add3A_77 = arith.constant 2 : i32
      %add3A_78 = arith.addi %add3A_76, %add3A_77 : i32
      %sub3A_79 = arith.constant 1 : i32
      %sub3A_80 = arith.subi %add3A_78, %sub3A_79 : i32
      %lt3A_81 = arith.constant 64 : i32
      %lt3A_82 = arith.cmpi slt, %sub3A_80, %lt3A_81 : i32
      %convert_element_type3A_83 = arith.extui %lt3A_82 : i1 to i32
      %cond3A_84 = arith.constant 0 : i32
      %cond3A_85 = arith.cmpi ne, %convert_element_type3A_83, %cond3A_84 : i32
      scf.if %cond3A_85 {
        %add3A_93 = arith.constant 2 : i32
        %add3A_94 = arith.addi %add3A_76, %add3A_93 : i32
        %sub3A_95 = arith.constant 1 : i32
        %sub3A_96 = arith.subi %add3A_94, %sub3A_95 : i32
        %dma_start3A_97 = arith.constant 0 : i32
        %dma_start3A_98 = tpu.memref_slice %arg7[%sub3A_96, %dma_start3A_97] : memref<64x80xi32, #tpu.memory_space<vmem>> -> memref<1x80xi32, #tpu.memory_space<vmem>>
        %dma_start3A_99 = tpu.memref_squeeze %dma_start3A_98 : memref<1x80xi32, #tpu.memory_space<vmem>> -> memref<80xi32, #tpu.memory_space<vmem>>
        %dma_start3A_100 = arith.constant 0 : i32
        %dma_start3A_101 = arith.constant 0 : i32
        %dma_start3A_102 = tpu.memref_slice %arg2[%dma_start3A_100, %dma_start3A_101] : memref<20000x128xf32, #tpu.memory_space<hbm>> -> memref<20000x128xf32, #tpu.memory_space<hbm>>
        tpu.enqueue_indirect_dma source(%dma_start3A_102 : memref<20000x128xf32, #tpu.memory_space<hbm>>) target(%arg9 : memref<80x128xf32, #tpu.memory_space<vmem>>) offsets(%dma_start3A_99 : memref<80xi32, #tpu.memory_space<vmem>>) semaphore(%arg12 : memref<!tpu.dma_semaphore, #tpu.memory_space<semaphore_mem>>)
      } else {
      }
      %dma_wait3A_86 = arith.constant 0 : i32
      %dma_wait3A_87 = arith.constant 0 : i32
      %dma_wait3A_88 = tpu.memref_slice %arg7[%dma_wait3A_86, %dma_wait3A_87] : memref<64x80xi32, #tpu.memory_space<vmem>> -> memref<1x80xi32, #tpu.memory_space<vmem>>
      %dma_wait3A_89 = tpu.memref_squeeze %dma_wait3A_88 : memref<1x80xi32, #tpu.memory_space<vmem>> -> memref<80xi32, #tpu.memory_space<vmem>>
      %dma_wait3A_90 = arith.constant 0 : i32
      %dma_wait3A_91 = arith.constant 0 : i32
      %dma_wait3A_92 = tpu.memref_slice %arg2[%dma_wait3A_90, %dma_wait3A_91] : memref<20000x128xf32, #tpu.memory_space<hbm>> -> memref<20000x128xf32, #tpu.memory_space<hbm>>
      tpu.wait_indirect_dma semaphore(%arg13 : memref<!tpu.dma_semaphore, #tpu.memory_space<semaphore_mem>>) src(%dma_wait3A_92 : memref<20000x128xf32, #tpu.memory_space<hbm>>) dst(%arg10 : memref<80x128xf32, #tpu.memory_space<vmem>>)
      "tpu.region"() ({
        %run_scoped3A = tpu.sem_alloc : memref<!tpu.dma_semaphore, #tpu.memory_space<semaphore_mem>>
        %dma_start3A_93 = arith.constant 0 : i32
        %dma_start3A_94 = tpu.memref_slice %arg8[%add3A_76, %dma_start3A_93] : memref<64x80xi32, #tpu.memory_space<vmem>> -> memref<1x80xi32, #tpu.memory_space<vmem>>
        %dma_start3A_95 = tpu.memref_squeeze %dma_start3A_94 : memref<1x80xi32, #tpu.memory_space<vmem>> -> memref<80xi32, #tpu.memory_space<vmem>>
        %dma_start3A_96 = arith.constant 0 : i32
        %dma_start3A_97 = arith.constant 0 : i32
        %dma_start3A_98 = tpu.memref_slice %arg11[%dma_start3A_96, %dma_start3A_97] : memref<10016x128xf32, #tpu.memory_space<vmem_shared>> -> memref<10016x128xf32, #tpu.memory_space<vmem_shared>>
        tpu.enqueue_indirect_dma source(%arg10 : memref<80x128xf32, #tpu.memory_space<vmem>>) target(%dma_start3A_98 : memref<10016x128xf32, #tpu.memory_space<vmem_shared>>) offsets(%dma_start3A_95 : memref<80xi32, #tpu.memory_space<vmem>>) semaphore(%run_scoped3A : memref<!tpu.dma_semaphore, #tpu.memory_space<semaphore_mem>>) {add = true}
        %dma_wait3A_99 = arith.constant 0 : i32
        %dma_wait3A_100 = tpu.memref_slice %arg8[%add3A_76, %dma_wait3A_99] : memref<64x80xi32, #tpu.memory_space<vmem>> -> memref<1x80xi32, #tpu.memory_space<vmem>>
        %dma_wait3A_101 = tpu.memref_squeeze %dma_wait3A_100 : memref<1x80xi32, #tpu.memory_space<vmem>> -> memref<80xi32, #tpu.memory_space<vmem>>
        %dma_wait3A_102 = arith.constant 0 : i32
        %dma_wait3A_103 = arith.constant 0 : i32
        %dma_wait3A_104 = tpu.memref_slice %arg11[%dma_wait3A_102, %dma_wait3A_103] : memref<10016x128xf32, #tpu.memory_space<vmem_shared>> -> memref<10016x128xf32, #tpu.memory_space<vmem_shared>>
        tpu.wait_indirect_dma semaphore(%run_scoped3A : memref<!tpu.dma_semaphore, #tpu.memory_space<semaphore_mem>>) src(%arg10 : memref<80x128xf32, #tpu.memory_space<vmem>>) dst(%dma_wait3A_104 : memref<10016x128xf32, #tpu.memory_space<vmem_shared>>)
        tpu.yield
      }) : () -> ()
    }
    %scan3A_42 = arith.constant 32 : i32
    %barrier3A_43 = arith.constant 0 : index
    tpu.barrier barrier_id(%barrier3A_43)
    %lt3A_44 = arith.constant 15 : i32
    %lt3A_45 = arith.cmpi slt, %arg1, %lt3A_44 : i32
    %convert_element_type3A_46 = arith.extui %lt3A_45 : i1 to i32
    %cond3A_47 = arith.constant 0 : i32
    %cond3A_48 = arith.cmpi ne, %convert_element_type3A_46, %cond3A_47 : i32
    scf.if %cond3A_48 {
      %mul3A_54 = arith.constant 632 : i32
      %mul3A_55 = arith.muli %arg1, %mul3A_54 : i32
      %mul3A_56 = arith.constant 10000 : i32
      %mul3A_57 = arith.muli %arg0, %mul3A_56 : i32
      %mul3A_58 = arith.constant 632 : i32
      %mul3A_59 = arith.muli %arg1, %mul3A_58 : i32
      %add3A_60 = arith.addi %mul3A_57, %mul3A_59 : i32
      "tpu.region"() ({
        %run_scoped3A = tpu.sem_alloc : memref<!tpu.dma_semaphore, #tpu.memory_space<semaphore_mem>>
        %dma_start3A_61 = arith.constant 0 : i32
        %dma_start3A_62 = tpu.memref_slice %arg6[%add3A_60, %dma_start3A_61] : memref<20000x128xf32, #tpu.memory_space<hbm>> -> memref<632x128xf32, #tpu.memory_space<hbm>>
        %dma_start3A_63 = arith.constant 0 : i32
        %dma_start3A_64 = tpu.memref_slice %arg11[%mul3A_55, %dma_start3A_63] : memref<10016x128xf32, #tpu.memory_space<vmem_shared>> -> memref<632x128xf32, #tpu.memory_space<vmem_shared>>
        tpu.enqueue_dma source(%dma_start3A_64 : memref<632x128xf32, #tpu.memory_space<vmem_shared>>) target(%dma_start3A_62 : memref<632x128xf32, #tpu.memory_space<hbm>>) target_semaphore(%run_scoped3A : memref<!tpu.dma_semaphore, #tpu.memory_space<semaphore_mem>>)
        %dma_wait3A = arith.constant 0 : i32
        %dma_wait3A_65 = tpu.memref_slice %arg6[%add3A_60, %dma_wait3A] : memref<20000x128xf32, #tpu.memory_space<hbm>> -> memref<632x128xf32, #tpu.memory_space<hbm>>
        %dma_wait3A_66 = arith.constant 0 : i32
        %dma_wait3A_67 = tpu.memref_slice %arg11[%mul3A_55, %dma_wait3A_66] : memref<10016x128xf32, #tpu.memory_space<vmem_shared>> -> memref<632x128xf32, #tpu.memory_space<vmem_shared>>
        tpu.wait_dma2 semaphore(%run_scoped3A : memref<!tpu.dma_semaphore, #tpu.memory_space<semaphore_mem>>) src(%dma_wait3A_67 : memref<632x128xf32, #tpu.memory_space<vmem_shared>>) dst(%dma_wait3A_65 : memref<632x128xf32, #tpu.memory_space<hbm>>)
        tpu.yield
      }) : () -> ()
    } else {
    }
    %eq3A_49 = arith.constant 15 : i32
    %eq3A_50 = arith.cmpi eq, %arg1, %eq3A_49 : i32
    %convert_element_type3A_51 = arith.extui %eq3A_50 : i1 to i32
    %cond3A_52 = arith.constant 0 : i32
    %cond3A_53 = arith.cmpi ne, %convert_element_type3A_51, %cond3A_52 : i32
    scf.if %cond3A_53 {
      %mul3A_54 = arith.constant 10000 : i32
      %mul3A_55 = arith.muli %arg0, %mul3A_54 : i32
      %add3A_56 = arith.constant 9480 : i32
      %add3A_57 = arith.addi %mul3A_55, %add3A_56 : i32
      "tpu.region"() ({
        %run_scoped3A = tpu.sem_alloc : memref<!tpu.dma_semaphore, #tpu.memory_space<semaphore_mem>>
        %dma_start3A_58 = arith.constant 0 : i32
        %dma_start3A_59 = tpu.memref_slice %arg6[%add3A_57, %dma_start3A_58] : memref<20000x128xf32, #tpu.memory_space<hbm>> -> memref<520x128xf32, #tpu.memory_space<hbm>>
        %dma_start3A_60 = arith.constant 9480 : i32
        %dma_start3A_61 = arith.constant 0 : i32
        %dma_start3A_62 = tpu.memref_slice %arg11[%dma_start3A_60, %dma_start3A_61] : memref<10016x128xf32, #tpu.memory_space<vmem_shared>> -> memref<520x128xf32, #tpu.memory_space<vmem_shared>>
        tpu.enqueue_dma source(%dma_start3A_62 : memref<520x128xf32, #tpu.memory_space<vmem_shared>>) target(%dma_start3A_59 : memref<520x128xf32, #tpu.memory_space<hbm>>) target_semaphore(%run_scoped3A : memref<!tpu.dma_semaphore, #tpu.memory_space<semaphore_mem>>)
        %dma_wait3A = arith.constant 0 : i32
        %dma_wait3A_63 = tpu.memref_slice %arg6[%add3A_57, %dma_wait3A] : memref<20000x128xf32, #tpu.memory_space<hbm>> -> memref<520x128xf32, #tpu.memory_space<hbm>>
        %dma_wait3A_64 = arith.constant 9480 : i32
        %dma_wait3A_65 = arith.constant 0 : i32
        %dma_wait3A_66 = tpu.memref_slice %arg11[%dma_wait3A_64, %dma_wait3A_65] : memref<10016x128xf32, #tpu.memory_space<vmem_shared>> -> memref<520x128xf32, #tpu.memory_space<vmem_shared>>
        tpu.wait_dma2 semaphore(%run_scoped3A : memref<!tpu.dma_semaphore, #tpu.memory_space<semaphore_mem>>) src(%dma_wait3A_66 : memref<520x128xf32, #tpu.memory_space<vmem_shared>>) dst(%dma_wait3A_63 : memref<520x128xf32, #tpu.memory_space<hbm>>)
        tpu.yield
      }) : () -> ()
    } else {
    }
    return
  }
}

module attributes {stable_mosaic.version = 14 : i64} {
  func.func @body(%arg0: i32, %arg1: i32, %arg2: memref<1000x256xf32, #tpu.memory_space<vmem>>, %arg3: memref<1x128x256xf32, #tpu.memory_space<vmem>>, %arg4: memref<1000x128xf32, #tpu.memory_space<vmem>>) attributes {dimension_semantics = [#tpu.dimension_semantics<arbitrary>, #tpu.dimension_semantics<arbitrary>], iteration_bounds = array<i64: 2, 10>, scalar_prefetch = 0 : i64, scratch_operands = 0 : i64, tpu.core_type = #tpu.core_type<tc>, window_params = [{transform_indices = @transform_0, window_bounds = array<i64: 1000, 256>}, {transform_indices = @transform_1, window_bounds = array<i64: 1, 128, 256>}, {transform_indices = @transform_2, window_bounds = array<i64: 1000, 128>}]} {
    %get3A = arith.constant 0 : index
    %get3A_0 = arith.constant 0 : index
    %get3A_1 = vector.load %arg2[%get3A, %get3A_0] : memref<1000x256xf32, #tpu.memory_space<vmem>>, vector<1000x256xf32>
    %convert_element_type3A = arith.truncf %get3A_1 : vector<1000x256xf32> to vector<1000x256xbf16>
    %get3A_2 = arith.constant 0 : index
    %get3A_3 = arith.constant 0 : index
    %get3A_4 = arith.constant 0 : index
    %get3A_5 = vector.load %arg3[%get3A_2, %get3A_3, %get3A_4] : memref<1x128x256xf32, #tpu.memory_space<vmem>>, vector<1x128x256xf32>
    %get3A_6 = vector.shape_cast %get3A_5 : vector<1x128x256xf32> to vector<128x256xf32>
    %convert_element_type3A_7 = arith.truncf %get3A_6 : vector<128x256xf32> to vector<128x256xbf16>
    %dot_general3A = arith.constant dense<0.000000e+00> : vector<1000x128xf32>
    %dot_general3A_8 = tpu.matmul %convert_element_type3A, %convert_element_type3A_7, %dot_general3A {dimension_numbers = #tpu.dot_dimension_numbers<[1], [1], [0], [0], [0, 0, 1, 0], [], []>, transpose_lhs_hint = false} : vector<1000x256xbf16>, vector<128x256xbf16>, vector<1000x128xf32> -> vector<1000x128xf32>
    %swap3A = arith.constant 0 : index
    %swap3A_9 = arith.constant 0 : index
    %swap3A_10 = vector.load %arg4[%swap3A, %swap3A_9] : memref<1000x128xf32, #tpu.memory_space<vmem>>, vector<1000x128xf32>
    tpu.vector_store %arg4[%swap3A, %swap3A_9], %dot_general3A_8 {strides = array<i32>} : memref<1000x128xf32, #tpu.memory_space<vmem>>, vector<1000x128xf32>,
    return
  }
  func.func @transform_0(%arg0: i32, %arg1: i32) -> (i32, i32) {
    %c0_i32 = arith.constant 0 : i32
    %c0_i32_0 = arith.constant 0 : i32
    return %arg1, %c0_i32 : i32, i32
  }
  func.func @transform_1(%arg0: i32, %arg1: i32) -> (i32, i32, i32) {
    %c0_i32 = arith.constant 0 : i32
    %c0_i32_0 = arith.constant 0 : i32
    %c0_i32_1 = arith.constant 0 : i32
    return %arg0, %c0_i32, %c0_i32_0 : i32, i32, i32
  }
  func.func @transform_2(%arg0: i32, %arg1: i32) -> (i32, i32) {
    %mul3A = arith.constant 10 : i32
    %mul3A_0 = arith.muli %arg0, %mul3A : i32
    %add3A = arith.addi %mul3A_0, %arg1 : i32
    %c0_i32 = arith.constant 0 : i32
    %c0_i32_1 = arith.constant 0 : i32
    return %add3A, %c0_i32 : i32, i32
  }
}

module attributes {stable_mosaic.version = 14 : i64} {
  func.func @body(%arg0: memref<2x10000xf32, #tpu.memory_space<vmem>>, %arg1: memref<10000x1xf32, #tpu.memory_space<vmem>>) attributes {dimension_semantics = [], scalar_prefetch = 0 : i64, scratch_operands = 0 : i64, tpu.core_type = #tpu.core_type<tc>} {
    %get3A = arith.constant 0 : index
    %get3A_0 = arith.constant 0 : index
    %get3A_1 = vector.load %arg0[%get3A, %get3A_0] : memref<2x10000xf32, #tpu.memory_space<vmem>>, vector<1x10000xf32>
    %get3A_2 = vector.shape_cast %get3A_1 : vector<1x10000xf32> to vector<10000xf32>
    %get3A_3 = arith.constant 1 : index
    %get3A_4 = arith.constant 0 : index
    %get3A_5 = vector.load %arg0[%get3A_3, %get3A_4] : memref<2x10000xf32, #tpu.memory_space<vmem>>, vector<1x10000xf32>
    %get3A_6 = vector.shape_cast %get3A_5 : vector<1x10000xf32> to vector<10000xf32>
    %add3A = arith.addf %get3A_2, %get3A_6 : vector<10000xf32>
    %add3A_7 = arith.constant 1.000000e+00 : f32
    %add3A_8 = vector.broadcast %add3A_7 : f32 to vector<10000xf32>
    %add3A_9 = arith.addf %add3A, %add3A_8 : vector<10000xf32>
    %rsqrt3A = math.rsqrt %add3A_9 : vector<10000xf32>
    %broadcast_in_dim3A = vector.shape_cast %rsqrt3A : vector<10000xf32> to vector<10000x1xf32>
    %swap3A = arith.constant 0 : index
    %swap3A_10 = arith.constant 0 : index
    %swap3A_11 = vector.load %arg1[%swap3A, %swap3A_10] : memref<10000x1xf32, #tpu.memory_space<vmem>>, vector<10000x1xf32>
    tpu.vector_store %arg1[%swap3A, %swap3A_10], %broadcast_in_dim3A {strides = array<i32>} : memref<10000x1xf32, #tpu.memory_space<vmem>>, vector<10000x1xf32>,
    return
  }
}

module attributes {stable_mosaic.version = 14 : i64} {
  func.func @body(%arg0: i32, %arg1: i32, %arg2: memref<1000x128xf32, #tpu.memory_space<vmem>>, %arg3: memref<1000x1xf32, #tpu.memory_space<vmem>>, %arg4: memref<1000x128xf32, #tpu.memory_space<vmem>>) attributes {dimension_semantics = [#tpu.dimension_semantics<arbitrary>, #tpu.dimension_semantics<arbitrary>], iteration_bounds = array<i64: 2, 10>, scalar_prefetch = 0 : i64, scratch_operands = 0 : i64, tpu.core_type = #tpu.core_type<tc>, window_params = [{transform_indices = @transform_0, window_bounds = array<i64: 1000, 128>}, {transform_indices = @transform_1, window_bounds = array<i64: 1000, 1>}, {transform_indices = @transform_2, window_bounds = array<i64: 1000, 128>}]} {
    %get3A = arith.constant 0 : index
    %get3A_0 = arith.constant 0 : index
    %get3A_1 = vector.load %arg2[%get3A, %get3A_0] : memref<1000x128xf32, #tpu.memory_space<vmem>>, vector<1000x128xf32>
    %get3A_2 = arith.constant 0 : index
    %get3A_3 = arith.constant 0 : index
    %get3A_4 = vector.load %arg3[%get3A_2, %get3A_3] : memref<1000x1xf32, #tpu.memory_space<vmem>>, vector<1000x1xf32>
    %mul3A = vector.broadcast %get3A_4 : vector<1000x1xf32> to vector<1000x128xf32>
    %mul3A_5 = arith.mulf %get3A_1, %mul3A : vector<1000x128xf32>
    %swap3A = arith.constant 0 : index
    %swap3A_6 = arith.constant 0 : index
    %swap3A_7 = vector.load %arg4[%swap3A, %swap3A_6] : memref<1000x128xf32, #tpu.memory_space<vmem>>, vector<1000x128xf32>
    tpu.vector_store %arg4[%swap3A, %swap3A_6], %mul3A_5 {strides = array<i32>} : memref<1000x128xf32, #tpu.memory_space<vmem>>, vector<1000x128xf32>,
    return
  }
  func.func @transform_0(%arg0: i32, %arg1: i32) -> (i32, i32) {
    %mul3A = arith.constant 10 : i32
    %mul3A_0 = arith.muli %arg0, %mul3A : i32
    %add3A = arith.addi %mul3A_0, %arg1 : i32
    %c0_i32 = arith.constant 0 : i32
    %c0_i32_1 = arith.constant 0 : i32
    return %add3A, %c0_i32 : i32, i32
  }
  func.func @transform_1(%arg0: i32, %arg1: i32) -> (i32, i32) {
    %c0_i32 = arith.constant 0 : i32
    %c0_i32_0 = arith.constant 0 : i32
    return %arg1, %c0_i32 : i32, i32
  }
  func.func @transform_2(%arg0: i32, %arg1: i32) -> (i32, i32) {
    %mul3A = arith.constant 10 : i32
    %mul3A_0 = arith.muli %arg0, %mul3A : i32
    %add3A = arith.addi %mul3A_0, %arg1 : i32
    %c0_i32 = arith.constant 0 : i32
    %c0_i32_1 = arith.constant 0 : i32
    return %add3A, %c0_i32 : i32, i32
  }
}

module attributes {stable_mosaic.version = 14 : i64} {
  func.func @body(%arg0: i32, %arg1: memref<2x1000x128xf32, #tpu.memory_space<vmem>>, %arg2: memref<2x1000x128xf32, #tpu.memory_space<vmem>>, %arg3: memref<1000x1xf32, #tpu.memory_space<vmem>>, %arg4: memref<2x128xf32, #tpu.memory_space<vmem>>, %arg5: memref<2x128xf32, #tpu.memory_space<vmem>>, %arg6: memref<2x128xf32, #tpu.memory_space<vmem>>, %arg7: memref<2x128x256xf32, #tpu.memory_space<vmem>>, %arg8: memref<2x1000x128xf32, #tpu.memory_space<vmem>>) attributes {dimension_semantics = [#tpu.dimension_semantics<arbitrary>], iteration_bounds = array<i64: 10>, scalar_prefetch = 0 : i64, scratch_operands = 0 : i64, tpu.core_type = #tpu.core_type<tc>, window_params = [{transform_indices = @transform_0, window_bounds = array<i64: 2, 1000, 128>}, {transform_indices = @transform_1, window_bounds = array<i64: 2, 1000, 128>}, {transform_indices = @transform_2, window_bounds = array<i64: 1000, 1>}, {pipeline_mode = #tpu.pipeline_mode<synchronous>, transform_indices = @transform_3, window_bounds = array<i64: 2, 128>}, {pipeline_mode = #tpu.pipeline_mode<synchronous>, transform_indices = @transform_4, window_bounds = array<i64: 2, 128>}, {pipeline_mode = #tpu.pipeline_mode<synchronous>, transform_indices = @transform_5, window_bounds = array<i64: 2, 128>}, {pipeline_mode = #tpu.pipeline_mode<synchronous>, transform_indices = @transform_6, window_bounds = array<i64: 2, 128, 256>}, {transform_indices = @transform_7, window_bounds = array<i64: 2, 1000, 128>}]} {
    %get3A = arith.constant 0 : index
    %get3A_0 = arith.constant 0 : index
    %get3A_1 = vector.load %arg3[%get3A, %get3A_0] : memref<1000x1xf32, #tpu.memory_space<vmem>>, vector<1000x1xf32>
    %broadcast_in_dim3A = vector.shape_cast %get3A_1 : vector<1000x1xf32> to vector<1x1000x1xf32>
    %get3A_2 = arith.constant 0 : index
    %get3A_3 = arith.constant 0 : index
    %get3A_4 = arith.constant 0 : index
    %get3A_5 = vector.load %arg1[%get3A_2, %get3A_3, %get3A_4] : memref<2x1000x128xf32, #tpu.memory_space<vmem>>, vector<2x1000x128xf32>
    %get3A_6 = arith.constant 0 : index
    %get3A_7 = arith.constant 0 : index
    %get3A_8 = arith.constant 0 : index
    %get3A_9 = vector.load %arg2[%get3A_6, %get3A_7, %get3A_8] : memref<2x1000x128xf32, #tpu.memory_space<vmem>>, vector<2x1000x128xf32>
    %add3A = arith.addf %get3A_5, %get3A_9 : vector<2x1000x128xf32>
    %mul3A = vector.broadcast %broadcast_in_dim3A : vector<1x1000x1xf32> to vector<2x1000x128xf32>
    %mul3A_10 = arith.mulf %add3A, %mul3A : vector<2x1000x128xf32>
    %get3A_11 = arith.constant 0 : index
    %get3A_12 = arith.constant 0 : index
    %get3A_13 = vector.load %arg4[%get3A_11, %get3A_12] : memref<2x128xf32, #tpu.memory_space<vmem>>, vector<2x128xf32>
    %broadcast_in_dim3A_14 = vector.shape_cast %get3A_13 : vector<2x128xf32> to vector<2x1x128xf32>
    %add3A_15 = vector.broadcast %broadcast_in_dim3A_14 : vector<2x1x128xf32> to vector<2x1000x128xf32>
    %add3A_16 = arith.addf %mul3A_10, %add3A_15 : vector<2x1000x128xf32>
    %get3A_17 = arith.constant 0 : index
    %get3A_18 = arith.constant 0 : index
    %get3A_19 = vector.load %arg5[%get3A_17, %get3A_18] : memref<2x128xf32, #tpu.memory_space<vmem>>, vector<2x128xf32>
    %broadcast_in_dim3A_20 = vector.shape_cast %get3A_19 : vector<2x128xf32> to vector<2x1x128xf32>
    %mul3A_21 = vector.broadcast %broadcast_in_dim3A_20 : vector<2x1x128xf32> to vector<2x1000x128xf32>
    %mul3A_22 = arith.mulf %add3A_16, %mul3A_21 : vector<2x1000x128xf32>
    %get3A_23 = arith.constant 0 : index
    %get3A_24 = arith.constant 0 : index
    %get3A_25 = vector.load %arg6[%get3A_23, %get3A_24] : memref<2x128xf32, #tpu.memory_space<vmem>>, vector<2x128xf32>
    %broadcast_in_dim3A_26 = vector.shape_cast %get3A_25 : vector<2x128xf32> to vector<2x1x128xf32>
    %add3A_27 = vector.broadcast %broadcast_in_dim3A_26 : vector<2x1x128xf32> to vector<2x1000x128xf32>
    %add3A_28 = arith.addf %mul3A_22, %add3A_27 : vector<2x1000x128xf32>
    %max3A = arith.constant 0.000000e+00 : f32
    %max3A_29 = vector.broadcast %max3A : f32 to vector<2x1000x128xf32>
    %max3A_30 = arith.maximumf %add3A_28, %max3A_29 : vector<2x1000x128xf32>
    %slice3A = vector.extract_strided_slice %max3A_30 {offsets = [0, 0, 0], sizes = [1, 1000, 128], strides = [1, 1, 1]} : vector<2x1000x128xf32> to vector<1x1000x128xf32>
    %squeeze3A = vector.shape_cast %slice3A : vector<1x1000x128xf32> to vector<1000x128xf32>
    %slice3A_31 = vector.extract_strided_slice %max3A_30 {offsets = [1, 0, 0], sizes = [1, 1000, 128], strides = [1, 1, 1]} : vector<2x1000x128xf32> to vector<1x1000x128xf32>
    %squeeze3A_32 = vector.shape_cast %slice3A_31 : vector<1x1000x128xf32> to vector<1000x128xf32>
    %concatenate3A = tpu.concatenate %squeeze3A, %squeeze3A_32 in 1 : vector<1000x128xf32>, vector<1000x128xf32> -> vector<1000x256xf32>
    %convert_element_type3A = arith.truncf %concatenate3A : vector<1000x256xf32> to vector<1000x256xbf16>
    %get3A_33 = arith.constant 0 : index
    %get3A_34 = arith.constant 0 : index
    %get3A_35 = arith.constant 0 : index
    %get3A_36 = vector.load %arg7[%get3A_33, %get3A_34, %get3A_35] : memref<2x128x256xf32, #tpu.memory_space<vmem>>, vector<2x128x256xf32>
    %convert_element_type3A_37 = arith.truncf %get3A_36 : vector<2x128x256xf32> to vector<2x128x256xbf16>
    %slice3A_38 = vector.extract_strided_slice %convert_element_type3A_37 {offsets = [0, 0, 0], sizes = [1, 128, 256], strides = [1, 1, 1]} : vector<2x128x256xbf16> to vector<1x128x256xbf16>
    %squeeze3A_39 = vector.shape_cast %slice3A_38 : vector<1x128x256xbf16> to vector<128x256xbf16>
    %dot_general3A = arith.constant dense<0.000000e+00> : vector<1000x128xf32>
    %dot_general3A_40 = tpu.matmul %convert_element_type3A, %squeeze3A_39, %dot_general3A {dimension_numbers = #tpu.dot_dimension_numbers<[1], [1], [0], [0], [0, 0, 1, 0], [], []>, transpose_lhs_hint = false} : vector<1000x256xbf16>, vector<128x256xbf16>, vector<1000x128xf32> -> vector<1000x128xf32>
    %slice3A_41 = vector.extract_strided_slice %convert_element_type3A_37 {offsets = [1, 0, 0], sizes = [1, 128, 256], strides = [1, 1, 1]} : vector<2x128x256xbf16> to vector<1x128x256xbf16>
    %squeeze3A_42 = vector.shape_cast %slice3A_41 : vector<1x128x256xbf16> to vector<128x256xbf16>
    %dot_general3A_43 = arith.constant dense<0.000000e+00> : vector<1000x128xf32>
    %dot_general3A_44 = tpu.matmul %convert_element_type3A, %squeeze3A_42, %dot_general3A_43 {dimension_numbers = #tpu.dot_dimension_numbers<[1], [1], [0], [0], [0, 0, 1, 0], [], []>, transpose_lhs_hint = false} : vector<1000x256xbf16>, vector<128x256xbf16>, vector<1000x128xf32> -> vector<1000x128xf32>
    %stack3A = vector.shape_cast %dot_general3A_40 : vector<1000x128xf32> to vector<1x1000x128xf32>
    %stack3A_45 = vector.shape_cast %dot_general3A_44 : vector<1000x128xf32> to vector<1x1000x128xf32>
    %stack3A_46 = tpu.concatenate %stack3A, %stack3A_45 in 0 : vector<1x1000x128xf32>, vector<1x1000x128xf32> -> vector<2x1000x128xf32>
    %mul3A_47 = vector.broadcast %broadcast_in_dim3A : vector<1x1000x1xf32> to vector<2x1000x128xf32>
    %mul3A_48 = arith.mulf %stack3A_46, %mul3A_47 : vector<2x1000x128xf32>
    %swap3A = arith.constant 0 : index
    %swap3A_49 = arith.constant 0 : index
    %swap3A_50 = arith.constant 0 : index
    %swap3A_51 = vector.load %arg8[%swap3A, %swap3A_49, %swap3A_50] : memref<2x1000x128xf32, #tpu.memory_space<vmem>>, vector<2x1000x128xf32>
    tpu.vector_store %arg8[%swap3A, %swap3A_49, %swap3A_50], %mul3A_48 {strides = array<i32>} : memref<2x1000x128xf32, #tpu.memory_space<vmem>>, vector<2x1000x128xf32>,
    return
  }
  func.func @transform_0(%arg0: i32) -> (i32, i32, i32) {
    %c0_i32 = arith.constant 0 : i32
    %c0_i32_0 = arith.constant 0 : i32
    %c0_i32_1 = arith.constant 0 : i32
    return %c0_i32, %arg0, %c0_i32_0 : i32, i32, i32
  }
  func.func @transform_1(%arg0: i32) -> (i32, i32, i32) {
    %c0_i32 = arith.constant 0 : i32
    %c0_i32_0 = arith.constant 0 : i32
    %c0_i32_1 = arith.constant 0 : i32
    return %c0_i32, %arg0, %c0_i32_0 : i32, i32, i32
  }
  func.func @transform_2(%arg0: i32) -> (i32, i32) {
    %c0_i32 = arith.constant 0 : i32
    %c0_i32_0 = arith.constant 0 : i32
    return %arg0, %c0_i32 : i32, i32
  }
  func.func @transform_3(%arg0: i32) -> (i32, i32) {
    %c0_i32 = arith.constant 0 : i32
    %c0_i32_0 = arith.constant 0 : i32
    %c0_i32_1 = arith.constant 0 : i32
    return %c0_i32, %c0_i32_0 : i32, i32
  }
  func.func @transform_4(%arg0: i32) -> (i32, i32) {
    %c0_i32 = arith.constant 0 : i32
    %c0_i32_0 = arith.constant 0 : i32
    %c0_i32_1 = arith.constant 0 : i32
    return %c0_i32, %c0_i32_0 : i32, i32
  }
  func.func @transform_5(%arg0: i32) -> (i32, i32) {
    %c0_i32 = arith.constant 0 : i32
    %c0_i32_0 = arith.constant 0 : i32
    %c0_i32_1 = arith.constant 0 : i32
    return %c0_i32, %c0_i32_0 : i32, i32
  }
  func.func @transform_6(%arg0: i32) -> (i32, i32, i32) {
    %c0_i32 = arith.constant 0 : i32
    %c0_i32_0 = arith.constant 0 : i32
    %c0_i32_1 = arith.constant 0 : i32
    %c0_i32_2 = arith.constant 0 : i32
    return %c0_i32, %c0_i32_0, %c0_i32_1 : i32, i32, i32
  }
  func.func @transform_7(%arg0: i32) -> (i32, i32, i32) {
    %c0_i32 = arith.constant 0 : i32
    %c0_i32_0 = arith.constant 0 : i32
    %c0_i32_1 = arith.constant 0 : i32
    return %c0_i32, %arg0, %c0_i32_0 : i32, i32, i32
  }
}

module attributes {stable_mosaic.version = 14 : i64} {
  func.func @body(%arg0: i32, %arg1: memref<2x1000x128xf32, #tpu.memory_space<vmem>>, %arg2: memref<2x1000x128xf32, #tpu.memory_space<vmem>>, %arg3: memref<1000x1xf32, #tpu.memory_space<vmem>>, %arg4: memref<2x128xf32, #tpu.memory_space<vmem>>, %arg5: memref<2x128xf32, #tpu.memory_space<vmem>>, %arg6: memref<2x128xf32, #tpu.memory_space<vmem>>, %arg7: memref<128x256xf32, #tpu.memory_space<vmem>>, %arg8: memref<1000x128xf32, #tpu.memory_space<vmem>>) attributes {dimension_semantics = [#tpu.dimension_semantics<arbitrary>], iteration_bounds = array<i64: 10>, scalar_prefetch = 0 : i64, scratch_operands = 0 : i64, tpu.core_type = #tpu.core_type<tc>, window_params = [{transform_indices = @transform_0, window_bounds = array<i64: 2, 1000, 128>}, {transform_indices = @transform_1, window_bounds = array<i64: 2, 1000, 128>}, {transform_indices = @transform_2, window_bounds = array<i64: 1000, 1>}, {pipeline_mode = #tpu.pipeline_mode<synchronous>, transform_indices = @transform_3, window_bounds = array<i64: 2, 128>}, {pipeline_mode = #tpu.pipeline_mode<synchronous>, transform_indices = @transform_4, window_bounds = array<i64: 2, 128>}, {pipeline_mode = #tpu.pipeline_mode<synchronous>, transform_indices = @transform_5, window_bounds = array<i64: 2, 128>}, {pipeline_mode = #tpu.pipeline_mode<synchronous>, transform_indices = @transform_6, window_bounds = array<i64: 128, 256>}, {transform_indices = @transform_7, window_bounds = array<i64: 1000, 128>}]} {
    %get3A = arith.constant 0 : index
    %get3A_0 = arith.constant 0 : index
    %get3A_1 = vector.load %arg3[%get3A, %get3A_0] : memref<1000x1xf32, #tpu.memory_space<vmem>>, vector<1000x1xf32>
    %broadcast_in_dim3A = vector.shape_cast %get3A_1 : vector<1000x1xf32> to vector<1x1000x1xf32>
    %get3A_2 = arith.constant 0 : index
    %get3A_3 = arith.constant 0 : index
    %get3A_4 = arith.constant 0 : index
    %get3A_5 = vector.load %arg1[%get3A_2, %get3A_3, %get3A_4] : memref<2x1000x128xf32, #tpu.memory_space<vmem>>, vector<2x1000x128xf32>
    %get3A_6 = arith.constant 0 : index
    %get3A_7 = arith.constant 0 : index
    %get3A_8 = arith.constant 0 : index
    %get3A_9 = vector.load %arg2[%get3A_6, %get3A_7, %get3A_8] : memref<2x1000x128xf32, #tpu.memory_space<vmem>>, vector<2x1000x128xf32>
    %add3A = arith.addf %get3A_5, %get3A_9 : vector<2x1000x128xf32>
    %mul3A = vector.broadcast %broadcast_in_dim3A : vector<1x1000x1xf32> to vector<2x1000x128xf32>
    %mul3A_10 = arith.mulf %add3A, %mul3A : vector<2x1000x128xf32>
    %get3A_11 = arith.constant 0 : index
    %get3A_12 = arith.constant 0 : index
    %get3A_13 = vector.load %arg4[%get3A_11, %get3A_12] : memref<2x128xf32, #tpu.memory_space<vmem>>, vector<2x128xf32>
    %broadcast_in_dim3A_14 = vector.shape_cast %get3A_13 : vector<2x128xf32> to vector<2x1x128xf32>
    %add3A_15 = vector.broadcast %broadcast_in_dim3A_14 : vector<2x1x128xf32> to vector<2x1000x128xf32>
    %add3A_16 = arith.addf %mul3A_10, %add3A_15 : vector<2x1000x128xf32>
    %get3A_17 = arith.constant 0 : index
    %get3A_18 = arith.constant 0 : index
    %get3A_19 = vector.load %arg5[%get3A_17, %get3A_18] : memref<2x128xf32, #tpu.memory_space<vmem>>, vector<2x128xf32>
    %broadcast_in_dim3A_20 = vector.shape_cast %get3A_19 : vector<2x128xf32> to vector<2x1x128xf32>
    %mul3A_21 = vector.broadcast %broadcast_in_dim3A_20 : vector<2x1x128xf32> to vector<2x1000x128xf32>
    %mul3A_22 = arith.mulf %add3A_16, %mul3A_21 : vector<2x1000x128xf32>
    %get3A_23 = arith.constant 0 : index
    %get3A_24 = arith.constant 0 : index
    %get3A_25 = vector.load %arg6[%get3A_23, %get3A_24] : memref<2x128xf32, #tpu.memory_space<vmem>>, vector<2x128xf32>
    %broadcast_in_dim3A_26 = vector.shape_cast %get3A_25 : vector<2x128xf32> to vector<2x1x128xf32>
    %add3A_27 = vector.broadcast %broadcast_in_dim3A_26 : vector<2x1x128xf32> to vector<2x1000x128xf32>
    %add3A_28 = arith.addf %mul3A_22, %add3A_27 : vector<2x1000x128xf32>
    %max3A = arith.constant 0.000000e+00 : f32
    %max3A_29 = vector.broadcast %max3A : f32 to vector<2x1000x128xf32>
    %max3A_30 = arith.maximumf %add3A_28, %max3A_29 : vector<2x1000x128xf32>
    %slice3A = vector.extract_strided_slice %max3A_30 {offsets = [0, 0, 0], sizes = [1, 1000, 128], strides = [1, 1, 1]} : vector<2x1000x128xf32> to vector<1x1000x128xf32>
    %squeeze3A = vector.shape_cast %slice3A : vector<1x1000x128xf32> to vector<1000x128xf32>
    %slice3A_31 = vector.extract_strided_slice %max3A_30 {offsets = [1, 0, 0], sizes = [1, 1000, 128], strides = [1, 1, 1]} : vector<2x1000x128xf32> to vector<1x1000x128xf32>
    %squeeze3A_32 = vector.shape_cast %slice3A_31 : vector<1x1000x128xf32> to vector<1000x128xf32>
    %concatenate3A = tpu.concatenate %squeeze3A, %squeeze3A_32 in 1 : vector<1000x128xf32>, vector<1000x128xf32> -> vector<1000x256xf32>
    %convert_element_type3A = arith.truncf %concatenate3A : vector<1000x256xf32> to vector<1000x256xbf16>
    %get3A_33 = arith.constant 0 : index
    %get3A_34 = arith.constant 0 : index
    %get3A_35 = vector.load %arg7[%get3A_33, %get3A_34] : memref<128x256xf32, #tpu.memory_space<vmem>>, vector<128x256xf32>
    %convert_element_type3A_36 = arith.truncf %get3A_35 : vector<128x256xf32> to vector<128x256xbf16>
    %dot_general3A = arith.constant dense<0.000000e+00> : vector<1000x128xf32>
    %dot_general3A_37 = tpu.matmul %convert_element_type3A, %convert_element_type3A_36, %dot_general3A {dimension_numbers = #tpu.dot_dimension_numbers<[1], [1], [0], [0], [0, 0, 1, 0], [], []>, transpose_lhs_hint = false} : vector<1000x256xbf16>, vector<128x256xbf16>, vector<1000x128xf32> -> vector<1000x128xf32>
    %get3A_38 = arith.constant 0 : index
    %get3A_39 = arith.constant 0 : index
    %get3A_40 = vector.load %arg3[%get3A_38, %get3A_39] : memref<1000x1xf32, #tpu.memory_space<vmem>>, vector<1000x1xf32>
    %mul3A_41 = vector.broadcast %get3A_40 : vector<1000x1xf32> to vector<1000x128xf32>
    %mul3A_42 = arith.mulf %dot_general3A_37, %mul3A_41 : vector<1000x128xf32>
    %swap3A = arith.constant 0 : index
    %swap3A_43 = arith.constant 0 : index
    %swap3A_44 = vector.load %arg8[%swap3A, %swap3A_43] : memref<1000x128xf32, #tpu.memory_space<vmem>>, vector<1000x128xf32>
    tpu.vector_store %arg8[%swap3A, %swap3A_43], %mul3A_42 {strides = array<i32>} : memref<1000x128xf32, #tpu.memory_space<vmem>>, vector<1000x128xf32>,
    return
  }
  func.func @transform_0(%arg0: i32) -> (i32, i32, i32) {
    %c0_i32 = arith.constant 0 : i32
    %c0_i32_0 = arith.constant 0 : i32
    %c0_i32_1 = arith.constant 0 : i32
    return %c0_i32, %arg0, %c0_i32_0 : i32, i32, i32
  }
  func.func @transform_1(%arg0: i32) -> (i32, i32, i32) {
    %c0_i32 = arith.constant 0 : i32
    %c0_i32_0 = arith.constant 0 : i32
    %c0_i32_1 = arith.constant 0 : i32
    return %c0_i32, %arg0, %c0_i32_0 : i32, i32, i32
  }
  func.func @transform_2(%arg0: i32) -> (i32, i32) {
    %c0_i32 = arith.constant 0 : i32
    %c0_i32_0 = arith.constant 0 : i32
    return %arg0, %c0_i32 : i32, i32
  }
  func.func @transform_3(%arg0: i32) -> (i32, i32) {
    %c0_i32 = arith.constant 0 : i32
    %c0_i32_0 = arith.constant 0 : i32
    %c0_i32_1 = arith.constant 0 : i32
    return %c0_i32, %c0_i32_0 : i32, i32
  }
  func.func @transform_4(%arg0: i32) -> (i32, i32) {
    %c0_i32 = arith.constant 0 : i32
    %c0_i32_0 = arith.constant 0 : i32
    %c0_i32_1 = arith.constant 0 : i32
    return %c0_i32, %c0_i32_0 : i32, i32
  }
  func.func @transform_5(%arg0: i32) -> (i32, i32) {
    %c0_i32 = arith.constant 0 : i32
    %c0_i32_0 = arith.constant 0 : i32
    %c0_i32_1 = arith.constant 0 : i32
    return %c0_i32, %c0_i32_0 : i32, i32
  }
  func.func @transform_6(%arg0: i32) -> (i32, i32) {
    %c0_i32 = arith.constant 0 : i32
    %c0_i32_0 = arith.constant 0 : i32
    %c0_i32_1 = arith.constant 0 : i32
    return %c0_i32, %c0_i32_0 : i32, i32
  }
  func.func @transform_7(%arg0: i32) -> (i32, i32) {
    %c0_i32 = arith.constant 0 : i32
    %c0_i32_0 = arith.constant 0 : i32
    return %arg0, %c0_i32 : i32, i32
  }
}

module attributes {stable_mosaic.version = 14 : i64} {
  func.func @body(%arg0: i32, %arg1: memref<2x1000x128xf32, #tpu.memory_space<vmem>>, %arg2: memref<1000x128xf32, #tpu.memory_space<vmem>>, %arg3: memref<1000x1xf32, #tpu.memory_space<vmem>>, %arg4: memref<1x40xf32, #tpu.memory_space<vmem>>, %arg5: memref<1000x40xf32, #tpu.memory_space<vmem>>) attributes {dimension_semantics = [#tpu.dimension_semantics<arbitrary>], iteration_bounds = array<i64: 10>, scalar_prefetch = 0 : i64, scratch_operands = 0 : i64, tpu.core_type = #tpu.core_type<tc>, window_params = [{transform_indices = @transform_0, window_bounds = array<i64: 2, 1000, 128>}, {transform_indices = @transform_1, window_bounds = array<i64: 1000, 128>}, {transform_indices = @transform_2, window_bounds = array<i64: 1000, 1>}, {pipeline_mode = #tpu.pipeline_mode<synchronous>, transform_indices = @transform_3, window_bounds = array<i64: 1, 40>}, {transform_indices = @transform_4, window_bounds = array<i64: 1000, 40>}]} {
    %get3A = arith.constant 0 : index
    %get3A_0 = arith.constant 0 : index
    %get3A_1 = arith.constant 0 : index
    %get3A_2 = vector.load %arg1[%get3A, %get3A_0, %get3A_1] : memref<2x1000x128xf32, #tpu.memory_space<vmem>>, vector<1x1000x128xf32>
    %get3A_3 = vector.shape_cast %get3A_2 : vector<1x1000x128xf32> to vector<1000x128xf32>
    %get3A_4 = arith.constant 1 : index
    %get3A_5 = arith.constant 0 : index
    %get3A_6 = arith.constant 0 : index
    %get3A_7 = vector.load %arg1[%get3A_4, %get3A_5, %get3A_6] : memref<2x1000x128xf32, #tpu.memory_space<vmem>>, vector<1x1000x128xf32>
    %get3A_8 = vector.shape_cast %get3A_7 : vector<1x1000x128xf32> to vector<1000x128xf32>
    %add3A = arith.addf %get3A_3, %get3A_8 : vector<1000x128xf32>
    %get3A_9 = arith.constant 0 : index
    %get3A_10 = arith.constant 0 : index
    %get3A_11 = vector.load %arg2[%get3A_9, %get3A_10] : memref<1000x128xf32, #tpu.memory_space<vmem>>, vector<1000x128xf32>
    %add3A_12 = arith.addf %add3A, %get3A_11 : vector<1000x128xf32>
    %get3A_13 = arith.constant 0 : index
    %get3A_14 = arith.constant 0 : index
    %get3A_15 = vector.load %arg3[%get3A_13, %get3A_14] : memref<1000x1xf32, #tpu.memory_space<vmem>>, vector<1000x1xf32>
    %mul3A = vector.broadcast %get3A_15 : vector<1000x1xf32> to vector<1000x128xf32>
    %mul3A_16 = arith.mulf %add3A_12, %mul3A : vector<1000x128xf32>
    %slice3A = vector.extract_strided_slice %mul3A_16 {offsets = [0, 0], sizes = [1000, 40], strides = [1, 1]} : vector<1000x128xf32> to vector<1000x40xf32>
    %get3A_17 = arith.constant 0 : index
    %get3A_18 = arith.constant 0 : index
    %get3A_19 = vector.load %arg4[%get3A_17, %get3A_18] : memref<1x40xf32, #tpu.memory_space<vmem>>, vector<1x40xf32>
    %add3A_20 = vector.broadcast %get3A_19 : vector<1x40xf32> to vector<1000x40xf32>
    %add3A_21 = arith.addf %slice3A, %add3A_20 : vector<1000x40xf32>
    %swap3A = arith.constant 0 : index
    %swap3A_22 = arith.constant 0 : index
    %swap3A_23 = vector.load %arg5[%swap3A, %swap3A_22] : memref<1000x40xf32, #tpu.memory_space<vmem>>, vector<1000x40xf32>
    tpu.vector_store %arg5[%swap3A, %swap3A_22], %add3A_21 {strides = array<i32>} : memref<1000x40xf32, #tpu.memory_space<vmem>>, vector<1000x40xf32>,
    return
  }
  func.func @transform_0(%arg0: i32) -> (i32, i32, i32) {
    %c0_i32 = arith.constant 0 : i32
    %c0_i32_0 = arith.constant 0 : i32
    %c0_i32_1 = arith.constant 0 : i32
    return %c0_i32, %arg0, %c0_i32_0 : i32, i32, i32
  }
  func.func @transform_1(%arg0: i32) -> (i32, i32) {
    %c0_i32 = arith.constant 0 : i32
    %c0_i32_0 = arith.constant 0 : i32
    return %arg0, %c0_i32 : i32, i32
  }
  func.func @transform_2(%arg0: i32) -> (i32, i32) {
    %c0_i32 = arith.constant 0 : i32
    %c0_i32_0 = arith.constant 0 : i32
    return %arg0, %c0_i32 : i32, i32
  }
  func.func @transform_3(%arg0: i32) -> (i32, i32) {
    %c0_i32 = arith.constant 0 : i32
    %c0_i32_0 = arith.constant 0 : i32
    %c0_i32_1 = arith.constant 0 : i32
    return %c0_i32, %c0_i32_0 : i32, i32
  }
  func.func @transform_4(%arg0: i32) -> (i32, i32) {
    %c0_i32 = arith.constant 0 : i32
    %c0_i32_0 = arith.constant 0 : i32
    return %arg0, %c0_i32 : i32, i32
  }
}

</mosaic_0001>

<sc_bundles>
// kernel: kernel.12.cloned.1.call-start
scs
__scs_entry_jumppad:
0x0: {  	(pc) =	sbr.rel $0x88, $3  }
0x1: {  	(tag) =	ssettag $0x0;
	lr =	simm.s32 $0x1  }
0x2: {  	[smem:$0x3F95] =	sst lr;
	_ =	strace $0xD0000000  }
0x3: {  	_ = 	snop  }
0x4: {  	_ = 	snop  }
0x5: {  	_ = 	snop  }
0x6: {  	_ = 	snop  }
0x7: {  	_ = 	snop  }
__scs_overlays_trampoline_lowered:
0x8: {  	[smem:$0x3FA4] =	sst s0  }
0x9: {  	[smem:$0x3FA5] =	sst s1  }
0xa: {  	[smem:$0x3FA6] =	sst s2  }
0xb: {  	[smem:$0x3FA7] =	sst s3  }
0xc: {  	[smem:$0x3FA8] =	sst s4  }
0xd: {  	[smem:$0x3FA9] =	sst s5  }
0xe: {  	[smem:$0x3FAA] =	sst s6  }
0xf: {  	[smem:$0x3FAB] =	sst s7  }
0x10: {  	[smem:$0x3FAC] =	sst s8  }
0x11: {  	[smem:$0x3FAD] =	sst s9;
	s0 =	simm.s32 @!p0 $0x0  }
0x12: {  	s1 =	sld [smem:$0x3F93];
	s0 =	simm.s32 @p0 $0x1  }
0x13: {  	[smem:$0x3FAE] =	sst s0;
	s0 =	simm.s32 @!p1 $0x0  }
0x14: {  	s2 =	sld [smem:$0x3F92];
	s0 =	simm.s32 @p1 $0x1  }
0x15: {  	[smem:$0x3FAF] =	sst s0;
	s0 =	simm.s32 @!p2 $0x0  }
0x16: {  	s3 =	sld [smem:$0x3FDB];
	s0 =	simm.s32 @p2 $0x1  }
0x17: {  	s4 =	simm.s32 $0x1BF5;
	[smem:$0x3FB1] =	sst s0  }
0x18: {  	s0 =	sld [smem:$0x3F94];
	_ =	swait.ge [sflag:s4], $0x0  }
0x19: {  	s7 =	sld [smem:$0x3F95]  }
0x1a: {  	s8 =	sadd.s32 $0xFFFFE003, lr  }
0x1b: {  	s9 =	sadd.s32 $0xFFFFFEF7, lr;
	s5 =	simm.s32 $0xFFFFFFFF;
	p2 =	slt.u32 s8, $0xFFFFF086  }
0x1c: {  	p1 =	slt.u32 s9, $0xF7A;
	s5 =	simm.s32 @!p2 $0x0  }
0x1d: {  	s5 =	simm.s32 @p1 $0x1;
	p0 =	seq.s32 s7, s2  }
0x1e: {  	s7 =	smul.u32 @!p0 $0xF7A, s2;
	p2 =	seq.s32 @!p0 s5, $0x0  }
0x1f: {  	s9 =	smul.u32 $0xF7A, s1;
	s8 =	simm.s32 @!p0 $0x1BF5;
	p2 =	por !p2, p0  }
0x20: {  	[sflag:s8] =	ssyncset.s32 @!p0 $0xFFFFF086;
	s6 =	sadd.s32 @!p0 s3, s7;
	s7 =	simm.s32 @!p0 $0x108  }
0x21: {  	s3 =	sadd.s32 s3, s9;
	s6 =	sadd.s32 @!p0 $0x88, s6;
	s7 =	simm.s32 @p2 $0x1082  }
0x22: {  	[simem:s7], [sflag:s8] =	dma.local @!p0 [hbm:s6], $0xF7A  }
0x23: {  	s9 =	sor.u32 $0xD0000000, s2;
	s6 =	simm.s32 $0x108;
	_ =	swait.ge @!p0 [sflag:s8], $0x0  }
0x24: {  	s3 =	sadd.s32 $0x88, s3;
	s6 =	simm.s32 @!p1 $0x1082;
	[sflag:s4] =	ssyncset.s32 $0xFFFFF086  }
0x25: {  	[simem:s6], [sflag:s4] =	dma.local [hbm:s3], $0xF7A  }
0x26: {  	[smem:$0x3F95] =	sst s1;
	(tag) =	ssettag s2;
	_ =	strace s9  }
0x27: {  	s1 =	sld [smem:$0x3FA5]  }
0x28: {  	s2 =	sld [smem:$0x3FA6]  }
0x29: {  	s4 =	sld [smem:$0x3FA8]  }
0x2a: {  	p0 =	seq.s32 s5, $0x0;
	s5 =	sld [smem:$0x3FA9]  }
0x2b: {  	s6 =	sld [smem:$0x3FAA]  }
0x2c: {  	s7 =	sld [smem:$0x3FAB]  }
0x2d: {  	s3 =	simm.s32 $0x108;
	s8 =	sld [smem:$0x3FAC]  }
0x2e: {  	s3 =	simm.s32 @!p0 $0x1082;
	s9 =	sld [smem:$0x3FAD]  }
0x2f: {  	lr =	sadd.s32 s0, s3;
	s0 =	sld [smem:$0x3FA4]  }
0x30: {  	s3 =	sld [smem:$0x3FA7]  }
0x31: {  	[smem:$0x3FB0] =	sst s10  }
0x32: {  	s10 =	sld [smem:$0x3FAE];
	_ =	sdelay $0x3  }
0x33: {  	p0 =	seq.s32 s10, $0x1;
	s10 =	sld [smem:$0x3FB0];
	_ =	sdelay $0x3  }
0x34: {  	[smem:$0x3FB0] =	sst s10  }
0x35: {  	s10 =	sld [smem:$0x3FAF];
	_ =	sdelay $0x3  }
0x36: {  	p1 =	seq.s32 s10, $0x1;
	s10 =	sld [smem:$0x3FB0];
	_ =	sdelay $0x3  }
0x37: {  	[smem:$0x3FB0] =	sst s10  }
0x38: {  	s10 =	sld [smem:$0x3FB1]  }
0x39: {  	_ = 	snop;
	(pc) =	sbr.ind lr, $3  }
0x3a: {  	_ = 	snop  }
0x3b: {  	_ = 	snop  }
0x3c: {  	p2 =	seq.s32 s10, $0x1;
	s10 =	sld [smem:$0x3FB0]  }
0x3d: {  	_ =	shalt  }
0x3e: {  	_ =	shalt  }
0x3f: {  	_ =	shalt  }
0x40: {  	_ =	shalt  }
0x41: {  	_ =	shalt  }
0x42: {  	_ =	shalt  }
0x43: {  	_ =	shalt  }
0x44: {  	_ =	shalt  }
0x45: {  	_ =	shalt  }
0x46: {  	_ =	shalt  }
0x47: {  	_ =	shalt  }
0x48: {  	_ =	shalt  }
0x49: {  	_ =	shalt  }
0x4a: {  	_ =	shalt  }
0x4b: {  	_ =	shalt  }
0x4c: {  	_ =	shalt  }
0x4d: {  	_ =	shalt  }
0x4e: {  	_ =	shalt  }
0x4f: {  	_ =	shalt  }
0x50: {  	_ =	shalt  }
0x51: {  	_ =	shalt  }
0x52: {  	_ =	shalt  }
0x53: {  	_ =	shalt  }
0x54: {  	_ =	shalt  }
0x55: {  	_ =	shalt  }
0x56: {  	_ =	shalt  }
0x57: {  	_ =	shalt  }
0x58: {  	_ =	shalt  }
0x59: {  	_ =	shalt  }
0x5a: {  	_ =	shalt  }
0x5b: {  	_ =	shalt  }
0x5c: {  	_ =	shalt  }
0x5d: {  	_ =	shalt  }
0x5e: {  	_ =	shalt  }
0x5f: {  	_ =	shalt  }
0x60: {  	_ =	shalt  }
0x61: {  	_ =	shalt  }
0x62: {  	_ =	shalt  }
0x63: {  	_ =	shalt  }
0x64: {  	_ =	shalt  }
0x65: {  	_ =	shalt  }
0x66: {  	_ =	shalt  }
0x67: {  	_ =	shalt  }
0x68: {  	_ =	shalt  }
0x69: {  	_ =	shalt  }
0x6a: {  	_ =	shalt  }
0x6b: {  	_ =	shalt  }
0x6c: {  	_ =	shalt  }
0x6d: {  	_ =	shalt  }
0x6e: {  	_ =	shalt  }
0x6f: {  	_ =	shalt  }
0x70: {  	_ =	shalt  }
0x71: {  	_ =	shalt  }
0x72: {  	_ =	shalt  }
0x73: {  	_ =	shalt  }
0x74: {  	_ =	shalt  }
0x75: {  	_ =	shalt  }
0x76: {  	_ =	shalt  }
0x77: {  	_ =	shalt  }
0x78: {  	_ =	shalt  }
0x79: {  	_ =	shalt  }
0x7a: {  	_ =	shalt  }
0x7b: {  	_ =	shalt  }
0x7c: {  	_ =	shalt  }
0x7d: {  	_ =	shalt  }
0x7e: {  	_ =	shalt  }
0x7f: {  	_ =	shalt  }
0x80: {  	_ =	shalt  }
0x81: {  	_ =	shalt  }
0x82: {  	_ =	shalt  }
0x83: {  	_ =	shalt  }
0x84: {  	_ =	shalt  }
0x85: {  	_ =	shalt  }
0x86: {  	_ =	shalt  }
0x87: {  	_ =	shalt  }
.Lfunc_end0:
.L_simem_size_0:
called_computation_lowered:
.L_overlay_start_0:
0x88: {  	s2 =	sld [smem:$0x3FD9]  }
0x89: {  	s3 =	sld [smem:$0x3FFE];
	_ =	sdelay $0x1  }
0x8a: {  	s1 =	srdreg.scid  }
0x8b: {  	s0 =	sand.u32 $0x1, s1  }
0x8c: {  	s16 =	sshll.u32 s0, $0xA;
	s2 =	sadd.s32 s3, s2  }
0x8d: {  	s2 =	sadd.s32 s2, s16  }
0x8e: {  	[smem:$0x3FBC] =	sst s2  }
0x8f: {  	_ = 	snop  }
0x90: {  	(tm) =	ssettm $0x1  }
0x91: {  	s17 =	sld [smem:$0x3FFB];
	_ =	sdelay $0x3  }
0x92: {  	_ =	strace s17  }
0x93: {  	s2 =	sld [smem:$0x3FFC];
	_ =	sdelay $0x3  }
0x94: {  	_ =	strace s2  }
0x95: {  	s2 =	sld [smem:$0x3FFD];
	_ =	sdelay $0x3  }
0x96: {  	_ =	strace s2  }
0x97: {  	_ =	strace $0x8FFFFFFF  }
0x98: {  	s18 =	sld [smem:$0x3FDB];
	_ =	sdelay $0x1  }
0x99: {  	s19 =	simm.s32 $_scs_section_size  }
0x9a: {  	s4 =	simm.s32 $_size__tile_overlayer_lowered;
	s5 =	simm.s32 $_tile_overlayer_lowered  }
0x9b: {  	s22 =	simm.s32 $0x1BFF;
	s21 =	sshll.u32 s5, $0x1;
	s2 =	sadd.s32 s19, s18  }
0x9c: {  	s6 =	simm.s32 $0x0;
	s20 =	sshll.u32 s4, $0x1;
	s4 =	sadd.s32 s21, s2  }
0x9d: {  	[timem:s6], [sflag:s22] =	dma.local [hbm:s4], s20  }
0x9e: {  	_ =	swait.ge [sflag:s22], s20  }
0x9f: {  	s3 =	ssub.s32 $0x0, s20;
	[sflag:s22] =	ssyncset.done $0x0  }
0xa0: {  	[sflag:s22] =	ssyncadd.s32 s3;
	_ =	sdelay $0x1  }
0xa1: {  	s23 =	simm.s32 $0x1B8B  }
0xa2: {  	_ =	swait.ge [sflag:s23], $0x1  }
0xa3: {  	[sflag:s23] =	ssyncset.done $0x0  }
0xa4: {  	s25 =	simm.s32 $0x1B8E;
	s24 =	sld [smem:$0x3FFE];
	[sflag:s23] =	ssyncadd.s32 $0xFFFFFFFF  }
0xa5: {  	s26 =	simm.s32 $execute0_lowered;
	[smem:$0x3FD2] =	sst s25  }
0xa6: {  	s4 =	sshll.u32 s26, $0x1;
	_ =	strace $0x80000046;
	[dreg:$0x1] =	wrdreg $0xFFFFFFFF  }
0xa7: {  	s28 =	simm.s32 $_size_execute0_lowered;
	s2 =	sadd.s32 s2, s4;
	[dreg:$0x0] =	wrdreg $0x0  }
0xa8: {  	s4 =	sshll.u32 s28, $0x1;
	[dreg:$0x2] =	wrdreg s2  }
0xa9: {  	[dreg:$0x3] =	wrdreg s4  }
0xaa: {  	[dreg:$0x4] =	wrdreg $0xC0  }
0xab: {  	_ =	task [dreg:s6], $0x5FFFF  }
0xac: {  	[dreg:$0x1] =	wrdreg $0xFFFFFFFF  }
0xad: {  	[dreg:$0x0] =	wrdreg $0x60  }
0xae: {  	[dreg:$0x2] =	wrdreg s24  }
0xaf: {  	[dreg:$0x3] =	wrdreg $0x94000  }
0xb0: {  	[dreg:$0x4] =	wrdreg $0x9  }
0xb1: {  	_ =	task.clear_ibuf [dreg:s6], $0x5FFFF;
	_ =	strace $0x90000046  }
0xb2: {  	s29 =	simm.s32 $0x9;
	_ =	strace $0x80000048  }
0xb3: {  	_ =	swait.ge [sflag:s29], $0x1  }
0xb4: {  	[sflag:s29] =	ssyncadd.s32 $0xFFFFFFFF  }
0xb5: {  	_ =	strace $0x90000048  }
0xb6: {  	_ =	sfence  }
0xb7: {  	s30 =	sld [smem:$0x0];
	_ =	sdelay $0x2  }
0xb8: {  	s31 =	sshll.u32 s1, $0xD;
	s1 =	sshrl.u32 s1, $0x2  }
0xb9: {  	s3 =	sand.u32 $0x4000, s31;
	s1 =	sadd.s32 s1, s30  }
0xba: {  	s0 =	sor.u32 s3, s0;
	s1 =	sshll.u32 s1, $0x11  }
0xbb: {  	s0 =	sor.u32 s1, s0  }
0xbc: {  	s0 =	sadd.s32 $0x8F2B, s0  }
0xbd: {  	[sflag:s0] =	ssyncadd.remote.s32 $0x1  }
0xbe: {  	_ =	sfence.sel $0xFFFF  }
0xbf: {  	[dreg:$0x0] =	wrdreg $0xFFFFFFFF;
	(pc) =	sbr.abs _section_cstart, $3  }
0xc0: {  	[dreg:$0x1] =	wrdreg $0xFFFFFFFF  }
0xc1: {  	_ =	task.clear_ibuf [dreg:s6], $0x2FFFF;
	_ =	strace $0x9FFFFFFF  }
0xc2: {  	(tm) =	ssettm $0x7FFFFFFF  }
0xc3: {  	_ =	shalt  }
tec
execute0_lowered:
.L_overlay_start_1:
0x0: {  	(tag) =	ssettag $0x1  }
0x1: {  	s7 =	rddreg [dreg:$0x0]  }
0x2: {  	s0 =	srdreg.scid;
	s2 =	rddreg [dreg:$0x1]  }
0x3: {  	s3 =	simm.s32 $0x0;
	s22 =	simm.s32 $0x1400;
	s23 =	simm.s32 $0x80  }
0x4: {  	s28 =	simm.s32 $0x0;
	s13 =	sand.u32 $0x1, s0;
	s0 =	stileid.u32  }
0x5: {  	[smem:$0x7FF] =	sst s3;
	s11 =	sadd.s32 $0x128400, s2;
	s5 =	smul.u32 $0x4F000, s0  }
0x6: {  	s18 =	sadd.s32 $0x9200, s7;
	s12 =	sadd.s32 $0x12C400, s2;
	s17 =	smul.u32 $0x27100, s13  }
0x7: {  	s1 =	sshll.u32 s13, $0x4;
	s14 =	ssub.s32 $0x2, s13;
	s20 =	smul.u32 $0x138800, s13  }
0x8: {  	s19 =	smul.u32 $0x2780, s0;
	s13 =	sadd.s32 $0x130400, s2;
	p0 =	seq.s32 s0, $0xF  }
0x9: {  	s1 =	sor.u32 s0, s1;
	s15 =	sshrl.u32 s14, $0x1;
	s24 =	sshrl.u32 @p0 s11, $0x3  }
0xa: {  	s25 =	sshll.u32 @!p0 s0, $0x6;
	s4 =	smul.u32 $0x280, s1;
	s1 =	rddreg [dreg:$0x2]  }
0xb: {  	_ =	strace $0x80000047;
	s6 =	sshrl.u32 s5, $0x2;
	s5 =	sadd.s32 $0x8A00, s7  }
0xc: {  	s21 =	ssub.s32 s14, s15;
	s14 =	sadd.s32 $0x134400, s2;
	s15 =	sadd.s32 $0x138400, s2  }
0xd: {  	s17 =	sadd.s32 s19, s17;
	s31 =	sshrl.u32 s20, $0x3;
	s20 =	simm.s32 $0x5400  }
0xe: {  	s25 =	sor.u32 @!p0 $0x1C01, s25;
	s6 =	sadd.s32 s6, s2;
	s17 =	sadd.s32 s18, s17  }
0xf: {  	s18 =	sadd.s32 s18, s31;
	s19 =	smax.u32 s21, $0x1;
	s21 =	simm.s32 $0x1  }
0x10: {  	s16 =	sadd.s32 s4, s7;
	s4 =	sadd.s32 $0x8200, s7;
	s7 =	sadd.s32 $0x4000, s6  }
0x11: {  	s8 =	sadd.s32 $0x8000, s6;
	s9 =	sadd.s32 $0xC000, s6;
	s10 =	sadd.s32 $0x10000, s6  }
0x12: {  	s18 =	sadd.s32 $0x25080, s18;
	s26 =	sshrl.u32 @!p0 s6, $0x3;
	s16 =	sadd.s32 $0x3200, s16  }
.LBB2_1:
0x13: {  	[tilespmem:s20], [sflag:$0x1] =	stream.linear.gather [hbm4b:s5+s3], $0x4000, $0x38;
	[tilespmem:$0x1CD00] =	vst v63  }
0x14: {  	_ =	swait.ge [sflag:s21], $0x4000  }
0x15: {  	[sflag:s21] =	ssyncset.done $0x0  }
0x16: {  	s29 =	simm.s32 @p0 $0x5400;
	s30 =	simm.s32 @p0 $0x1;
	[sflag:s21] =	ssyncadd.s32 $0xFFFFC000  }
0x17: {  	[spmem:s11] =	stream.linear.scatter @p0 [tilespmem:s29], [sflag:$0x1], $0x4000, $0x38;
	[tilespmem:$0x1CD00] =	vst v63  }
0x18: {  	_ =	swait.ge @p0 [sflag:s30], $0x4000  }
0x19: {  	[sflag:s30] =	ssyncset.done @p0 $0x0  }
0x1a: {  	[sflag:s30] =	ssyncadd.s32 @p0 $0xFFFFC000  }
0x1b: {  	[spmem:s12] =	stream.linear.scatter @p0 [tilespmem:s29], [sflag:$0x1], $0x4000, $0x38;
	[tilespmem:$0x1CD00] =	vst v63  }
0x1c: {  	_ =	swait.ge @p0 [sflag:s30], $0x4000  }
0x1d: {  	[sflag:s30] =	ssyncset.done @p0 $0x0  }
0x1e: {  	[sflag:s30] =	ssyncadd.s32 @p0 $0xFFFFC000  }
0x1f: {  	[spmem:s13] =	stream.linear.scatter @p0 [tilespmem:s29], [sflag:$0x1], $0x4000, $0x38;
	[tilespmem:$0x1CD00] =	vst v63  }
0x20: {  	_ =	swait.ge @p0 [sflag:s30], $0x4000  }
0x21: {  	[sflag:s30] =	ssyncset.done @p0 $0x0  }
0x22: {  	[sflag:s30] =	ssyncadd.s32 @p0 $0xFFFFC000  }
0x23: {  	[spmem:s14] =	stream.linear.scatter @p0 [tilespmem:s29], [sflag:$0x1], $0x4000, $0x38;
	[tilespmem:$0x1CD00] =	vst v63  }
0x24: {  	_ =	swait.ge @p0 [sflag:s30], $0x4000  }
0x25: {  	[sflag:s30] =	ssyncset.done @p0 $0x0  }
0x26: {  	[sflag:s30] =	ssyncadd.s32 @p0 $0xFFFFC000  }
0x27: {  	[spmem:s15] =	stream.linear.scatter @p0 [tilespmem:s29], [sflag:$0x1], $0xC00, $0x38;
	[tilespmem:$0x1CD00] =	vst v63  }
0x28: {  	_ =	swait.ge @p0 [sflag:s30], $0xC00  }
0x29: {  	[sflag:s30] =	ssyncset.done @p0 $0x0  }
0x2a: {  	s29 =	simm.s32 @!p0 $0x5400;
	[sflag:s30] =	ssyncadd.s32 @p0 $0xFFFFF400;
	s30 =	simm.s32 @!p0 $0x1  }
0x2b: {  	[spmem:s6] =	stream.linear.scatter @!p0 [tilespmem:s29], [sflag:$0x1], $0x4000, $0x38;
	[tilespmem:$0x1CD00] =	vst v63  }
0x2c: {  	_ =	swait.ge @!p0 [sflag:s30], $0x4000  }
0x2d: {  	[sflag:s30] =	ssyncset.done @!p0 $0x0  }
0x2e: {  	[sflag:s30] =	ssyncadd.s32 @!p0 $0xFFFFC000  }
0x2f: {  	[spmem:s7] =	stream.linear.scatter @!p0 [tilespmem:s29], [sflag:$0x1], $0x4000, $0x38;
	[tilespmem:$0x1CD00] =	vst v63  }
0x30: {  	_ =	swait.ge @!p0 [sflag:s30], $0x4000  }
0x31: {  	[sflag:s30] =	ssyncset.done @!p0 $0x0  }
0x32: {  	[sflag:s30] =	ssyncadd.s32 @!p0 $0xFFFFC000  }
0x33: {  	[spmem:s8] =	stream.linear.scatter @!p0 [tilespmem:s29], [sflag:$0x1], $0x4000, $0x38;
	[tilespmem:$0x1CD00] =	vst v63  }
0x34: {  	_ =	swait.ge @!p0 [sflag:s30], $0x4000  }
0x35: {  	[sflag:s30] =	ssyncset.done @!p0 $0x0  }
0x36: {  	[sflag:s30] =	ssyncadd.s32 @!p0 $0xFFFFC000  }
0x37: {  	[spmem:s9] =	stream.linear.scatter @!p0 [tilespmem:s29], [sflag:$0x1], $0x4000, $0x38;
	[tilespmem:$0x1CD00] =	vst v63  }
0x38: {  	_ =	swait.ge @!p0 [sflag:s30], $0x4000  }
0x39: {  	[sflag:s30] =	ssyncset.done @!p0 $0x0  }
0x3a: {  	[sflag:s30] =	ssyncadd.s32 @!p0 $0xFFFFC000  }
0x3b: {  	[spmem:s10] =	stream.linear.scatter @!p0 [tilespmem:s29], [sflag:$0x1], $0x3C00, $0x38;
	[tilespmem:$0x1CD00] =	vst v63  }
0x3c: {  	_ =	swait.ge @!p0 [sflag:s30], $0x3C00  }
0x3d: {  	[sflag:s30] =	ssyncset.done @!p0 $0x0  }
0x3e: {  	[sflag:s30] =	ssyncadd.s32 @!p0 $0xFFFFC400  }
0x3f: {  	[tilespmem:s22], [sflag:$0x1] =	stream.linear.gather [hbm4b:s4+s3], $0x4000, $0x38;
	[tilespmem:$0x1CD00] =	vst v63  }
0x40: {  	_ =	swait.ge [sflag:s21], $0x4000  }
0x41: {  	[sflag:s21] =	ssyncset.done $0x0  }
0x42: {  	[sflag:s21] =	ssyncadd.s32 $0xFFFFC000  }
0x43: {  	[tilespmem:s3], [sflag:$0x1] =	stream.linear.gather [hbm4b:s16+s3], $0x1400, $0x38;
	[tilespmem:$0x1CD00] =	vst v63  }
0x44: {  	_ =	swait.ge [sflag:s21], $0x1400  }
0x45: {  	[sflag:s21] =	ssyncset.done $0x0  }
0x46: {  	[sflag:s21] =	ssyncadd.s32 $0xFFFFEC00  }
0x47: {  	s29 =	simm.s32 $0x0;
	[bflag:$0x0] =	sbarrier.arrive $0xFFFF  }
0x48: {  	[spmem:s2] =	stream.indirect.scatter.add.f32 [tilespmem:s22], [sflag:$0x1], $0x80, s29, s23, $0xb8;
	[tilespmem:$0x1CD00] =	vst v63  }
0x49: {  	_ =	swait.ge [sflag:s21], $0x4000  }
0x4a: {  	s29 =	simm.s32 $0x200;
	[sflag:s21] =	ssyncset.done $0x0  }
.LBB2_2:
0x4b: {  	s30 =	sshra.s32 s29, $0x2;
	[sflag:s21] =	ssyncadd.s32 $0xFFFFC000;
	p1 =	sne.s32 s29, $0x4E00  }
0x4c: {  	[spmem:s2] =	stream.indirect.scatter.add.f32 [tilespmem:s22], [sflag:$0x1], $0x80, s30, s23, $0xb8;
	[tilespmem:$0x1CD00] =	vst v63  }
.Ltmp0:
0x4d: {  	_ = 	snop;
	(pc) =	sbr.rel @p1 .LBB2_2-.Ltmp0, $4  }
0x4e: {  	_ = 	snop  }
0x4f: {  	s29 =	sadd.s32 $0x200, s29  }
0x50: {  	_ =	swait.ge [sflag:s21], $0x4000  }
0x51: {  	[sflag:s21] =	ssyncset.done $0x0  }
0x52: {  	[sflag:s21] =	ssyncadd.s32 $0xFFFFC000  }
0x53: {  	s29 =	simm.s32 @p0 $0x1FC1;
	[bflag:$0x0] =	sbarrier.arrive $0xFFFF  }
0x54: {  	[hbm:s18], [sflag:s29] =	dma.local @p0 [spmem:s24], $0x2080  }
0x55: {  	s29 =	simm.s32 @p0 $0x1  }
0x56: {  	s28 =	sadd.s32 $0x1, s28;
	_ =	swait.ge @p0 [sflag:s29], $0x2080  }
0x57: {  	p1 =	sne.s32 s28, s19;
	[sflag:s29] =	ssyncset.done @p0 $0x0  }
.Ltmp1:
0x58: {  	[sflag:s29] =	ssyncadd.s32 @p0 $0xFFFFDF80;
	s29 =	simm.s32 @!p0 $0x1;
	(pc) =	sbr.rel @p1 .LBB2_1-.Ltmp1, $4  }
0x59: {  	[hbm:s17], [sflag:s25] =	dma.local @!p0 [spmem:s26], $0x2780  }
0x5a: {  	_ =	swait.ge @!p0 [sflag:s29], $0x2780  }
0x5b: {  	[sflag:s29] =	ssyncset.done @!p0 $0x0  }
0x5c: {  	[sflag:s29] =	ssyncadd.s32 @!p0 $0xFFFFD880  }
0x5d: {  	_ =	sfence.sel $0x180000  }
0x5e: {  	[bflag:$0x0] =	sbarrier.arrive $0xFFFF  }
0x5f: {  	p0 =	sne.s32 s0, $0x0;
	_ =	strace $0x90000047  }
0x60: {  	s0 =	sadd.s32 @!p0 $0x100000, s1;
	[bflag:$0x2] =	sbarrier.arrive $0xFFFF  }
0x61: {  	[sflag:s0] =	ssyncadd.tile.s32 @!p0 $0x1;
	_ =	shalt  }
.Lfunc_end2:
_tile_overlayer_lowered:
.L_overlay_start_2:
0x62: {  	(tag) =	ssettag $0x2  }
0x63: {  	s0 =	rddreg [dreg:$0x0];
	s2 =	stileid.u32  }
0x64: {  	s1 =	rddreg [dreg:$0x1];
	p0 =	sne.s32 s2, $0x0  }
0x65: {  	s3 =	rddreg [dreg:$0x2];
	[bflag:$0x3] =	sbarrier.arrive $0xFFFF;
	s2 =	simm.s32 @!p0 $0x1C01  }
0x66: {  	[timem:s3], [sflag:s2] =	dma.local @!p0 [hbm:s0], s1  }
0x67: {  	s0 =	simm.s32 @!p0 $0x1  }
0x68: {  	_ =	swait.ge @!p0 [sflag:s0], s1  }
0x69: {  	s1 =	ssub.s32 @!p0 $0x0, s1;
	[sflag:s0] =	ssyncset.done @!p0 $0x0  }
0x6a: {  	[sflag:s0] =	ssyncadd.s32 @!p0 s1  }
0x6b: {  	[bflag:$0x3] =	sbarrier.arrive $0xFFFF  }
0x6c: {  	_ =	shalt  }

// kernel: kernel.15.cloned.1.call-start
scs
__scs_entry_jumppad:
0x0: {  	(pc) =	sbr.rel $0x88, $3  }
0x1: {  	(tag) =	ssettag $0x0;
	lr =	simm.s32 $0x1  }
0x2: {  	[smem:$0x3F95] =	sst lr;
	_ =	strace $0xD0000000  }
0x3: {  	_ = 	snop  }
0x4: {  	_ = 	snop  }
0x5: {  	_ = 	snop  }
0x6: {  	_ = 	snop  }
0x7: {  	_ = 	snop  }
__scs_overlays_trampoline_lowered:
0x8: {  	[smem:$0x3FA4] =	sst s0  }
0x9: {  	[smem:$0x3FA5] =	sst s1  }
0xa: {  	[smem:$0x3FA6] =	sst s2  }
0xb: {  	[smem:$0x3FA7] =	sst s3  }
0xc: {  	[smem:$0x3FA8] =	sst s4  }
0xd: {  	[smem:$0x3FA9] =	sst s5  }
0xe: {  	[smem:$0x3FAA] =	sst s6  }
0xf: {  	[smem:$0x3FAB] =	sst s7  }
0x10: {  	[smem:$0x3FAC] =	sst s8  }
0x11: {  	[smem:$0x3FAD] =	sst s9;
	s0 =	simm.s32 @!p0 $0x0  }
0x12: {  	s1 =	sld [smem:$0x3F93];
	s0 =	simm.s32 @p0 $0x1  }
0x13: {  	[smem:$0x3FAE] =	sst s0;
	s0 =	simm.s32 @!p1 $0x0  }
0x14: {  	s2 =	sld [smem:$0x3F92];
	s0 =	simm.s32 @p1 $0x1  }
0x15: {  	[smem:$0x3FAF] =	sst s0;
	s0 =	simm.s32 @!p2 $0x0  }
0x16: {  	s3 =	sld [smem:$0x3FDB];
	s0 =	simm.s32 @p2 $0x1  }
0x17: {  	s4 =	simm.s32 $0x1BF5;
	[smem:$0x3FB1] =	sst s0  }
0x18: {  	s0 =	sld [smem:$0x3F94];
	_ =	swait.ge [sflag:s4], $0x0  }
0x19: {  	s7 =	sld [smem:$0x3F95]  }
0x1a: {  	s8 =	sadd.s32 $0xFFFFE003, lr  }
0x1b: {  	s9 =	sadd.s32 $0xFFFFFEF7, lr;
	s5 =	simm.s32 $0xFFFFFFFF;
	p2 =	slt.u32 s8, $0xFFFFF086  }
0x1c: {  	p1 =	slt.u32 s9, $0xF7A;
	s5 =	simm.s32 @!p2 $0x0  }
0x1d: {  	s5 =	simm.s32 @p1 $0x1;
	p0 =	seq.s32 s7, s2  }
0x1e: {  	s7 =	smul.u32 @!p0 $0xF7A, s2;
	p2 =	seq.s32 @!p0 s5, $0x0  }
0x1f: {  	s9 =	smul.u32 $0xF7A, s1;
	s8 =	simm.s32 @!p0 $0x1BF5;
	p2 =	por !p2, p0  }
0x20: {  	[sflag:s8] =	ssyncset.s32 @!p0 $0xFFFFF086;
	s6 =	sadd.s32 @!p0 s3, s7;
	s7 =	simm.s32 @!p0 $0x108  }
0x21: {  	s3 =	sadd.s32 s3, s9;
	s6 =	sadd.s32 @!p0 $0x88, s6;
	s7 =	simm.s32 @p2 $0x1082  }
0x22: {  	[simem:s7], [sflag:s8] =	dma.local @!p0 [hbm:s6], $0xF7A  }
0x23: {  	s9 =	sor.u32 $0xD0000000, s2;
	s6 =	simm.s32 $0x108;
	_ =	swait.ge @!p0 [sflag:s8], $0x0  }
0x24: {  	s3 =	sadd.s32 $0x88, s3;
	s6 =	simm.s32 @!p1 $0x1082;
	[sflag:s4] =	ssyncset.s32 $0xFFFFF086  }
0x25: {  	[simem:s6], [sflag:s4] =	dma.local [hbm:s3], $0xF7A  }
0x26: {  	[smem:$0x3F95] =	sst s1;
	(tag) =	ssettag s2;
	_ =	strace s9  }
0x27: {  	s1 =	sld [smem:$0x3FA5]  }
0x28: {  	s2 =	sld [smem:$0x3FA6]  }
0x29: {  	s4 =	sld [smem:$0x3FA8]  }
0x2a: {  	p0 =	seq.s32 s5, $0x0;
	s5 =	sld [smem:$0x3FA9]  }
0x2b: {  	s6 =	sld [smem:$0x3FAA]  }
0x2c: {  	s7 =	sld [smem:$0x3FAB]  }
0x2d: {  	s3 =	simm.s32 $0x108;
	s8 =	sld [smem:$0x3FAC]  }
0x2e: {  	s3 =	simm.s32 @!p0 $0x1082;
	s9 =	sld [smem:$0x3FAD]  }
0x2f: {  	lr =	sadd.s32 s0, s3;
	s0 =	sld [smem:$0x3FA4]  }
0x30: {  	s3 =	sld [smem:$0x3FA7]  }
0x31: {  	[smem:$0x3FB0] =	sst s10  }
0x32: {  	s10 =	sld [smem:$0x3FAE];
	_ =	sdelay $0x3  }
0x33: {  	p0 =	seq.s32 s10, $0x1;
	s10 =	sld [smem:$0x3FB0];
	_ =	sdelay $0x3  }
0x34: {  	[smem:$0x3FB0] =	sst s10  }
0x35: {  	s10 =	sld [smem:$0x3FAF];
	_ =	sdelay $0x3  }
0x36: {  	p1 =	seq.s32 s10, $0x1;
	s10 =	sld [smem:$0x3FB0];
	_ =	sdelay $0x3  }
0x37: {  	[smem:$0x3FB0] =	sst s10  }
0x38: {  	s10 =	sld [smem:$0x3FB1]  }
0x39: {  	_ = 	snop;
	(pc) =	sbr.ind lr, $3  }
0x3a: {  	_ = 	snop  }
0x3b: {  	_ = 	snop  }
0x3c: {  	p2 =	seq.s32 s10, $0x1;
	s10 =	sld [smem:$0x3FB0]  }
0x3d: {  	_ =	shalt  }
0x3e: {  	_ =	shalt  }
0x3f: {  	_ =	shalt  }
0x40: {  	_ =	shalt  }
0x41: {  	_ =	shalt  }
0x42: {  	_ =	shalt  }
0x43: {  	_ =	shalt  }
0x44: {  	_ =	shalt  }
0x45: {  	_ =	shalt  }
0x46: {  	_ =	shalt  }
0x47: {  	_ =	shalt  }
0x48: {  	_ =	shalt  }
0x49: {  	_ =	shalt  }
0x4a: {  	_ =	shalt  }
0x4b: {  	_ =	shalt  }
0x4c: {  	_ =	shalt  }
0x4d: {  	_ =	shalt  }
0x4e: {  	_ =	shalt  }
0x4f: {  	_ =	shalt  }
0x50: {  	_ =	shalt  }
0x51: {  	_ =	shalt  }
0x52: {  	_ =	shalt  }
0x53: {  	_ =	shalt  }
0x54: {  	_ =	shalt  }
0x55: {  	_ =	shalt  }
0x56: {  	_ =	shalt  }
0x57: {  	_ =	shalt  }
0x58: {  	_ =	shalt  }
0x59: {  	_ =	shalt  }
0x5a: {  	_ =	shalt  }
0x5b: {  	_ =	shalt  }
0x5c: {  	_ =	shalt  }
0x5d: {  	_ =	shalt  }
0x5e: {  	_ =	shalt  }
0x5f: {  	_ =	shalt  }
0x60: {  	_ =	shalt  }
0x61: {  	_ =	shalt  }
0x62: {  	_ =	shalt  }
0x63: {  	_ =	shalt  }
0x64: {  	_ =	shalt  }
0x65: {  	_ =	shalt  }
0x66: {  	_ =	shalt  }
0x67: {  	_ =	shalt  }
0x68: {  	_ =	shalt  }
0x69: {  	_ =	shalt  }
0x6a: {  	_ =	shalt  }
0x6b: {  	_ =	shalt  }
0x6c: {  	_ =	shalt  }
0x6d: {  	_ =	shalt  }
0x6e: {  	_ =	shalt  }
0x6f: {  	_ =	shalt  }
0x70: {  	_ =	shalt  }
0x71: {  	_ =	shalt  }
0x72: {  	_ =	shalt  }
0x73: {  	_ =	shalt  }
0x74: {  	_ =	shalt  }
0x75: {  	_ =	shalt  }
0x76: {  	_ =	shalt  }
0x77: {  	_ =	shalt  }
0x78: {  	_ =	shalt  }
0x79: {  	_ =	shalt  }
0x7a: {  	_ =	shalt  }
0x7b: {  	_ =	shalt  }
0x7c: {  	_ =	shalt  }
0x7d: {  	_ =	shalt  }
0x7e: {  	_ =	shalt  }
0x7f: {  	_ =	shalt  }
0x80: {  	_ =	shalt  }
0x81: {  	_ =	shalt  }
0x82: {  	_ =	shalt  }
0x83: {  	_ =	shalt  }
0x84: {  	_ =	shalt  }
0x85: {  	_ =	shalt  }
0x86: {  	_ =	shalt  }
0x87: {  	_ =	shalt  }
.Lfunc_end0:
.L_simem_size_0:
called_computation.1_lowered:
.L_overlay_start_0:
0x88: {  	s2 =	sld [smem:$0x3FD9]  }
0x89: {  	s3 =	sld [smem:$0x3FFE];
	_ =	sdelay $0x1  }
0x8a: {  	s1 =	srdreg.scid  }
0x8b: {  	s0 =	sand.u32 $0x1, s1  }
0x8c: {  	s17 =	sshll.u32 s0, $0xA;
	s2 =	sadd.s32 s3, s2  }
0x8d: {  	s2 =	sadd.s32 s2, s17  }
0x8e: {  	[smem:$0x3FBC] =	sst s2  }
0x8f: {  	_ = 	snop  }
0x90: {  	s2 =	sld [smem:$0x3FD0];
	(tm) =	ssettm $0x1  }
0x91: {  	s18 =	sld [smem:$0x3FFB];
	_ =	sdelay $0x3  }
0x92: {  	_ =	strace s18  }
0x93: {  	s3 =	sld [smem:$0x3FFC];
	_ =	sdelay $0x3  }
0x94: {  	_ =	strace s3  }
0x95: {  	s3 =	sld [smem:$0x3FFD];
	_ =	sdelay $0x3  }
0x96: {  	_ =	strace s3  }
0x97: {  	_ =	strace $0x8FFFFFFF  }
0x98: {  	s19 =	sld [smem:$0x3FDB];
	_ =	sdelay $0x1  }
0x99: {  	s4 =	simm.s32 $_scs_section_size  }
0x9a: {  	s5 =	simm.s32 $_size__tile_overlayer_lowered;
	s6 =	simm.s32 $_tile_overlayer_lowered  }
0x9b: {  	s22 =	simm.s32 $0x1BFF;
	s21 =	sshll.u32 s6, $0x1;
	s3 =	sadd.s32 s4, s19  }
0x9c: {  	s7 =	simm.s32 $0x0;
	s20 =	sshll.u32 s5, $0x1;
	s5 =	sadd.s32 s21, s3  }
0x9d: {  	[timem:s7], [sflag:s22] =	dma.local [hbm:s5], s20  }
0x9e: {  	_ =	swait.ge [sflag:s22], s20  }
0x9f: {  	s4 =	ssub.s32 $0x0, s20;
	[sflag:s22] =	ssyncset.done $0x0  }
0xa0: {  	[sflag:s22] =	ssyncadd.s32 s4;
	_ =	sdelay $0x1  }
0xa1: {  	s23 =	simm.s32 $0x1B8B  }
0xa2: {  	_ =	swait.ge [sflag:s23], $0x1  }
0xa3: {  	[sflag:s23] =	ssyncset.done $0x0  }
0xa4: {  	s25 =	simm.s32 $0x1B8E;
	s24 =	sld [smem:$0x3FFE];
	[sflag:s23] =	ssyncadd.s32 $0xFFFFFFFF  }
0xa5: {  	s26 =	simm.s32 $execute0_lowered;
	[smem:$0x3FD2] =	sst s25  }
0xa6: {  	s5 =	sshll.u32 s26, $0x1;
	_ =	strace $0x80000049;
	[dreg:$0x1] =	wrdreg $0xFFFFFFFF  }
0xa7: {  	s28 =	simm.s32 $_size_execute0_lowered;
	s3 =	sadd.s32 s3, s5;
	[dreg:$0x0] =	wrdreg $0x0  }
0xa8: {  	s5 =	sshll.u32 s28, $0x1;
	[dreg:$0x2] =	wrdreg s3  }
0xa9: {  	[dreg:$0x3] =	wrdreg s5  }
0xaa: {  	[dreg:$0x4] =	wrdreg $0xC0  }
0xab: {  	_ =	task [dreg:s7], $0x5FFFF  }
0xac: {  	[dreg:$0x1] =	wrdreg $0xFFFFFFFF  }
0xad: {  	[dreg:$0x0] =	wrdreg $0x60  }
0xae: {  	[dreg:$0x2] =	wrdreg s24  }
0xaf: {  	[dreg:$0x3] =	wrdreg s2  }
0xb0: {  	[dreg:$0x4] =	wrdreg $0x90000  }
0xb1: {  	[dreg:$0x5] =	wrdreg $0x9  }
0xb2: {  	_ =	task.clear_ibuf [dreg:s7], $0x6FFFF;
	_ =	strace $0x90000049  }
0xb3: {  	s29 =	simm.s32 $0x9;
	_ =	strace $0x8000004B  }
0xb4: {  	_ =	swait.ge [sflag:s29], $0x1  }
0xb5: {  	[sflag:s29] =	ssyncadd.s32 $0xFFFFFFFF  }
0xb6: {  	_ =	strace $0x9000004B  }
0xb7: {  	_ =	sfence  }
0xb8: {  	s30 =	sld [smem:$0x0];
	_ =	sdelay $0x2  }
0xb9: {  	s31 =	sshll.u32 s1, $0xD;
	s1 =	sshrl.u32 s1, $0x2  }
0xba: {  	s3 =	sand.u32 $0x4000, s31;
	s1 =	sadd.s32 s1, s30  }
0xbb: {  	s0 =	sor.u32 s3, s0;
	s1 =	sshll.u32 s1, $0x11  }
0xbc: {  	s0 =	sor.u32 s1, s0  }
0xbd: {  	s0 =	sadd.s32 $0x8F2B, s0  }
0xbe: {  	[sflag:s0] =	ssyncadd.remote.s32 $0x1  }
0xbf: {  	_ =	sfence.sel $0xFFFF  }
0xc0: {  	[dreg:$0x0] =	wrdreg $0xFFFFFFFF;
	(pc) =	sbr.abs _section_cstart, $3  }
0xc1: {  	[dreg:$0x1] =	wrdreg $0xFFFFFFFF  }
0xc2: {  	_ =	task.clear_ibuf [dreg:s7], $0x2FFFF;
	_ =	strace $0x9FFFFFFF  }
0xc3: {  	(tm) =	ssettm $0x7FFFFFFF  }
tec
execute0_lowered:
.L_overlay_start_1:
0x0: {  	(tag) =	ssettag $0x1  }
0x1: {  	s0 =	rddreg [dreg:$0x0]  }
0x2: {  	s2 =	rddreg [dreg:$0x1]  }
0x3: {  	s1 =	rddreg [dreg:$0x2]  }
0x4: {  	s3 =	simm.s32 $0x0;
	s4 =	srdreg.scid;
	s13 =	stileid.u32  }
0x5: {  	s29 =	simm.s32 $0x4000;
	s30 =	simm.s32 $0x3;
	s31 =	simm.s32 $0x2000  }
0x6: {  	[smem:$0x7FF] =	sst s3;
	s7 =	sshll.u32 s13, $0xB;
	s6 =	smul.u32 $0x4F000, s13  }
0x7: {  	s9 =	sadd.s32 $0x51400, s0;
	s14 =	sadd.s32 $0x128400, s1;
	s22 =	smul.u32 $0x2780, s13  }
0x8: {  	s5 =	sand.u32 $0x1, s4;
	s23 =	sadd.s32 $0x12AC00, s1;
	s24 =	sadd.s32 $0x12D400, s1  }
0x9: {  	s25 =	sadd.s32 $0x12FC00, s1;
	_ =	strace $0x8000004A;
	[dreg:$0x4] =	wrdreg s9  }
0xa: {  	p0 =	seq.s32 s13, $0xF;
	s4 =	sshll.u32 s5, $0xF;
	[dreg:$0xc] =	wrdreg s23  }
0xb: {  	s15 =	ssub.s32 $0x2, s5;
	s21 =	smul.u32 $0x27100, s5;
	[dreg:$0xd] =	wrdreg s24  }
0xc: {  	s5 =	smul.u32 $0x138800, s5;
	[dreg:$0xe] =	wrdreg s25;
	s8 =	sor.u32 s7, s4  }
0xd: {  	s4 =	sadd.s32 $0x3200, s0;
	s6 =	sshrl.u32 s6, $0x2;
	s10 =	sshrl.u32 s15, $0x1  }
0xe: {  	s8 =	sadd.s32 s8, s0;
	s6 =	sadd.s32 s6, s1;
	s0 =	sadd.s32 $0x67400, s0  }
0xf: {  	s9 =	ssub.s32 s15, s10;
	s26 =	sadd.s32 s22, s21;
	s5 =	sshrl.u32 s5, $0x3  }
0x10: {  	s10 =	simm.s32 $0x3F80;
	s11 =	sadd.s32 $0x2800, s6;
	s16 =	sadd.s32 $0x5000, s6  }
0x11: {  	s17 =	sadd.s32 $0x7800, s6;
	s18 =	sadd.s32 $0xA000, s6;
	[dreg:$0x5] =	wrdreg s11  }
0x12: {  	s19 =	sadd.s32 $0xC800, s6;
	s20 =	sadd.s32 $0xF000, s6;
	[dreg:$0x6] =	wrdreg s16  }
0x13: {  	s12 =	sadd.s32 $0x11800, s6;
	s21 =	sadd.s32 s0, s26;
	[dreg:$0x7] =	wrdreg s17  }
0x14: {  	s0 =	sadd.s32 s0, s5;
	s22 =	sadd.s32 $0x57400, s8;
	[dreg:$0x8] =	wrdreg s18  }
0x15: {  	s23 =	sadd.s32 $0x57800, s8;
	s25 =	smax.u32 s9, $0x1;
	[dreg:$0x9] =	wrdreg s19  }
0x16: {  	s26 =	sadd.s32 $0x137400, s1;
	s5 =	simm.s32 $0x1;
	[dreg:$0xa] =	wrdreg s20  }
0x17: {  	s8 =	simm.s32 $0x1F80;
	s9 =	simm.s32 $0x3F00;
	[dreg:$0xb] =	wrdreg s12  }
0x18: {  	s18 =	sadd.s32 s2, s7;
	s19 =	sadd.s32 $0x132400, s1;
	s20 =	sadd.s32 $0x134C00, s1  }
0x19: {  	s24 =	sadd.s32 $0x25080, s0;
	s0 =	simm.s32 $0x50;
	s2 =	simm.s32 $0x6800  }
0x1a: {  	s7 =	simm.s32 $0x2;
	s11 =	simm.s32 $0x0;
	s28 =	sadd.s32 $0x400, s18  }
.LBB2_1:
0x1b: {  	s12 =	rddreg [dreg:$0x4]  }
0x1c: {  	[tilespmem:s29], [sflag:$0x3] =	stream.linear.gather [hbm4b:s12+s3], $0x2800, $0x38;
	[tilespmem:$0x1C900] =	vst v63  }
0x1d: {  	_ =	swait.ge [sflag:s30], $0x2800  }
0x1e: {  	[sflag:s30] =	ssyncset.done $0x0  }
0x1f: {  	s13 =	simm.s32 @p0 $0x3;
	s12 =	simm.s32 @p0 $0x4000;
	[sflag:s30] =	ssyncadd.s32 $0xFFFFD800  }
0x20: {  	[spmem:s14] =	stream.linear.scatter @p0 [tilespmem:s12], [sflag:$0x3], $0x2800, $0x38;
	[tilespmem:$0x1C900] =	vst v63  }
0x21: {  	_ =	swait.ge @p0 [sflag:s13], $0x2800  }
0x22: {  	[sflag:s13] =	ssyncset.done @p0 $0x0  }
0x23: {  	s15 =	rddreg [dreg:$0xc];
	[sflag:s13] =	ssyncadd.s32 @p0 $0xFFFFD800  }
0x24: {  	[spmem:s15] =	stream.linear.scatter @p0 [tilespmem:s12], [sflag:$0x3], $0x2800, $0x38;
	[tilespmem:$0x1C900] =	vst v63  }
0x25: {  	_ =	swait.ge @p0 [sflag:s13], $0x2800  }
0x26: {  	[sflag:s13] =	ssyncset.done @p0 $0x0  }
0x27: {  	s15 =	rddreg [dreg:$0xd];
	[sflag:s13] =	ssyncadd.s32 @p0 $0xFFFFD800  }
0x28: {  	[spmem:s15] =	stream.linear.scatter @p0 [tilespmem:s12], [sflag:$0x3], $0x2800, $0x38;
	[tilespmem:$0x1C900] =	vst v63  }
0x29: {  	_ =	swait.ge @p0 [sflag:s13], $0x2800  }
0x2a: {  	[sflag:s13] =	ssyncset.done @p0 $0x0  }
0x2b: {  	s15 =	rddreg [dreg:$0xe];
	[sflag:s13] =	ssyncadd.s32 @p0 $0xFFFFD800  }
0x2c: {  	[spmem:s15] =	stream.linear.scatter @p0 [tilespmem:s12], [sflag:$0x3], $0x2800, $0x38;
	[tilespmem:$0x1C900] =	vst v63  }
0x2d: {  	_ =	swait.ge @p0 [sflag:s13], $0x2800  }
0x2e: {  	[sflag:s13] =	ssyncset.done @p0 $0x0  }
0x2f: {  	[sflag:s13] =	ssyncadd.s32 @p0 $0xFFFFD800  }
0x30: {  	[spmem:s19] =	stream.linear.scatter @p0 [tilespmem:s12], [sflag:$0x3], $0x2800, $0x38;
	[tilespmem:$0x1C900] =	vst v63  }
0x31: {  	_ =	swait.ge @p0 [sflag:s13], $0x2800  }
0x32: {  	[sflag:s13] =	ssyncset.done @p0 $0x0  }
0x33: {  	[sflag:s13] =	ssyncadd.s32 @p0 $0xFFFFD800  }
0x34: {  	[spmem:s20] =	stream.linear.scatter @p0 [tilespmem:s12], [sflag:$0x3], $0x2800, $0x38;
	[tilespmem:$0x1C900] =	vst v63  }
0x35: {  	_ =	swait.ge @p0 [sflag:s13], $0x2800  }
0x36: {  	[sflag:s13] =	ssyncset.done @p0 $0x0  }
0x37: {  	[sflag:s13] =	ssyncadd.s32 @p0 $0xFFFFD800  }
0x38: {  	[spmem:s26] =	stream.linear.scatter @p0 [tilespmem:s12], [sflag:$0x3], $0x1C00, $0x38;
	[tilespmem:$0x1C900] =	vst v63  }
0x39: {  	_ =	swait.ge @p0 [sflag:s13], $0x1C00  }
0x3a: {  	[sflag:s13] =	ssyncset.done @p0 $0x0  }
0x3b: {  	s12 =	simm.s32 @!p0 $0x4000;
	[sflag:s13] =	ssyncadd.s32 @p0 $0xFFFFE400;
	s13 =	simm.s32 @!p0 $0x3  }
0x3c: {  	[spmem:s6] =	stream.linear.scatter @!p0 [tilespmem:s12], [sflag:$0x3], $0x2800, $0x38;
	[tilespmem:$0x1C900] =	vst v63  }
0x3d: {  	_ =	swait.ge @!p0 [sflag:s13], $0x2800  }
0x3e: {  	[sflag:s13] =	ssyncset.done @!p0 $0x0  }
0x3f: {  	s15 =	rddreg [dreg:$0x5];
	[sflag:s13] =	ssyncadd.s32 @!p0 $0xFFFFD800  }
0x40: {  	[spmem:s15] =	stream.linear.scatter @!p0 [tilespmem:s12], [sflag:$0x3], $0x2800, $0x38;
	[tilespmem:$0x1C900] =	vst v63  }
0x41: {  	_ =	swait.ge @!p0 [sflag:s13], $0x2800  }
0x42: {  	[sflag:s13] =	ssyncset.done @!p0 $0x0  }
0x43: {  	s15 =	rddreg [dreg:$0x6];
	[sflag:s13] =	ssyncadd.s32 @!p0 $0xFFFFD800  }
0x44: {  	[spmem:s15] =	stream.linear.scatter @!p0 [tilespmem:s12], [sflag:$0x3], $0x2800, $0x38;
	[tilespmem:$0x1C900] =	vst v63  }
0x45: {  	_ =	swait.ge @!p0 [sflag:s13], $0x2800  }
0x46: {  	[sflag:s13] =	ssyncset.done @!p0 $0x0  }
0x47: {  	s15 =	rddreg [dreg:$0x7];
	[sflag:s13] =	ssyncadd.s32 @!p0 $0xFFFFD800  }
0x48: {  	[spmem:s15] =	stream.linear.scatter @!p0 [tilespmem:s12], [sflag:$0x3], $0x2800, $0x38;
	[tilespmem:$0x1C900] =	vst v63  }
0x49: {  	_ =	swait.ge @!p0 [sflag:s13], $0x2800  }
0x4a: {  	[sflag:s13] =	ssyncset.done @!p0 $0x0  }
0x4b: {  	s15 =	rddreg [dreg:$0x8];
	[sflag:s13] =	ssyncadd.s32 @!p0 $0xFFFFD800  }
0x4c: {  	[spmem:s15] =	stream.linear.scatter @!p0 [tilespmem:s12], [sflag:$0x3], $0x2800, $0x38;
	[tilespmem:$0x1C900] =	vst v63  }
0x4d: {  	_ =	swait.ge @!p0 [sflag:s13], $0x2800  }
0x4e: {  	[sflag:s13] =	ssyncset.done @!p0 $0x0  }
0x4f: {  	s15 =	rddreg [dreg:$0x9];
	[sflag:s13] =	ssyncadd.s32 @!p0 $0xFFFFD800  }
0x50: {  	[spmem:s15] =	stream.linear.scatter @!p0 [tilespmem:s12], [sflag:$0x3], $0x2800, $0x38;
	[tilespmem:$0x1C900] =	vst v63  }
0x51: {  	_ =	swait.ge @!p0 [sflag:s13], $0x2800  }
0x52: {  	[sflag:s13] =	ssyncset.done @!p0 $0x0  }
0x53: {  	s15 =	rddreg [dreg:$0xa];
	[sflag:s13] =	ssyncadd.s32 @!p0 $0xFFFFD800  }
0x54: {  	[spmem:s15] =	stream.linear.scatter @!p0 [tilespmem:s12], [sflag:$0x3], $0x2800, $0x38;
	[tilespmem:$0x1C900] =	vst v63  }
0x55: {  	_ =	swait.ge @!p0 [sflag:s13], $0x2800  }
0x56: {  	[sflag:s13] =	ssyncset.done @!p0 $0x0  }
0x57: {  	s15 =	rddreg [dreg:$0xb];
	[sflag:s13] =	ssyncadd.s32 @!p0 $0xFFFFD800  }
0x58: {  	[spmem:s15] =	stream.linear.scatter @!p0 [tilespmem:s12], [sflag:$0x3], $0x2400, $0x38;
	[tilespmem:$0x1C900] =	vst v63  }
0x59: {  	_ =	swait.ge @!p0 [sflag:s13], $0x2400  }
0x5a: {  	[sflag:s13] =	ssyncset.done @!p0 $0x0  }
0x5b: {  	[sflag:s13] =	ssyncadd.s32 @!p0 $0xFFFFDC00  }
0x5c: {  	[bflag:$0x0] =	sbarrier.arrive $0xFFFF  }
0x5d: {  	[tilespmem:s3], [sflag:$0x3] =	stream.linear.gather [hbm4b:s22+s3], $0x2000, $0x38;
	[tilespmem:$0x1C900] =	vst v63  }
0x5e: {  	_ =	swait.ge [sflag:s30], $0x2000  }
0x5f: {  	[sflag:s30] =	ssyncset.done $0x0  }
0x60: {  	[sflag:s30] =	ssyncadd.s32 $0xFFFFE000  }
0x61: {  	[tilespmem:s31], [sflag:$0x3] =	stream.linear.gather [hbm4b:s18+s3], $0x2000, $0x38;
	[tilespmem:$0x1C900] =	vst v63  }
0x62: {  	_ =	swait.ge [sflag:s30], $0x2000  }
0x63: {  	[sflag:s30] =	ssyncset.done $0x0  }
0x64: {  	[sflag:s30] =	ssyncadd.s32 $0xFFFFE000  }
0x65: {  	[tilespmem:s29], [sflag:$0x1] =	stream.indirect.gather [hbm4b:s4+s0], $0x80, s3, s0, $0xb8;
	[tilespmem:$0x1C900] =	vst v63  }
0x66: {  	s13 =	simm.s32 $0x80  }
0x67: {  	[tilespmem:s2], [sflag:$0x2] =	stream.indirect.gather [hbm4b:s4+s0], $0x80, s13, s0, $0xb8;
	[tilespmem:$0x1C900] =	vst v63  }
0x68: {  	_ =	swait.ge [sflag:s5], $0x2800  }
0x69: {  	[sflag:s5] =	ssyncset.done $0x0  }
0x6a: {  	s15 =	simm.s32 $0x2000;
	[sflag:s5] =	ssyncadd.s32 $0xFFFFD800  }
0x6b: {  	[spmem:s1] =	stream.indirect.scatter.add.f32 [tilespmem:s29], [sflag:$0x3], $0x80, s15, s0, $0xb8;
	[tilespmem:$0x1C900] =	vst v63  }
0x6c: {  	_ =	swait.ge [sflag:s30], $0x2800  }
0x6d: {  	[sflag:s30] =	ssyncset.done $0x0  }
0x6e: {  	s16 =	simm.s32 $0x100;
	[sflag:s30] =	ssyncadd.s32 $0xFFFFD800  }
0x6f: {  	[tilespmem:s29], [sflag:$0x1] =	stream.indirect.gather [hbm4b:s4+s0], $0x80, s16, s0, $0xb8;
	[tilespmem:$0x1C900] =	vst v63  }
0x70: {  	_ =	swait.ge [sflag:s7], $0x2800  }
0x71: {  	[sflag:s7] =	ssyncset.done $0x0  }
0x72: {  	s17 =	simm.s32 $0x2080;
	[sflag:s7] =	ssyncadd.s32 $0xFFFFD800  }
0x73: {  	[spmem:s1] =	stream.indirect.scatter.add.f32 [tilespmem:s2], [sflag:$0x3], $0x80, s17, s0, $0xb8;
	[tilespmem:$0x1C900] =	vst v63  }
0x74: {  	_ =	swait.ge [sflag:s30], $0x2800  }
0x75: {  	s12 =	simm.s32 $0x100;
	s13 =	simm.s32 $0x800;
	[sflag:s30] =	ssyncset.done $0x0  }
.LBB2_2:
0x76: {  	s15 =	sadd.s32 $0x80, s12  }
0x77: {  	[sflag:s30] =	ssyncadd.s32 $0xFFFFD800;
	s16 =	smov.u32 s13;
	s17 =	sadd.s32 $0x400, s13  }
0x78: {  	[tilespmem:s2], [sflag:$0x2] =	stream.indirect.gather [hbm4b:s4+s0], $0x80, s15, s0, $0xb8;
	[tilespmem:$0x1C900] =	vst v63  }
0x79: {  	p1 =	sne.s32 s13, $0x7800;
	_ =	swait.ge [sflag:s5], $0x2800  }
0x7a: {  	[sflag:s5] =	ssyncset.done $0x0  }
0x7b: {  	s13 =	sadd.s32 $0x2000, s12;
	[sflag:s5] =	ssyncadd.s32 $0xFFFFD800  }
0x7c: {  	[spmem:s1] =	stream.indirect.scatter.add.f32 [tilespmem:s29], [sflag:$0x3], $0x80, s13, s0, $0xb8;
	[tilespmem:$0x1C900] =	vst v63  }
0x7d: {  	_ =	swait.ge [sflag:s30], $0x2800  }
0x7e: {  	[sflag:s30] =	ssyncset.done $0x0  }
0x7f: {  	s13 =	sadd.s32 $0x100, s12;
	[sflag:s30] =	ssyncadd.s32 $0xFFFFD800  }
0x80: {  	[tilespmem:s29], [sflag:$0x1] =	stream.indirect.gather [hbm4b:s4+s0], $0x80, s13, s0, $0xb8;
	[tilespmem:$0x1C900] =	vst v63  }
0x81: {  	_ =	swait.ge [sflag:s7], $0x2800  }
.Ltmp0:
0x82: {  	[sflag:s7] =	ssyncset.done $0x0;
	(pc) =	sbr.rel @p1 .LBB2_2-.Ltmp0, $4  }
0x83: {  	s12 =	sadd.s32 $0x2080, s12;
	[sflag:s7] =	ssyncadd.s32 $0xFFFFD800  }
0x84: {  	[spmem:s1] =	stream.indirect.scatter.add.f32 [tilespmem:s2], [sflag:$0x3], $0x80, s12, s0, $0xb8;
	[tilespmem:$0x1C900] =	vst v63  }
0x85: {  	_ =	swait.ge [sflag:s30], $0x2800  }
0x86: {  	s13 =	smov.u32 s17;
	s12 =	sshra.s32 s16, $0x2;
	[sflag:s30] =	ssyncset.done $0x0  }
0x87: {  	s13 =	sadd.s32 $0x80, s12;
	[sflag:s30] =	ssyncadd.s32 $0xFFFFD800  }
0x88: {  	[tilespmem:s2], [sflag:$0x2] =	stream.indirect.gather [hbm4b:s4+s0], $0x80, s13, s0, $0xb8;
	[tilespmem:$0x1C900] =	vst v63  }
0x89: {  	_ =	swait.ge [sflag:s5], $0x2800  }
0x8a: {  	[sflag:s5] =	ssyncset.done $0x0  }
0x8b: {  	s17 =	sadd.s32 $0x2000, s12;
	[sflag:s5] =	ssyncadd.s32 $0xFFFFD800  }
0x8c: {  	[spmem:s1] =	stream.indirect.scatter.add.f32 [tilespmem:s29], [sflag:$0x3], $0x80, s17, s0, $0xb8;
	[tilespmem:$0x1C900] =	vst v63  }
0x8d: {  	_ =	swait.ge [sflag:s30], $0x2800  }
0x8e: {  	[sflag:s30] =	ssyncset.done $0x0  }
0x8f: {  	s15 =	sadd.s32 $0x100, s12;
	[sflag:s30] =	ssyncadd.s32 $0xFFFFD800  }
0x90: {  	[tilespmem:s29], [sflag:$0x1] =	stream.indirect.gather [hbm4b:s4+s0], $0x80, s15, s0, $0xb8;
	[tilespmem:$0x1C900] =	vst v63  }
0x91: {  	_ =	swait.ge [sflag:s7], $0x2800  }
0x92: {  	[sflag:s7] =	ssyncset.done $0x0  }
0x93: {  	s16 =	sadd.s32 $0x2080, s12;
	[sflag:s7] =	ssyncadd.s32 $0xFFFFD800  }
0x94: {  	[spmem:s1] =	stream.indirect.scatter.add.f32 [tilespmem:s2], [sflag:$0x3], $0x80, s16, s0, $0xb8;
	[tilespmem:$0x1C900] =	vst v63  }
0x95: {  	_ =	swait.ge [sflag:s30], $0x2800  }
0x96: {  	[sflag:s30] =	ssyncset.done $0x0  }
0x97: {  	[sflag:s30] =	ssyncadd.s32 $0xFFFFD800  }
0x98: {  	[tilespmem:s2], [sflag:$0x2] =	stream.indirect.gather [hbm4b:s4+s0], $0x80, s8, s0, $0xb8;
	[tilespmem:$0x1C900] =	vst v63  }
0x99: {  	_ =	swait.ge [sflag:s5], $0x2800  }
0x9a: {  	[sflag:s5] =	ssyncset.done $0x0  }
0x9b: {  	[sflag:s5] =	ssyncadd.s32 $0xFFFFD800  }
0x9c: {  	[spmem:s1] =	stream.indirect.scatter.add.f32 [tilespmem:s29], [sflag:$0x3], $0x80, s9, s0, $0xb8;
	[tilespmem:$0x1C900] =	vst v63  }
0x9d: {  	_ =	swait.ge [sflag:s30], $0x2800  }
0x9e: {  	[sflag:s30] =	ssyncset.done $0x0  }
0x9f: {  	[sflag:s30] =	ssyncadd.s32 $0xFFFFD800  }
0xa0: {  	_ =	swait.ge [sflag:s7], $0x2800  }
0xa1: {  	[sflag:s7] =	ssyncset.done $0x0  }
0xa2: {  	[sflag:s7] =	ssyncadd.s32 $0xFFFFD800  }
0xa3: {  	[spmem:s1] =	stream.indirect.scatter.add.f32 [tilespmem:s2], [sflag:$0x3], $0x80, s10, s0, $0xb8;
	[tilespmem:$0x1C900] =	vst v63  }
0xa4: {  	_ =	swait.ge [sflag:s30], $0x2800  }
0xa5: {  	[sflag:s30] =	ssyncset.done $0x0  }
0xa6: {  	s17 =	simm.s32 $0x0;
	[sflag:s30] =	ssyncadd.s32 $0xFFFFD800  }
0xa7: {  	[tilespmem:s17], [sflag:$0x3] =	stream.linear.gather [hbm4b:s23+s17], $0x2000, $0x38;
	[tilespmem:$0x1C900] =	vst v63  }
0xa8: {  	_ =	swait.ge [sflag:s30], $0x2000  }
0xa9: {  	[sflag:s30] =	ssyncset.done $0x0  }
0xaa: {  	[sflag:s30] =	ssyncadd.s32 $0xFFFFE000  }
0xab: {  	[tilespmem:s31], [sflag:$0x3] =	stream.linear.gather [hbm4b:s28+s17], $0x2000, $0x38;
	[tilespmem:$0x1C900] =	vst v63  }
0xac: {  	_ =	swait.ge [sflag:s30], $0x2000  }
0xad: {  	[sflag:s30] =	ssyncset.done $0x0  }
0xae: {  	[sflag:s30] =	ssyncadd.s32 $0xFFFFE000  }
0xaf: {  	[tilespmem:s29], [sflag:$0x1] =	stream.indirect.gather [hbm4b:s4+s0], $0x80, s17, s0, $0xb8;
	[tilespmem:$0x1C900] =	vst v63  }
0xb0: {  	s13 =	simm.s32 $0x80  }
0xb1: {  	[tilespmem:s2], [sflag:$0x2] =	stream.indirect.gather [hbm4b:s4+s0], $0x80, s13, s0, $0xb8;
	[tilespmem:$0x1C900] =	vst v63  }
0xb2: {  	_ =	swait.ge [sflag:s5], $0x2800  }
0xb3: {  	[sflag:s5] =	ssyncset.done $0x0  }
0xb4: {  	s15 =	simm.s32 $0x2000;
	[sflag:s5] =	ssyncadd.s32 $0xFFFFD800  }
0xb5: {  	[spmem:s1] =	stream.indirect.scatter.add.f32 [tilespmem:s29], [sflag:$0x3], $0x80, s15, s0, $0xb8;
	[tilespmem:$0x1C900] =	vst v63  }
0xb6: {  	_ =	swait.ge [sflag:s30], $0x2800  }
0xb7: {  	[sflag:s30] =	ssyncset.done $0x0  }
0xb8: {  	s16 =	simm.s32 $0x100;
	[sflag:s30] =	ssyncadd.s32 $0xFFFFD800  }
0xb9: {  	[tilespmem:s29], [sflag:$0x1] =	stream.indirect.gather [hbm4b:s4+s0], $0x80, s16, s0, $0xb8;
	[tilespmem:$0x1C900] =	vst v63  }
0xba: {  	_ =	swait.ge [sflag:s7], $0x2800  }
0xbb: {  	[sflag:s7] =	ssyncset.done $0x0  }
0xbc: {  	s17 =	simm.s32 $0x2080;
	[sflag:s7] =	ssyncadd.s32 $0xFFFFD800  }
0xbd: {  	[spmem:s1] =	stream.indirect.scatter.add.f32 [tilespmem:s2], [sflag:$0x3], $0x80, s17, s0, $0xb8;
	[tilespmem:$0x1C900] =	vst v63  }
0xbe: {  	_ =	swait.ge [sflag:s30], $0x2800  }
0xbf: {  	s12 =	simm.s32 $0x100;
	s13 =	simm.s32 $0x800;
	[sflag:s30] =	ssyncset.done $0x0  }
.LBB2_4:
0xc0: {  	s15 =	sadd.s32 $0x80, s12  }
0xc1: {  	[sflag:s30] =	ssyncadd.s32 $0xFFFFD800;
	s16 =	smov.u32 s13;
	s17 =	sadd.s32 $0x400, s13  }
0xc2: {  	[tilespmem:s2], [sflag:$0x2] =	stream.indirect.gather [hbm4b:s4+s0], $0x80, s15, s0, $0xb8;
	[tilespmem:$0x1C900] =	vst v63  }
0xc3: {  	p1 =	sne.s32 s13, $0x7800;
	_ =	swait.ge [sflag:s5], $0x2800  }
0xc4: {  	[sflag:s5] =	ssyncset.done $0x0  }
0xc5: {  	s13 =	sadd.s32 $0x2000, s12;
	[sflag:s5] =	ssyncadd.s32 $0xFFFFD800  }
0xc6: {  	[spmem:s1] =	stream.indirect.scatter.add.f32 [tilespmem:s29], [sflag:$0x3], $0x80, s13, s0, $0xb8;
	[tilespmem:$0x1C900] =	vst v63  }
0xc7: {  	_ =	swait.ge [sflag:s30], $0x2800  }
0xc8: {  	[sflag:s30] =	ssyncset.done $0x0  }
0xc9: {  	s13 =	sadd.s32 $0x100, s12;
	[sflag:s30] =	ssyncadd.s32 $0xFFFFD800  }
0xca: {  	[tilespmem:s29], [sflag:$0x1] =	stream.indirect.gather [hbm4b:s4+s0], $0x80, s13, s0, $0xb8;
	[tilespmem:$0x1C900] =	vst v63  }
0xcb: {  	_ =	swait.ge [sflag:s7], $0x2800  }
.Ltmp1:
0xcc: {  	[sflag:s7] =	ssyncset.done $0x0;
	(pc) =	sbr.rel @p1 .LBB2_4-.Ltmp1, $4  }
0xcd: {  	s12 =	sadd.s32 $0x2080, s12;
	[sflag:s7] =	ssyncadd.s32 $0xFFFFD800  }
0xce: {  	[spmem:s1] =	stream.indirect.scatter.add.f32 [tilespmem:s2], [sflag:$0x3], $0x80, s12, s0, $0xb8;
	[tilespmem:$0x1C900] =	vst v63  }
0xcf: {  	_ =	swait.ge [sflag:s30], $0x2800  }
0xd0: {  	s13 =	smov.u32 s17;
	s12 =	sshra.s32 s16, $0x2;
	[sflag:s30] =	ssyncset.done $0x0  }
0xd1: {  	s13 =	sadd.s32 $0x80, s12;
	[sflag:s30] =	ssyncadd.s32 $0xFFFFD800  }
0xd2: {  	[tilespmem:s2], [sflag:$0x2] =	stream.indirect.gather [hbm4b:s4+s0], $0x80, s13, s0, $0xb8;
	[tilespmem:$0x1C900] =	vst v63  }
0xd3: {  	_ =	swait.ge [sflag:s5], $0x2800  }
0xd4: {  	[sflag:s5] =	ssyncset.done $0x0  }
0xd5: {  	s15 =	sadd.s32 $0x2000, s12;
	[sflag:s5] =	ssyncadd.s32 $0xFFFFD800  }
0xd6: {  	[spmem:s1] =	stream.indirect.scatter.add.f32 [tilespmem:s29], [sflag:$0x3], $0x80, s15, s0, $0xb8;
	[tilespmem:$0x1C900] =	vst v63  }
0xd7: {  	_ =	swait.ge [sflag:s30], $0x2800  }
0xd8: {  	[sflag:s30] =	ssyncset.done $0x0  }
0xd9: {  	s16 =	sadd.s32 $0x100, s12;
	[sflag:s30] =	ssyncadd.s32 $0xFFFFD800  }
0xda: {  	[tilespmem:s29], [sflag:$0x1] =	stream.indirect.gather [hbm4b:s4+s0], $0x80, s16, s0, $0xb8;
	[tilespmem:$0x1C900] =	vst v63  }
0xdb: {  	_ =	swait.ge [sflag:s7], $0x2800  }
0xdc: {  	[sflag:s7] =	ssyncset.done $0x0  }
0xdd: {  	s17 =	sadd.s32 $0x2080, s12;
	[sflag:s7] =	ssyncadd.s32 $0xFFFFD800  }
0xde: {  	[spmem:s1] =	stream.indirect.scatter.add.f32 [tilespmem:s2], [sflag:$0x3], $0x80, s17, s0, $0xb8;
	[tilespmem:$0x1C900] =	vst v63  }
0xdf: {  	_ =	swait.ge [sflag:s30], $0x2800  }
0xe0: {  	[sflag:s30] =	ssyncset.done $0x0  }
0xe1: {  	[sflag:s30] =	ssyncadd.s32 $0xFFFFD800  }
0xe2: {  	[tilespmem:s2], [sflag:$0x2] =	stream.indirect.gather [hbm4b:s4+s0], $0x80, s8, s0, $0xb8;
	[tilespmem:$0x1C900] =	vst v63  }
0xe3: {  	_ =	swait.ge [sflag:s5], $0x2800  }
0xe4: {  	[sflag:s5] =	ssyncset.done $0x0  }
0xe5: {  	[sflag:s5] =	ssyncadd.s32 $0xFFFFD800  }
0xe6: {  	[spmem:s1] =	stream.indirect.scatter.add.f32 [tilespmem:s29], [sflag:$0x3], $0x80, s9, s0, $0xb8;
	[tilespmem:$0x1C900] =	vst v63  }
0xe7: {  	_ =	swait.ge [sflag:s30], $0x2800  }
0xe8: {  	[sflag:s30] =	ssyncset.done $0x0  }
0xe9: {  	[sflag:s30] =	ssyncadd.s32 $0xFFFFD800  }
0xea: {  	_ =	swait.ge [sflag:s7], $0x2800  }
0xeb: {  	[sflag:s7] =	ssyncset.done $0x0  }
0xec: {  	[sflag:s7] =	ssyncadd.s32 $0xFFFFD800  }
0xed: {  	[spmem:s1] =	stream.indirect.scatter.add.f32 [tilespmem:s2], [sflag:$0x3], $0x80, s10, s0, $0xb8;
	[tilespmem:$0x1C900] =	vst v63  }
0xee: {  	_ =	swait.ge [sflag:s30], $0x2800  }
0xef: {  	[sflag:s30] =	ssyncset.done $0x0  }
0xf0: {  	[sflag:s30] =	ssyncadd.s32 $0xFFFFD800  }
0xf1: {  	s12 =	sshrl.u32 @p0 s14, $0x3;
	s13 =	simm.s32 @p0 $0x1FC3;
	[bflag:$0x0] =	sbarrier.arrive $0xFFFF  }
0xf2: {  	[hbm:s24], [sflag:s13] =	dma.local @p0 [spmem:s12], $0x2080  }
0xf3: {  	s12 =	simm.s32 @p0 $0x3  }
0xf4: {  	s11 =	sadd.s32 $0x1, s11;
	s13 =	stileid.u32;
	_ =	swait.ge @p0 [sflag:s12], $0x2080  }
0xf5: {  	p1 =	sne.s32 s11, s25;
	s13 =	sshll.u32 @!p0 s13, $0x6;
	[sflag:s12] =	ssyncset.done @p0 $0x0  }
0xf6: {  	[sflag:s12] =	ssyncadd.s32 @p0 $0xFFFFDF80;
	s12 =	sor.u32 @!p0 $0x1C03, s13;
	s13 =	sshrl.u32 @!p0 s6, $0x3  }
0xf7: {  	[hbm:s21], [sflag:s12] =	dma.local @!p0 [spmem:s13], $0x2780  }
.Ltmp2:
0xf8: {  	_ = 	snop;
	(pc) =	sbr.rel @p1 .LBB2_1-.Ltmp2, $4  }
0xf9: {  	s12 =	simm.s32 @!p0 $0x3  }
0xfa: {  	_ =	swait.ge @!p0 [sflag:s12], $0x2780  }
0xfb: {  	[sflag:s12] =	ssyncset.done @!p0 $0x0  }
0xfc: {  	[sflag:s12] =	ssyncadd.s32 @!p0 $0xFFFFD880  }
0xfd: {  	_ =	sfence.sel $0x180000  }
0xfe: {  	[bflag:$0x0] =	sbarrier.arrive $0xFFFF  }
0xff: {  	_ =	strace $0x9000004A  }
0x100: {  	s0 =	stileid.u32;
	[bflag:$0x2] =	sbarrier.arrive $0xFFFF  }
0x101: {  	p0 =	sne.s32 s0, $0x0;
	s0 =	rddreg [dreg:$0x3]  }
0x102: {  	s0 =	sadd.s32 @!p0 $0x100000, s0  }
0x103: {  	[sflag:s0] =	ssyncadd.tile.s32 @!p0 $0x1;
	_ =	shalt  }
.Lfunc_end2:
_tile_overlayer_lowered:
.L_overlay_start_2:
0x104: {  	(tag) =	ssettag $0x2  }
0x105: {  	s0 =	rddreg [dreg:$0x0];
	s2 =	stileid.u32  }
0x106: {  	s1 =	rddreg [dreg:$0x1];
	p0 =	sne.s32 s2, $0x0  }
0x107: {  	s3 =	rddreg [dreg:$0x2];
	[bflag:$0x3] =	sbarrier.arrive $0xFFFF;
	s2 =	simm.s32 @!p0 $0x1C03  }
0x108: {  	[timem:s3], [sflag:s2] =	dma.local @!p0 [hbm:s0], s1  }
0x109: {  	s0 =	simm.s32 @!p0 $0x3  }
0x10a: {  	_ =	swait.ge @!p0 [sflag:s0], s1  }
0x10b: {  	s1 =	ssub.s32 @!p0 $0x0, s1;
	[sflag:s0] =	ssyncset.done @!p0 $0x0  }
0x10c: {  	[sflag:s0] =	ssyncadd.s32 @!p0 s1  }
0x10d: {  	[bflag:$0x3] =	sbarrier.arrive $0xFFFF  }
0x10e: {  	_ =	shalt  }

// kernel: kernel.18.cloned.1.call-start
scs
__scs_entry_jumppad:
0x0: {  	(pc) =	sbr.rel $0x88, $3  }
0x1: {  	(tag) =	ssettag $0x0;
	lr =	simm.s32 $0x1  }
0x2: {  	[smem:$0x3F95] =	sst lr;
	_ =	strace $0xD0000000  }
0x3: {  	_ = 	snop  }
0x4: {  	_ = 	snop  }
0x5: {  	_ = 	snop  }
0x6: {  	_ = 	snop  }
0x7: {  	_ = 	snop  }
__scs_overlays_trampoline_lowered:
0x8: {  	[smem:$0x3FA4] =	sst s0  }
0x9: {  	[smem:$0x3FA5] =	sst s1  }
0xa: {  	[smem:$0x3FA6] =	sst s2  }
0xb: {  	[smem:$0x3FA7] =	sst s3  }
0xc: {  	[smem:$0x3FA8] =	sst s4  }
0xd: {  	[smem:$0x3FA9] =	sst s5  }
0xe: {  	[smem:$0x3FAA] =	sst s6  }
0xf: {  	[smem:$0x3FAB] =	sst s7  }
0x10: {  	[smem:$0x3FAC] =	sst s8  }
0x11: {  	[smem:$0x3FAD] =	sst s9;
	s0 =	simm.s32 @!p0 $0x0  }
0x12: {  	s1 =	sld [smem:$0x3F93];
	s0 =	simm.s32 @p0 $0x1  }
0x13: {  	[smem:$0x3FAE] =	sst s0;
	s0 =	simm.s32 @!p1 $0x0  }
0x14: {  	s2 =	sld [smem:$0x3F92];
	s0 =	simm.s32 @p1 $0x1  }
0x15: {  	[smem:$0x3FAF] =	sst s0;
	s0 =	simm.s32 @!p2 $0x0  }
0x16: {  	s3 =	sld [smem:$0x3FDB];
	s0 =	simm.s32 @p2 $0x1  }
0x17: {  	s4 =	simm.s32 $0x1BF5;
	[smem:$0x3FB1] =	sst s0  }
0x18: {  	s0 =	sld [smem:$0x3F94];
	_ =	swait.ge [sflag:s4], $0x0  }
0x19: {  	s7 =	sld [smem:$0x3F95]  }
0x1a: {  	s8 =	sadd.s32 $0xFFFFE003, lr  }
0x1b: {  	s9 =	sadd.s32 $0xFFFFFEF7, lr;
	s5 =	simm.s32 $0xFFFFFFFF;
	p2 =	slt.u32 s8, $0xFFFFF086  }
0x1c: {  	p1 =	slt.u32 s9, $0xF7A;
	s5 =	simm.s32 @!p2 $0x0  }
0x1d: {  	s5 =	simm.s32 @p1 $0x1;
	p0 =	seq.s32 s7, s2  }
0x1e: {  	s7 =	smul.u32 @!p0 $0xF7A, s2;
	p2 =	seq.s32 @!p0 s5, $0x0  }
0x1f: {  	s9 =	smul.u32 $0xF7A, s1;
	s8 =	simm.s32 @!p0 $0x1BF5;
	p2 =	por !p2, p0  }
0x20: {  	[sflag:s8] =	ssyncset.s32 @!p0 $0xFFFFF086;
	s6 =	sadd.s32 @!p0 s3, s7;
	s7 =	simm.s32 @!p0 $0x108  }
0x21: {  	s3 =	sadd.s32 s3, s9;
	s6 =	sadd.s32 @!p0 $0x88, s6;
	s7 =	simm.s32 @p2 $0x1082  }
0x22: {  	[simem:s7], [sflag:s8] =	dma.local @!p0 [hbm:s6], $0xF7A  }
0x23: {  	s9 =	sor.u32 $0xD0000000, s2;
	s6 =	simm.s32 $0x108;
	_ =	swait.ge @!p0 [sflag:s8], $0x0  }
0x24: {  	s3 =	sadd.s32 $0x88, s3;
	s6 =	simm.s32 @!p1 $0x1082;
	[sflag:s4] =	ssyncset.s32 $0xFFFFF086  }
0x25: {  	[simem:s6], [sflag:s4] =	dma.local [hbm:s3], $0xF7A  }
0x26: {  	[smem:$0x3F95] =	sst s1;
	(tag) =	ssettag s2;
	_ =	strace s9  }
0x27: {  	s1 =	sld [smem:$0x3FA5]  }
0x28: {  	s2 =	sld [smem:$0x3FA6]  }
0x29: {  	s4 =	sld [smem:$0x3FA8]  }
0x2a: {  	p0 =	seq.s32 s5, $0x0;
	s5 =	sld [smem:$0x3FA9]  }
0x2b: {  	s6 =	sld [smem:$0x3FAA]  }
0x2c: {  	s7 =	sld [smem:$0x3FAB]  }
0x2d: {  	s3 =	simm.s32 $0x108;
	s8 =	sld [smem:$0x3FAC]  }
0x2e: {  	s3 =	simm.s32 @!p0 $0x1082;
	s9 =	sld [smem:$0x3FAD]  }
0x2f: {  	lr =	sadd.s32 s0, s3;
	s0 =	sld [smem:$0x3FA4]  }
0x30: {  	s3 =	sld [smem:$0x3FA7]  }
0x31: {  	[smem:$0x3FB0] =	sst s10  }
0x32: {  	s10 =	sld [smem:$0x3FAE];
	_ =	sdelay $0x3  }
0x33: {  	p0 =	seq.s32 s10, $0x1;
	s10 =	sld [smem:$0x3FB0];
	_ =	sdelay $0x3  }
0x34: {  	[smem:$0x3FB0] =	sst s10  }
0x35: {  	s10 =	sld [smem:$0x3FAF];
	_ =	sdelay $0x3  }
0x36: {  	p1 =	seq.s32 s10, $0x1;
	s10 =	sld [smem:$0x3FB0];
	_ =	sdelay $0x3  }
0x37: {  	[smem:$0x3FB0] =	sst s10  }
0x38: {  	s10 =	sld [smem:$0x3FB1]  }
0x39: {  	_ = 	snop;
	(pc) =	sbr.ind lr, $3  }
0x3a: {  	_ = 	snop  }
0x3b: {  	_ = 	snop  }
0x3c: {  	p2 =	seq.s32 s10, $0x1;
	s10 =	sld [smem:$0x3FB0]  }
0x3d: {  	_ =	shalt  }
0x3e: {  	_ =	shalt  }
0x3f: {  	_ =	shalt  }
0x40: {  	_ =	shalt  }
0x41: {  	_ =	shalt  }
0x42: {  	_ =	shalt  }
0x43: {  	_ =	shalt  }
0x44: {  	_ =	shalt  }
0x45: {  	_ =	shalt  }
0x46: {  	_ =	shalt  }
0x47: {  	_ =	shalt  }
0x48: {  	_ =	shalt  }
0x49: {  	_ =	shalt  }
0x4a: {  	_ =	shalt  }
0x4b: {  	_ =	shalt  }
0x4c: {  	_ =	shalt  }
0x4d: {  	_ =	shalt  }
0x4e: {  	_ =	shalt  }
0x4f: {  	_ =	shalt  }
0x50: {  	_ =	shalt  }
0x51: {  	_ =	shalt  }
0x52: {  	_ =	shalt  }
0x53: {  	_ =	shalt  }
0x54: {  	_ =	shalt  }
0x55: {  	_ =	shalt  }
0x56: {  	_ =	shalt  }
0x57: {  	_ =	shalt  }
0x58: {  	_ =	shalt  }
0x59: {  	_ =	shalt  }
0x5a: {  	_ =	shalt  }
0x5b: {  	_ =	shalt  }
0x5c: {  	_ =	shalt  }
0x5d: {  	_ =	shalt  }
0x5e: {  	_ =	shalt  }
0x5f: {  	_ =	shalt  }
0x60: {  	_ =	shalt  }
0x61: {  	_ =	shalt  }
0x62: {  	_ =	shalt  }
0x63: {  	_ =	shalt  }
0x64: {  	_ =	shalt  }
0x65: {  	_ =	shalt  }
0x66: {  	_ =	shalt  }
0x67: {  	_ =	shalt  }
0x68: {  	_ =	shalt  }
0x69: {  	_ =	shalt  }
0x6a: {  	_ =	shalt  }
0x6b: {  	_ =	shalt  }
0x6c: {  	_ =	shalt  }
0x6d: {  	_ =	shalt  }
0x6e: {  	_ =	shalt  }
0x6f: {  	_ =	shalt  }
0x70: {  	_ =	shalt  }
0x71: {  	_ =	shalt  }
0x72: {  	_ =	shalt  }
0x73: {  	_ =	shalt  }
0x74: {  	_ =	shalt  }
0x75: {  	_ =	shalt  }
0x76: {  	_ =	shalt  }
0x77: {  	_ =	shalt  }
0x78: {  	_ =	shalt  }
0x79: {  	_ =	shalt  }
0x7a: {  	_ =	shalt  }
0x7b: {  	_ =	shalt  }
0x7c: {  	_ =	shalt  }
0x7d: {  	_ =	shalt  }
0x7e: {  	_ =	shalt  }
0x7f: {  	_ =	shalt  }
0x80: {  	_ =	shalt  }
0x81: {  	_ =	shalt  }
0x82: {  	_ =	shalt  }
0x83: {  	_ =	shalt  }
0x84: {  	_ =	shalt  }
0x85: {  	_ =	shalt  }
0x86: {  	_ =	shalt  }
0x87: {  	_ =	shalt  }
.Lfunc_end0:
.L_simem_size_0:
called_computation.2_lowered:
.L_overlay_start_0:
0x88: {  	s2 =	sld [smem:$0x3FD9]  }
0x89: {  	s3 =	sld [smem:$0x3FFE];
	_ =	sdelay $0x1  }
0x8a: {  	s1 =	srdreg.scid  }
0x8b: {  	s0 =	sand.u32 $0x1, s1  }
0x8c: {  	s17 =	sshll.u32 s0, $0xA;
	s2 =	sadd.s32 s3, s2  }
0x8d: {  	s2 =	sadd.s32 s2, s17  }
0x8e: {  	[smem:$0x3FBC] =	sst s2  }
0x8f: {  	_ = 	snop  }
0x90: {  	s2 =	sld [smem:$0x3FD0];
	(tm) =	ssettm $0x1  }
0x91: {  	s18 =	sld [smem:$0x3FFB];
	_ =	sdelay $0x3  }
0x92: {  	_ =	strace s18  }
0x93: {  	s3 =	sld [smem:$0x3FFC];
	_ =	sdelay $0x3  }
0x94: {  	_ =	strace s3  }
0x95: {  	s3 =	sld [smem:$0x3FFD];
	_ =	sdelay $0x3  }
0x96: {  	_ =	strace s3  }
0x97: {  	_ =	strace $0x8FFFFFFF  }
0x98: {  	s19 =	sld [smem:$0x3FDB];
	_ =	sdelay $0x1  }
0x99: {  	s4 =	simm.s32 $_scs_section_size  }
0x9a: {  	s5 =	simm.s32 $_size__tile_overlayer_lowered;
	s6 =	simm.s32 $_tile_overlayer_lowered  }
0x9b: {  	s22 =	simm.s32 $0x1BFF;
	s21 =	sshll.u32 s6, $0x1;
	s3 =	sadd.s32 s4, s19  }
0x9c: {  	s7 =	simm.s32 $0x0;
	s20 =	sshll.u32 s5, $0x1;
	s5 =	sadd.s32 s21, s3  }
0x9d: {  	[timem:s7], [sflag:s22] =	dma.local [hbm:s5], s20  }
0x9e: {  	_ =	swait.ge [sflag:s22], s20  }
0x9f: {  	s4 =	ssub.s32 $0x0, s20;
	[sflag:s22] =	ssyncset.done $0x0  }
0xa0: {  	[sflag:s22] =	ssyncadd.s32 s4;
	_ =	sdelay $0x1  }
0xa1: {  	s23 =	simm.s32 $0x1B8B  }
0xa2: {  	_ =	swait.ge [sflag:s23], $0x1  }
0xa3: {  	[sflag:s23] =	ssyncset.done $0x0  }
0xa4: {  	s25 =	simm.s32 $0x1B8E;
	s24 =	sld [smem:$0x3FFE];
	[sflag:s23] =	ssyncadd.s32 $0xFFFFFFFF  }
0xa5: {  	s26 =	simm.s32 $execute0_lowered;
	[smem:$0x3FD2] =	sst s25  }
0xa6: {  	s5 =	sshll.u32 s26, $0x1;
	_ =	strace $0x8000004C;
	[dreg:$0x1] =	wrdreg $0xFFFFFFFF  }
0xa7: {  	s28 =	simm.s32 $_size_execute0_lowered;
	s3 =	sadd.s32 s3, s5;
	[dreg:$0x0] =	wrdreg $0x0  }
0xa8: {  	s5 =	sshll.u32 s28, $0x1;
	[dreg:$0x2] =	wrdreg s3  }
0xa9: {  	[dreg:$0x3] =	wrdreg s5  }
0xaa: {  	[dreg:$0x4] =	wrdreg $0xC0  }
0xab: {  	_ =	task [dreg:s7], $0x5FFFF  }
0xac: {  	[dreg:$0x1] =	wrdreg $0xFFFFFFFF  }
0xad: {  	[dreg:$0x0] =	wrdreg $0x60  }
0xae: {  	[dreg:$0x2] =	wrdreg s24  }
0xaf: {  	[dreg:$0x3] =	wrdreg s2  }
0xb0: {  	[dreg:$0x4] =	wrdreg $0x90000  }
0xb1: {  	[dreg:$0x5] =	wrdreg $0x9  }
0xb2: {  	_ =	task.clear_ibuf [dreg:s7], $0x6FFFF;
	_ =	strace $0x9000004C  }
0xb3: {  	s29 =	simm.s32 $0x9;
	_ =	strace $0x8000004E  }
0xb4: {  	_ =	swait.ge [sflag:s29], $0x1  }
0xb5: {  	[sflag:s29] =	ssyncadd.s32 $0xFFFFFFFF  }
0xb6: {  	_ =	strace $0x9000004E  }
0xb7: {  	_ =	sfence  }
0xb8: {  	s30 =	sld [smem:$0x0];
	_ =	sdelay $0x2  }
0xb9: {  	s31 =	sshll.u32 s1, $0xD;
	s1 =	sshrl.u32 s1, $0x2  }
0xba: {  	s3 =	sand.u32 $0x4000, s31;
	s1 =	sadd.s32 s1, s30  }
0xbb: {  	s0 =	sor.u32 s3, s0;
	s1 =	sshll.u32 s1, $0x11  }
0xbc: {  	s0 =	sor.u32 s1, s0  }
0xbd: {  	s0 =	sadd.s32 $0x8F2B, s0  }
0xbe: {  	[sflag:s0] =	ssyncadd.remote.s32 $0x1  }
0xbf: {  	_ =	sfence.sel $0xFFFF  }
0xc0: {  	[dreg:$0x0] =	wrdreg $0xFFFFFFFF;
	(pc) =	sbr.abs _section_cstart, $3  }
0xc1: {  	[dreg:$0x1] =	wrdreg $0xFFFFFFFF  }
0xc2: {  	_ =	task.clear_ibuf [dreg:s7], $0x2FFFF;
	_ =	strace $0x9FFFFFFF  }
0xc3: {  	(tm) =	ssettm $0x7FFFFFFF  }
tec
execute0_lowered:
.L_overlay_start_1:
0x0: {  	(tag) =	ssettag $0x1  }
0x1: {  	s0 =	rddreg [dreg:$0x0]  }
0x2: {  	s2 =	rddreg [dreg:$0x1]  }
0x3: {  	s1 =	rddreg [dreg:$0x2]  }
0x4: {  	s3 =	simm.s32 $0x0;
	s4 =	srdreg.scid;
	s13 =	stileid.u32  }
0x5: {  	s29 =	simm.s32 $0x4000;
	s30 =	simm.s32 $0x3;
	s31 =	simm.s32 $0x2000  }
0x6: {  	[smem:$0x7FF] =	sst s3;
	s7 =	sshll.u32 s13, $0xB;
	s6 =	smul.u32 $0x4F000, s13  }
0x7: {  	s9 =	sadd.s32 $0x51400, s0;
	s14 =	sadd.s32 $0x128400, s1;
	s22 =	smul.u32 $0x2780, s13  }
0x8: {  	s5 =	sand.u32 $0x1, s4;
	s23 =	sadd.s32 $0x12AC00, s1;
	s24 =	sadd.s32 $0x12D400, s1  }
0x9: {  	s25 =	sadd.s32 $0x12FC00, s1;
	_ =	strace $0x8000004D;
	[dreg:$0x4] =	wrdreg s9  }
0xa: {  	p0 =	seq.s32 s13, $0xF;
	s4 =	sshll.u32 s5, $0xF;
	[dreg:$0xc] =	wrdreg s23  }
0xb: {  	s15 =	ssub.s32 $0x2, s5;
	s21 =	smul.u32 $0x27100, s5;
	[dreg:$0xd] =	wrdreg s24  }
0xc: {  	s5 =	smul.u32 $0x138800, s5;
	[dreg:$0xe] =	wrdreg s25;
	s8 =	sor.u32 s7, s4  }
0xd: {  	s4 =	sadd.s32 $0x3200, s0;
	s6 =	sshrl.u32 s6, $0x2;
	s10 =	sshrl.u32 s15, $0x1  }
0xe: {  	s8 =	sadd.s32 s8, s0;
	s6 =	sadd.s32 s6, s1;
	s0 =	sadd.s32 $0x67400, s0  }
0xf: {  	s9 =	ssub.s32 s15, s10;
	s26 =	sadd.s32 s22, s21;
	s5 =	sshrl.u32 s5, $0x3  }
0x10: {  	s10 =	simm.s32 $0x3F80;
	s11 =	sadd.s32 $0x2800, s6;
	s16 =	sadd.s32 $0x5000, s6  }
0x11: {  	s17 =	sadd.s32 $0x7800, s6;
	s18 =	sadd.s32 $0xA000, s6;
	[dreg:$0x5] =	wrdreg s11  }
0x12: {  	s19 =	sadd.s32 $0xC800, s6;
	s20 =	sadd.s32 $0xF000, s6;
	[dreg:$0x6] =	wrdreg s16  }
0x13: {  	s12 =	sadd.s32 $0x11800, s6;
	s21 =	sadd.s32 s0, s26;
	[dreg:$0x7] =	wrdreg s17  }
0x14: {  	s0 =	sadd.s32 s0, s5;
	s22 =	sadd.s32 $0x57400, s8;
	[dreg:$0x8] =	wrdreg s18  }
0x15: {  	s23 =	sadd.s32 $0x57800, s8;
	s25 =	smax.u32 s9, $0x1;
	[dreg:$0x9] =	wrdreg s19  }
0x16: {  	s26 =	sadd.s32 $0x137400, s1;
	s5 =	simm.s32 $0x1;
	[dreg:$0xa] =	wrdreg s20  }
0x17: {  	s8 =	simm.s32 $0x1F80;
	s9 =	simm.s32 $0x3F00;
	[dreg:$0xb] =	wrdreg s12  }
0x18: {  	s18 =	sadd.s32 s2, s7;
	s19 =	sadd.s32 $0x132400, s1;
	s20 =	sadd.s32 $0x134C00, s1  }
0x19: {  	s24 =	sadd.s32 $0x25080, s0;
	s0 =	simm.s32 $0x50;
	s2 =	simm.s32 $0x6800  }
0x1a: {  	s7 =	simm.s32 $0x2;
	s11 =	simm.s32 $0x0;
	s28 =	sadd.s32 $0x400, s18  }
.LBB2_1:
0x1b: {  	s12 =	rddreg [dreg:$0x4]  }
0x1c: {  	[tilespmem:s29], [sflag:$0x3] =	stream.linear.gather [hbm4b:s12+s3], $0x2800, $0x38;
	[tilespmem:$0x1C900] =	vst v63  }
0x1d: {  	_ =	swait.ge [sflag:s30], $0x2800  }
0x1e: {  	[sflag:s30] =	ssyncset.done $0x0  }
0x1f: {  	s13 =	simm.s32 @p0 $0x3;
	s12 =	simm.s32 @p0 $0x4000;
	[sflag:s30] =	ssyncadd.s32 $0xFFFFD800  }
0x20: {  	[spmem:s14] =	stream.linear.scatter @p0 [tilespmem:s12], [sflag:$0x3], $0x2800, $0x38;
	[tilespmem:$0x1C900] =	vst v63  }
0x21: {  	_ =	swait.ge @p0 [sflag:s13], $0x2800  }
0x22: {  	[sflag:s13] =	ssyncset.done @p0 $0x0  }
0x23: {  	s15 =	rddreg [dreg:$0xc];
	[sflag:s13] =	ssyncadd.s32 @p0 $0xFFFFD800  }
0x24: {  	[spmem:s15] =	stream.linear.scatter @p0 [tilespmem:s12], [sflag:$0x3], $0x2800, $0x38;
	[tilespmem:$0x1C900] =	vst v63  }
0x25: {  	_ =	swait.ge @p0 [sflag:s13], $0x2800  }
0x26: {  	[sflag:s13] =	ssyncset.done @p0 $0x0  }
0x27: {  	s15 =	rddreg [dreg:$0xd];
	[sflag:s13] =	ssyncadd.s32 @p0 $0xFFFFD800  }
0x28: {  	[spmem:s15] =	stream.linear.scatter @p0 [tilespmem:s12], [sflag:$0x3], $0x2800, $0x38;
	[tilespmem:$0x1C900] =	vst v63  }
0x29: {  	_ =	swait.ge @p0 [sflag:s13], $0x2800  }
0x2a: {  	[sflag:s13] =	ssyncset.done @p0 $0x0  }
0x2b: {  	s15 =	rddreg [dreg:$0xe];
	[sflag:s13] =	ssyncadd.s32 @p0 $0xFFFFD800  }
0x2c: {  	[spmem:s15] =	stream.linear.scatter @p0 [tilespmem:s12], [sflag:$0x3], $0x2800, $0x38;
	[tilespmem:$0x1C900] =	vst v63  }
0x2d: {  	_ =	swait.ge @p0 [sflag:s13], $0x2800  }
0x2e: {  	[sflag:s13] =	ssyncset.done @p0 $0x0  }
0x2f: {  	[sflag:s13] =	ssyncadd.s32 @p0 $0xFFFFD800  }
0x30: {  	[spmem:s19] =	stream.linear.scatter @p0 [tilespmem:s12], [sflag:$0x3], $0x2800, $0x38;
	[tilespmem:$0x1C900] =	vst v63  }
0x31: {  	_ =	swait.ge @p0 [sflag:s13], $0x2800  }
0x32: {  	[sflag:s13] =	ssyncset.done @p0 $0x0  }
0x33: {  	[sflag:s13] =	ssyncadd.s32 @p0 $0xFFFFD800  }
0x34: {  	[spmem:s20] =	stream.linear.scatter @p0 [tilespmem:s12], [sflag:$0x3], $0x2800, $0x38;
	[tilespmem:$0x1C900] =	vst v63  }
0x35: {  	_ =	swait.ge @p0 [sflag:s13], $0x2800  }
0x36: {  	[sflag:s13] =	ssyncset.done @p0 $0x0  }
0x37: {  	[sflag:s13] =	ssyncadd.s32 @p0 $0xFFFFD800  }
0x38: {  	[spmem:s26] =	stream.linear.scatter @p0 [tilespmem:s12], [sflag:$0x3], $0x1C00, $0x38;
	[tilespmem:$0x1C900] =	vst v63  }
0x39: {  	_ =	swait.ge @p0 [sflag:s13], $0x1C00  }
0x3a: {  	[sflag:s13] =	ssyncset.done @p0 $0x0  }
0x3b: {  	s12 =	simm.s32 @!p0 $0x4000;
	[sflag:s13] =	ssyncadd.s32 @p0 $0xFFFFE400;
	s13 =	simm.s32 @!p0 $0x3  }
0x3c: {  	[spmem:s6] =	stream.linear.scatter @!p0 [tilespmem:s12], [sflag:$0x3], $0x2800, $0x38;
	[tilespmem:$0x1C900] =	vst v63  }
0x3d: {  	_ =	swait.ge @!p0 [sflag:s13], $0x2800  }
0x3e: {  	[sflag:s13] =	ssyncset.done @!p0 $0x0  }
0x3f: {  	s15 =	rddreg [dreg:$0x5];
	[sflag:s13] =	ssyncadd.s32 @!p0 $0xFFFFD800  }
0x40: {  	[spmem:s15] =	stream.linear.scatter @!p0 [tilespmem:s12], [sflag:$0x3], $0x2800, $0x38;
	[tilespmem:$0x1C900] =	vst v63  }
0x41: {  	_ =	swait.ge @!p0 [sflag:s13], $0x2800  }
0x42: {  	[sflag:s13] =	ssyncset.done @!p0 $0x0  }
0x43: {  	s15 =	rddreg [dreg:$0x6];
	[sflag:s13] =	ssyncadd.s32 @!p0 $0xFFFFD800  }
0x44: {  	[spmem:s15] =	stream.linear.scatter @!p0 [tilespmem:s12], [sflag:$0x3], $0x2800, $0x38;
	[tilespmem:$0x1C900] =	vst v63  }
0x45: {  	_ =	swait.ge @!p0 [sflag:s13], $0x2800  }
0x46: {  	[sflag:s13] =	ssyncset.done @!p0 $0x0  }
0x47: {  	s15 =	rddreg [dreg:$0x7];
	[sflag:s13] =	ssyncadd.s32 @!p0 $0xFFFFD800  }
0x48: {  	[spmem:s15] =	stream.linear.scatter @!p0 [tilespmem:s12], [sflag:$0x3], $0x2800, $0x38;
	[tilespmem:$0x1C900] =	vst v63  }
0x49: {  	_ =	swait.ge @!p0 [sflag:s13], $0x2800  }
0x4a: {  	[sflag:s13] =	ssyncset.done @!p0 $0x0  }
0x4b: {  	s15 =	rddreg [dreg:$0x8];
	[sflag:s13] =	ssyncadd.s32 @!p0 $0xFFFFD800  }
0x4c: {  	[spmem:s15] =	stream.linear.scatter @!p0 [tilespmem:s12], [sflag:$0x3], $0x2800, $0x38;
	[tilespmem:$0x1C900] =	vst v63  }
0x4d: {  	_ =	swait.ge @!p0 [sflag:s13], $0x2800  }
0x4e: {  	[sflag:s13] =	ssyncset.done @!p0 $0x0  }
0x4f: {  	s15 =	rddreg [dreg:$0x9];
	[sflag:s13] =	ssyncadd.s32 @!p0 $0xFFFFD800  }
0x50: {  	[spmem:s15] =	stream.linear.scatter @!p0 [tilespmem:s12], [sflag:$0x3], $0x2800, $0x38;
	[tilespmem:$0x1C900] =	vst v63  }
0x51: {  	_ =	swait.ge @!p0 [sflag:s13], $0x2800  }
0x52: {  	[sflag:s13] =	ssyncset.done @!p0 $0x0  }
0x53: {  	s15 =	rddreg [dreg:$0xa];
	[sflag:s13] =	ssyncadd.s32 @!p0 $0xFFFFD800  }
0x54: {  	[spmem:s15] =	stream.linear.scatter @!p0 [tilespmem:s12], [sflag:$0x3], $0x2800, $0x38;
	[tilespmem:$0x1C900] =	vst v63  }
0x55: {  	_ =	swait.ge @!p0 [sflag:s13], $0x2800  }
0x56: {  	[sflag:s13] =	ssyncset.done @!p0 $0x0  }
0x57: {  	s15 =	rddreg [dreg:$0xb];
	[sflag:s13] =	ssyncadd.s32 @!p0 $0xFFFFD800  }
0x58: {  	[spmem:s15] =	stream.linear.scatter @!p0 [tilespmem:s12], [sflag:$0x3], $0x2400, $0x38;
	[tilespmem:$0x1C900] =	vst v63  }
0x59: {  	_ =	swait.ge @!p0 [sflag:s13], $0x2400  }
0x5a: {  	[sflag:s13] =	ssyncset.done @!p0 $0x0  }
0x5b: {  	[sflag:s13] =	ssyncadd.s32 @!p0 $0xFFFFDC00  }
0x5c: {  	[bflag:$0x0] =	sbarrier.arrive $0xFFFF  }
0x5d: {  	[tilespmem:s3], [sflag:$0x3] =	stream.linear.gather [hbm4b:s22+s3], $0x2000, $0x38;
	[tilespmem:$0x1C900] =	vst v63  }
0x5e: {  	_ =	swait.ge [sflag:s30], $0x2000  }
0x5f: {  	[sflag:s30] =	ssyncset.done $0x0  }
0x60: {  	[sflag:s30] =	ssyncadd.s32 $0xFFFFE000  }
0x61: {  	[tilespmem:s31], [sflag:$0x3] =	stream.linear.gather [hbm4b:s18+s3], $0x2000, $0x38;
	[tilespmem:$0x1C900] =	vst v63  }
0x62: {  	_ =	swait.ge [sflag:s30], $0x2000  }
0x63: {  	[sflag:s30] =	ssyncset.done $0x0  }
0x64: {  	[sflag:s30] =	ssyncadd.s32 $0xFFFFE000  }
0x65: {  	[tilespmem:s29], [sflag:$0x1] =	stream.indirect.gather [hbm4b:s4+s0], $0x80, s3, s0, $0xb8;
	[tilespmem:$0x1C900] =	vst v63  }
0x66: {  	s13 =	simm.s32 $0x80  }
0x67: {  	[tilespmem:s2], [sflag:$0x2] =	stream.indirect.gather [hbm4b:s4+s0], $0x80, s13, s0, $0xb8;
	[tilespmem:$0x1C900] =	vst v63  }
0x68: {  	_ =	swait.ge [sflag:s5], $0x2800  }
0x69: {  	[sflag:s5] =	ssyncset.done $0x0  }
0x6a: {  	s15 =	simm.s32 $0x2000;
	[sflag:s5] =	ssyncadd.s32 $0xFFFFD800  }
0x6b: {  	[spmem:s1] =	stream.indirect.scatter.add.f32 [tilespmem:s29], [sflag:$0x3], $0x80, s15, s0, $0xb8;
	[tilespmem:$0x1C900] =	vst v63  }
0x6c: {  	_ =	swait.ge [sflag:s30], $0x2800  }
0x6d: {  	[sflag:s30] =	ssyncset.done $0x0  }
0x6e: {  	s16 =	simm.s32 $0x100;
	[sflag:s30] =	ssyncadd.s32 $0xFFFFD800  }
0x6f: {  	[tilespmem:s29], [sflag:$0x1] =	stream.indirect.gather [hbm4b:s4+s0], $0x80, s16, s0, $0xb8;
	[tilespmem:$0x1C900] =	vst v63  }
0x70: {  	_ =	swait.ge [sflag:s7], $0x2800  }
0x71: {  	[sflag:s7] =	ssyncset.done $0x0  }
0x72: {  	s17 =	simm.s32 $0x2080;
	[sflag:s7] =	ssyncadd.s32 $0xFFFFD800  }
0x73: {  	[spmem:s1] =	stream.indirect.scatter.add.f32 [tilespmem:s2], [sflag:$0x3], $0x80, s17, s0, $0xb8;
	[tilespmem:$0x1C900] =	vst v63  }
0x74: {  	_ =	swait.ge [sflag:s30], $0x2800  }
0x75: {  	s12 =	simm.s32 $0x100;
	s13 =	simm.s32 $0x800;
	[sflag:s30] =	ssyncset.done $0x0  }
.LBB2_2:
0x76: {  	s15 =	sadd.s32 $0x80, s12  }
0x77: {  	[sflag:s30] =	ssyncadd.s32 $0xFFFFD800;
	s16 =	smov.u32 s13;
	s17 =	sadd.s32 $0x400, s13  }
0x78: {  	[tilespmem:s2], [sflag:$0x2] =	stream.indirect.gather [hbm4b:s4+s0], $0x80, s15, s0, $0xb8;
	[tilespmem:$0x1C900] =	vst v63  }
0x79: {  	p1 =	sne.s32 s13, $0x7800;
	_ =	swait.ge [sflag:s5], $0x2800  }
0x7a: {  	[sflag:s5] =	ssyncset.done $0x0  }
0x7b: {  	s13 =	sadd.s32 $0x2000, s12;
	[sflag:s5] =	ssyncadd.s32 $0xFFFFD800  }
0x7c: {  	[spmem:s1] =	stream.indirect.scatter.add.f32 [tilespmem:s29], [sflag:$0x3], $0x80, s13, s0, $0xb8;
	[tilespmem:$0x1C900] =	vst v63  }
0x7d: {  	_ =	swait.ge [sflag:s30], $0x2800  }
0x7e: {  	[sflag:s30] =	ssyncset.done $0x0  }
0x7f: {  	s13 =	sadd.s32 $0x100, s12;
	[sflag:s30] =	ssyncadd.s32 $0xFFFFD800  }
0x80: {  	[tilespmem:s29], [sflag:$0x1] =	stream.indirect.gather [hbm4b:s4+s0], $0x80, s13, s0, $0xb8;
	[tilespmem:$0x1C900] =	vst v63  }
0x81: {  	_ =	swait.ge [sflag:s7], $0x2800  }
.Ltmp0:
0x82: {  	[sflag:s7] =	ssyncset.done $0x0;
	(pc) =	sbr.rel @p1 .LBB2_2-.Ltmp0, $4  }
0x83: {  	s12 =	sadd.s32 $0x2080, s12;
	[sflag:s7] =	ssyncadd.s32 $0xFFFFD800  }
0x84: {  	[spmem:s1] =	stream.indirect.scatter.add.f32 [tilespmem:s2], [sflag:$0x3], $0x80, s12, s0, $0xb8;
	[tilespmem:$0x1C900] =	vst v63  }
0x85: {  	_ =	swait.ge [sflag:s30], $0x2800  }
0x86: {  	s13 =	smov.u32 s17;
	s12 =	sshra.s32 s16, $0x2;
	[sflag:s30] =	ssyncset.done $0x0  }
0x87: {  	s13 =	sadd.s32 $0x80, s12;
	[sflag:s30] =	ssyncadd.s32 $0xFFFFD800  }
0x88: {  	[tilespmem:s2], [sflag:$0x2] =	stream.indirect.gather [hbm4b:s4+s0], $0x80, s13, s0, $0xb8;
	[tilespmem:$0x1C900] =	vst v63  }
0x89: {  	_ =	swait.ge [sflag:s5], $0x2800  }
0x8a: {  	[sflag:s5] =	ssyncset.done $0x0  }
0x8b: {  	s17 =	sadd.s32 $0x2000, s12;
	[sflag:s5] =	ssyncadd.s32 $0xFFFFD800  }
0x8c: {  	[spmem:s1] =	stream.indirect.scatter.add.f32 [tilespmem:s29], [sflag:$0x3], $0x80, s17, s0, $0xb8;
	[tilespmem:$0x1C900] =	vst v63  }
0x8d: {  	_ =	swait.ge [sflag:s30], $0x2800  }
0x8e: {  	[sflag:s30] =	ssyncset.done $0x0  }
0x8f: {  	s15 =	sadd.s32 $0x100, s12;
	[sflag:s30] =	ssyncadd.s32 $0xFFFFD800  }
0x90: {  	[tilespmem:s29], [sflag:$0x1] =	stream.indirect.gather [hbm4b:s4+s0], $0x80, s15, s0, $0xb8;
	[tilespmem:$0x1C900] =	vst v63  }
0x91: {  	_ =	swait.ge [sflag:s7], $0x2800  }
0x92: {  	[sflag:s7] =	ssyncset.done $0x0  }
0x93: {  	s16 =	sadd.s32 $0x2080, s12;
	[sflag:s7] =	ssyncadd.s32 $0xFFFFD800  }
0x94: {  	[spmem:s1] =	stream.indirect.scatter.add.f32 [tilespmem:s2], [sflag:$0x3], $0x80, s16, s0, $0xb8;
	[tilespmem:$0x1C900] =	vst v63  }
0x95: {  	_ =	swait.ge [sflag:s30], $0x2800  }
0x96: {  	[sflag:s30] =	ssyncset.done $0x0  }
0x97: {  	[sflag:s30] =	ssyncadd.s32 $0xFFFFD800  }
0x98: {  	[tilespmem:s2], [sflag:$0x2] =	stream.indirect.gather [hbm4b:s4+s0], $0x80, s8, s0, $0xb8;
	[tilespmem:$0x1C900] =	vst v63  }
0x99: {  	_ =	swait.ge [sflag:s5], $0x2800  }
0x9a: {  	[sflag:s5] =	ssyncset.done $0x0  }
0x9b: {  	[sflag:s5] =	ssyncadd.s32 $0xFFFFD800  }
0x9c: {  	[spmem:s1] =	stream.indirect.scatter.add.f32 [tilespmem:s29], [sflag:$0x3], $0x80, s9, s0, $0xb8;
	[tilespmem:$0x1C900] =	vst v63  }
0x9d: {  	_ =	swait.ge [sflag:s30], $0x2800  }
0x9e: {  	[sflag:s30] =	ssyncset.done $0x0  }
0x9f: {  	[sflag:s30] =	ssyncadd.s32 $0xFFFFD800  }
0xa0: {  	_ =	swait.ge [sflag:s7], $0x2800  }
0xa1: {  	[sflag:s7] =	ssyncset.done $0x0  }
0xa2: {  	[sflag:s7] =	ssyncadd.s32 $0xFFFFD800  }
0xa3: {  	[spmem:s1] =	stream.indirect.scatter.add.f32 [tilespmem:s2], [sflag:$0x3], $0x80, s10, s0, $0xb8;
	[tilespmem:$0x1C900] =	vst v63  }
0xa4: {  	_ =	swait.ge [sflag:s30], $0x2800  }
0xa5: {  	[sflag:s30] =	ssyncset.done $0x0  }
0xa6: {  	s17 =	simm.s32 $0x0;
	[sflag:s30] =	ssyncadd.s32 $0xFFFFD800  }
0xa7: {  	[tilespmem:s17], [sflag:$0x3] =	stream.linear.gather [hbm4b:s23+s17], $0x2000, $0x38;
	[tilespmem:$0x1C900] =	vst v63  }
0xa8: {  	_ =	swait.ge [sflag:s30], $0x2000  }
0xa9: {  	[sflag:s30] =	ssyncset.done $0x0  }
0xaa: {  	[sflag:s30] =	ssyncadd.s32 $0xFFFFE000  }
0xab: {  	[tilespmem:s31], [sflag:$0x3] =	stream.linear.gather [hbm4b:s28+s17], $0x2000, $0x38;
	[tilespmem:$0x1C900] =	vst v63  }
0xac: {  	_ =	swait.ge [sflag:s30], $0x2000  }
0xad: {  	[sflag:s30] =	ssyncset.done $0x0  }
0xae: {  	[sflag:s30] =	ssyncadd.s32 $0xFFFFE000  }
0xaf: {  	[tilespmem:s29], [sflag:$0x1] =	stream.indirect.gather [hbm4b:s4+s0], $0x80, s17, s0, $0xb8;
	[tilespmem:$0x1C900] =	vst v63  }
0xb0: {  	s13 =	simm.s32 $0x80  }
0xb1: {  	[tilespmem:s2], [sflag:$0x2] =	stream.indirect.gather [hbm4b:s4+s0], $0x80, s13, s0, $0xb8;
	[tilespmem:$0x1C900] =	vst v63  }
0xb2: {  	_ =	swait.ge [sflag:s5], $0x2800  }
0xb3: {  	[sflag:s5] =	ssyncset.done $0x0  }
0xb4: {  	s15 =	simm.s32 $0x2000;
	[sflag:s5] =	ssyncadd.s32 $0xFFFFD800  }
0xb5: {  	[spmem:s1] =	stream.indirect.scatter.add.f32 [tilespmem:s29], [sflag:$0x3], $0x80, s15, s0, $0xb8;
	[tilespmem:$0x1C900] =	vst v63  }
0xb6: {  	_ =	swait.ge [sflag:s30], $0x2800  }
0xb7: {  	[sflag:s30] =	ssyncset.done $0x0  }
0xb8: {  	s16 =	simm.s32 $0x100;
	[sflag:s30] =	ssyncadd.s32 $0xFFFFD800  }
0xb9: {  	[tilespmem:s29], [sflag:$0x1] =	stream.indirect.gather [hbm4b:s4+s0], $0x80, s16, s0, $0xb8;
	[tilespmem:$0x1C900] =	vst v63  }
0xba: {  	_ =	swait.ge [sflag:s7], $0x2800  }
0xbb: {  	[sflag:s7] =	ssyncset.done $0x0  }
0xbc: {  	s17 =	simm.s32 $0x2080;
	[sflag:s7] =	ssyncadd.s32 $0xFFFFD800  }
0xbd: {  	[spmem:s1] =	stream.indirect.scatter.add.f32 [tilespmem:s2], [sflag:$0x3], $0x80, s17, s0, $0xb8;
	[tilespmem:$0x1C900] =	vst v63  }
0xbe: {  	_ =	swait.ge [sflag:s30], $0x2800  }
0xbf: {  	s12 =	simm.s32 $0x100;
	s13 =	simm.s32 $0x800;
	[sflag:s30] =	ssyncset.done $0x0  }
.LBB2_4:
0xc0: {  	s15 =	sadd.s32 $0x80, s12  }
0xc1: {  	[sflag:s30] =	ssyncadd.s32 $0xFFFFD800;
	s16 =	smov.u32 s13;
	s17 =	sadd.s32 $0x400, s13  }
0xc2: {  	[tilespmem:s2], [sflag:$0x2] =	stream.indirect.gather [hbm4b:s4+s0], $0x80, s15, s0, $0xb8;
	[tilespmem:$0x1C900] =	vst v63  }
0xc3: {  	p1 =	sne.s32 s13, $0x7800;
	_ =	swait.ge [sflag:s5], $0x2800  }
0xc4: {  	[sflag:s5] =	ssyncset.done $0x0  }
0xc5: {  	s13 =	sadd.s32 $0x2000, s12;
	[sflag:s5] =	ssyncadd.s32 $0xFFFFD800  }
0xc6: {  	[spmem:s1] =	stream.indirect.scatter.add.f32 [tilespmem:s29], [sflag:$0x3], $0x80, s13, s0, $0xb8;
	[tilespmem:$0x1C900] =	vst v63  }
0xc7: {  	_ =	swait.ge [sflag:s30], $0x2800  }
0xc8: {  	[sflag:s30] =	ssyncset.done $0x0  }
0xc9: {  	s13 =	sadd.s32 $0x100, s12;
	[sflag:s30] =	ssyncadd.s32 $0xFFFFD800  }
0xca: {  	[tilespmem:s29], [sflag:$0x1] =	stream.indirect.gather [hbm4b:s4+s0], $0x80, s13, s0, $0xb8;
	[tilespmem:$0x1C900] =	vst v63  }
0xcb: {  	_ =	swait.ge [sflag:s7], $0x2800  }
.Ltmp1:
0xcc: {  	[sflag:s7] =	ssyncset.done $0x0;
	(pc) =	sbr.rel @p1 .LBB2_4-.Ltmp1, $4  }
0xcd: {  	s12 =	sadd.s32 $0x2080, s12;
	[sflag:s7] =	ssyncadd.s32 $0xFFFFD800  }
0xce: {  	[spmem:s1] =	stream.indirect.scatter.add.f32 [tilespmem:s2], [sflag:$0x3], $0x80, s12, s0, $0xb8;
	[tilespmem:$0x1C900] =	vst v63  }
0xcf: {  	_ =	swait.ge [sflag:s30], $0x2800  }
0xd0: {  	s13 =	smov.u32 s17;
	s12 =	sshra.s32 s16, $0x2;
	[sflag:s30] =	ssyncset.done $0x0  }
0xd1: {  	s13 =	sadd.s32 $0x80, s12;
	[sflag:s30] =	ssyncadd.s32 $0xFFFFD800  }
0xd2: {  	[tilespmem:s2], [sflag:$0x2] =	stream.indirect.gather [hbm4b:s4+s0], $0x80, s13, s0, $0xb8;
	[tilespmem:$0x1C900] =	vst v63  }
0xd3: {  	_ =	swait.ge [sflag:s5], $0x2800  }
0xd4: {  	[sflag:s5] =	ssyncset.done $0x0  }
0xd5: {  	s15 =	sadd.s32 $0x2000, s12;
	[sflag:s5] =	ssyncadd.s32 $0xFFFFD800  }
0xd6: {  	[spmem:s1] =	stream.indirect.scatter.add.f32 [tilespmem:s29], [sflag:$0x3], $0x80, s15, s0, $0xb8;
	[tilespmem:$0x1C900] =	vst v63  }
0xd7: {  	_ =	swait.ge [sflag:s30], $0x2800  }
0xd8: {  	[sflag:s30] =	ssyncset.done $0x0  }
0xd9: {  	s16 =	sadd.s32 $0x100, s12;
	[sflag:s30] =	ssyncadd.s32 $0xFFFFD800  }
0xda: {  	[tilespmem:s29], [sflag:$0x1] =	stream.indirect.gather [hbm4b:s4+s0], $0x80, s16, s0, $0xb8;
	[tilespmem:$0x1C900] =	vst v63  }
0xdb: {  	_ =	swait.ge [sflag:s7], $0x2800  }
0xdc: {  	[sflag:s7] =	ssyncset.done $0x0  }
0xdd: {  	s17 =	sadd.s32 $0x2080, s12;
	[sflag:s7] =	ssyncadd.s32 $0xFFFFD800  }
0xde: {  	[spmem:s1] =	stream.indirect.scatter.add.f32 [tilespmem:s2], [sflag:$0x3], $0x80, s17, s0, $0xb8;
	[tilespmem:$0x1C900] =	vst v63  }
0xdf: {  	_ =	swait.ge [sflag:s30], $0x2800  }
0xe0: {  	[sflag:s30] =	ssyncset.done $0x0  }
0xe1: {  	[sflag:s30] =	ssyncadd.s32 $0xFFFFD800  }
0xe2: {  	[tilespmem:s2], [sflag:$0x2] =	stream.indirect.gather [hbm4b:s4+s0], $0x80, s8, s0, $0xb8;
	[tilespmem:$0x1C900] =	vst v63  }
0xe3: {  	_ =	swait.ge [sflag:s5], $0x2800  }
0xe4: {  	[sflag:s5] =	ssyncset.done $0x0  }
0xe5: {  	[sflag:s5] =	ssyncadd.s32 $0xFFFFD800  }
0xe6: {  	[spmem:s1] =	stream.indirect.scatter.add.f32 [tilespmem:s29], [sflag:$0x3], $0x80, s9, s0, $0xb8;
	[tilespmem:$0x1C900] =	vst v63  }
0xe7: {  	_ =	swait.ge [sflag:s30], $0x2800  }
0xe8: {  	[sflag:s30] =	ssyncset.done $0x0  }
0xe9: {  	[sflag:s30] =	ssyncadd.s32 $0xFFFFD800  }
0xea: {  	_ =	swait.ge [sflag:s7], $0x2800  }
0xeb: {  	[sflag:s7] =	ssyncset.done $0x0  }
0xec: {  	[sflag:s7] =	ssyncadd.s32 $0xFFFFD800  }
0xed: {  	[spmem:s1] =	stream.indirect.scatter.add.f32 [tilespmem:s2], [sflag:$0x3], $0x80, s10, s0, $0xb8;
	[tilespmem:$0x1C900] =	vst v63  }
0xee: {  	_ =	swait.ge [sflag:s30], $0x2800  }
0xef: {  	[sflag:s30] =	ssyncset.done $0x0  }
0xf0: {  	[sflag:s30] =	ssyncadd.s32 $0xFFFFD800  }
0xf1: {  	s12 =	sshrl.u32 @p0 s14, $0x3;
	s13 =	simm.s32 @p0 $0x1FC3;
	[bflag:$0x0] =	sbarrier.arrive $0xFFFF  }
0xf2: {  	[hbm:s24], [sflag:s13] =	dma.local @p0 [spmem:s12], $0x2080  }
0xf3: {  	s12 =	simm.s32 @p0 $0x3  }
0xf4: {  	s11 =	sadd.s32 $0x1, s11;
	s13 =	stileid.u32;
	_ =	swait.ge @p0 [sflag:s12], $0x2080  }
0xf5: {  	p1 =	sne.s32 s11, s25;
	s13 =	sshll.u32 @!p0 s13, $0x6;
	[sflag:s12] =	ssyncset.done @p0 $0x0  }
0xf6: {  	[sflag:s12] =	ssyncadd.s32 @p0 $0xFFFFDF80;
	s12 =	sor.u32 @!p0 $0x1C03, s13;
	s13 =	sshrl.u32 @!p0 s6, $0x3  }
0xf7: {  	[hbm:s21], [sflag:s12] =	dma.local @!p0 [spmem:s13], $0x2780  }
.Ltmp2:
0xf8: {  	_ = 	snop;
	(pc) =	sbr.rel @p1 .LBB2_1-.Ltmp2, $4  }
0xf9: {  	s12 =	simm.s32 @!p0 $0x3  }
0xfa: {  	_ =	swait.ge @!p0 [sflag:s12], $0x2780  }
0xfb: {  	[sflag:s12] =	ssyncset.done @!p0 $0x0  }
0xfc: {  	[sflag:s12] =	ssyncadd.s32 @!p0 $0xFFFFD880  }
0xfd: {  	_ =	sfence.sel $0x180000  }
0xfe: {  	[bflag:$0x0] =	sbarrier.arrive $0xFFFF  }
0xff: {  	_ =	strace $0x9000004D  }
0x100: {  	s0 =	stileid.u32;
	[bflag:$0x2] =	sbarrier.arrive $0xFFFF  }
0x101: {  	p0 =	sne.s32 s0, $0x0;
	s0 =	rddreg [dreg:$0x3]  }
0x102: {  	s0 =	sadd.s32 @!p0 $0x100000, s0  }
0x103: {  	[sflag:s0] =	ssyncadd.tile.s32 @!p0 $0x1;
	_ =	shalt  }
.Lfunc_end2:
_tile_overlayer_lowered:
.L_overlay_start_2:
0x104: {  	(tag) =	ssettag $0x2  }
0x105: {  	s0 =	rddreg [dreg:$0x0];
	s2 =	stileid.u32  }
0x106: {  	s1 =	rddreg [dreg:$0x1];
	p0 =	sne.s32 s2, $0x0  }
0x107: {  	s3 =	rddreg [dreg:$0x2];
	[bflag:$0x3] =	sbarrier.arrive $0xFFFF;
	s2 =	simm.s32 @!p0 $0x1C03  }
0x108: {  	[timem:s3], [sflag:s2] =	dma.local @!p0 [hbm:s0], s1  }
0x109: {  	s0 =	simm.s32 @!p0 $0x3  }
0x10a: {  	_ =	swait.ge @!p0 [sflag:s0], s1  }
0x10b: {  	s1 =	ssub.s32 @!p0 $0x0, s1;
	[sflag:s0] =	ssyncset.done @!p0 $0x0  }
0x10c: {  	[sflag:s0] =	ssyncadd.s32 @!p0 s1  }
0x10d: {  	[bflag:$0x3] =	sbarrier.arrive $0xFFFF  }
0x10e: {  	_ =	shalt  }

// kernel: kernel.21.cloned.1.call-start
scs
__scs_entry_jumppad:
0x0: {  	(pc) =	sbr.rel $0x88, $3  }
0x1: {  	(tag) =	ssettag $0x0;
	lr =	simm.s32 $0x1  }
0x2: {  	[smem:$0x3F95] =	sst lr;
	_ =	strace $0xD0000000  }
0x3: {  	_ = 	snop  }
0x4: {  	_ = 	snop  }
0x5: {  	_ = 	snop  }
0x6: {  	_ = 	snop  }
0x7: {  	_ = 	snop  }
__scs_overlays_trampoline_lowered:
0x8: {  	[smem:$0x3FA4] =	sst s0  }
0x9: {  	[smem:$0x3FA5] =	sst s1  }
0xa: {  	[smem:$0x3FA6] =	sst s2  }
0xb: {  	[smem:$0x3FA7] =	sst s3  }
0xc: {  	[smem:$0x3FA8] =	sst s4  }
0xd: {  	[smem:$0x3FA9] =	sst s5  }
0xe: {  	[smem:$0x3FAA] =	sst s6  }
0xf: {  	[smem:$0x3FAB] =	sst s7  }
0x10: {  	[smem:$0x3FAC] =	sst s8  }
0x11: {  	[smem:$0x3FAD] =	sst s9;
	s0 =	simm.s32 @!p0 $0x0  }
0x12: {  	s1 =	sld [smem:$0x3F93];
	s0 =	simm.s32 @p0 $0x1  }
0x13: {  	[smem:$0x3FAE] =	sst s0;
	s0 =	simm.s32 @!p1 $0x0  }
0x14: {  	s2 =	sld [smem:$0x3F92];
	s0 =	simm.s32 @p1 $0x1  }
0x15: {  	[smem:$0x3FAF] =	sst s0;
	s0 =	simm.s32 @!p2 $0x0  }
0x16: {  	s3 =	sld [smem:$0x3FDB];
	s0 =	simm.s32 @p2 $0x1  }
0x17: {  	s4 =	simm.s32 $0x1BF5;
	[smem:$0x3FB1] =	sst s0  }
0x18: {  	s0 =	sld [smem:$0x3F94];
	_ =	swait.ge [sflag:s4], $0x0  }
0x19: {  	s7 =	sld [smem:$0x3F95]  }
0x1a: {  	s8 =	sadd.s32 $0xFFFFE003, lr  }
0x1b: {  	s9 =	sadd.s32 $0xFFFFFEF7, lr;
	s5 =	simm.s32 $0xFFFFFFFF;
	p2 =	slt.u32 s8, $0xFFFFF086  }
0x1c: {  	p1 =	slt.u32 s9, $0xF7A;
	s5 =	simm.s32 @!p2 $0x0  }
0x1d: {  	s5 =	simm.s32 @p1 $0x1;
	p0 =	seq.s32 s7, s2  }
0x1e: {  	s7 =	smul.u32 @!p0 $0xF7A, s2;
	p2 =	seq.s32 @!p0 s5, $0x0  }
0x1f: {  	s9 =	smul.u32 $0xF7A, s1;
	s8 =	simm.s32 @!p0 $0x1BF5;
	p2 =	por !p2, p0  }
0x20: {  	[sflag:s8] =	ssyncset.s32 @!p0 $0xFFFFF086;
	s6 =	sadd.s32 @!p0 s3, s7;
	s7 =	simm.s32 @!p0 $0x108  }
0x21: {  	s3 =	sadd.s32 s3, s9;
	s6 =	sadd.s32 @!p0 $0x88, s6;
	s7 =	simm.s32 @p2 $0x1082  }
0x22: {  	[simem:s7], [sflag:s8] =	dma.local @!p0 [hbm:s6], $0xF7A  }
0x23: {  	s9 =	sor.u32 $0xD0000000, s2;
	s6 =	simm.s32 $0x108;
	_ =	swait.ge @!p0 [sflag:s8], $0x0  }
0x24: {  	s3 =	sadd.s32 $0x88, s3;
	s6 =	simm.s32 @!p1 $0x1082;
	[sflag:s4] =	ssyncset.s32 $0xFFFFF086  }
0x25: {  	[simem:s6], [sflag:s4] =	dma.local [hbm:s3], $0xF7A  }
0x26: {  	[smem:$0x3F95] =	sst s1;
	(tag) =	ssettag s2;
	_ =	strace s9  }
0x27: {  	s1 =	sld [smem:$0x3FA5]  }
0x28: {  	s2 =	sld [smem:$0x3FA6]  }
0x29: {  	s4 =	sld [smem:$0x3FA8]  }
0x2a: {  	p0 =	seq.s32 s5, $0x0;
	s5 =	sld [smem:$0x3FA9]  }
0x2b: {  	s6 =	sld [smem:$0x3FAA]  }
0x2c: {  	s7 =	sld [smem:$0x3FAB]  }
0x2d: {  	s3 =	simm.s32 $0x108;
	s8 =	sld [smem:$0x3FAC]  }
0x2e: {  	s3 =	simm.s32 @!p0 $0x1082;
	s9 =	sld [smem:$0x3FAD]  }
0x2f: {  	lr =	sadd.s32 s0, s3;
	s0 =	sld [smem:$0x3FA4]  }
0x30: {  	s3 =	sld [smem:$0x3FA7]  }
0x31: {  	[smem:$0x3FB0] =	sst s10  }
0x32: {  	s10 =	sld [smem:$0x3FAE];
	_ =	sdelay $0x3  }
0x33: {  	p0 =	seq.s32 s10, $0x1;
	s10 =	sld [smem:$0x3FB0];
	_ =	sdelay $0x3  }
0x34: {  	[smem:$0x3FB0] =	sst s10  }
0x35: {  	s10 =	sld [smem:$0x3FAF];
	_ =	sdelay $0x3  }
0x36: {  	p1 =	seq.s32 s10, $0x1;
	s10 =	sld [smem:$0x3FB0];
	_ =	sdelay $0x3  }
0x37: {  	[smem:$0x3FB0] =	sst s10  }
0x38: {  	s10 =	sld [smem:$0x3FB1]  }
0x39: {  	_ = 	snop;
	(pc) =	sbr.ind lr, $3  }
0x3a: {  	_ = 	snop  }
0x3b: {  	_ = 	snop  }
0x3c: {  	p2 =	seq.s32 s10, $0x1;
	s10 =	sld [smem:$0x3FB0]  }
0x3d: {  	_ =	shalt  }
0x3e: {  	_ =	shalt  }
0x3f: {  	_ =	shalt  }
0x40: {  	_ =	shalt  }
0x41: {  	_ =	shalt  }
0x42: {  	_ =	shalt  }
0x43: {  	_ =	shalt  }
0x44: {  	_ =	shalt  }
0x45: {  	_ =	shalt  }
0x46: {  	_ =	shalt  }
0x47: {  	_ =	shalt  }
0x48: {  	_ =	shalt  }
0x49: {  	_ =	shalt  }
0x4a: {  	_ =	shalt  }
0x4b: {  	_ =	shalt  }
0x4c: {  	_ =	shalt  }
0x4d: {  	_ =	shalt  }
0x4e: {  	_ =	shalt  }
0x4f: {  	_ =	shalt  }
0x50: {  	_ =	shalt  }
0x51: {  	_ =	shalt  }
0x52: {  	_ =	shalt  }
0x53: {  	_ =	shalt  }
0x54: {  	_ =	shalt  }
0x55: {  	_ =	shalt  }
0x56: {  	_ =	shalt  }
0x57: {  	_ =	shalt  }
0x58: {  	_ =	shalt  }
0x59: {  	_ =	shalt  }
0x5a: {  	_ =	shalt  }
0x5b: {  	_ =	shalt  }
0x5c: {  	_ =	shalt  }
0x5d: {  	_ =	shalt  }
0x5e: {  	_ =	shalt  }
0x5f: {  	_ =	shalt  }
0x60: {  	_ =	shalt  }
0x61: {  	_ =	shalt  }
0x62: {  	_ =	shalt  }
0x63: {  	_ =	shalt  }
0x64: {  	_ =	shalt  }
0x65: {  	_ =	shalt  }
0x66: {  	_ =	shalt  }
0x67: {  	_ =	shalt  }
0x68: {  	_ =	shalt  }
0x69: {  	_ =	shalt  }
0x6a: {  	_ =	shalt  }
0x6b: {  	_ =	shalt  }
0x6c: {  	_ =	shalt  }
0x6d: {  	_ =	shalt  }
0x6e: {  	_ =	shalt  }
0x6f: {  	_ =	shalt  }
0x70: {  	_ =	shalt  }
0x71: {  	_ =	shalt  }
0x72: {  	_ =	shalt  }
0x73: {  	_ =	shalt  }
0x74: {  	_ =	shalt  }
0x75: {  	_ =	shalt  }
0x76: {  	_ =	shalt  }
0x77: {  	_ =	shalt  }
0x78: {  	_ =	shalt  }
0x79: {  	_ =	shalt  }
0x7a: {  	_ =	shalt  }
0x7b: {  	_ =	shalt  }
0x7c: {  	_ =	shalt  }
0x7d: {  	_ =	shalt  }
0x7e: {  	_ =	shalt  }
0x7f: {  	_ =	shalt  }
0x80: {  	_ =	shalt  }
0x81: {  	_ =	shalt  }
0x82: {  	_ =	shalt  }
0x83: {  	_ =	shalt  }
0x84: {  	_ =	shalt  }
0x85: {  	_ =	shalt  }
0x86: {  	_ =	shalt  }
0x87: {  	_ =	shalt  }
.Lfunc_end0:
.L_simem_size_0:
called_computation.3_lowered:
.L_overlay_start_0:
0x88: {  	s2 =	sld [smem:$0x3FD9]  }
0x89: {  	s3 =	sld [smem:$0x3FFE];
	_ =	sdelay $0x1  }
0x8a: {  	s1 =	srdreg.scid  }
0x8b: {  	s0 =	sand.u32 $0x1, s1  }
0x8c: {  	s17 =	sshll.u32 s0, $0xA;
	s2 =	sadd.s32 s3, s2  }
0x8d: {  	s2 =	sadd.s32 s2, s17  }
0x8e: {  	[smem:$0x3FBC] =	sst s2  }
0x8f: {  	_ = 	snop  }
0x90: {  	s2 =	sld [smem:$0x3FD0];
	(tm) =	ssettm $0x1  }
0x91: {  	s18 =	sld [smem:$0x3FFB];
	_ =	sdelay $0x3  }
0x92: {  	_ =	strace s18  }
0x93: {  	s3 =	sld [smem:$0x3FFC];
	_ =	sdelay $0x3  }
0x94: {  	_ =	strace s3  }
0x95: {  	s3 =	sld [smem:$0x3FFD];
	_ =	sdelay $0x3  }
0x96: {  	_ =	strace s3  }
0x97: {  	_ =	strace $0x8FFFFFFF  }
0x98: {  	s19 =	sld [smem:$0x3FDB];
	_ =	sdelay $0x1  }
0x99: {  	s4 =	simm.s32 $_scs_section_size  }
0x9a: {  	s5 =	simm.s32 $_size__tile_overlayer_lowered;
	s6 =	simm.s32 $_tile_overlayer_lowered  }
0x9b: {  	s22 =	simm.s32 $0x1BFF;
	s21 =	sshll.u32 s6, $0x1;
	s3 =	sadd.s32 s4, s19  }
0x9c: {  	s7 =	simm.s32 $0x0;
	s20 =	sshll.u32 s5, $0x1;
	s5 =	sadd.s32 s21, s3  }
0x9d: {  	[timem:s7], [sflag:s22] =	dma.local [hbm:s5], s20  }
0x9e: {  	_ =	swait.ge [sflag:s22], s20  }
0x9f: {  	s4 =	ssub.s32 $0x0, s20;
	[sflag:s22] =	ssyncset.done $0x0  }
0xa0: {  	[sflag:s22] =	ssyncadd.s32 s4;
	_ =	sdelay $0x1  }
0xa1: {  	s23 =	simm.s32 $0x1B8B  }
0xa2: {  	_ =	swait.ge [sflag:s23], $0x1  }
0xa3: {  	[sflag:s23] =	ssyncset.done $0x0  }
0xa4: {  	s25 =	simm.s32 $0x1B8E;
	s24 =	sld [smem:$0x3FFE];
	[sflag:s23] =	ssyncadd.s32 $0xFFFFFFFF  }
0xa5: {  	s26 =	simm.s32 $execute0_lowered;
	[smem:$0x3FD2] =	sst s25  }
0xa6: {  	s5 =	sshll.u32 s26, $0x1;
	_ =	strace $0x8000004F;
	[dreg:$0x1] =	wrdreg $0xFFFFFFFF  }
0xa7: {  	s28 =	simm.s32 $_size_execute0_lowered;
	s3 =	sadd.s32 s3, s5;
	[dreg:$0x0] =	wrdreg $0x0  }
0xa8: {  	s5 =	sshll.u32 s28, $0x1;
	[dreg:$0x2] =	wrdreg s3  }
0xa9: {  	[dreg:$0x3] =	wrdreg s5  }
0xaa: {  	[dreg:$0x4] =	wrdreg $0xC0  }
0xab: {  	_ =	task [dreg:s7], $0x5FFFF  }
0xac: {  	[dreg:$0x1] =	wrdreg $0xFFFFFFFF  }
0xad: {  	[dreg:$0x0] =	wrdreg $0x60  }
0xae: {  	[dreg:$0x2] =	wrdreg s24  }
0xaf: {  	[dreg:$0x3] =	wrdreg s2  }
0xb0: {  	[dreg:$0x4] =	wrdreg $0x90000  }
0xb1: {  	[dreg:$0x5] =	wrdreg $0x9  }
0xb2: {  	_ =	task.clear_ibuf [dreg:s7], $0x6FFFF;
	_ =	strace $0x9000004F  }
0xb3: {  	s29 =	simm.s32 $0x9;
	_ =	strace $0x80000051  }
0xb4: {  	_ =	swait.ge [sflag:s29], $0x1  }
0xb5: {  	[sflag:s29] =	ssyncadd.s32 $0xFFFFFFFF  }
0xb6: {  	_ =	strace $0x90000051  }
0xb7: {  	_ =	sfence  }
0xb8: {  	s30 =	sld [smem:$0x0];
	_ =	sdelay $0x2  }
0xb9: {  	s31 =	sshll.u32 s1, $0xD;
	s1 =	sshrl.u32 s1, $0x2  }
0xba: {  	s3 =	sand.u32 $0x4000, s31;
	s1 =	sadd.s32 s1, s30  }
0xbb: {  	s0 =	sor.u32 s3, s0;
	s1 =	sshll.u32 s1, $0x11  }
0xbc: {  	s0 =	sor.u32 s1, s0  }
0xbd: {  	s0 =	sadd.s32 $0x8F2B, s0  }
0xbe: {  	[sflag:s0] =	ssyncadd.remote.s32 $0x1  }
0xbf: {  	_ =	sfence.sel $0xFFFF  }
0xc0: {  	[dreg:$0x0] =	wrdreg $0xFFFFFFFF;
	(pc) =	sbr.abs _section_cstart, $3  }
0xc1: {  	[dreg:$0x1] =	wrdreg $0xFFFFFFFF  }
0xc2: {  	_ =	task.clear_ibuf [dreg:s7], $0x2FFFF;
	_ =	strace $0x9FFFFFFF  }
0xc3: {  	(tm) =	ssettm $0x7FFFFFFF  }
tec
execute0_lowered:
.L_overlay_start_1:
0x0: {  	(tag) =	ssettag $0x1  }
0x1: {  	s0 =	rddreg [dreg:$0x0]  }
0x2: {  	s2 =	rddreg [dreg:$0x1]  }
0x3: {  	s1 =	rddreg [dreg:$0x2]  }
0x4: {  	s3 =	simm.s32 $0x0;
	s4 =	srdreg.scid;
	s9 =	stileid.u32  }
0x5: {  	s28 =	simm.s32 $0x3;
	s30 =	simm.s32 $0x50;
	s31 =	simm.s32 $0x6800  }
0x6: {  	[smem:$0x7FF] =	sst s3;
	s5 =	sand.u32 $0x1, s4;
	s7 =	sshll.u32 s9, $0xA  }
0x7: {  	s8 =	smul.u32 $0x4F000, s9;
	s4 =	sadd.s32 $0x3200, s0;
	s19 =	sadd.s32 $0x51400, s0  }
0x8: {  	s29 =	simm.s32 $0x0;
	s13 =	sadd.s32 $0x128400, s1;
	s15 =	sadd.s32 $0x12AC00, s1  }
0x9: {  	p0 =	seq.s32 s9, $0xF;
	s6 =	sshll.u32 s5, $0xE;
	_ =	strace $0x80000050  }
0xa: {  	[dreg:$0x4] =	wrdreg s19;
	s16 =	ssub.s32 $0x2, s5;
	s19 =	sadd.s32 $0x132400, s1  }
0xb: {  	s7 =	sor.u32 s7, s6;
	s20 =	sshrl.u32 s8, $0x2;
	s17 =	sshrl.u32 s16, $0x1  }
0xc: {  	s23 =	sadd.s32 s7, s0;
	s6 =	sadd.s32 s20, s1;
	s20 =	smul.u32 $0x27100, s5  }
0xd: {  	s0 =	sadd.s32 $0x67400, s0;
	s5 =	smul.u32 $0x138800, s5;
	s18 =	sadd.s32 s2, s7  }
0xe: {  	s2 =	simm.s32 $0x2;
	s21 =	sadd.s32 $0x2800, s6;
	s22 =	sadd.s32 $0x5000, s6  }
0xf: {  	s24 =	sadd.s32 $0x7800, s6;
	s25 =	sadd.s32 $0xA000, s6;
	[dreg:$0x5] =	wrdreg s21  }
0x10: {  	s11 =	sadd.s32 $0xC800, s6;
	s12 =	sadd.s32 $0xF000, s6;
	[dreg:$0x6] =	wrdreg s22  }
0x11: {  	s14 =	sadd.s32 $0x11800, s6;
	s23 =	sadd.s32 $0x57400, s23;
	[dreg:$0x7] =	wrdreg s24  }
0x12: {  	[dreg:$0x8] =	wrdreg s25;
	s21 =	smul.u32 $0x2780, s9;
	s25 =	ssub.s32 s16, s17  }
0x13: {  	s16 =	sadd.s32 $0x12D400, s1;
	s17 =	sadd.s32 $0x12FC00, s1;
	s5 =	sshrl.u32 s5, $0x3  }
0x14: {  	s22 =	sadd.s32 $0x137400, s1;
	s25 =	smax.u32 s25, $0x1;
	s26 =	sadd.s32 s21, s20  }
0x15: {  	s20 =	sadd.s32 $0x134C00, s1;
	s21 =	sadd.s32 s0, s26;
	s0 =	sadd.s32 s0, s5  }
0x16: {  	s26 =	simm.s32 $0x4000;
	s24 =	sadd.s32 $0x25080, s0;
	s0 =	simm.s32 $0x1  }
.LBB2_1:
0x17: {  	s5 =	rddreg [dreg:$0x4]  }
0x18: {  	[tilespmem:s26], [sflag:$0x3] =	stream.linear.gather [hbm4b:s5+s3], $0x2800, $0x38;
	[tilespmem:$0x1C900] =	vst v63  }
0x19: {  	_ =	swait.ge [sflag:s28], $0x2800  }
0x1a: {  	[sflag:s28] =	ssyncset.done $0x0  }
0x1b: {  	s7 =	simm.s32 @p0 $0x3;
	s5 =	simm.s32 @p0 $0x4000;
	[sflag:s28] =	ssyncadd.s32 $0xFFFFD800  }
0x1c: {  	[spmem:s13] =	stream.linear.scatter @p0 [tilespmem:s5], [sflag:$0x3], $0x2800, $0x38;
	[tilespmem:$0x1C900] =	vst v63  }
0x1d: {  	_ =	swait.ge @p0 [sflag:s7], $0x2800  }
0x1e: {  	[sflag:s7] =	ssyncset.done @p0 $0x0  }
0x1f: {  	[sflag:s7] =	ssyncadd.s32 @p0 $0xFFFFD800  }
0x20: {  	[spmem:s15] =	stream.linear.scatter @p0 [tilespmem:s5], [sflag:$0x3], $0x2800, $0x38;
	[tilespmem:$0x1C900] =	vst v63  }
0x21: {  	_ =	swait.ge @p0 [sflag:s7], $0x2800  }
0x22: {  	[sflag:s7] =	ssyncset.done @p0 $0x0  }
0x23: {  	[sflag:s7] =	ssyncadd.s32 @p0 $0xFFFFD800  }
0x24: {  	[spmem:s16] =	stream.linear.scatter @p0 [tilespmem:s5], [sflag:$0x3], $0x2800, $0x38;
	[tilespmem:$0x1C900] =	vst v63  }
0x25: {  	_ =	swait.ge @p0 [sflag:s7], $0x2800  }
0x26: {  	[sflag:s7] =	ssyncset.done @p0 $0x0  }
0x27: {  	[sflag:s7] =	ssyncadd.s32 @p0 $0xFFFFD800  }
0x28: {  	[spmem:s17] =	stream.linear.scatter @p0 [tilespmem:s5], [sflag:$0x3], $0x2800, $0x38;
	[tilespmem:$0x1C900] =	vst v63  }
0x29: {  	_ =	swait.ge @p0 [sflag:s7], $0x2800  }
0x2a: {  	[sflag:s7] =	ssyncset.done @p0 $0x0  }
0x2b: {  	[sflag:s7] =	ssyncadd.s32 @p0 $0xFFFFD800  }
0x2c: {  	[spmem:s19] =	stream.linear.scatter @p0 [tilespmem:s5], [sflag:$0x3], $0x2800, $0x38;
	[tilespmem:$0x1C900] =	vst v63  }
0x2d: {  	_ =	swait.ge @p0 [sflag:s7], $0x2800  }
0x2e: {  	[sflag:s7] =	ssyncset.done @p0 $0x0  }
0x2f: {  	[sflag:s7] =	ssyncadd.s32 @p0 $0xFFFFD800  }
0x30: {  	[spmem:s20] =	stream.linear.scatter @p0 [tilespmem:s5], [sflag:$0x3], $0x2800, $0x38;
	[tilespmem:$0x1C900] =	vst v63  }
0x31: {  	_ =	swait.ge @p0 [sflag:s7], $0x2800  }
0x32: {  	[sflag:s7] =	ssyncset.done @p0 $0x0  }
0x33: {  	[sflag:s7] =	ssyncadd.s32 @p0 $0xFFFFD800  }
0x34: {  	[spmem:s22] =	stream.linear.scatter @p0 [tilespmem:s5], [sflag:$0x3], $0x1C00, $0x38;
	[tilespmem:$0x1C900] =	vst v63  }
0x35: {  	_ =	swait.ge @p0 [sflag:s7], $0x1C00  }
0x36: {  	[sflag:s7] =	ssyncset.done @p0 $0x0  }
0x37: {  	s5 =	simm.s32 @!p0 $0x4000;
	[sflag:s7] =	ssyncadd.s32 @p0 $0xFFFFE400;
	s7 =	simm.s32 @!p0 $0x3  }
0x38: {  	[spmem:s6] =	stream.linear.scatter @!p0 [tilespmem:s5], [sflag:$0x3], $0x2800, $0x38;
	[tilespmem:$0x1C900] =	vst v63  }
0x39: {  	_ =	swait.ge @!p0 [sflag:s7], $0x2800  }
0x3a: {  	[sflag:s7] =	ssyncset.done @!p0 $0x0  }
0x3b: {  	s8 =	rddreg [dreg:$0x5];
	[sflag:s7] =	ssyncadd.s32 @!p0 $0xFFFFD800  }
0x3c: {  	[spmem:s8] =	stream.linear.scatter @!p0 [tilespmem:s5], [sflag:$0x3], $0x2800, $0x38;
	[tilespmem:$0x1C900] =	vst v63  }
0x3d: {  	_ =	swait.ge @!p0 [sflag:s7], $0x2800  }
0x3e: {  	[sflag:s7] =	ssyncset.done @!p0 $0x0  }
0x3f: {  	s8 =	rddreg [dreg:$0x6];
	[sflag:s7] =	ssyncadd.s32 @!p0 $0xFFFFD800  }
0x40: {  	[spmem:s8] =	stream.linear.scatter @!p0 [tilespmem:s5], [sflag:$0x3], $0x2800, $0x38;
	[tilespmem:$0x1C900] =	vst v63  }
0x41: {  	_ =	swait.ge @!p0 [sflag:s7], $0x2800  }
0x42: {  	[sflag:s7] =	ssyncset.done @!p0 $0x0  }
0x43: {  	s8 =	rddreg [dreg:$0x7];
	[sflag:s7] =	ssyncadd.s32 @!p0 $0xFFFFD800  }
0x44: {  	[spmem:s8] =	stream.linear.scatter @!p0 [tilespmem:s5], [sflag:$0x3], $0x2800, $0x38;
	[tilespmem:$0x1C900] =	vst v63  }
0x45: {  	_ =	swait.ge @!p0 [sflag:s7], $0x2800  }
0x46: {  	[sflag:s7] =	ssyncset.done @!p0 $0x0  }
0x47: {  	s8 =	rddreg [dreg:$0x8];
	[sflag:s7] =	ssyncadd.s32 @!p0 $0xFFFFD800  }
0x48: {  	[spmem:s8] =	stream.linear.scatter @!p0 [tilespmem:s5], [sflag:$0x3], $0x2800, $0x38;
	[tilespmem:$0x1C900] =	vst v63  }
0x49: {  	_ =	swait.ge @!p0 [sflag:s7], $0x2800  }
0x4a: {  	[sflag:s7] =	ssyncset.done @!p0 $0x0  }
0x4b: {  	[sflag:s7] =	ssyncadd.s32 @!p0 $0xFFFFD800  }
0x4c: {  	[spmem:s11] =	stream.linear.scatter @!p0 [tilespmem:s5], [sflag:$0x3], $0x2800, $0x38;
	[tilespmem:$0x1C900] =	vst v63  }
0x4d: {  	_ =	swait.ge @!p0 [sflag:s7], $0x2800  }
0x4e: {  	[sflag:s7] =	ssyncset.done @!p0 $0x0  }
0x4f: {  	[sflag:s7] =	ssyncadd.s32 @!p0 $0xFFFFD800  }
0x50: {  	[spmem:s12] =	stream.linear.scatter @!p0 [tilespmem:s5], [sflag:$0x3], $0x2800, $0x38;
	[tilespmem:$0x1C900] =	vst v63  }
0x51: {  	_ =	swait.ge @!p0 [sflag:s7], $0x2800  }
0x52: {  	[sflag:s7] =	ssyncset.done @!p0 $0x0  }
0x53: {  	[sflag:s7] =	ssyncadd.s32 @!p0 $0xFFFFD800  }
0x54: {  	[spmem:s14] =	stream.linear.scatter @!p0 [tilespmem:s5], [sflag:$0x3], $0x2400, $0x38;
	[tilespmem:$0x1C900] =	vst v63  }
0x55: {  	_ =	swait.ge @!p0 [sflag:s7], $0x2400  }
0x56: {  	[sflag:s7] =	ssyncset.done @!p0 $0x0  }
0x57: {  	[sflag:s7] =	ssyncadd.s32 @!p0 $0xFFFFDC00  }
0x58: {  	[bflag:$0x0] =	sbarrier.arrive $0xFFFF  }
0x59: {  	[tilespmem:s3], [sflag:$0x3] =	stream.linear.gather [hbm4b:s23+s3], $0x2000, $0x38;
	[tilespmem:$0x1C900] =	vst v63  }
0x5a: {  	_ =	swait.ge [sflag:s28], $0x2000  }
0x5b: {  	[sflag:s28] =	ssyncset.done $0x0  }
0x5c: {  	s10 =	simm.s32 $0x2000;
	[sflag:s28] =	ssyncadd.s32 $0xFFFFE000  }
0x5d: {  	[tilespmem:s10], [sflag:$0x3] =	stream.linear.gather [hbm4b:s18+s3], $0x2000, $0x38;
	[tilespmem:$0x1C900] =	vst v63  }
0x5e: {  	_ =	swait.ge [sflag:s28], $0x2000  }
0x5f: {  	[sflag:s28] =	ssyncset.done $0x0  }
0x60: {  	[sflag:s28] =	ssyncadd.s32 $0xFFFFE000  }
0x61: {  	[tilespmem:s26], [sflag:$0x1] =	stream.indirect.gather [hbm4b:s4+s30], $0x80, s3, s30, $0xb8;
	[tilespmem:$0x1C900] =	vst v63  }
0x62: {  	s7 =	simm.s32 $0x80  }
0x63: {  	[tilespmem:s31], [sflag:$0x2] =	stream.indirect.gather [hbm4b:s4+s30], $0x80, s7, s30, $0xb8;
	[tilespmem:$0x1C900] =	vst v63  }
0x64: {  	_ =	swait.ge [sflag:s0], $0x2800  }
0x65: {  	[sflag:s0] =	ssyncset.done $0x0  }
0x66: {  	s8 =	simm.s32 $0x2000;
	[sflag:s0] =	ssyncadd.s32 $0xFFFFD800  }
0x67: {  	[spmem:s1] =	stream.indirect.scatter.add.f32 [tilespmem:s26], [sflag:$0x3], $0x80, s8, s30, $0xb8;
	[tilespmem:$0x1C900] =	vst v63  }
0x68: {  	_ =	swait.ge [sflag:s28], $0x2800  }
0x69: {  	[sflag:s28] =	ssyncset.done $0x0  }
0x6a: {  	s9 =	simm.s32 $0x100;
	[sflag:s28] =	ssyncadd.s32 $0xFFFFD800  }
0x6b: {  	[tilespmem:s26], [sflag:$0x1] =	stream.indirect.gather [hbm4b:s4+s30], $0x80, s9, s30, $0xb8;
	[tilespmem:$0x1C900] =	vst v63  }
0x6c: {  	_ =	swait.ge [sflag:s2], $0x2800  }
0x6d: {  	[sflag:s2] =	ssyncset.done $0x0  }
0x6e: {  	s10 =	simm.s32 $0x2080;
	[sflag:s2] =	ssyncadd.s32 $0xFFFFD800  }
0x6f: {  	[spmem:s1] =	stream.indirect.scatter.add.f32 [tilespmem:s31], [sflag:$0x3], $0x80, s10, s30, $0xb8;
	[tilespmem:$0x1C900] =	vst v63  }
0x70: {  	_ =	swait.ge [sflag:s28], $0x2800  }
0x71: {  	s5 =	simm.s32 $0x100;
	s7 =	simm.s32 $0x800;
	[sflag:s28] =	ssyncset.done $0x0  }
.LBB2_2:
0x72: {  	s8 =	sadd.s32 $0x80, s5  }
0x73: {  	[sflag:s28] =	ssyncadd.s32 $0xFFFFD800;
	s9 =	smov.u32 s7;
	s10 =	sadd.s32 $0x400, s7  }
0x74: {  	[tilespmem:s31], [sflag:$0x2] =	stream.indirect.gather [hbm4b:s4+s30], $0x80, s8, s30, $0xb8;
	[tilespmem:$0x1C900] =	vst v63  }
0x75: {  	p1 =	sne.s32 s7, $0x7800;
	_ =	swait.ge [sflag:s0], $0x2800  }
0x76: {  	[sflag:s0] =	ssyncset.done $0x0  }
0x77: {  	s7 =	sadd.s32 $0x2000, s5;
	[sflag:s0] =	ssyncadd.s32 $0xFFFFD800  }
0x78: {  	[spmem:s1] =	stream.indirect.scatter.add.f32 [tilespmem:s26], [sflag:$0x3], $0x80, s7, s30, $0xb8;
	[tilespmem:$0x1C900] =	vst v63  }
0x79: {  	_ =	swait.ge [sflag:s28], $0x2800  }
0x7a: {  	[sflag:s28] =	ssyncset.done $0x0  }
0x7b: {  	s7 =	sadd.s32 $0x100, s5;
	[sflag:s28] =	ssyncadd.s32 $0xFFFFD800  }
0x7c: {  	[tilespmem:s26], [sflag:$0x1] =	stream.indirect.gather [hbm4b:s4+s30], $0x80, s7, s30, $0xb8;
	[tilespmem:$0x1C900] =	vst v63  }
0x7d: {  	_ =	swait.ge [sflag:s2], $0x2800  }
.Ltmp0:
0x7e: {  	[sflag:s2] =	ssyncset.done $0x0;
	(pc) =	sbr.rel @p1 .LBB2_2-.Ltmp0, $4  }
0x7f: {  	s5 =	sadd.s32 $0x2080, s5;
	[sflag:s2] =	ssyncadd.s32 $0xFFFFD800  }
0x80: {  	[spmem:s1] =	stream.indirect.scatter.add.f32 [tilespmem:s31], [sflag:$0x3], $0x80, s5, s30, $0xb8;
	[tilespmem:$0x1C900] =	vst v63  }
0x81: {  	_ =	swait.ge [sflag:s28], $0x2800  }
0x82: {  	s7 =	smov.u32 s10;
	s5 =	sshra.s32 s9, $0x2;
	[sflag:s28] =	ssyncset.done $0x0  }
0x83: {  	s7 =	sadd.s32 $0x80, s5;
	[sflag:s28] =	ssyncadd.s32 $0xFFFFD800  }
0x84: {  	[tilespmem:s31], [sflag:$0x2] =	stream.indirect.gather [hbm4b:s4+s30], $0x80, s7, s30, $0xb8;
	[tilespmem:$0x1C900] =	vst v63  }
0x85: {  	_ =	swait.ge [sflag:s0], $0x2800  }
0x86: {  	[sflag:s0] =	ssyncset.done $0x0  }
0x87: {  	s9 =	sadd.s32 $0x2000, s5;
	[sflag:s0] =	ssyncadd.s32 $0xFFFFD800  }
0x88: {  	[spmem:s1] =	stream.indirect.scatter.add.f32 [tilespmem:s26], [sflag:$0x3], $0x80, s9, s30, $0xb8;
	[tilespmem:$0x1C900] =	vst v63  }
0x89: {  	_ =	swait.ge [sflag:s28], $0x2800  }
0x8a: {  	[sflag:s28] =	ssyncset.done $0x0  }
0x8b: {  	s10 =	sadd.s32 $0x100, s5;
	[sflag:s28] =	ssyncadd.s32 $0xFFFFD800  }
0x8c: {  	[tilespmem:s26], [sflag:$0x1] =	stream.indirect.gather [hbm4b:s4+s30], $0x80, s10, s30, $0xb8;
	[tilespmem:$0x1C900] =	vst v63  }
0x8d: {  	_ =	swait.ge [sflag:s2], $0x2800  }
0x8e: {  	[sflag:s2] =	ssyncset.done $0x0  }
0x8f: {  	s7 =	sadd.s32 $0x2080, s5;
	[sflag:s2] =	ssyncadd.s32 $0xFFFFD800  }
0x90: {  	[spmem:s1] =	stream.indirect.scatter.add.f32 [tilespmem:s31], [sflag:$0x3], $0x80, s7, s30, $0xb8;
	[tilespmem:$0x1C900] =	vst v63  }
0x91: {  	_ =	swait.ge [sflag:s28], $0x2800  }
0x92: {  	[sflag:s28] =	ssyncset.done $0x0  }
0x93: {  	s8 =	simm.s32 $0x1F80;
	[sflag:s28] =	ssyncadd.s32 $0xFFFFD800  }
0x94: {  	[tilespmem:s31], [sflag:$0x2] =	stream.indirect.gather [hbm4b:s4+s30], $0x80, s8, s30, $0xb8;
	[tilespmem:$0x1C900] =	vst v63  }
0x95: {  	_ =	swait.ge [sflag:s0], $0x2800  }
0x96: {  	[sflag:s0] =	ssyncset.done $0x0  }
0x97: {  	s9 =	simm.s32 $0x3F00;
	[sflag:s0] =	ssyncadd.s32 $0xFFFFD800  }
0x98: {  	[spmem:s1] =	stream.indirect.scatter.add.f32 [tilespmem:s26], [sflag:$0x3], $0x80, s9, s30, $0xb8;
	[tilespmem:$0x1C900] =	vst v63  }
0x99: {  	_ =	swait.ge [sflag:s28], $0x2800  }
0x9a: {  	[sflag:s28] =	ssyncset.done $0x0  }
0x9b: {  	[sflag:s28] =	ssyncadd.s32 $0xFFFFD800  }
0x9c: {  	_ =	swait.ge [sflag:s2], $0x2800  }
0x9d: {  	[sflag:s2] =	ssyncset.done $0x0  }
0x9e: {  	s10 =	simm.s32 $0x3F80;
	[sflag:s2] =	ssyncadd.s32 $0xFFFFD800  }
0x9f: {  	[spmem:s1] =	stream.indirect.scatter.add.f32 [tilespmem:s31], [sflag:$0x3], $0x80, s10, s30, $0xb8;
	[tilespmem:$0x1C900] =	vst v63  }
0xa0: {  	_ =	swait.ge [sflag:s28], $0x2800  }
0xa1: {  	[sflag:s28] =	ssyncset.done $0x0  }
0xa2: {  	[sflag:s28] =	ssyncadd.s32 $0xFFFFD800  }
0xa3: {  	s5 =	sshrl.u32 @p0 s13, $0x3;
	s7 =	simm.s32 @p0 $0x1FC3;
	[bflag:$0x0] =	sbarrier.arrive $0xFFFF  }
0xa4: {  	[hbm:s24], [sflag:s7] =	dma.local @p0 [spmem:s5], $0x2080  }
0xa5: {  	s5 =	simm.s32 @p0 $0x3  }
0xa6: {  	s29 =	sadd.s32 $0x1, s29;
	s7 =	stileid.u32;
	_ =	swait.ge @p0 [sflag:s5], $0x2080  }
0xa7: {  	p1 =	sne.s32 s29, s25;
	s7 =	sshll.u32 @!p0 s7, $0x6;
	[sflag:s5] =	ssyncset.done @p0 $0x0  }
0xa8: {  	[sflag:s5] =	ssyncadd.s32 @p0 $0xFFFFDF80;
	s5 =	sor.u32 @!p0 $0x1C03, s7;
	s7 =	sshrl.u32 @!p0 s6, $0x3  }
0xa9: {  	[hbm:s21], [sflag:s5] =	dma.local @!p0 [spmem:s7], $0x2780  }
.Ltmp1:
0xaa: {  	_ = 	snop;
	(pc) =	sbr.rel @p1 .LBB2_1-.Ltmp1, $4  }
0xab: {  	s5 =	simm.s32 @!p0 $0x3  }
0xac: {  	_ =	swait.ge @!p0 [sflag:s5], $0x2780  }
0xad: {  	[sflag:s5] =	ssyncset.done @!p0 $0x0  }
0xae: {  	[sflag:s5] =	ssyncadd.s32 @!p0 $0xFFFFD880  }
0xaf: {  	_ =	sfence.sel $0x180000  }
0xb0: {  	[bflag:$0x0] =	sbarrier.arrive $0xFFFF  }
0xb1: {  	_ =	strace $0x90000050  }
0xb2: {  	s0 =	stileid.u32;
	[bflag:$0x2] =	sbarrier.arrive $0xFFFF  }
0xb3: {  	p0 =	sne.s32 s0, $0x0;
	s0 =	rddreg [dreg:$0x3]  }
0xb4: {  	s0 =	sadd.s32 @!p0 $0x100000, s0  }
0xb5: {  	[sflag:s0] =	ssyncadd.tile.s32 @!p0 $0x1;
	_ =	shalt  }
.Lfunc_end2:
_tile_overlayer_lowered:
.L_overlay_start_2:
0xb6: {  	(tag) =	ssettag $0x2  }
0xb7: {  	s0 =	rddreg [dreg:$0x0];
	s2 =	stileid.u32  }
0xb8: {  	s1 =	rddreg [dreg:$0x1];
	p0 =	sne.s32 s2, $0x0  }
0xb9: {  	s3 =	rddreg [dreg:$0x2];
	[bflag:$0x3] =	sbarrier.arrive $0xFFFF;
	s2 =	simm.s32 @!p0 $0x1C03  }
0xba: {  	[timem:s3], [sflag:s2] =	dma.local @!p0 [hbm:s0], s1  }
0xbb: {  	s0 =	simm.s32 @!p0 $0x3  }
0xbc: {  	_ =	swait.ge @!p0 [sflag:s0], s1  }
0xbd: {  	s1 =	ssub.s32 @!p0 $0x0, s1;
	[sflag:s0] =	ssyncset.done @!p0 $0x0  }
0xbe: {  	[sflag:s0] =	ssyncadd.s32 @!p0 s1  }
0xbf: {  	[bflag:$0x3] =	sbarrier.arrive $0xFFFF  }
0xc0: {  	_ =	shalt  }

</sc_bundles>
